<compile_context>
chip_gen: v7x
topology: tpu7x:2x2x1
jax: 0.10.2.dev20260603
libtpu: 0.0.44.dev20260713+nightly
codegen_flags: <defaults>
</compile_context>

<pallas_src>
import functools

import numpy as np
import jax
import jax.numpy as jnp
from jax import lax
from jax.experimental import pallas as pl
from jax.experimental.pallas import tpu as pltpu
from jax.experimental.pallas import tpu_sc as plsc

B, L, D = 256, 200, 256
EMBED_DIM = 512
R = B * L

_NC, _NS = 2, 16
_NW = _NC * _NS
_SIZES = (65536, 4096, 65536)


def _sc_gather_sum(ids3, emb_sku, emb_cat, emb_url, nrows, ch):
    rpw = nrows // _NW
    nch = rpw // ch
    mesh = plsc.VectorSubcoreMesh(core_axis_name="c", subcore_axis_name="s")

    @functools.partial(
        pl.kernel,
        mesh=mesh,
        out_type=jax.ShapeDtypeStruct((nrows, D), jnp.float32),
        scratch_types=[
            pltpu.VMEM((rpw,), jnp.int32),
            pltpu.VMEM((rpw,), jnp.int32),
            pltpu.VMEM((rpw,), jnp.int32),
            pltpu.VMEM((ch, D), jnp.float32),
            pltpu.VMEM((ch, D), jnp.float32),
            pltpu.VMEM((ch, D), jnp.float32),
            pltpu.VMEM((ch, D), jnp.float32),
            pltpu.VMEM((ch, D), jnp.float32),
            pltpu.VMEM((ch, D), jnp.float32),
            pltpu.VMEM((ch, D), jnp.float32),
            pltpu.VMEM((ch, D), jnp.float32),
            pltpu.SemaphoreType.DMA,
            pltpu.SemaphoreType.DMA,
            pltpu.SemaphoreType.DMA,
            pltpu.SemaphoreType.DMA,
        ],
    )
    def k(i0, i1, i2, t_sku, t_cat, t_url, out_hbm,
          x0, x1, x2,
          b00, b01, b02, b10, b11, b12, a0, a1, si0, si1, so0, so1):
        wid = lax.axis_index("s") * _NC + lax.axis_index("c")
        base = wid * rpw
        idxs = (x0, x1, x2)
        for t, ids_hbm in enumerate((i0, i1, i2)):
            pltpu.sync_copy(ids_hbm.at[pl.ds(base, rpw)], idxs[t])

        def mod_body(i, _):
            for t in range(3):
                sl = pl.ds(i * 16, 16)
                idxs[t][sl] = lax.rem(idxs[t][sl],
                                      jnp.full((16,), _SIZES[t], jnp.int32))
            return 0
        lax.fori_loop(0, rpw // 16, mod_body, 0)

        big = (t_sku, t_cat, t_url)
        bigidx = (x0, x1, x2)
        bufsets = ((b00, b01, b02), (b10, b11, b12))
        accs = (a0, a1)
        sin = (si0, si1)
        sout = (so0, so1)

        def issue(c, s):
            off = c * ch
            for t in range(3):
                pltpu.async_copy(big[t].at[bigidx[t].at[pl.ds(off, ch)]],
                                 bufsets[s][t], sin[s])

        def wait_in(s):
            for t in range(3):
                pltpu.make_async_copy(
                    big[t].at[bigidx[t].at[pl.ds(0, ch)]],
                    bufsets[s][t], sin[s]).wait()

        def wait_out(s):
            pltpu.make_async_copy(accs[s], out_hbm.at[pl.ds(base, ch)],
                                  sout[s]).wait()

        issue(0, 0)
        issue(1, 1)

        def pair_body(p, _):
            for s in (0, 1):
                c = 2 * p + s
                off = c * ch
                wait_in(s)

                @pl.when(p > 0)
                def _():
                    wait_out(s)

                bs = bufsets[s]
                acc = accs[s]

                def row_body(r, _2):
                    for j in range(D // 16):
                        sl = (r, pl.ds(j * 16, 16))
                        acc[sl] = bs[0][sl] + bs[1][sl] + bs[2][sl]
                    return 0
                lax.fori_loop(0, ch, row_body, 0)
                pltpu.async_copy(acc, out_hbm.at[pl.ds(base + off, ch)],
                                 sout[s])

                @pl.when(c + 2 < nch)
                def _():
                    issue(c + 2, s)
            return 0
        lax.fori_loop(0, nch // 2, pair_body, 0)
        wait_out(0)
        wait_out(1)

    return k(*ids3, emb_sku, emb_cat, emb_url)


_U = 8
_RB = _U * L
_DIS_U = float(1.0 / np.sqrt(201.0))
_SU = np.float32(1.0 / 201.0)


def _np_consts():
    position = np.arange(L, dtype=np.float32)[:, None]
    div_term = np.exp(np.arange(0, D, 2, dtype=np.float32)
                      * (-np.log(10000.0) / D))
    pe = np.zeros((L, D), dtype=np.float32)
    pe[:, 0::2] = np.sin(position * div_term)
    pe[:, 1::2] = np.cos(position * div_term)
    pe_t = np.tile(pe, (_U, 1))

    l = np.arange(L)
    deg = 2.0 + (l < L - 1) + (l > 0)
    dis_l = deg.astype(np.float64) ** -0.5
    T = np.zeros((L, L), dtype=np.float64)
    T[np.arange(L), np.arange(L)] = dis_l * dis_l
    T[np.arange(1, L), np.arange(L - 1)] = dis_l[1:] * dis_l[:-1]
    T[np.arange(L - 1), np.arange(1, L)] = dis_l[:-1] * dis_l[1:]
    T = T.astype(np.float32)

    dis = np.tile(dis_l, _U)
    rows = np.arange(_RB)
    S = (rows[:, None] // L == np.arange(_U)[None, :]).astype(np.float64)
    Sp2 = (S * _DIS_U * dis[:, None]).astype(np.float32)
    STp2 = (S.T * _DIS_U * dis[None, :]).astype(np.float32)
    bf16 = jnp.bfloat16.dtype
    return (pe_t, T.astype(bf16), Sp2.astype(bf16), STp2.astype(bf16))


def _tc_body(es_ref, qv_ref, pk_ref, et_ref, ep_ref,
             pe_ref, T_ref, Sp_ref, STp_ref,
             qW_ref, qb_ref, g_ref, bt_ref,
             W0_ref, b0_ref, W1_ref, b1_ref, W2_ref, b2_ref,
             uW1_ref, ub1_ref, uW2_ref, ub2_ref, out_ref):
    f32 = jnp.float32
    bf = jnp.bfloat16
    pkT = pk_ref[...].T
    pk = jnp.concatenate([pkT[:, u:u + 1] for u in range(_U)], axis=0)
    tone = (lax.bitwise_and(pk, 7)
            == lax.broadcasted_iota(jnp.int32, (_RB, 8), 1)).astype(bf)
    pone = (lax.shift_right_logical(pk, 3)
            == lax.broadcasted_iota(jnp.int32, (_RB, 128), 1)).astype(bf)
    qW = qW_ref[...]
    qd = jnp.concatenate(
        [jnp.dot(qv_ref[u], qW, preferred_element_type=f32)
         for u in range(_U)], axis=0)
    e = es_ref[...] + qd + qb_ref[...]
    e = e + jnp.dot(tone, et_ref[...].astype(bf), preferred_element_type=f32)
    e = e + jnp.dot(pone, ep_ref[...].astype(bf), preferred_element_type=f32)
    e = 0.5 * e * (1.0 + lax.erf(e * np.float32(1.0 / np.sqrt(2.0))))
    mu = jnp.mean(e, axis=-1, keepdims=True)
    var = jnp.mean((e - mu) * (e - mu), axis=-1, keepdims=True)
    e = (e - mu) * lax.rsqrt(var + 1e-5) * g_ref[...] + bt_ref[...]

    x_e = e + pe_ref[...]
    x_u = jnp.zeros((_U, D), f32)

    T = T_ref[...]
    Sp2 = Sp_ref[...]
    STp2 = STp_ref[...]

    for W_ref, b_ref in ((W0_ref, b0_ref), (W1_ref, b1_ref), (W2_ref, b2_ref)):
        W = W_ref[...].astype(bf)
        bb = b_ref[...]
        h = jnp.dot(x_e.astype(bf), W, preferred_element_type=f32) + bb
        hu = jnp.dot(x_u.astype(bf), W, preferred_element_type=f32) + bb
        up = jnp.dot(Sp2, hu.astype(bf), preferred_element_type=f32)
        hb = h.astype(bf)
        stn = jnp.concatenate(
            [jnp.dot(T, hb[u * L:(u + 1) * L, :], preferred_element_type=f32)
             for u in range(_U)], axis=0)
        x_e = jnp.maximum(stn + up, 0.0)
        x_u = jnp.maximum(jnp.dot(STp2, hb, preferred_element_type=f32)
                          + _SU * hu, 0.0)

    t1 = jnp.maximum(jnp.dot(x_u, uW1_ref[...], preferred_element_type=f32)
                     + ub1_ref[...], 0.0)
    u = jnp.dot(t1, uW2_ref[...], preferred_element_type=f32) + ub2_ref[...]
    nrm = jnp.sqrt(jnp.sum(u * u, axis=-1, keepdims=True))
    out_ref[...] = u / jnp.maximum(nrm, 1e-12)


def _tc_dense(e_sum, qv2, pk, emb_type, emb_price, consts,
              qW, qb, ln_g, ln_b,
              gnn_W0, gnn_b0, gnn_W1, gnn_b1, gnn_W2, gnn_b2,
              up_W1, up_b1, up_W2, up_b2, nusers=B, interpret=False):
    pe_t, T, Sp2, STp2 = consts
    full = lambda shape: pl.BlockSpec(shape, lambda i: (0, 0))
    return pl.pallas_call(
        _tc_body,
        grid=(nusers // _U,),
        in_specs=[
            pl.BlockSpec((_RB, D), lambda i: (i, 0)),
            pl.BlockSpec((_U, L, 16), lambda i: (i, 0, 0)),
            pl.BlockSpec((_U, L), lambda i: (i, 0)),
            full((8, D)), full((128, D)),
            full((_RB, D)),
            pl.BlockSpec((L, L), lambda i: (0, 0)),
            full((_RB, _U)), full((_U, _RB)),
            full((16, D)), full((1, D)),
            full((1, D)), full((1, D)),
            full((D, D)), full((1, D)),
            full((D, D)), full((1, D)),
            full((D, D)), full((1, D)),
            full((D, D)), full((1, D)),
            full((D, EMBED_DIM)), full((1, EMBED_DIM)),
        ],
        out_specs=pl.BlockSpec((_U, EMBED_DIM), lambda i: (i, 0)),
        out_shape=jax.ShapeDtypeStruct((nusers, EMBED_DIM), jnp.float32),
        compiler_params=pltpu.CompilerParams(
            dimension_semantics=("arbitrary",)),
        interpret=interpret,
    )(e_sum, qv2, pk, emb_type, emb_price,
      pe_t, T, Sp2, STp2, qW, qb, ln_g, ln_b,
      gnn_W0, gnn_b0, gnn_W1, gnn_b1, gnn_W2, gnn_b2,
      up_W1, up_b1, up_W2, up_b2)


_NSPLIT = 2
_UB = B // _NSPLIT
_SC_CH = 40


def kernel(type_ids, sku_ids, cat_ids, price_ids, url_ids, query_vec,
           emb_type, emb_sku, emb_cat, emb_url, emb_price, q_W, q_b,
           ln_g, ln_b, gnn_W0, gnn_b0, gnn_W1, gnn_b1, gnn_W2, gnn_b2,
           up_W1, up_b1, up_W2, up_b2):
    consts = tuple(jnp.asarray(c) for c in _np_consts())
    row = lambda v: v.reshape(1, -1)
    nr = _UB * L
    packed = (lax.rem(type_ids.astype(jnp.int32), 8)
              + 8 * lax.rem(price_ids.astype(jnp.int32), 128))
    e_sums = []
    for s in range(_NSPLIT):
        us = slice(s * _UB, (s + 1) * _UB)
        ids3 = tuple(a[us].reshape(-1).astype(jnp.int32)
                     for a in (sku_ids, cat_ids, url_ids))
        e_sums.append(_sc_gather_sum(ids3, emb_sku, emb_cat, emb_url,
                                     nr, _SC_CH))
    outs = []
    for s in range(_NSPLIT):
        us = slice(s * _UB, (s + 1) * _UB)
        outs.append(_tc_dense(
            e_sums[s], query_vec[us],
            packed[us],
            emb_type, emb_price, consts, q_W, row(q_b),
            row(ln_g), row(ln_b),
            gnn_W0, row(gnn_b0), gnn_W1, row(gnn_b1),
            gnn_W2, row(gnn_b2),
            up_W1, row(up_b1), up_W2, row(up_b2), nusers=_UB))
    return jnp.concatenate(outs, axis=0)

# --- scband reference (transcript-rebuilt; emitter-appended) ---
"""Pipeline reference for scband-temporal-light-gnn-2499670966899 (READ-ONLY COPY).

The authoritative reference and input builder live on the scoring server;
editing this copy changes nothing except your own understanding.
"""

import jax, jax.numpy as jnp
import numpy as np

B, L = 256, 200
D = 256
EMBED_DIM = 512


def _layer_norm(x, g, b, eps=1e-5):
    mu = jnp.mean(x, axis=-1, keepdims=True)
    var = jnp.var(x, axis=-1, keepdims=True)
    return (x - mu) / jnp.sqrt(var + eps) * g + b


def _pe_table(max_len=512, d_model=D):
    position = np.arange(max_len, dtype=np.float32)[:, None]
    div_term = np.exp(np.arange(0, d_model, 2, dtype=np.float32) * (-np.log(10000.0) / d_model))
    pe = np.zeros((max_len, d_model), dtype=np.float32)
    pe[:, 0::2] = np.sin(position * div_term)
    pe[:, 1::2] = np.cos(position * div_term)
    return jnp.asarray(pe)


def _build_edges():
    b_idx = np.repeat(np.arange(B), L)
    l_idx = np.tile(np.arange(L), B)
    ev = B + b_idx * L + l_idx
    users = b_idx
    mask = l_idx < (L - 1)
    e1 = ev[mask]
    e2 = e1 + 1
    src = np.concatenate([users, ev, e1, e2])
    dst = np.concatenate([ev, users, e2, e1])
    n_nodes = B + B * L
    loops = np.arange(n_nodes)
    src = np.concatenate([src, loops]).astype(np.int32)
    dst = np.concatenate([dst, loops]).astype(np.int32)
    return jnp.asarray(src), jnp.asarray(dst), n_nodes


def _forward(type_ids, sku_ids, cat_ids, price_ids, url_ids, query_vec,
             emb_type, emb_sku, emb_cat, emb_url, emb_price, q_W, q_b, ln_g, ln_b,
             gnn_W0, gnn_b0, gnn_W1, gnn_b1, gnn_W2, gnn_b2,
             up_W1, up_b1, up_W2, up_b2):
    # EventEncoder (hash = id % buckets, ids are non-negative)
    e = emb_type[type_ids % 8]
    e = e + emb_sku[sku_ids % 65536]
    e = e + emb_cat[cat_ids % 4096]
    e = e + emb_price[price_ids % 128]
    e = e + emb_url[url_ids % 65536]
    e = e + query_vec @ q_W + q_b
    e = _layer_norm(jax.nn.gelu(e, approximate=False), ln_g, ln_b)
    # build_temporal_graph
    src, dst, n_nodes = _build_edges()
    pe = _pe_table()
    positions = jnp.tile(jnp.arange(L), B)
    event_nodes = e.reshape(B * L, D) + pe[positions]
    user_nodes = jnp.zeros((B, D), dtype=e.dtype)
    x = jnp.concatenate([user_nodes, event_nodes], axis=0)
    # LightGNN layers (symmetric normalization with self loops, aggr='add')
    deg = jnp.zeros((n_nodes,), dtype=x.dtype).at[src].add(1.0)
    dis = jnp.where(deg > 0, deg ** -0.5, 0.0)
    norm = dis[src] * dis[dst]
    for W, b in ((gnn_W0, gnn_b0), (gnn_W1, gnn_b1), (gnn_W2, gnn_b2)):
        h = x @ W + b
        msgs = norm[:, None] * h[src]
        x = jnp.zeros((n_nodes, D), dtype=x.dtype).at[dst].add(msgs)
        x = jax.nn.relu(x)
    # user projection head (eval path; dropout is identity)
    u = x[:B]
    u = jax.nn.relu(u @ up_W1 + up_b1) @ up_W2 + up_b2
    u = u / jnp.maximum(jnp.linalg.norm(u, axis=-1, keepdims=True), 1e-12)
    return u


def setup_inputs(seed: int = 0):
    key = jax.random.key(seed)
    ks = jax.random.split(key, 24)
    s = 0.02
    inp = {}
    inp['type_ids'] = jax.random.randint(ks[0], (B, L), 0, 8)
    inp['sku_ids'] = jax.random.randint(ks[1], (B, L), 0, 65536)
    inp['cat_ids'] = jax.random.randint(ks[2], (B, L), 0, 4096)
    inp['price_ids'] = jax.random.randint(ks[3], (B, L), 0, 128)
    inp['url_ids'] = jax.random.randint(ks[4], (B, L), 0, 65536)
    inp['query_vec'] = jax.random.normal(ks[5], (B, L, 16), dtype=jnp.float32)
    inp['emb_type'] = jax.random.normal(ks[6], (8, D), dtype=jnp.float32) * s
    inp['emb_sku'] = jax.random.normal(ks[7], (65536, D), dtype=jnp.float32) * s
    inp['emb_cat'] = jax.random.normal(ks[8], (4096, D), dtype=jnp.float32) * s
    inp['emb_url'] = jax.random.normal(ks[9], (65536, D), dtype=jnp.float32) * s
    inp['emb_price'] = jax.random.normal(ks[10], (128, D), dtype=jnp.float32) * s
    inp['q_W'] = jax.random.normal(ks[11], (16, D), dtype=jnp.float32) * (1.0 / np.sqrt(16.0))
    inp['q_b'] = jnp.zeros((D,), dtype=jnp.float32)
    inp['ln_g'] = jnp.ones((D,), dtype=jnp.float32)
    inp['ln_b'] = jnp.zeros((D,), dtype=jnp.float32)
    for i in range(3):
        inp['gnn_W%d' % i] = jax.random.normal(ks[12 + i], (D, D), dtype=jnp.float32) * (1.0 / np.sqrt(float(D)))
        inp['gnn_b%d' % i] = jnp.zeros((D,), dtype=jnp.float32)
    inp['up_W1'] = jax.random.normal(ks[16], (D, D), dtype=jnp.float32) * (1.0 / np.sqrt(float(D)))
    inp['up_b1'] = jnp.zeros((D,), dtype=jnp.float32)
    inp['up_W2'] = jax.random.normal(ks[17], (D, EMBED_DIM), dtype=jnp.float32) * (1.0 / np.sqrt(float(D)))
    inp['up_b2'] = jnp.zeros((EMBED_DIM,), dtype=jnp.float32)
    return inp


def reference(type_ids, sku_ids, cat_ids, price_ids, url_ids, query_vec,
              emb_type, emb_sku, emb_cat, emb_url, emb_price, q_W, q_b, ln_g, ln_b,
              gnn_W0, gnn_b0, gnn_W1, gnn_b1, gnn_W2, gnn_b2,
              up_W1, up_b1, up_W2, up_b2):
    return _forward(type_ids, sku_ids, cat_ids, price_ids, url_ids, query_vec,
                    emb_type, emb_sku, emb_cat, emb_url, emb_price, q_W, q_b, ln_g, ln_b,
                    gnn_W0, gnn_b0, gnn_W1, gnn_b1, gnn_W2, gnn_b2,
                    up_W1, up_b1, up_W2, up_b2)

if __name__ == "__main__":
    import jax
    _d = setup_inputs()
    print(jax.jit(kernel)(*tuple(_d.values())))

</pallas_src>

<mosaic_0001>
#map = affine_map<(d0, d1) -> (0)>
#map1 = affine_map<(d0, d1) -> (0, 0)>
module attributes {stable_mosaic.version = 14 : i64} {
  func.func @k(%arg0: i32, %arg1: i32, %arg2: memref<25600xi32, #tpu.memory_space<hbm>>, %arg3: memref<25600xi32, #tpu.memory_space<hbm>>, %arg4: memref<25600xi32, #tpu.memory_space<hbm>>, %arg5: memref<65536x256xf32, #tpu.memory_space<hbm>>, %arg6: memref<4096x256xf32, #tpu.memory_space<hbm>>, %arg7: memref<65536x256xf32, #tpu.memory_space<hbm>>, %arg8: memref<25600x256xf32, #tpu.memory_space<hbm>>, %arg9: memref<800xi32, #tpu.memory_space<vmem>>, %arg10: memref<800xi32, #tpu.memory_space<vmem>>, %arg11: memref<800xi32, #tpu.memory_space<vmem>>, %arg12: memref<40x256xf32, #tpu.memory_space<vmem>>, %arg13: memref<40x256xf32, #tpu.memory_space<vmem>>, %arg14: memref<40x256xf32, #tpu.memory_space<vmem>>, %arg15: memref<40x256xf32, #tpu.memory_space<vmem>>, %arg16: memref<40x256xf32, #tpu.memory_space<vmem>>, %arg17: memref<40x256xf32, #tpu.memory_space<vmem>>, %arg18: memref<40x256xf32, #tpu.memory_space<vmem>>, %arg19: memref<40x256xf32, #tpu.memory_space<vmem>>, %arg20: memref<!tpu.dma_semaphore, #tpu.memory_space<semaphore_mem>>, %arg21: memref<!tpu.dma_semaphore, #tpu.memory_space<semaphore_mem>>, %arg22: memref<!tpu.dma_semaphore, #tpu.memory_space<semaphore_mem>>, %arg23: memref<!tpu.dma_semaphore, #tpu.memory_space<semaphore_mem>>) attributes {dimension_semantics = [#tpu.dimension_semantics<core_parallel>, #tpu.dimension_semantics<subcore_parallel>], iteration_bounds = array<i64: 2, 16>, scalar_prefetch = 0 : i64, scratch_operands = 15 : i64, tpu.core_type = #tpu.core_type<sc_vector_subcore>, window_params = [{transform_indices = #map}, {transform_indices = #map}, {transform_indices = #map}, {transform_indices = #map1}, {transform_indices = #map1}, {transform_indices = #map1}, {transform_indices = #map1}]} {
    %mul3A = arith.constant 2 : i32
    %mul3A_0 = arith.muli %arg1, %mul3A : i32
    %add3A = arith.addi %mul3A_0, %arg0 : i32
    %mul3A_1 = arith.constant 800 : i32
    %mul3A_2 = arith.muli %add3A, %mul3A_1 : i32
    "tpu.region"() ({
      %run_scoped3A = tpu.sem_alloc : memref<!tpu.dma_semaphore, #tpu.memory_space<semaphore_mem>>
      %dma_start3A_52 = tpu.memref_slice %arg2[%mul3A_2] : memref<25600xi32, #tpu.memory_space<hbm>> -> memref<800xi32, #tpu.memory_space<hbm>>
      %dma_start3A_53 = tpu.memref_slice %arg2[%mul3A_2] : memref<25600xi32, #tpu.memory_space<hbm>> -> memref<800xi32, #tpu.memory_space<hbm>>
      tpu.enqueue_dma source(%dma_start3A_53 : memref<800xi32, #tpu.memory_space<hbm>>) target(%arg9 : memref<800xi32, #tpu.memory_space<vmem>>) target_semaphore(%run_scoped3A : memref<!tpu.dma_semaphore, #tpu.memory_space<semaphore_mem>>)
      %dma_wait3A_54 = tpu.memref_slice %arg2[%mul3A_2] : memref<25600xi32, #tpu.memory_space<hbm>> -> memref<800xi32, #tpu.memory_space<hbm>>
      %dma_wait3A_55 = tpu.memref_slice %arg2[%mul3A_2] : memref<25600xi32, #tpu.memory_space<hbm>> -> memref<800xi32, #tpu.memory_space<hbm>>
      tpu.wait_dma2 semaphore(%run_scoped3A : memref<!tpu.dma_semaphore, #tpu.memory_space<semaphore_mem>>) src(%dma_wait3A_55 : memref<800xi32, #tpu.memory_space<hbm>>) dst(%arg9 : memref<800xi32, #tpu.memory_space<vmem>>)
      tpu.yield
    }) : () -> ()
    "tpu.region"() ({
      %run_scoped3A = tpu.sem_alloc : memref<!tpu.dma_semaphore, #tpu.memory_space<semaphore_mem>>
      %dma_start3A_52 = tpu.memref_slice %arg3[%mul3A_2] : memref<25600xi32, #tpu.memory_space<hbm>> -> memref<800xi32, #tpu.memory_space<hbm>>
      %dma_start3A_53 = tpu.memref_slice %arg3[%mul3A_2] : memref<25600xi32, #tpu.memory_space<hbm>> -> memref<800xi32, #tpu.memory_space<hbm>>
      tpu.enqueue_dma source(%dma_start3A_53 : memref<800xi32, #tpu.memory_space<hbm>>) target(%arg10 : memref<800xi32, #tpu.memory_space<vmem>>) target_semaphore(%run_scoped3A : memref<!tpu.dma_semaphore, #tpu.memory_space<semaphore_mem>>)
      %dma_wait3A_54 = tpu.memref_slice %arg3[%mul3A_2] : memref<25600xi32, #tpu.memory_space<hbm>> -> memref<800xi32, #tpu.memory_space<hbm>>
      %dma_wait3A_55 = tpu.memref_slice %arg3[%mul3A_2] : memref<25600xi32, #tpu.memory_space<hbm>> -> memref<800xi32, #tpu.memory_space<hbm>>
      tpu.wait_dma2 semaphore(%run_scoped3A : memref<!tpu.dma_semaphore, #tpu.memory_space<semaphore_mem>>) src(%dma_wait3A_55 : memref<800xi32, #tpu.memory_space<hbm>>) dst(%arg10 : memref<800xi32, #tpu.memory_space<vmem>>)
      tpu.yield
    }) : () -> ()
    "tpu.region"() ({
      %run_scoped3A = tpu.sem_alloc : memref<!tpu.dma_semaphore, #tpu.memory_space<semaphore_mem>>
      %dma_start3A_52 = tpu.memref_slice %arg4[%mul3A_2] : memref<25600xi32, #tpu.memory_space<hbm>> -> memref<800xi32, #tpu.memory_space<hbm>>
      %dma_start3A_53 = tpu.memref_slice %arg4[%mul3A_2] : memref<25600xi32, #tpu.memory_space<hbm>> -> memref<800xi32, #tpu.memory_space<hbm>>
      tpu.enqueue_dma source(%dma_start3A_53 : memref<800xi32, #tpu.memory_space<hbm>>) target(%arg11 : memref<800xi32, #tpu.memory_space<vmem>>) target_semaphore(%run_scoped3A : memref<!tpu.dma_semaphore, #tpu.memory_space<semaphore_mem>>)
      %dma_wait3A_54 = tpu.memref_slice %arg4[%mul3A_2] : memref<25600xi32, #tpu.memory_space<hbm>> -> memref<800xi32, #tpu.memory_space<hbm>>
      %dma_wait3A_55 = tpu.memref_slice %arg4[%mul3A_2] : memref<25600xi32, #tpu.memory_space<hbm>> -> memref<800xi32, #tpu.memory_space<hbm>>
      tpu.wait_dma2 semaphore(%run_scoped3A : memref<!tpu.dma_semaphore, #tpu.memory_space<semaphore_mem>>) src(%dma_wait3A_55 : memref<800xi32, #tpu.memory_space<hbm>>) dst(%arg11 : memref<800xi32, #tpu.memory_space<vmem>>)
      tpu.yield
    }) : () -> ()
    %scan3A = arith.constant 0 : i32
    %scan3A_3 = arith.constant 0 : i32
    %scan3A_4 = arith.constant 50 : i32
    %scan3A_5 = arith.addi %scan3A_3, %scan3A_4 : i32
    %scan3A_6 = arith.constant 1 : i32
    %scan3A_7 = scf.for %scan3A_52 = %scan3A_3 to %scan3A_5 step %scan3A_6 iter_args(%scan3A_53 = %scan3A) -> (i32)  : i32 {
      %mul3A_54 = arith.constant 16 : i32
      %mul3A_55 = arith.muli %scan3A_52, %mul3A_54 : i32
      %get3A = arith.index_cast %mul3A_55 : i32 to index
      %get3A_56 = tpu.vector_load %arg9[%get3A] {strides = array<i32>} : memref<800xi32, #tpu.memory_space<vmem>>, vector<16xi32>,
      %get3A_57 = vector.shape_cast %get3A_56 : vector<16xi32> to vector<16xi32>
      %broadcast_in_dim3A = arith.constant 65536 : i32
      %broadcast_in_dim3A_58 = vector.broadcast %broadcast_in_dim3A : i32 to vector<16xi32>
      %rem3A = arith.remsi %get3A_57, %broadcast_in_dim3A_58 : vector<16xi32>
      %swap3A = arith.index_cast %mul3A_55 : i32 to index
      %swap3A_59 = tpu.vector_load %arg9[%swap3A] {strides = array<i32>} : memref<800xi32, #tpu.memory_space<vmem>>, vector<16xi32>,
      %swap3A_60 = vector.shape_cast %swap3A_59 : vector<16xi32> to vector<16xi32>
      %swap3A_61 = vector.shape_cast %rem3A : vector<16xi32> to vector<16xi32>
      tpu.vector_store %arg9[%swap3A], %swap3A_61 {strides = array<i32>} : memref<800xi32, #tpu.memory_space<vmem>>, vector<16xi32>,
      %mul3A_62 = arith.constant 16 : i32
      %mul3A_63 = arith.muli %scan3A_52, %mul3A_62 : i32
      %get3A_64 = arith.index_cast %mul3A_63 : i32 to index
      %get3A_65 = tpu.vector_load %arg10[%get3A_64] {strides = array<i32>} : memref<800xi32, #tpu.memory_space<vmem>>, vector<16xi32>,
      %get3A_66 = vector.shape_cast %get3A_65 : vector<16xi32> to vector<16xi32>
      %broadcast_in_dim3A_67 = arith.constant 4096 : i32
      %broadcast_in_dim3A_68 = vector.broadcast %broadcast_in_dim3A_67 : i32 to vector<16xi32>
      %rem3A_69 = arith.remsi %get3A_66, %broadcast_in_dim3A_68 : vector<16xi32>
      %swap3A_70 = arith.index_cast %mul3A_63 : i32 to index
      %swap3A_71 = tpu.vector_load %arg10[%swap3A_70] {strides = array<i32>} : memref<800xi32, #tpu.memory_space<vmem>>, vector<16xi32>,
      %swap3A_72 = vector.shape_cast %swap3A_71 : vector<16xi32> to vector<16xi32>
      %swap3A_73 = vector.shape_cast %rem3A_69 : vector<16xi32> to vector<16xi32>
      tpu.vector_store %arg10[%swap3A_70], %swap3A_73 {strides = array<i32>} : memref<800xi32, #tpu.memory_space<vmem>>, vector<16xi32>,
      %mul3A_74 = arith.constant 16 : i32
      %mul3A_75 = arith.muli %scan3A_52, %mul3A_74 : i32
      %get3A_76 = arith.index_cast %mul3A_75 : i32 to index
      %get3A_77 = tpu.vector_load %arg11[%get3A_76] {strides = array<i32>} : memref<800xi32, #tpu.memory_space<vmem>>, vector<16xi32>,
      %get3A_78 = vector.shape_cast %get3A_77 : vector<16xi32> to vector<16xi32>
      %broadcast_in_dim3A_79 = arith.constant 65536 : i32
      %broadcast_in_dim3A_80 = vector.broadcast %broadcast_in_dim3A_79 : i32 to vector<16xi32>
      %rem3A_81 = arith.remsi %get3A_78, %broadcast_in_dim3A_80 : vector<16xi32>
      %swap3A_82 = arith.index_cast %mul3A_75 : i32 to index
      %swap3A_83 = tpu.vector_load %arg11[%swap3A_82] {strides = array<i32>} : memref<800xi32, #tpu.memory_space<vmem>>, vector<16xi32>,
      %swap3A_84 = vector.shape_cast %swap3A_83 : vector<16xi32> to vector<16xi32>
      %swap3A_85 = vector.shape_cast %rem3A_81 : vector<16xi32> to vector<16xi32>
      tpu.vector_store %arg11[%swap3A_82], %swap3A_85 {strides = array<i32>} : memref<800xi32, #tpu.memory_space<vmem>>, vector<16xi32>,
      %scan3A_86 = arith.constant 0 : i32
      scf.yield %scan3A_86 : i32
    }
    %scan3A_8 = arith.constant 50 : i32
    %dma_start3A = arith.constant 0 : i32
    %dma_start3A_9 = tpu.memref_slice %arg9[%dma_start3A] : memref<800xi32, #tpu.memory_space<vmem>> -> memref<40xi32, #tpu.memory_space<vmem>>
    %dma_start3A_10 = arith.constant 0 : i32
    %dma_start3A_11 = arith.constant 0 : i32
    %dma_start3A_12 = tpu.memref_slice %arg5[%dma_start3A_10, %dma_start3A_11] : memref<65536x256xf32, #tpu.memory_space<hbm>> -> memref<65536x256xf32, #tpu.memory_space<hbm>>
    tpu.enqueue_indirect_dma source(%dma_start3A_12 : memref<65536x256xf32, #tpu.memory_space<hbm>>) target(%arg12 : memref<40x256xf32, #tpu.memory_space<vmem>>) offsets(%dma_start3A_9 : memref<40xi32, #tpu.memory_space<vmem>>) semaphore(%arg20 : memref<!tpu.dma_semaphore, #tpu.memory_space<semaphore_mem>>)
    %dma_start3A_13 = arith.constant 0 : i32
    %dma_start3A_14 = tpu.memref_slice %arg10[%dma_start3A_13] : memref<800xi32, #tpu.memory_space<vmem>> -> memref<40xi32, #tpu.memory_space<vmem>>
    %dma_start3A_15 = arith.constant 0 : i32
    %dma_start3A_16 = arith.constant 0 : i32
    %dma_start3A_17 = tpu.memref_slice %arg6[%dma_start3A_15, %dma_start3A_16] : memref<4096x256xf32, #tpu.memory_space<hbm>> -> memref<4096x256xf32, #tpu.memory_space<hbm>>
    tpu.enqueue_indirect_dma source(%dma_start3A_17 : memref<4096x256xf32, #tpu.memory_space<hbm>>) target(%arg13 : memref<40x256xf32, #tpu.memory_space<vmem>>) offsets(%dma_start3A_14 : memref<40xi32, #tpu.memory_space<vmem>>) semaphore(%arg20 : memref<!tpu.dma_semaphore, #tpu.memory_space<semaphore_mem>>)
    %dma_start3A_18 = arith.constant 0 : i32
    %dma_start3A_19 = tpu.memref_slice %arg11[%dma_start3A_18] : memref<800xi32, #tpu.memory_space<vmem>> -> memref<40xi32, #tpu.memory_space<vmem>>
    %dma_start3A_20 = arith.constant 0 : i32
    %dma_start3A_21 = arith.constant 0 : i32
    %dma_start3A_22 = tpu.memref_slice %arg7[%dma_start3A_20, %dma_start3A_21] : memref<65536x256xf32, #tpu.memory_space<hbm>> -> memref<65536x256xf32, #tpu.memory_space<hbm>>
    tpu.enqueue_indirect_dma source(%dma_start3A_22 : memref<65536x256xf32, #tpu.memory_space<hbm>>) target(%arg14 : memref<40x256xf32, #tpu.memory_space<vmem>>) offsets(%dma_start3A_19 : memref<40xi32, #tpu.memory_space<vmem>>) semaphore(%arg20 : memref<!tpu.dma_semaphore, #tpu.memory_space<semaphore_mem>>)
    %dma_start3A_23 = arith.constant 40 : i32
    %dma_start3A_24 = tpu.memref_slice %arg9[%dma_start3A_23] : memref<800xi32, #tpu.memory_space<vmem>> -> memref<40xi32, #tpu.memory_space<vmem>>
    %dma_start3A_25 = arith.constant 0 : i32
    %dma_start3A_26 = arith.constant 0 : i32
    %dma_start3A_27 = tpu.memref_slice %arg5[%dma_start3A_25, %dma_start3A_26] : memref<65536x256xf32, #tpu.memory_space<hbm>> -> memref<65536x256xf32, #tpu.memory_space<hbm>>
    tpu.enqueue_indirect_dma source(%dma_start3A_27 : memref<65536x256xf32, #tpu.memory_space<hbm>>) target(%arg15 : memref<40x256xf32, #tpu.memory_space<vmem>>) offsets(%dma_start3A_24 : memref<40xi32, #tpu.memory_space<vmem>>) semaphore(%arg21 : memref<!tpu.dma_semaphore, #tpu.memory_space<semaphore_mem>>)
    %dma_start3A_28 = arith.constant 40 : i32
    %dma_start3A_29 = tpu.memref_slice %arg10[%dma_start3A_28] : memref<800xi32, #tpu.memory_space<vmem>> -> memref<40xi32, #tpu.memory_space<vmem>>
    %dma_start3A_30 = arith.constant 0 : i32
    %dma_start3A_31 = arith.constant 0 : i32
    %dma_start3A_32 = tpu.memref_slice %arg6[%dma_start3A_30, %dma_start3A_31] : memref<4096x256xf32, #tpu.memory_space<hbm>> -> memref<4096x256xf32, #tpu.memory_space<hbm>>
    tpu.enqueue_indirect_dma source(%dma_start3A_32 : memref<4096x256xf32, #tpu.memory_space<hbm>>) target(%arg16 : memref<40x256xf32, #tpu.memory_space<vmem>>) offsets(%dma_start3A_29 : memref<40xi32, #tpu.memory_space<vmem>>) semaphore(%arg21 : memref<!tpu.dma_semaphore, #tpu.memory_space<semaphore_mem>>)
    %dma_start3A_33 = arith.constant 40 : i32
    %dma_start3A_34 = tpu.memref_slice %arg11[%dma_start3A_33] : memref<800xi32, #tpu.memory_space<vmem>> -> memref<40xi32, #tpu.memory_space<vmem>>
    %dma_start3A_35 = arith.constant 0 : i32
    %dma_start3A_36 = arith.constant 0 : i32
    %dma_start3A_37 = tpu.memref_slice %arg7[%dma_start3A_35, %dma_start3A_36] : memref<65536x256xf32, #tpu.memory_space<hbm>> -> memref<65536x256xf32, #tpu.memory_space<hbm>>
    tpu.enqueue_indirect_dma source(%dma_start3A_37 : memref<65536x256xf32, #tpu.memory_space<hbm>>) target(%arg17 : memref<40x256xf32, #tpu.memory_space<vmem>>) offsets(%dma_start3A_34 : memref<40xi32, #tpu.memory_space<vmem>>) semaphore(%arg21 : memref<!tpu.dma_semaphore, #tpu.memory_space<semaphore_mem>>)
    %scan3A_38 = arith.constant 0 : i32
    %scan3A_39 = arith.constant 0 : i32
    %scan3A_40 = arith.constant 10 : i32
    %scan3A_41 = arith.addi %scan3A_39, %scan3A_40 : i32
    %scan3A_42 = arith.constant 1 : i32
    %scan3A_43 = scf.for %scan3A_52 = %scan3A_39 to %scan3A_41 step %scan3A_42 iter_args(%scan3A_53 = %scan3A_38) -> (i32)  : i32 {
      %mul3A_54 = arith.constant 2 : i32
      %mul3A_55 = arith.muli %mul3A_54, %scan3A_52 : i32
      %add3A_56 = arith.constant 0 : i32
      %add3A_57 = arith.addi %mul3A_55, %add3A_56 : i32
      %mul3A_58 = arith.constant 40 : i32
      %mul3A_59 = arith.muli %add3A_57, %mul3A_58 : i32
      %dma_wait3A_60 = arith.constant 0 : i32
      %dma_wait3A_61 = tpu.memref_slice %arg9[%dma_wait3A_60] : memref<800xi32, #tpu.memory_space<vmem>> -> memref<40xi32, #tpu.memory_space<vmem>>
      %dma_wait3A_62 = arith.constant 0 : i32
      %dma_wait3A_63 = arith.constant 0 : i32
      %dma_wait3A_64 = tpu.memref_slice %arg5[%dma_wait3A_62, %dma_wait3A_63] : memref<65536x256xf32, #tpu.memory_space<hbm>> -> memref<65536x256xf32, #tpu.memory_space<hbm>>
      tpu.wait_indirect_dma semaphore(%arg20 : memref<!tpu.dma_semaphore, #tpu.memory_space<semaphore_mem>>) src(%dma_wait3A_64 : memref<65536x256xf32, #tpu.memory_space<hbm>>) dst(%arg12 : memref<40x256xf32, #tpu.memory_space<vmem>>)
      %dma_wait3A_65 = arith.constant 0 : i32
      %dma_wait3A_66 = tpu.memref_slice %arg10[%dma_wait3A_65] : memref<800xi32, #tpu.memory_space<vmem>> -> memref<40xi32, #tpu.memory_space<vmem>>
      %dma_wait3A_67 = arith.constant 0 : i32
      %dma_wait3A_68 = arith.constant 0 : i32
      %dma_wait3A_69 = tpu.memref_slice %arg6[%dma_wait3A_67, %dma_wait3A_68] : memref<4096x256xf32, #tpu.memory_space<hbm>> -> memref<4096x256xf32, #tpu.memory_space<hbm>>
      tpu.wait_indirect_dma semaphore(%arg20 : memref<!tpu.dma_semaphore, #tpu.memory_space<semaphore_mem>>) src(%dma_wait3A_69 : memref<4096x256xf32, #tpu.memory_space<hbm>>) dst(%arg13 : memref<40x256xf32, #tpu.memory_space<vmem>>)
      %dma_wait3A_70 = arith.constant 0 : i32
      %dma_wait3A_71 = tpu.memref_slice %arg11[%dma_wait3A_70] : memref<800xi32, #tpu.memory_space<vmem>> -> memref<40xi32, #tpu.memory_space<vmem>>
      %dma_wait3A_72 = arith.constant 0 : i32
      %dma_wait3A_73 = arith.constant 0 : i32
      %dma_wait3A_74 = tpu.memref_slice %arg7[%dma_wait3A_72, %dma_wait3A_73] : memref<65536x256xf32, #tpu.memory_space<hbm>> -> memref<65536x256xf32, #tpu.memory_space<hbm>>
      tpu.wait_indirect_dma semaphore(%arg20 : memref<!tpu.dma_semaphore, #tpu.memory_space<semaphore_mem>>) src(%dma_wait3A_74 : memref<65536x256xf32, #tpu.memory_space<hbm>>) dst(%arg14 : memref<40x256xf32, #tpu.memory_space<vmem>>)
      %gt3A = arith.constant 0 : i32
      %gt3A_75 = arith.cmpi sgt, %scan3A_52, %gt3A : i32
      %convert_element_type3A = arith.extui %gt3A_75 : i1 to i32
      %cond3A = arith.constant 0 : i32
      %cond3A_76 = arith.cmpi ne, %convert_element_type3A, %cond3A : i32
      scf.if %cond3A_76 {
        %dma_wait3A_141 = arith.constant 0 : i32
        %dma_wait3A_142 = tpu.memref_slice %arg8[%mul3A_2, %dma_wait3A_141] : memref<25600x256xf32, #tpu.memory_space<hbm>> -> memref<40x256xf32, #tpu.memory_space<hbm>>
        %dma_wait3A_143 = arith.constant 0 : i32
        %dma_wait3A_144 = tpu.memref_slice %arg8[%mul3A_2, %dma_wait3A_143] : memref<25600x256xf32, #tpu.memory_space<hbm>> -> memref<40x256xf32, #tpu.memory_space<hbm>>
        tpu.wait_dma2 semaphore(%arg22 : memref<!tpu.dma_semaphore, #tpu.memory_space<semaphore_mem>>) src(%arg18 : memref<40x256xf32, #tpu.memory_space<vmem>>) dst(%dma_wait3A_144 : memref<40x256xf32, #tpu.memory_space<hbm>>)
      } else {
      }
      %scan3A_77 = arith.constant 0 : i32
      %scan3A_78 = arith.constant 0 : i32
      %scan3A_79 = arith.constant 40 : i32
      %scan3A_80 = arith.addi %scan3A_78, %scan3A_79 : i32
      %scan3A_81 = arith.constant 1 : i32
      %scan3A_82 = scf.for %scan3A_141 = %scan3A_78 to %scan3A_80 step %scan3A_81 iter_args(%scan3A_142 = %scan3A_77) -> (i32)  : i32 {
        %get3A = arith.index_cast %scan3A_141 : i32 to index
        %get3A_143 = arith.constant 0 : index
        %get3A_144 = tpu.vector_load %arg12[%get3A, %get3A_143] {strides = array<i32>} : memref<40x256xf32, #tpu.memory_space<vmem>>, vector<1x16xf32>,
        %get3A_145 = vector.shape_cast %get3A_144 : vector<1x16xf32> to vector<16xf32>
        %get3A_146 = arith.index_cast %scan3A_141 : i32 to index
        %get3A_147 = arith.constant 0 : index
        %get3A_148 = tpu.vector_load %arg13[%get3A_146, %get3A_147] {strides = array<i32>} : memref<40x256xf32, #tpu.memory_space<vmem>>, vector<1x16xf32>,
        %get3A_149 = vector.shape_cast %get3A_148 : vector<1x16xf32> to vector<16xf32>
        %add3A_150 = arith.addf %get3A_145, %get3A_149 : vector<16xf32>
        %get3A_151 = arith.index_cast %scan3A_141 : i32 to index
        %get3A_152 = arith.constant 0 : index
        %get3A_153 = tpu.vector_load %arg14[%get3A_151, %get3A_152] {strides = array<i32>} : memref<40x256xf32, #tpu.memory_space<vmem>>, vector<1x16xf32>,
        %get3A_154 = vector.shape_cast %get3A_153 : vector<1x16xf32> to vector<16xf32>
        %add3A_155 = arith.addf %add3A_150, %get3A_154 : vector<16xf32>
        %swap3A = arith.index_cast %scan3A_141 : i32 to index
        %swap3A_156 = arith.constant 0 : index
        %swap3A_157 = tpu.vector_load %arg18[%swap3A, %swap3A_156] {strides = array<i32>} : memref<40x256xf32, #tpu.memory_space<vmem>>, vector<1x16xf32>,
        %swap3A_158 = vector.shape_cast %swap3A_157 : vector<1x16xf32> to vector<16xf32>
        %swap3A_159 = vector.shape_cast %add3A_155 : vector<16xf32> to vector<1x16xf32>
        tpu.vector_store %arg18[%swap3A, %swap3A_156], %swap3A_159 {strides = array<i32>} : memref<40x256xf32, #tpu.memory_space<vmem>>, vector<1x16xf32>,
        %get3A_160 = arith.index_cast %scan3A_141 : i32 to index
        %get3A_161 = arith.constant 16 : index
        %get3A_162 = tpu.vector_load %arg12[%get3A_160, %get3A_161] {strides = array<i32>} : memref<40x256xf32, #tpu.memory_space<vmem>>, vector<1x16xf32>,
        %get3A_163 = vector.shape_cast %get3A_162 : vector<1x16xf32> to vector<16xf32>
        %get3A_164 = arith.index_cast %scan3A_141 : i32 to index
        %get3A_165 = arith.constant 16 : index
        %get3A_166 = tpu.vector_load %arg13[%get3A_164, %get3A_165] {strides = array<i32>} : memref<40x256xf32, #tpu.memory_space<vmem>>, vector<1x16xf32>,
        %get3A_167 = vector.shape_cast %get3A_166 : vector<1x16xf32> to vector<16xf32>
        %add3A_168 = arith.addf %get3A_163, %get3A_167 : vector<16xf32>
        %get3A_169 = arith.index_cast %scan3A_141 : i32 to index
        %get3A_170 = arith.constant 16 : index
        %get3A_171 = tpu.vector_load %arg14[%get3A_169, %get3A_170] {strides = array<i32>} : memref<40x256xf32, #tpu.memory_space<vmem>>, vector<1x16xf32>,
        %get3A_172 = vector.shape_cast %get3A_171 : vector<1x16xf32> to vector<16xf32>
        %add3A_173 = arith.addf %add3A_168, %get3A_172 : vector<16xf32>
        %swap3A_174 = arith.index_cast %scan3A_141 : i32 to index
        %swap3A_175 = arith.constant 16 : index
        %swap3A_176 = tpu.vector_load %arg18[%swap3A_174, %swap3A_175] {strides = array<i32>} : memref<40x256xf32, #tpu.memory_space<vmem>>, vector<1x16xf32>,
        %swap3A_177 = vector.shape_cast %swap3A_176 : vector<1x16xf32> to vector<16xf32>
        %swap3A_178 = vector.shape_cast %add3A_173 : vector<16xf32> to vector<1x16xf32>
        tpu.vector_store %arg18[%swap3A_174, %swap3A_175], %swap3A_178 {strides = array<i32>} : memref<40x256xf32, #tpu.memory_space<vmem>>, vector<1x16xf32>,
        %get3A_179 = arith.index_cast %scan3A_141 : i32 to index
        %get3A_180 = arith.constant 32 : index
        %get3A_181 = tpu.vector_load %arg12[%get3A_179, %get3A_180] {strides = array<i32>} : memref<40x256xf32, #tpu.memory_space<vmem>>, vector<1x16xf32>,
        %get3A_182 = vector.shape_cast %get3A_181 : vector<1x16xf32> to vector<16xf32>
        %get3A_183 = arith.index_cast %scan3A_141 : i32 to index
        %get3A_184 = arith.constant 32 : index
        %get3A_185 = tpu.vector_load %arg13[%get3A_183, %get3A_184] {strides = array<i32>} : memref<40x256xf32, #tpu.memory_space<vmem>>, vector<1x16xf32>,
        %get3A_186 = vector.shape_cast %get3A_185 : vector<1x16xf32> to vector<16xf32>
        %add3A_187 = arith.addf %get3A_182, %get3A_186 : vector<16xf32>
        %get3A_188 = arith.index_cast %scan3A_141 : i32 to index
        %get3A_189 = arith.constant 32 : index
        %get3A_190 = tpu.vector_load %arg14[%get3A_188, %get3A_189] {strides = array<i32>} : memref<40x256xf32, #tpu.memory_space<vmem>>, vector<1x16xf32>,
        %get3A_191 = vector.shape_cast %get3A_190 : vector<1x16xf32> to vector<16xf32>
        %add3A_192 = arith.addf %add3A_187, %get3A_191 : vector<16xf32>
        %swap3A_193 = arith.index_cast %scan3A_141 : i32 to index
        %swap3A_194 = arith.constant 32 : index
        %swap3A_195 = tpu.vector_load %arg18[%swap3A_193, %swap3A_194] {strides = array<i32>} : memref<40x256xf32, #tpu.memory_space<vmem>>, vector<1x16xf32>,
        %swap3A_196 = vector.shape_cast %swap3A_195 : vector<1x16xf32> to vector<16xf32>
        %swap3A_197 = vector.shape_cast %add3A_192 : vector<16xf32> to vector<1x16xf32>
        tpu.vector_store %arg18[%swap3A_193, %swap3A_194], %swap3A_197 {strides = array<i32>} : memref<40x256xf32, #tpu.memory_space<vmem>>, vector<1x16xf32>,
        %get3A_198 = arith.index_cast %scan3A_141 : i32 to index
        %get3A_199 = arith.constant 48 : index
        %get3A_200 = tpu.vector_load %arg12[%get3A_198, %get3A_199] {strides = array<i32>} : memref<40x256xf32, #tpu.memory_space<vmem>>, vector<1x16xf32>,
        %get3A_201 = vector.shape_cast %get3A_200 : vector<1x16xf32> to vector<16xf32>
        %get3A_202 = arith.index_cast %scan3A_141 : i32 to index
        %get3A_203 = arith.constant 48 : index
        %get3A_204 = tpu.vector_load %arg13[%get3A_202, %get3A_203] {strides = array<i32>} : memref<40x256xf32, #tpu.memory_space<vmem>>, vector<1x16xf32>,
        %get3A_205 = vector.shape_cast %get3A_204 : vector<1x16xf32> to vector<16xf32>
        %add3A_206 = arith.addf %get3A_201, %get3A_205 : vector<16xf32>
        %get3A_207 = arith.index_cast %scan3A_141 : i32 to index
        %get3A_208 = arith.constant 48 : index
        %get3A_209 = tpu.vector_load %arg14[%get3A_207, %get3A_208] {strides = array<i32>} : memref<40x256xf32, #tpu.memory_space<vmem>>, vector<1x16xf32>,
        %get3A_210 = vector.shape_cast %get3A_209 : vector<1x16xf32> to vector<16xf32>
        %add3A_211 = arith.addf %add3A_206, %get3A_210 : vector<16xf32>
        %swap3A_212 = arith.index_cast %scan3A_141 : i32 to index
        %swap3A_213 = arith.constant 48 : index
        %swap3A_214 = tpu.vector_load %arg18[%swap3A_212, %swap3A_213] {strides = array<i32>} : memref<40x256xf32, #tpu.memory_space<vmem>>, vector<1x16xf32>,
        %swap3A_215 = vector.shape_cast %swap3A_214 : vector<1x16xf32> to vector<16xf32>
        %swap3A_216 = vector.shape_cast %add3A_211 : vector<16xf32> to vector<1x16xf32>
        tpu.vector_store %arg18[%swap3A_212, %swap3A_213], %swap3A_216 {strides = array<i32>} : memref<40x256xf32, #tpu.memory_space<vmem>>, vector<1x16xf32>,
        %get3A_217 = arith.index_cast %scan3A_141 : i32 to index
        %get3A_218 = arith.constant 64 : index
        %get3A_219 = tpu.vector_load %arg12[%get3A_217, %get3A_218] {strides = array<i32>} : memref<40x256xf32, #tpu.memory_space<vmem>>, vector<1x16xf32>,
        %get3A_220 = vector.shape_cast %get3A_219 : vector<1x16xf32> to vector<16xf32>
        %get3A_221 = arith.index_cast %scan3A_141 : i32 to index
        %get3A_222 = arith.constant 64 : index
        %get3A_223 = tpu.vector_load %arg13[%get3A_221, %get3A_222] {strides = array<i32>} : memref<40x256xf32, #tpu.memory_space<vmem>>, vector<1x16xf32>,
        %get3A_224 = vector.shape_cast %get3A_223 : vector<1x16xf32> to vector<16xf32>
        %add3A_225 = arith.addf %get3A_220, %get3A_224 : vector<16xf32>
        %get3A_226 = arith.index_cast %scan3A_141 : i32 to index
        %get3A_227 = arith.constant 64 : index
        %get3A_228 = tpu.vector_load %arg14[%get3A_226, %get3A_227] {strides = array<i32>} : memref<40x256xf32, #tpu.memory_space<vmem>>, vector<1x16xf32>,
        %get3A_229 = vector.shape_cast %get3A_228 : vector<1x16xf32> to vector<16xf32>
        %add3A_230 = arith.addf %add3A_225, %get3A_229 : vector<16xf32>
        %swap3A_231 = arith.index_cast %scan3A_141 : i32 to index
        %swap3A_232 = arith.constant 64 : index
        %swap3A_233 = tpu.vector_load %arg18[%swap3A_231, %swap3A_232] {strides = array<i32>} : memref<40x256xf32, #tpu.memory_space<vmem>>, vector<1x16xf32>,
        %swap3A_234 = vector.shape_cast %swap3A_233 : vector<1x16xf32> to vector<16xf32>
        %swap3A_235 = vector.shape_cast %add3A_230 : vector<16xf32> to vector<1x16xf32>
        tpu.vector_store %arg18[%swap3A_231, %swap3A_232], %swap3A_235 {strides = array<i32>} : memref<40x256xf32, #tpu.memory_space<vmem>>, vector<1x16xf32>,
        %get3A_236 = arith.index_cast %scan3A_141 : i32 to index
        %get3A_237 = arith.constant 80 : index
        %get3A_238 = tpu.vector_load %arg12[%get3A_236, %get3A_237] {strides = array<i32>} : memref<40x256xf32, #tpu.memory_space<vmem>>, vector<1x16xf32>,
        %get3A_239 = vector.shape_cast %get3A_238 : vector<1x16xf32> to vector<16xf32>
        %get3A_240 = arith.index_cast %scan3A_141 : i32 to index
        %get3A_241 = arith.constant 80 : index
        %get3A_242 = tpu.vector_load %arg13[%get3A_240, %get3A_241] {strides = array<i32>} : memref<40x256xf32, #tpu.memory_space<vmem>>, vector<1x16xf32>,
        %get3A_243 = vector.shape_cast %get3A_242 : vector<1x16xf32> to vector<16xf32>
        %add3A_244 = arith.addf %get3A_239, %get3A_243 : vector<16xf32>
        %get3A_245 = arith.index_cast %scan3A_141 : i32 to index
        %get3A_246 = arith.constant 80 : index
        %get3A_247 = tpu.vector_load %arg14[%get3A_245, %get3A_246] {strides = array<i32>} : memref<40x256xf32, #tpu.memory_space<vmem>>, vector<1x16xf32>,
        %get3A_248 = vector.shape_cast %get3A_247 : vector<1x16xf32> to vector<16xf32>
        %add3A_249 = arith.addf %add3A_244, %get3A_248 : vector<16xf32>
        %swap3A_250 = arith.index_cast %scan3A_141 : i32 to index
        %swap3A_251 = arith.constant 80 : index
        %swap3A_252 = tpu.vector_load %arg18[%swap3A_250, %swap3A_251] {strides = array<i32>} : memref<40x256xf32, #tpu.memory_space<vmem>>, vector<1x16xf32>,
        %swap3A_253 = vector.shape_cast %swap3A_252 : vector<1x16xf32> to vector<16xf32>
        %swap3A_254 = vector.shape_cast %add3A_249 : vector<16xf32> to vector<1x16xf32>
        tpu.vector_store %arg18[%swap3A_250, %swap3A_251], %swap3A_254 {strides = array<i32>} : memref<40x256xf32, #tpu.memory_space<vmem>>, vector<1x16xf32>,
        %get3A_255 = arith.index_cast %scan3A_141 : i32 to index
        %get3A_256 = arith.constant 96 : index
        %get3A_257 = tpu.vector_load %arg12[%get3A_255, %get3A_256] {strides = array<i32>} : memref<40x256xf32, #tpu.memory_space<vmem>>, vector<1x16xf32>,
        %get3A_258 = vector.shape_cast %get3A_257 : vector<1x16xf32> to vector<16xf32>
        %get3A_259 = arith.index_cast %scan3A_141 : i32 to index
        %get3A_260 = arith.constant 96 : index
        %get3A_261 = tpu.vector_load %arg13[%get3A_259, %get3A_260] {strides = array<i32>} : memref<40x256xf32, #tpu.memory_space<vmem>>, vector<1x16xf32>,
        %get3A_262 = vector.shape_cast %get3A_261 : vector<1x16xf32> to vector<16xf32>
        %add3A_263 = arith.addf %get3A_258, %get3A_262 : vector<16xf32>
        %get3A_264 = arith.index_cast %scan3A_141 : i32 to index
        %get3A_265 = arith.constant 96 : index
        %get3A_266 = tpu.vector_load %arg14[%get3A_264, %get3A_265] {strides = array<i32>} : memref<40x256xf32, #tpu.memory_space<vmem>>, vector<1x16xf32>,
        %get3A_267 = vector.shape_cast %get3A_266 : vector<1x16xf32> to vector<16xf32>
        %add3A_268 = arith.addf %add3A_263, %get3A_267 : vector<16xf32>
        %swap3A_269 = arith.index_cast %scan3A_141 : i32 to index
        %swap3A_270 = arith.constant 96 : index
        %swap3A_271 = tpu.vector_load %arg18[%swap3A_269, %swap3A_270] {strides = array<i32>} : memref<40x256xf32, #tpu.memory_space<vmem>>, vector<1x16xf32>,
        %swap3A_272 = vector.shape_cast %swap3A_271 : vector<1x16xf32> to vector<16xf32>
        %swap3A_273 = vector.shape_cast %add3A_268 : vector<16xf32> to vector<1x16xf32>
        tpu.vector_store %arg18[%swap3A_269, %swap3A_270], %swap3A_273 {strides = array<i32>} : memref<40x256xf32, #tpu.memory_space<vmem>>, vector<1x16xf32>,
        %get3A_274 = arith.index_cast %scan3A_141 : i32 to index
        %get3A_275 = arith.constant 112 : index
        %get3A_276 = tpu.vector_load %arg12[%get3A_274, %get3A_275] {strides = array<i32>} : memref<40x256xf32, #tpu.memory_space<vmem>>, vector<1x16xf32>,
        %get3A_277 = vector.shape_cast %get3A_276 : vector<1x16xf32> to vector<16xf32>
        %get3A_278 = arith.index_cast %scan3A_141 : i32 to index
        %get3A_279 = arith.constant 112 : index
        %get3A_280 = tpu.vector_load %arg13[%get3A_278, %get3A_279] {strides = array<i32>} : memref<40x256xf32, #tpu.memory_space<vmem>>, vector<1x16xf32>,
        %get3A_281 = vector.shape_cast %get3A_280 : vector<1x16xf32> to vector<16xf32>
        %add3A_282 = arith.addf %get3A_277, %get3A_281 : vector<16xf32>
        %get3A_283 = arith.index_cast %scan3A_141 : i32 to index
        %get3A_284 = arith.constant 112 : index
        %get3A_285 = tpu.vector_load %arg14[%get3A_283, %get3A_284] {strides = array<i32>} : memref<40x256xf32, #tpu.memory_space<vmem>>, vector<1x16xf32>,
        %get3A_286 = vector.shape_cast %get3A_285 : vector<1x16xf32> to vector<16xf32>
        %add3A_287 = arith.addf %add3A_282, %get3A_286 : vector<16xf32>
        %swap3A_288 = arith.index_cast %scan3A_141 : i32 to index
        %swap3A_289 = arith.constant 112 : index
        %swap3A_290 = tpu.vector_load %arg18[%swap3A_288, %swap3A_289] {strides = array<i32>} : memref<40x256xf32, #tpu.memory_space<vmem>>, vector<1x16xf32>,
        %swap3A_291 = vector.shape_cast %swap3A_290 : vector<1x16xf32> to vector<16xf32>
        %swap3A_292 = vector.shape_cast %add3A_287 : vector<16xf32> to vector<1x16xf32>
        tpu.vector_store %arg18[%swap3A_288, %swap3A_289], %swap3A_292 {strides = array<i32>} : memref<40x256xf32, #tpu.memory_space<vmem>>, vector<1x16xf32>,
        %get3A_293 = arith.index_cast %scan3A_141 : i32 to index
        %get3A_294 = arith.constant 128 : index
        %get3A_295 = tpu.vector_load %arg12[%get3A_293, %get3A_294] {strides = array<i32>} : memref<40x256xf32, #tpu.memory_space<vmem>>, vector<1x16xf32>,
        %get3A_296 = vector.shape_cast %get3A_295 : vector<1x16xf32> to vector<16xf32>
        %get3A_297 = arith.index_cast %scan3A_141 : i32 to index
        %get3A_298 = arith.constant 128 : index
        %get3A_299 = tpu.vector_load %arg13[%get3A_297, %get3A_298] {strides = array<i32>} : memref<40x256xf32, #tpu.memory_space<vmem>>, vector<1x16xf32>,
        %get3A_300 = vector.shape_cast %get3A_299 : vector<1x16xf32> to vector<16xf32>
        %add3A_301 = arith.addf %get3A_296, %get3A_300 : vector<16xf32>
        %get3A_302 = arith.index_cast %scan3A_141 : i32 to index
        %get3A_303 = arith.constant 128 : index
        %get3A_304 = tpu.vector_load %arg14[%get3A_302, %get3A_303] {strides = array<i32>} : memref<40x256xf32, #tpu.memory_space<vmem>>, vector<1x16xf32>,
        %get3A_305 = vector.shape_cast %get3A_304 : vector<1x16xf32> to vector<16xf32>
        %add3A_306 = arith.addf %add3A_301, %get3A_305 : vector<16xf32>
        %swap3A_307 = arith.index_cast %scan3A_141 : i32 to index
        %swap3A_308 = arith.constant 128 : index
        %swap3A_309 = tpu.vector_load %arg18[%swap3A_307, %swap3A_308] {strides = array<i32>} : memref<40x256xf32, #tpu.memory_space<vmem>>, vector<1x16xf32>,
        %swap3A_310 = vector.shape_cast %swap3A_309 : vector<1x16xf32> to vector<16xf32>
        %swap3A_311 = vector.shape_cast %add3A_306 : vector<16xf32> to vector<1x16xf32>
        tpu.vector_store %arg18[%swap3A_307, %swap3A_308], %swap3A_311 {strides = array<i32>} : memref<40x256xf32, #tpu.memory_space<vmem>>, vector<1x16xf32>,
        %get3A_312 = arith.index_cast %scan3A_141 : i32 to index
        %get3A_313 = arith.constant 144 : index
        %get3A_314 = tpu.vector_load %arg12[%get3A_312, %get3A_313] {strides = array<i32>} : memref<40x256xf32, #tpu.memory_space<vmem>>, vector<1x16xf32>,
        %get3A_315 = vector.shape_cast %get3A_314 : vector<1x16xf32> to vector<16xf32>
        %get3A_316 = arith.index_cast %scan3A_141 : i32 to index
        %get3A_317 = arith.constant 144 : index
        %get3A_318 = tpu.vector_load %arg13[%get3A_316, %get3A_317] {strides = array<i32>} : memref<40x256xf32, #tpu.memory_space<vmem>>, vector<1x16xf32>,
        %get3A_319 = vector.shape_cast %get3A_318 : vector<1x16xf32> to vector<16xf32>
        %add3A_320 = arith.addf %get3A_315, %get3A_319 : vector<16xf32>
        %get3A_321 = arith.index_cast %scan3A_141 : i32 to index
        %get3A_322 = arith.constant 144 : index
        %get3A_323 = tpu.vector_load %arg14[%get3A_321, %get3A_322] {strides = array<i32>} : memref<40x256xf32, #tpu.memory_space<vmem>>, vector<1x16xf32>,
        %get3A_324 = vector.shape_cast %get3A_323 : vector<1x16xf32> to vector<16xf32>
        %add3A_325 = arith.addf %add3A_320, %get3A_324 : vector<16xf32>
        %swap3A_326 = arith.index_cast %scan3A_141 : i32 to index
        %swap3A_327 = arith.constant 144 : index
        %swap3A_328 = tpu.vector_load %arg18[%swap3A_326, %swap3A_327] {strides = array<i32>} : memref<40x256xf32, #tpu.memory_space<vmem>>, vector<1x16xf32>,
        %swap3A_329 = vector.shape_cast %swap3A_328 : vector<1x16xf32> to vector<16xf32>
        %swap3A_330 = vector.shape_cast %add3A_325 : vector<16xf32> to vector<1x16xf32>
        tpu.vector_store %arg18[%swap3A_326, %swap3A_327], %swap3A_330 {strides = array<i32>} : memref<40x256xf32, #tpu.memory_space<vmem>>, vector<1x16xf32>,
        %get3A_331 = arith.index_cast %scan3A_141 : i32 to index
        %get3A_332 = arith.constant 160 : index
        %get3A_333 = tpu.vector_load %arg12[%get3A_331, %get3A_332] {strides = array<i32>} : memref<40x256xf32, #tpu.memory_space<vmem>>, vector<1x16xf32>,
        %get3A_334 = vector.shape_cast %get3A_333 : vector<1x16xf32> to vector<16xf32>
        %get3A_335 = arith.index_cast %scan3A_141 : i32 to index
        %get3A_336 = arith.constant 160 : index
        %get3A_337 = tpu.vector_load %arg13[%get3A_335, %get3A_336] {strides = array<i32>} : memref<40x256xf32, #tpu.memory_space<vmem>>, vector<1x16xf32>,
        %get3A_338 = vector.shape_cast %get3A_337 : vector<1x16xf32> to vector<16xf32>
        %add3A_339 = arith.addf %get3A_334, %get3A_338 : vector<16xf32>
        %get3A_340 = arith.index_cast %scan3A_141 : i32 to index
        %get3A_341 = arith.constant 160 : index
        %get3A_342 = tpu.vector_load %arg14[%get3A_340, %get3A_341] {strides = array<i32>} : memref<40x256xf32, #tpu.memory_space<vmem>>, vector<1x16xf32>,
        %get3A_343 = vector.shape_cast %get3A_342 : vector<1x16xf32> to vector<16xf32>
        %add3A_344 = arith.addf %add3A_339, %get3A_343 : vector<16xf32>
        %swap3A_345 = arith.index_cast %scan3A_141 : i32 to index
        %swap3A_346 = arith.constant 160 : index
        %swap3A_347 = tpu.vector_load %arg18[%swap3A_345, %swap3A_346] {strides = array<i32>} : memref<40x256xf32, #tpu.memory_space<vmem>>, vector<1x16xf32>,
        %swap3A_348 = vector.shape_cast %swap3A_347 : vector<1x16xf32> to vector<16xf32>
        %swap3A_349 = vector.shape_cast %add3A_344 : vector<16xf32> to vector<1x16xf32>
        tpu.vector_store %arg18[%swap3A_345, %swap3A_346], %swap3A_349 {strides = array<i32>} : memref<40x256xf32, #tpu.memory_space<vmem>>, vector<1x16xf32>,
        %get3A_350 = arith.index_cast %scan3A_141 : i32 to index
        %get3A_351 = arith.constant 176 : index
        %get3A_352 = tpu.vector_load %arg12[%get3A_350, %get3A_351] {strides = array<i32>} : memref<40x256xf32, #tpu.memory_space<vmem>>, vector<1x16xf32>,
        %get3A_353 = vector.shape_cast %get3A_352 : vector<1x16xf32> to vector<16xf32>
        %get3A_354 = arith.index_cast %scan3A_141 : i32 to index
        %get3A_355 = arith.constant 176 : index
        %get3A_356 = tpu.vector_load %arg13[%get3A_354, %get3A_355] {strides = array<i32>} : memref<40x256xf32, #tpu.memory_space<vmem>>, vector<1x16xf32>,
        %get3A_357 = vector.shape_cast %get3A_356 : vector<1x16xf32> to vector<16xf32>
        %add3A_358 = arith.addf %get3A_353, %get3A_357 : vector<16xf32>
        %get3A_359 = arith.index_cast %scan3A_141 : i32 to index
        %get3A_360 = arith.constant 176 : index
        %get3A_361 = tpu.vector_load %arg14[%get3A_359, %get3A_360] {strides = array<i32>} : memref<40x256xf32, #tpu.memory_space<vmem>>, vector<1x16xf32>,
        %get3A_362 = vector.shape_cast %get3A_361 : vector<1x16xf32> to vector<16xf32>
        %add3A_363 = arith.addf %add3A_358, %get3A_362 : vector<16xf32>
        %swap3A_364 = arith.index_cast %scan3A_141 : i32 to index
        %swap3A_365 = arith.constant 176 : index
        %swap3A_366 = tpu.vector_load %arg18[%swap3A_364, %swap3A_365] {strides = array<i32>} : memref<40x256xf32, #tpu.memory_space<vmem>>, vector<1x16xf32>,
        %swap3A_367 = vector.shape_cast %swap3A_366 : vector<1x16xf32> to vector<16xf32>
        %swap3A_368 = vector.shape_cast %add3A_363 : vector<16xf32> to vector<1x16xf32>
        tpu.vector_store %arg18[%swap3A_364, %swap3A_365], %swap3A_368 {strides = array<i32>} : memref<40x256xf32, #tpu.memory_space<vmem>>, vector<1x16xf32>,
        %get3A_369 = arith.index_cast %scan3A_141 : i32 to index
        %get3A_370 = arith.constant 192 : index
        %get3A_371 = tpu.vector_load %arg12[%get3A_369, %get3A_370] {strides = array<i32>} : memref<40x256xf32, #tpu.memory_space<vmem>>, vector<1x16xf32>,
        %get3A_372 = vector.shape_cast %get3A_371 : vector<1x16xf32> to vector<16xf32>
        %get3A_373 = arith.index_cast %scan3A_141 : i32 to index
        %get3A_374 = arith.constant 192 : index
        %get3A_375 = tpu.vector_load %arg13[%get3A_373, %get3A_374] {strides = array<i32>} : memref<40x256xf32, #tpu.memory_space<vmem>>, vector<1x16xf32>,
        %get3A_376 = vector.shape_cast %get3A_375 : vector<1x16xf32> to vector<16xf32>
        %add3A_377 = arith.addf %get3A_372, %get3A_376 : vector<16xf32>
        %get3A_378 = arith.index_cast %scan3A_141 : i32 to index
        %get3A_379 = arith.constant 192 : index
        %get3A_380 = tpu.vector_load %arg14[%get3A_378, %get3A_379] {strides = array<i32>} : memref<40x256xf32, #tpu.memory_space<vmem>>, vector<1x16xf32>,
        %get3A_381 = vector.shape_cast %get3A_380 : vector<1x16xf32> to vector<16xf32>
        %add3A_382 = arith.addf %add3A_377, %get3A_381 : vector<16xf32>
        %swap3A_383 = arith.index_cast %scan3A_141 : i32 to index
        %swap3A_384 = arith.constant 192 : index
        %swap3A_385 = tpu.vector_load %arg18[%swap3A_383, %swap3A_384] {strides = array<i32>} : memref<40x256xf32, #tpu.memory_space<vmem>>, vector<1x16xf32>,
        %swap3A_386 = vector.shape_cast %swap3A_385 : vector<1x16xf32> to vector<16xf32>
        %swap3A_387 = vector.shape_cast %add3A_382 : vector<16xf32> to vector<1x16xf32>
        tpu.vector_store %arg18[%swap3A_383, %swap3A_384], %swap3A_387 {strides = array<i32>} : memref<40x256xf32, #tpu.memory_space<vmem>>, vector<1x16xf32>,
        %get3A_388 = arith.index_cast %scan3A_141 : i32 to index
        %get3A_389 = arith.constant 208 : index
        %get3A_390 = tpu.vector_load %arg12[%get3A_388, %get3A_389] {strides = array<i32>} : memref<40x256xf32, #tpu.memory_space<vmem>>, vector<1x16xf32>,
        %get3A_391 = vector.shape_cast %get3A_390 : vector<1x16xf32> to vector<16xf32>
        %get3A_392 = arith.index_cast %scan3A_141 : i32 to index
        %get3A_393 = arith.constant 208 : index
        %get3A_394 = tpu.vector_load %arg13[%get3A_392, %get3A_393] {strides = array<i32>} : memref<40x256xf32, #tpu.memory_space<vmem>>, vector<1x16xf32>,
        %get3A_395 = vector.shape_cast %get3A_394 : vector<1x16xf32> to vector<16xf32>
        %add3A_396 = arith.addf %get3A_391, %get3A_395 : vector<16xf32>
        %get3A_397 = arith.index_cast %scan3A_141 : i32 to index
        %get3A_398 = arith.constant 208 : index
        %get3A_399 = tpu.vector_load %arg14[%get3A_397, %get3A_398] {strides = array<i32>} : memref<40x256xf32, #tpu.memory_space<vmem>>, vector<1x16xf32>,
        %get3A_400 = vector.shape_cast %get3A_399 : vector<1x16xf32> to vector<16xf32>
        %add3A_401 = arith.addf %add3A_396, %get3A_400 : vector<16xf32>
        %swap3A_402 = arith.index_cast %scan3A_141 : i32 to index
        %swap3A_403 = arith.constant 208 : index
        %swap3A_404 = tpu.vector_load %arg18[%swap3A_402, %swap3A_403] {strides = array<i32>} : memref<40x256xf32, #tpu.memory_space<vmem>>, vector<1x16xf32>,
        %swap3A_405 = vector.shape_cast %swap3A_404 : vector<1x16xf32> to vector<16xf32>
        %swap3A_406 = vector.shape_cast %add3A_401 : vector<16xf32> to vector<1x16xf32>
        tpu.vector_store %arg18[%swap3A_402, %swap3A_403], %swap3A_406 {strides = array<i32>} : memref<40x256xf32, #tpu.memory_space<vmem>>, vector<1x16xf32>,
        %get3A_407 = arith.index_cast %scan3A_141 : i32 to index
        %get3A_408 = arith.constant 224 : index
        %get3A_409 = tpu.vector_load %arg12[%get3A_407, %get3A_408] {strides = array<i32>} : memref<40x256xf32, #tpu.memory_space<vmem>>, vector<1x16xf32>,
        %get3A_410 = vector.shape_cast %get3A_409 : vector<1x16xf32> to vector<16xf32>
        %get3A_411 = arith.index_cast %scan3A_141 : i32 to index
        %get3A_412 = arith.constant 224 : index
        %get3A_413 = tpu.vector_load %arg13[%get3A_411, %get3A_412] {strides = array<i32>} : memref<40x256xf32, #tpu.memory_space<vmem>>, vector<1x16xf32>,
        %get3A_414 = vector.shape_cast %get3A_413 : vector<1x16xf32> to vector<16xf32>
        %add3A_415 = arith.addf %get3A_410, %get3A_414 : vector<16xf32>
        %get3A_416 = arith.index_cast %scan3A_141 : i32 to index
        %get3A_417 = arith.constant 224 : index
        %get3A_418 = tpu.vector_load %arg14[%get3A_416, %get3A_417] {strides = array<i32>} : memref<40x256xf32, #tpu.memory_space<vmem>>, vector<1x16xf32>,
        %get3A_419 = vector.shape_cast %get3A_418 : vector<1x16xf32> to vector<16xf32>
        %add3A_420 = arith.addf %add3A_415, %get3A_419 : vector<16xf32>
        %swap3A_421 = arith.index_cast %scan3A_141 : i32 to index
        %swap3A_422 = arith.constant 224 : index
        %swap3A_423 = tpu.vector_load %arg18[%swap3A_421, %swap3A_422] {strides = array<i32>} : memref<40x256xf32, #tpu.memory_space<vmem>>, vector<1x16xf32>,
        %swap3A_424 = vector.shape_cast %swap3A_423 : vector<1x16xf32> to vector<16xf32>
        %swap3A_425 = vector.shape_cast %add3A_420 : vector<16xf32> to vector<1x16xf32>
        tpu.vector_store %arg18[%swap3A_421, %swap3A_422], %swap3A_425 {strides = array<i32>} : memref<40x256xf32, #tpu.memory_space<vmem>>, vector<1x16xf32>,
        %get3A_426 = arith.index_cast %scan3A_141 : i32 to index
        %get3A_427 = arith.constant 240 : index
        %get3A_428 = tpu.vector_load %arg12[%get3A_426, %get3A_427] {strides = array<i32>} : memref<40x256xf32, #tpu.memory_space<vmem>>, vector<1x16xf32>,
        %get3A_429 = vector.shape_cast %get3A_428 : vector<1x16xf32> to vector<16xf32>
        %get3A_430 = arith.index_cast %scan3A_141 : i32 to index
        %get3A_431 = arith.constant 240 : index
        %get3A_432 = tpu.vector_load %arg13[%get3A_430, %get3A_431] {strides = array<i32>} : memref<40x256xf32, #tpu.memory_space<vmem>>, vector<1x16xf32>,
        %get3A_433 = vector.shape_cast %get3A_432 : vector<1x16xf32> to vector<16xf32>
        %add3A_434 = arith.addf %get3A_429, %get3A_433 : vector<16xf32>
        %get3A_435 = arith.index_cast %scan3A_141 : i32 to index
        %get3A_436 = arith.constant 240 : index
        %get3A_437 = tpu.vector_load %arg14[%get3A_435, %get3A_436] {strides = array<i32>} : memref<40x256xf32, #tpu.memory_space<vmem>>, vector<1x16xf32>,
        %get3A_438 = vector.shape_cast %get3A_437 : vector<1x16xf32> to vector<16xf32>
        %add3A_439 = arith.addf %add3A_434, %get3A_438 : vector<16xf32>
        %swap3A_440 = arith.index_cast %scan3A_141 : i32 to index
        %swap3A_441 = arith.constant 240 : index
        %swap3A_442 = tpu.vector_load %arg18[%swap3A_440, %swap3A_441] {strides = array<i32>} : memref<40x256xf32, #tpu.memory_space<vmem>>, vector<1x16xf32>,
        %swap3A_443 = vector.shape_cast %swap3A_442 : vector<1x16xf32> to vector<16xf32>
        %swap3A_444 = vector.shape_cast %add3A_439 : vector<16xf32> to vector<1x16xf32>
        tpu.vector_store %arg18[%swap3A_440, %swap3A_441], %swap3A_444 {strides = array<i32>} : memref<40x256xf32, #tpu.memory_space<vmem>>, vector<1x16xf32>,
        %scan3A_445 = arith.constant 0 : i32
        scf.yield %scan3A_445 : i32
      }
      %scan3A_83 = arith.constant 40 : i32
      %add3A_84 = arith.addi %mul3A_2, %mul3A_59 : i32
      %dma_start3A_85 = arith.constant 0 : i32
      %dma_start3A_86 = tpu.memref_slice %arg8[%add3A_84, %dma_start3A_85] : memref<25600x256xf32, #tpu.memory_space<hbm>> -> memref<40x256xf32, #tpu.memory_space<hbm>>
      %dma_start3A_87 = arith.constant 0 : i32
      %dma_start3A_88 = tpu.memref_slice %arg8[%add3A_84, %dma_start3A_87] : memref<25600x256xf32, #tpu.memory_space<hbm>> -> memref<40x256xf32, #tpu.memory_space<hbm>>
      tpu.enqueue_dma source(%arg18 : memref<40x256xf32, #tpu.memory_space<vmem>>) target(%dma_start3A_88 : memref<40x256xf32, #tpu.memory_space<hbm>>) target_semaphore(%arg22 : memref<!tpu.dma_semaphore, #tpu.memory_space<semaphore_mem>>)
      %add3A_89 = arith.constant 2 : i32
      %add3A_90 = arith.addi %add3A_57, %add3A_89 : i32
      %lt3A = arith.constant 20 : i32
      %lt3A_91 = arith.cmpi slt, %add3A_90, %lt3A : i32
      %convert_element_type3A_92 = arith.extui %lt3A_91 : i1 to i32
      %cond3A_93 = arith.constant 0 : i32
      %cond3A_94 = arith.cmpi ne, %convert_element_type3A_92, %cond3A_93 : i32
      scf.if %cond3A_94 {
        %add3A_141 = arith.constant 2 : i32
        %add3A_142 = arith.addi %add3A_57, %add3A_141 : i32
        %mul3A_143 = arith.constant 40 : i32
        %mul3A_144 = arith.muli %add3A_142, %mul3A_143 : i32
        %dma_start3A_145 = tpu.memref_slice %arg9[%mul3A_144] : memref<800xi32, #tpu.memory_space<vmem>> -> memref<40xi32, #tpu.memory_space<vmem>>
        %dma_start3A_146 = arith.constant 0 : i32
        %dma_start3A_147 = arith.constant 0 : i32
        %dma_start3A_148 = tpu.memref_slice %arg5[%dma_start3A_146, %dma_start3A_147] : memref<65536x256xf32, #tpu.memory_space<hbm>> -> memref<65536x256xf32, #tpu.memory_space<hbm>>
        tpu.enqueue_indirect_dma source(%dma_start3A_148 : memref<65536x256xf32, #tpu.memory_space<hbm>>) target(%arg12 : memref<40x256xf32, #tpu.memory_space<vmem>>) offsets(%dma_start3A_145 : memref<40xi32, #tpu.memory_space<vmem>>) semaphore(%arg20 : memref<!tpu.dma_semaphore, #tpu.memory_space<semaphore_mem>>)
        %dma_start3A_149 = tpu.memref_slice %arg10[%mul3A_144] : memref<800xi32, #tpu.memory_space<vmem>> -> memref<40xi32, #tpu.memory_space<vmem>>
        %dma_start3A_150 = arith.constant 0 : i32
        %dma_start3A_151 = arith.constant 0 : i32
        %dma_start3A_152 = tpu.memref_slice %arg6[%dma_start3A_150, %dma_start3A_151] : memref<4096x256xf32, #tpu.memory_space<hbm>> -> memref<4096x256xf32, #tpu.memory_space<hbm>>
        tpu.enqueue_indirect_dma source(%dma_start3A_152 : memref<4096x256xf32, #tpu.memory_space<hbm>>) target(%arg13 : memref<40x256xf32, #tpu.memory_space<vmem>>) offsets(%dma_start3A_149 : memref<40xi32, #tpu.memory_space<vmem>>) semaphore(%arg20 : memref<!tpu.dma_semaphore, #tpu.memory_space<semaphore_mem>>)
        %dma_start3A_153 = tpu.memref_slice %arg11[%mul3A_144] : memref<800xi32, #tpu.memory_space<vmem>> -> memref<40xi32, #tpu.memory_space<vmem>>
        %dma_start3A_154 = arith.constant 0 : i32
        %dma_start3A_155 = arith.constant 0 : i32
        %dma_start3A_156 = tpu.memref_slice %arg7[%dma_start3A_154, %dma_start3A_155] : memref<65536x256xf32, #tpu.memory_space<hbm>> -> memref<65536x256xf32, #tpu.memory_space<hbm>>
        tpu.enqueue_indirect_dma source(%dma_start3A_156 : memref<65536x256xf32, #tpu.memory_space<hbm>>) target(%arg14 : memref<40x256xf32, #tpu.memory_space<vmem>>) offsets(%dma_start3A_153 : memref<40xi32, #tpu.memory_space<vmem>>) semaphore(%arg20 : memref<!tpu.dma_semaphore, #tpu.memory_space<semaphore_mem>>)
      } else {
      }
      %mul3A_95 = arith.constant 2 : i32
      %mul3A_96 = arith.muli %mul3A_95, %scan3A_52 : i32
      %add3A_97 = arith.constant 1 : i32
      %add3A_98 = arith.addi %mul3A_96, %add3A_97 : i32
      %mul3A_99 = arith.constant 40 : i32
      %mul3A_100 = arith.muli %add3A_98, %mul3A_99 : i32
      %dma_wait3A_101 = arith.constant 0 : i32
      %dma_wait3A_102 = tpu.memref_slice %arg9[%dma_wait3A_101] : memref<800xi32, #tpu.memory_space<vmem>> -> memref<40xi32, #tpu.memory_space<vmem>>
      %dma_wait3A_103 = arith.constant 0 : i32
      %dma_wait3A_104 = arith.constant 0 : i32
      %dma_wait3A_105 = tpu.memref_slice %arg5[%dma_wait3A_103, %dma_wait3A_104] : memref<65536x256xf32, #tpu.memory_space<hbm>> -> memref<65536x256xf32, #tpu.memory_space<hbm>>
      tpu.wait_indirect_dma semaphore(%arg21 : memref<!tpu.dma_semaphore, #tpu.memory_space<semaphore_mem>>) src(%dma_wait3A_105 : memref<65536x256xf32, #tpu.memory_space<hbm>>) dst(%arg15 : memref<40x256xf32, #tpu.memory_space<vmem>>)
      %dma_wait3A_106 = arith.constant 0 : i32
      %dma_wait3A_107 = tpu.memref_slice %arg10[%dma_wait3A_106] : memref<800xi32, #tpu.memory_space<vmem>> -> memref<40xi32, #tpu.memory_space<vmem>>
      %dma_wait3A_108 = arith.constant 0 : i32
      %dma_wait3A_109 = arith.constant 0 : i32
      %dma_wait3A_110 = tpu.memref_slice %arg6[%dma_wait3A_108, %dma_wait3A_109] : memref<4096x256xf32, #tpu.memory_space<hbm>> -> memref<4096x256xf32, #tpu.memory_space<hbm>>
      tpu.wait_indirect_dma semaphore(%arg21 : memref<!tpu.dma_semaphore, #tpu.memory_space<semaphore_mem>>) src(%dma_wait3A_110 : memref<4096x256xf32, #tpu.memory_space<hbm>>) dst(%arg16 : memref<40x256xf32, #tpu.memory_space<vmem>>)
      %dma_wait3A_111 = arith.constant 0 : i32
      %dma_wait3A_112 = tpu.memref_slice %arg11[%dma_wait3A_111] : memref<800xi32, #tpu.memory_space<vmem>> -> memref<40xi32, #tpu.memory_space<vmem>>
      %dma_wait3A_113 = arith.constant 0 : i32
      %dma_wait3A_114 = arith.constant 0 : i32
      %dma_wait3A_115 = tpu.memref_slice %arg7[%dma_wait3A_113, %dma_wait3A_114] : memref<65536x256xf32, #tpu.memory_space<hbm>> -> memref<65536x256xf32, #tpu.memory_space<hbm>>
      tpu.wait_indirect_dma semaphore(%arg21 : memref<!tpu.dma_semaphore, #tpu.memory_space<semaphore_mem>>) src(%dma_wait3A_115 : memref<65536x256xf32, #tpu.memory_space<hbm>>) dst(%arg17 : memref<40x256xf32, #tpu.memory_space<vmem>>)
      %gt3A_116 = arith.constant 0 : i32
      %gt3A_117 = arith.cmpi sgt, %scan3A_52, %gt3A_116 : i32
      %convert_element_type3A_118 = arith.extui %gt3A_117 : i1 to i32
      %cond3A_119 = arith.constant 0 : i32
      %cond3A_120 = arith.cmpi ne, %convert_element_type3A_118, %cond3A_119 : i32
      scf.if %cond3A_120 {
        %dma_wait3A_141 = arith.constant 0 : i32
        %dma_wait3A_142 = tpu.memref_slice %arg8[%mul3A_2, %dma_wait3A_141] : memref<25600x256xf32, #tpu.memory_space<hbm>> -> memref<40x256xf32, #tpu.memory_space<hbm>>
        %dma_wait3A_143 = arith.constant 0 : i32
        %dma_wait3A_144 = tpu.memref_slice %arg8[%mul3A_2, %dma_wait3A_143] : memref<25600x256xf32, #tpu.memory_space<hbm>> -> memref<40x256xf32, #tpu.memory_space<hbm>>
        tpu.wait_dma2 semaphore(%arg23 : memref<!tpu.dma_semaphore, #tpu.memory_space<semaphore_mem>>) src(%arg19 : memref<40x256xf32, #tpu.memory_space<vmem>>) dst(%dma_wait3A_144 : memref<40x256xf32, #tpu.memory_space<hbm>>)
      } else {
      }
      %scan3A_121 = arith.constant 0 : i32
      %scan3A_122 = arith.constant 0 : i32
      %scan3A_123 = arith.constant 40 : i32
      %scan3A_124 = arith.addi %scan3A_122, %scan3A_123 : i32
      %scan3A_125 = arith.constant 1 : i32
      %scan3A_126 = scf.for %scan3A_141 = %scan3A_122 to %scan3A_124 step %scan3A_125 iter_args(%scan3A_142 = %scan3A_121) -> (i32)  : i32 {
        %get3A = arith.index_cast %scan3A_141 : i32 to index
        %get3A_143 = arith.constant 0 : index
        %get3A_144 = tpu.vector_load %arg15[%get3A, %get3A_143] {strides = array<i32>} : memref<40x256xf32, #tpu.memory_space<vmem>>, vector<1x16xf32>,
        %get3A_145 = vector.shape_cast %get3A_144 : vector<1x16xf32> to vector<16xf32>
        %get3A_146 = arith.index_cast %scan3A_141 : i32 to index
        %get3A_147 = arith.constant 0 : index
        %get3A_148 = tpu.vector_load %arg16[%get3A_146, %get3A_147] {strides = array<i32>} : memref<40x256xf32, #tpu.memory_space<vmem>>, vector<1x16xf32>,
        %get3A_149 = vector.shape_cast %get3A_148 : vector<1x16xf32> to vector<16xf32>
        %add3A_150 = arith.addf %get3A_145, %get3A_149 : vector<16xf32>
        %get3A_151 = arith.index_cast %scan3A_141 : i32 to index
        %get3A_152 = arith.constant 0 : index
        %get3A_153 = tpu.vector_load %arg17[%get3A_151, %get3A_152] {strides = array<i32>} : memref<40x256xf32, #tpu.memory_space<vmem>>, vector<1x16xf32>,
        %get3A_154 = vector.shape_cast %get3A_153 : vector<1x16xf32> to vector<16xf32>
        %add3A_155 = arith.addf %add3A_150, %get3A_154 : vector<16xf32>
        %swap3A = arith.index_cast %scan3A_141 : i32 to index
        %swap3A_156 = arith.constant 0 : index
        %swap3A_157 = tpu.vector_load %arg19[%swap3A, %swap3A_156] {strides = array<i32>} : memref<40x256xf32, #tpu.memory_space<vmem>>, vector<1x16xf32>,
        %swap3A_158 = vector.shape_cast %swap3A_157 : vector<1x16xf32> to vector<16xf32>
        %swap3A_159 = vector.shape_cast %add3A_155 : vector<16xf32> to vector<1x16xf32>
        tpu.vector_store %arg19[%swap3A, %swap3A_156], %swap3A_159 {strides = array<i32>} : memref<40x256xf32, #tpu.memory_space<vmem>>, vector<1x16xf32>,
        %get3A_160 = arith.index_cast %scan3A_141 : i32 to index
        %get3A_161 = arith.constant 16 : index
        %get3A_162 = tpu.vector_load %arg15[%get3A_160, %get3A_161] {strides = array<i32>} : memref<40x256xf32, #tpu.memory_space<vmem>>, vector<1x16xf32>,
        %get3A_163 = vector.shape_cast %get3A_162 : vector<1x16xf32> to vector<16xf32>
        %get3A_164 = arith.index_cast %scan3A_141 : i32 to index
        %get3A_165 = arith.constant 16 : index
        %get3A_166 = tpu.vector_load %arg16[%get3A_164, %get3A_165] {strides = array<i32>} : memref<40x256xf32, #tpu.memory_space<vmem>>, vector<1x16xf32>,
        %get3A_167 = vector.shape_cast %get3A_166 : vector<1x16xf32> to vector<16xf32>
        %add3A_168 = arith.addf %get3A_163, %get3A_167 : vector<16xf32>
        %get3A_169 = arith.index_cast %scan3A_141 : i32 to index
        %get3A_170 = arith.constant 16 : index
        %get3A_171 = tpu.vector_load %arg17[%get3A_169, %get3A_170] {strides = array<i32>} : memref<40x256xf32, #tpu.memory_space<vmem>>, vector<1x16xf32>,
        %get3A_172 = vector.shape_cast %get3A_171 : vector<1x16xf32> to vector<16xf32>
        %add3A_173 = arith.addf %add3A_168, %get3A_172 : vector<16xf32>
        %swap3A_174 = arith.index_cast %scan3A_141 : i32 to index
        %swap3A_175 = arith.constant 16 : index
        %swap3A_176 = tpu.vector_load %arg19[%swap3A_174, %swap3A_175] {strides = array<i32>} : memref<40x256xf32, #tpu.memory_space<vmem>>, vector<1x16xf32>,
        %swap3A_177 = vector.shape_cast %swap3A_176 : vector<1x16xf32> to vector<16xf32>
        %swap3A_178 = vector.shape_cast %add3A_173 : vector<16xf32> to vector<1x16xf32>
        tpu.vector_store %arg19[%swap3A_174, %swap3A_175], %swap3A_178 {strides = array<i32>} : memref<40x256xf32, #tpu.memory_space<vmem>>, vector<1x16xf32>,
        %get3A_179 = arith.index_cast %scan3A_141 : i32 to index
        %get3A_180 = arith.constant 32 : index
        %get3A_181 = tpu.vector_load %arg15[%get3A_179, %get3A_180] {strides = array<i32>} : memref<40x256xf32, #tpu.memory_space<vmem>>, vector<1x16xf32>,
        %get3A_182 = vector.shape_cast %get3A_181 : vector<1x16xf32> to vector<16xf32>
        %get3A_183 = arith.index_cast %scan3A_141 : i32 to index
        %get3A_184 = arith.constant 32 : index
        %get3A_185 = tpu.vector_load %arg16[%get3A_183, %get3A_184] {strides = array<i32>} : memref<40x256xf32, #tpu.memory_space<vmem>>, vector<1x16xf32>,
        %get3A_186 = vector.shape_cast %get3A_185 : vector<1x16xf32> to vector<16xf32>
        %add3A_187 = arith.addf %get3A_182, %get3A_186 : vector<16xf32>
        %get3A_188 = arith.index_cast %scan3A_141 : i32 to index
        %get3A_189 = arith.constant 32 : index
        %get3A_190 = tpu.vector_load %arg17[%get3A_188, %get3A_189] {strides = array<i32>} : memref<40x256xf32, #tpu.memory_space<vmem>>, vector<1x16xf32>,
        %get3A_191 = vector.shape_cast %get3A_190 : vector<1x16xf32> to vector<16xf32>
        %add3A_192 = arith.addf %add3A_187, %get3A_191 : vector<16xf32>
        %swap3A_193 = arith.index_cast %scan3A_141 : i32 to index
        %swap3A_194 = arith.constant 32 : index
        %swap3A_195 = tpu.vector_load %arg19[%swap3A_193, %swap3A_194] {strides = array<i32>} : memref<40x256xf32, #tpu.memory_space<vmem>>, vector<1x16xf32>,
        %swap3A_196 = vector.shape_cast %swap3A_195 : vector<1x16xf32> to vector<16xf32>
        %swap3A_197 = vector.shape_cast %add3A_192 : vector<16xf32> to vector<1x16xf32>
        tpu.vector_store %arg19[%swap3A_193, %swap3A_194], %swap3A_197 {strides = array<i32>} : memref<40x256xf32, #tpu.memory_space<vmem>>, vector<1x16xf32>,
        %get3A_198 = arith.index_cast %scan3A_141 : i32 to index
        %get3A_199 = arith.constant 48 : index
        %get3A_200 = tpu.vector_load %arg15[%get3A_198, %get3A_199] {strides = array<i32>} : memref<40x256xf32, #tpu.memory_space<vmem>>, vector<1x16xf32>,
        %get3A_201 = vector.shape_cast %get3A_200 : vector<1x16xf32> to vector<16xf32>
        %get3A_202 = arith.index_cast %scan3A_141 : i32 to index
        %get3A_203 = arith.constant 48 : index
        %get3A_204 = tpu.vector_load %arg16[%get3A_202, %get3A_203] {strides = array<i32>} : memref<40x256xf32, #tpu.memory_space<vmem>>, vector<1x16xf32>,
        %get3A_205 = vector.shape_cast %get3A_204 : vector<1x16xf32> to vector<16xf32>
        %add3A_206 = arith.addf %get3A_201, %get3A_205 : vector<16xf32>
        %get3A_207 = arith.index_cast %scan3A_141 : i32 to index
        %get3A_208 = arith.constant 48 : index
        %get3A_209 = tpu.vector_load %arg17[%get3A_207, %get3A_208] {strides = array<i32>} : memref<40x256xf32, #tpu.memory_space<vmem>>, vector<1x16xf32>,
        %get3A_210 = vector.shape_cast %get3A_209 : vector<1x16xf32> to vector<16xf32>
        %add3A_211 = arith.addf %add3A_206, %get3A_210 : vector<16xf32>
        %swap3A_212 = arith.index_cast %scan3A_141 : i32 to index
        %swap3A_213 = arith.constant 48 : index
        %swap3A_214 = tpu.vector_load %arg19[%swap3A_212, %swap3A_213] {strides = array<i32>} : memref<40x256xf32, #tpu.memory_space<vmem>>, vector<1x16xf32>,
        %swap3A_215 = vector.shape_cast %swap3A_214 : vector<1x16xf32> to vector<16xf32>
        %swap3A_216 = vector.shape_cast %add3A_211 : vector<16xf32> to vector<1x16xf32>
        tpu.vector_store %arg19[%swap3A_212, %swap3A_213], %swap3A_216 {strides = array<i32>} : memref<40x256xf32, #tpu.memory_space<vmem>>, vector<1x16xf32>,
        %get3A_217 = arith.index_cast %scan3A_141 : i32 to index
        %get3A_218 = arith.constant 64 : index
        %get3A_219 = tpu.vector_load %arg15[%get3A_217, %get3A_218] {strides = array<i32>} : memref<40x256xf32, #tpu.memory_space<vmem>>, vector<1x16xf32>,
        %get3A_220 = vector.shape_cast %get3A_219 : vector<1x16xf32> to vector<16xf32>
        %get3A_221 = arith.index_cast %scan3A_141 : i32 to index
        %get3A_222 = arith.constant 64 : index
        %get3A_223 = tpu.vector_load %arg16[%get3A_221, %get3A_222] {strides = array<i32>} : memref<40x256xf32, #tpu.memory_space<vmem>>, vector<1x16xf32>,
        %get3A_224 = vector.shape_cast %get3A_223 : vector<1x16xf32> to vector<16xf32>
        %add3A_225 = arith.addf %get3A_220, %get3A_224 : vector<16xf32>
        %get3A_226 = arith.index_cast %scan3A_141 : i32 to index
        %get3A_227 = arith.constant 64 : index
        %get3A_228 = tpu.vector_load %arg17[%get3A_226, %get3A_227] {strides = array<i32>} : memref<40x256xf32, #tpu.memory_space<vmem>>, vector<1x16xf32>,
        %get3A_229 = vector.shape_cast %get3A_228 : vector<1x16xf32> to vector<16xf32>
        %add3A_230 = arith.addf %add3A_225, %get3A_229 : vector<16xf32>
        %swap3A_231 = arith.index_cast %scan3A_141 : i32 to index
        %swap3A_232 = arith.constant 64 : index
        %swap3A_233 = tpu.vector_load %arg19[%swap3A_231, %swap3A_232] {strides = array<i32>} : memref<40x256xf32, #tpu.memory_space<vmem>>, vector<1x16xf32>,
        %swap3A_234 = vector.shape_cast %swap3A_233 : vector<1x16xf32> to vector<16xf32>
        %swap3A_235 = vector.shape_cast %add3A_230 : vector<16xf32> to vector<1x16xf32>
        tpu.vector_store %arg19[%swap3A_231, %swap3A_232], %swap3A_235 {strides = array<i32>} : memref<40x256xf32, #tpu.memory_space<vmem>>, vector<1x16xf32>,
        %get3A_236 = arith.index_cast %scan3A_141 : i32 to index
        %get3A_237 = arith.constant 80 : index
        %get3A_238 = tpu.vector_load %arg15[%get3A_236, %get3A_237] {strides = array<i32>} : memref<40x256xf32, #tpu.memory_space<vmem>>, vector<1x16xf32>,
        %get3A_239 = vector.shape_cast %get3A_238 : vector<1x16xf32> to vector<16xf32>
        %get3A_240 = arith.index_cast %scan3A_141 : i32 to index
        %get3A_241 = arith.constant 80 : index
        %get3A_242 = tpu.vector_load %arg16[%get3A_240, %get3A_241] {strides = array<i32>} : memref<40x256xf32, #tpu.memory_space<vmem>>, vector<1x16xf32>,
        %get3A_243 = vector.shape_cast %get3A_242 : vector<1x16xf32> to vector<16xf32>
        %add3A_244 = arith.addf %get3A_239, %get3A_243 : vector<16xf32>
        %get3A_245 = arith.index_cast %scan3A_141 : i32 to index
        %get3A_246 = arith.constant 80 : index
        %get3A_247 = tpu.vector_load %arg17[%get3A_245, %get3A_246] {strides = array<i32>} : memref<40x256xf32, #tpu.memory_space<vmem>>, vector<1x16xf32>,
        %get3A_248 = vector.shape_cast %get3A_247 : vector<1x16xf32> to vector<16xf32>
        %add3A_249 = arith.addf %add3A_244, %get3A_248 : vector<16xf32>
        %swap3A_250 = arith.index_cast %scan3A_141 : i32 to index
        %swap3A_251 = arith.constant 80 : index
        %swap3A_252 = tpu.vector_load %arg19[%swap3A_250, %swap3A_251] {strides = array<i32>} : memref<40x256xf32, #tpu.memory_space<vmem>>, vector<1x16xf32>,
        %swap3A_253 = vector.shape_cast %swap3A_252 : vector<1x16xf32> to vector<16xf32>
        %swap3A_254 = vector.shape_cast %add3A_249 : vector<16xf32> to vector<1x16xf32>
        tpu.vector_store %arg19[%swap3A_250, %swap3A_251], %swap3A_254 {strides = array<i32>} : memref<40x256xf32, #tpu.memory_space<vmem>>, vector<1x16xf32>,
        %get3A_255 = arith.index_cast %scan3A_141 : i32 to index
        %get3A_256 = arith.constant 96 : index
        %get3A_257 = tpu.vector_load %arg15[%get3A_255, %get3A_256] {strides = array<i32>} : memref<40x256xf32, #tpu.memory_space<vmem>>, vector<1x16xf32>,
        %get3A_258 = vector.shape_cast %get3A_257 : vector<1x16xf32> to vector<16xf32>
        %get3A_259 = arith.index_cast %scan3A_141 : i32 to index
        %get3A_260 = arith.constant 96 : index
        %get3A_261 = tpu.vector_load %arg16[%get3A_259, %get3A_260] {strides = array<i32>} : memref<40x256xf32, #tpu.memory_space<vmem>>, vector<1x16xf32>,
        %get3A_262 = vector.shape_cast %get3A_261 : vector<1x16xf32> to vector<16xf32>
        %add3A_263 = arith.addf %get3A_258, %get3A_262 : vector<16xf32>
        %get3A_264 = arith.index_cast %scan3A_141 : i32 to index
        %get3A_265 = arith.constant 96 : index
        %get3A_266 = tpu.vector_load %arg17[%get3A_264, %get3A_265] {strides = array<i32>} : memref<40x256xf32, #tpu.memory_space<vmem>>, vector<1x16xf32>,
        %get3A_267 = vector.shape_cast %get3A_266 : vector<1x16xf32> to vector<16xf32>
        %add3A_268 = arith.addf %add3A_263, %get3A_267 : vector<16xf32>
        %swap3A_269 = arith.index_cast %scan3A_141 : i32 to index
        %swap3A_270 = arith.constant 96 : index
        %swap3A_271 = tpu.vector_load %arg19[%swap3A_269, %swap3A_270] {strides = array<i32>} : memref<40x256xf32, #tpu.memory_space<vmem>>, vector<1x16xf32>,
        %swap3A_272 = vector.shape_cast %swap3A_271 : vector<1x16xf32> to vector<16xf32>
        %swap3A_273 = vector.shape_cast %add3A_268 : vector<16xf32> to vector<1x16xf32>
        tpu.vector_store %arg19[%swap3A_269, %swap3A_270], %swap3A_273 {strides = array<i32>} : memref<40x256xf32, #tpu.memory_space<vmem>>, vector<1x16xf32>,
        %get3A_274 = arith.index_cast %scan3A_141 : i32 to index
        %get3A_275 = arith.constant 112 : index
        %get3A_276 = tpu.vector_load %arg15[%get3A_274, %get3A_275] {strides = array<i32>} : memref<40x256xf32, #tpu.memory_space<vmem>>, vector<1x16xf32>,
        %get3A_277 = vector.shape_cast %get3A_276 : vector<1x16xf32> to vector<16xf32>
        %get3A_278 = arith.index_cast %scan3A_141 : i32 to index
        %get3A_279 = arith.constant 112 : index
        %get3A_280 = tpu.vector_load %arg16[%get3A_278, %get3A_279] {strides = array<i32>} : memref<40x256xf32, #tpu.memory_space<vmem>>, vector<1x16xf32>,
        %get3A_281 = vector.shape_cast %get3A_280 : vector<1x16xf32> to vector<16xf32>
        %add3A_282 = arith.addf %get3A_277, %get3A_281 : vector<16xf32>
        %get3A_283 = arith.index_cast %scan3A_141 : i32 to index
        %get3A_284 = arith.constant 112 : index
        %get3A_285 = tpu.vector_load %arg17[%get3A_283, %get3A_284] {strides = array<i32>} : memref<40x256xf32, #tpu.memory_space<vmem>>, vector<1x16xf32>,
        %get3A_286 = vector.shape_cast %get3A_285 : vector<1x16xf32> to vector<16xf32>
        %add3A_287 = arith.addf %add3A_282, %get3A_286 : vector<16xf32>
        %swap3A_288 = arith.index_cast %scan3A_141 : i32 to index
        %swap3A_289 = arith.constant 112 : index
        %swap3A_290 = tpu.vector_load %arg19[%swap3A_288, %swap3A_289] {strides = array<i32>} : memref<40x256xf32, #tpu.memory_space<vmem>>, vector<1x16xf32>,
        %swap3A_291 = vector.shape_cast %swap3A_290 : vector<1x16xf32> to vector<16xf32>
        %swap3A_292 = vector.shape_cast %add3A_287 : vector<16xf32> to vector<1x16xf32>
        tpu.vector_store %arg19[%swap3A_288, %swap3A_289], %swap3A_292 {strides = array<i32>} : memref<40x256xf32, #tpu.memory_space<vmem>>, vector<1x16xf32>,
        %get3A_293 = arith.index_cast %scan3A_141 : i32 to index
        %get3A_294 = arith.constant 128 : index
        %get3A_295 = tpu.vector_load %arg15[%get3A_293, %get3A_294] {strides = array<i32>} : memref<40x256xf32, #tpu.memory_space<vmem>>, vector<1x16xf32>,
        %get3A_296 = vector.shape_cast %get3A_295 : vector<1x16xf32> to vector<16xf32>
        %get3A_297 = arith.index_cast %scan3A_141 : i32 to index
        %get3A_298 = arith.constant 128 : index
        %get3A_299 = tpu.vector_load %arg16[%get3A_297, %get3A_298] {strides = array<i32>} : memref<40x256xf32, #tpu.memory_space<vmem>>, vector<1x16xf32>,
        %get3A_300 = vector.shape_cast %get3A_299 : vector<1x16xf32> to vector<16xf32>
        %add3A_301 = arith.addf %get3A_296, %get3A_300 : vector<16xf32>
        %get3A_302 = arith.index_cast %scan3A_141 : i32 to index
        %get3A_303 = arith.constant 128 : index
        %get3A_304 = tpu.vector_load %arg17[%get3A_302, %get3A_303] {strides = array<i32>} : memref<40x256xf32, #tpu.memory_space<vmem>>, vector<1x16xf32>,
        %get3A_305 = vector.shape_cast %get3A_304 : vector<1x16xf32> to vector<16xf32>
        %add3A_306 = arith.addf %add3A_301, %get3A_305 : vector<16xf32>
        %swap3A_307 = arith.index_cast %scan3A_141 : i32 to index
        %swap3A_308 = arith.constant 128 : index
        %swap3A_309 = tpu.vector_load %arg19[%swap3A_307, %swap3A_308] {strides = array<i32>} : memref<40x256xf32, #tpu.memory_space<vmem>>, vector<1x16xf32>,
        %swap3A_310 = vector.shape_cast %swap3A_309 : vector<1x16xf32> to vector<16xf32>
        %swap3A_311 = vector.shape_cast %add3A_306 : vector<16xf32> to vector<1x16xf32>
        tpu.vector_store %arg19[%swap3A_307, %swap3A_308], %swap3A_311 {strides = array<i32>} : memref<40x256xf32, #tpu.memory_space<vmem>>, vector<1x16xf32>,
        %get3A_312 = arith.index_cast %scan3A_141 : i32 to index
        %get3A_313 = arith.constant 144 : index
        %get3A_314 = tpu.vector_load %arg15[%get3A_312, %get3A_313] {strides = array<i32>} : memref<40x256xf32, #tpu.memory_space<vmem>>, vector<1x16xf32>,
        %get3A_315 = vector.shape_cast %get3A_314 : vector<1x16xf32> to vector<16xf32>
        %get3A_316 = arith.index_cast %scan3A_141 : i32 to index
        %get3A_317 = arith.constant 144 : index
        %get3A_318 = tpu.vector_load %arg16[%get3A_316, %get3A_317] {strides = array<i32>} : memref<40x256xf32, #tpu.memory_space<vmem>>, vector<1x16xf32>,
        %get3A_319 = vector.shape_cast %get3A_318 : vector<1x16xf32> to vector<16xf32>
        %add3A_320 = arith.addf %get3A_315, %get3A_319 : vector<16xf32>
        %get3A_321 = arith.index_cast %scan3A_141 : i32 to index
        %get3A_322 = arith.constant 144 : index
        %get3A_323 = tpu.vector_load %arg17[%get3A_321, %get3A_322] {strides = array<i32>} : memref<40x256xf32, #tpu.memory_space<vmem>>, vector<1x16xf32>,
        %get3A_324 = vector.shape_cast %get3A_323 : vector<1x16xf32> to vector<16xf32>
        %add3A_325 = arith.addf %add3A_320, %get3A_324 : vector<16xf32>
        %swap3A_326 = arith.index_cast %scan3A_141 : i32 to index
        %swap3A_327 = arith.constant 144 : index
        %swap3A_328 = tpu.vector_load %arg19[%swap3A_326, %swap3A_327] {strides = array<i32>} : memref<40x256xf32, #tpu.memory_space<vmem>>, vector<1x16xf32>,
        %swap3A_329 = vector.shape_cast %swap3A_328 : vector<1x16xf32> to vector<16xf32>
        %swap3A_330 = vector.shape_cast %add3A_325 : vector<16xf32> to vector<1x16xf32>
        tpu.vector_store %arg19[%swap3A_326, %swap3A_327], %swap3A_330 {strides = array<i32>} : memref<40x256xf32, #tpu.memory_space<vmem>>, vector<1x16xf32>,
        %get3A_331 = arith.index_cast %scan3A_141 : i32 to index
        %get3A_332 = arith.constant 160 : index
        %get3A_333 = tpu.vector_load %arg15[%get3A_331, %get3A_332] {strides = array<i32>} : memref<40x256xf32, #tpu.memory_space<vmem>>, vector<1x16xf32>,
        %get3A_334 = vector.shape_cast %get3A_333 : vector<1x16xf32> to vector<16xf32>
        %get3A_335 = arith.index_cast %scan3A_141 : i32 to index
        %get3A_336 = arith.constant 160 : index
        %get3A_337 = tpu.vector_load %arg16[%get3A_335, %get3A_336] {strides = array<i32>} : memref<40x256xf32, #tpu.memory_space<vmem>>, vector<1x16xf32>,
        %get3A_338 = vector.shape_cast %get3A_337 : vector<1x16xf32> to vector<16xf32>
        %add3A_339 = arith.addf %get3A_334, %get3A_338 : vector<16xf32>
        %get3A_340 = arith.index_cast %scan3A_141 : i32 to index
        %get3A_341 = arith.constant 160 : index
        %get3A_342 = tpu.vector_load %arg17[%get3A_340, %get3A_341] {strides = array<i32>} : memref<40x256xf32, #tpu.memory_space<vmem>>, vector<1x16xf32>,
        %get3A_343 = vector.shape_cast %get3A_342 : vector<1x16xf32> to vector<16xf32>
        %add3A_344 = arith.addf %add3A_339, %get3A_343 : vector<16xf32>
        %swap3A_345 = arith.index_cast %scan3A_141 : i32 to index
        %swap3A_346 = arith.constant 160 : index
        %swap3A_347 = tpu.vector_load %arg19[%swap3A_345, %swap3A_346] {strides = array<i32>} : memref<40x256xf32, #tpu.memory_space<vmem>>, vector<1x16xf32>,
        %swap3A_348 = vector.shape_cast %swap3A_347 : vector<1x16xf32> to vector<16xf32>
        %swap3A_349 = vector.shape_cast %add3A_344 : vector<16xf32> to vector<1x16xf32>
        tpu.vector_store %arg19[%swap3A_345, %swap3A_346], %swap3A_349 {strides = array<i32>} : memref<40x256xf32, #tpu.memory_space<vmem>>, vector<1x16xf32>,
        %get3A_350 = arith.index_cast %scan3A_141 : i32 to index
        %get3A_351 = arith.constant 176 : index
        %get3A_352 = tpu.vector_load %arg15[%get3A_350, %get3A_351] {strides = array<i32>} : memref<40x256xf32, #tpu.memory_space<vmem>>, vector<1x16xf32>,
        %get3A_353 = vector.shape_cast %get3A_352 : vector<1x16xf32> to vector<16xf32>
        %get3A_354 = arith.index_cast %scan3A_141 : i32 to index
        %get3A_355 = arith.constant 176 : index
        %get3A_356 = tpu.vector_load %arg16[%get3A_354, %get3A_355] {strides = array<i32>} : memref<40x256xf32, #tpu.memory_space<vmem>>, vector<1x16xf32>,
        %get3A_357 = vector.shape_cast %get3A_356 : vector<1x16xf32> to vector<16xf32>
        %add3A_358 = arith.addf %get3A_353, %get3A_357 : vector<16xf32>
        %get3A_359 = arith.index_cast %scan3A_141 : i32 to index
        %get3A_360 = arith.constant 176 : index
        %get3A_361 = tpu.vector_load %arg17[%get3A_359, %get3A_360] {strides = array<i32>} : memref<40x256xf32, #tpu.memory_space<vmem>>, vector<1x16xf32>,
        %get3A_362 = vector.shape_cast %get3A_361 : vector<1x16xf32> to vector<16xf32>
        %add3A_363 = arith.addf %add3A_358, %get3A_362 : vector<16xf32>
        %swap3A_364 = arith.index_cast %scan3A_141 : i32 to index
        %swap3A_365 = arith.constant 176 : index
        %swap3A_366 = tpu.vector_load %arg19[%swap3A_364, %swap3A_365] {strides = array<i32>} : memref<40x256xf32, #tpu.memory_space<vmem>>, vector<1x16xf32>,
        %swap3A_367 = vector.shape_cast %swap3A_366 : vector<1x16xf32> to vector<16xf32>
        %swap3A_368 = vector.shape_cast %add3A_363 : vector<16xf32> to vector<1x16xf32>
        tpu.vector_store %arg19[%swap3A_364, %swap3A_365], %swap3A_368 {strides = array<i32>} : memref<40x256xf32, #tpu.memory_space<vmem>>, vector<1x16xf32>,
        %get3A_369 = arith.index_cast %scan3A_141 : i32 to index
        %get3A_370 = arith.constant 192 : index
        %get3A_371 = tpu.vector_load %arg15[%get3A_369, %get3A_370] {strides = array<i32>} : memref<40x256xf32, #tpu.memory_space<vmem>>, vector<1x16xf32>,
        %get3A_372 = vector.shape_cast %get3A_371 : vector<1x16xf32> to vector<16xf32>
        %get3A_373 = arith.index_cast %scan3A_141 : i32 to index
        %get3A_374 = arith.constant 192 : index
        %get3A_375 = tpu.vector_load %arg16[%get3A_373, %get3A_374] {strides = array<i32>} : memref<40x256xf32, #tpu.memory_space<vmem>>, vector<1x16xf32>,
        %get3A_376 = vector.shape_cast %get3A_375 : vector<1x16xf32> to vector<16xf32>
        %add3A_377 = arith.addf %get3A_372, %get3A_376 : vector<16xf32>
        %get3A_378 = arith.index_cast %scan3A_141 : i32 to index
        %get3A_379 = arith.constant 192 : index
        %get3A_380 = tpu.vector_load %arg17[%get3A_378, %get3A_379] {strides = array<i32>} : memref<40x256xf32, #tpu.memory_space<vmem>>, vector<1x16xf32>,
        %get3A_381 = vector.shape_cast %get3A_380 : vector<1x16xf32> to vector<16xf32>
        %add3A_382 = arith.addf %add3A_377, %get3A_381 : vector<16xf32>
        %swap3A_383 = arith.index_cast %scan3A_141 : i32 to index
        %swap3A_384 = arith.constant 192 : index
        %swap3A_385 = tpu.vector_load %arg19[%swap3A_383, %swap3A_384] {strides = array<i32>} : memref<40x256xf32, #tpu.memory_space<vmem>>, vector<1x16xf32>,
        %swap3A_386 = vector.shape_cast %swap3A_385 : vector<1x16xf32> to vector<16xf32>
        %swap3A_387 = vector.shape_cast %add3A_382 : vector<16xf32> to vector<1x16xf32>
        tpu.vector_store %arg19[%swap3A_383, %swap3A_384], %swap3A_387 {strides = array<i32>} : memref<40x256xf32, #tpu.memory_space<vmem>>, vector<1x16xf32>,
        %get3A_388 = arith.index_cast %scan3A_141 : i32 to index
        %get3A_389 = arith.constant 208 : index
        %get3A_390 = tpu.vector_load %arg15[%get3A_388, %get3A_389] {strides = array<i32>} : memref<40x256xf32, #tpu.memory_space<vmem>>, vector<1x16xf32>,
        %get3A_391 = vector.shape_cast %get3A_390 : vector<1x16xf32> to vector<16xf32>
        %get3A_392 = arith.index_cast %scan3A_141 : i32 to index
        %get3A_393 = arith.constant 208 : index
        %get3A_394 = tpu.vector_load %arg16[%get3A_392, %get3A_393] {strides = array<i32>} : memref<40x256xf32, #tpu.memory_space<vmem>>, vector<1x16xf32>,
        %get3A_395 = vector.shape_cast %get3A_394 : vector<1x16xf32> to vector<16xf32>
        %add3A_396 = arith.addf %get3A_391, %get3A_395 : vector<16xf32>
        %get3A_397 = arith.index_cast %scan3A_141 : i32 to index
        %get3A_398 = arith.constant 208 : index
        %get3A_399 = tpu.vector_load %arg17[%get3A_397, %get3A_398] {strides = array<i32>} : memref<40x256xf32, #tpu.memory_space<vmem>>, vector<1x16xf32>,
        %get3A_400 = vector.shape_cast %get3A_399 : vector<1x16xf32> to vector<16xf32>
        %add3A_401 = arith.addf %add3A_396, %get3A_400 : vector<16xf32>
        %swap3A_402 = arith.index_cast %scan3A_141 : i32 to index
        %swap3A_403 = arith.constant 208 : index
        %swap3A_404 = tpu.vector_load %arg19[%swap3A_402, %swap3A_403] {strides = array<i32>} : memref<40x256xf32, #tpu.memory_space<vmem>>, vector<1x16xf32>,
        %swap3A_405 = vector.shape_cast %swap3A_404 : vector<1x16xf32> to vector<16xf32>
        %swap3A_406 = vector.shape_cast %add3A_401 : vector<16xf32> to vector<1x16xf32>
        tpu.vector_store %arg19[%swap3A_402, %swap3A_403], %swap3A_406 {strides = array<i32>} : memref<40x256xf32, #tpu.memory_space<vmem>>, vector<1x16xf32>,
        %get3A_407 = arith.index_cast %scan3A_141 : i32 to index
        %get3A_408 = arith.constant 224 : index
        %get3A_409 = tpu.vector_load %arg15[%get3A_407, %get3A_408] {strides = array<i32>} : memref<40x256xf32, #tpu.memory_space<vmem>>, vector<1x16xf32>,
        %get3A_410 = vector.shape_cast %get3A_409 : vector<1x16xf32> to vector<16xf32>
        %get3A_411 = arith.index_cast %scan3A_141 : i32 to index
        %get3A_412 = arith.constant 224 : index
        %get3A_413 = tpu.vector_load %arg16[%get3A_411, %get3A_412] {strides = array<i32>} : memref<40x256xf32, #tpu.memory_space<vmem>>, vector<1x16xf32>,
        %get3A_414 = vector.shape_cast %get3A_413 : vector<1x16xf32> to vector<16xf32>
        %add3A_415 = arith.addf %get3A_410, %get3A_414 : vector<16xf32>
        %get3A_416 = arith.index_cast %scan3A_141 : i32 to index
        %get3A_417 = arith.constant 224 : index
        %get3A_418 = tpu.vector_load %arg17[%get3A_416, %get3A_417] {strides = array<i32>} : memref<40x256xf32, #tpu.memory_space<vmem>>, vector<1x16xf32>,
        %get3A_419 = vector.shape_cast %get3A_418 : vector<1x16xf32> to vector<16xf32>
        %add3A_420 = arith.addf %add3A_415, %get3A_419 : vector<16xf32>
        %swap3A_421 = arith.index_cast %scan3A_141 : i32 to index
        %swap3A_422 = arith.constant 224 : index
        %swap3A_423 = tpu.vector_load %arg19[%swap3A_421, %swap3A_422] {strides = array<i32>} : memref<40x256xf32, #tpu.memory_space<vmem>>, vector<1x16xf32>,
        %swap3A_424 = vector.shape_cast %swap3A_423 : vector<1x16xf32> to vector<16xf32>
        %swap3A_425 = vector.shape_cast %add3A_420 : vector<16xf32> to vector<1x16xf32>
        tpu.vector_store %arg19[%swap3A_421, %swap3A_422], %swap3A_425 {strides = array<i32>} : memref<40x256xf32, #tpu.memory_space<vmem>>, vector<1x16xf32>,
        %get3A_426 = arith.index_cast %scan3A_141 : i32 to index
        %get3A_427 = arith.constant 240 : index
        %get3A_428 = tpu.vector_load %arg15[%get3A_426, %get3A_427] {strides = array<i32>} : memref<40x256xf32, #tpu.memory_space<vmem>>, vector<1x16xf32>,
        %get3A_429 = vector.shape_cast %get3A_428 : vector<1x16xf32> to vector<16xf32>
        %get3A_430 = arith.index_cast %scan3A_141 : i32 to index
        %get3A_431 = arith.constant 240 : index
        %get3A_432 = tpu.vector_load %arg16[%get3A_430, %get3A_431] {strides = array<i32>} : memref<40x256xf32, #tpu.memory_space<vmem>>, vector<1x16xf32>,
        %get3A_433 = vector.shape_cast %get3A_432 : vector<1x16xf32> to vector<16xf32>
        %add3A_434 = arith.addf %get3A_429, %get3A_433 : vector<16xf32>
        %get3A_435 = arith.index_cast %scan3A_141 : i32 to index
        %get3A_436 = arith.constant 240 : index
        %get3A_437 = tpu.vector_load %arg17[%get3A_435, %get3A_436] {strides = array<i32>} : memref<40x256xf32, #tpu.memory_space<vmem>>, vector<1x16xf32>,
        %get3A_438 = vector.shape_cast %get3A_437 : vector<1x16xf32> to vector<16xf32>
        %add3A_439 = arith.addf %add3A_434, %get3A_438 : vector<16xf32>
        %swap3A_440 = arith.index_cast %scan3A_141 : i32 to index
        %swap3A_441 = arith.constant 240 : index
        %swap3A_442 = tpu.vector_load %arg19[%swap3A_440, %swap3A_441] {strides = array<i32>} : memref<40x256xf32, #tpu.memory_space<vmem>>, vector<1x16xf32>,
        %swap3A_443 = vector.shape_cast %swap3A_442 : vector<1x16xf32> to vector<16xf32>
        %swap3A_444 = vector.shape_cast %add3A_439 : vector<16xf32> to vector<1x16xf32>
        tpu.vector_store %arg19[%swap3A_440, %swap3A_441], %swap3A_444 {strides = array<i32>} : memref<40x256xf32, #tpu.memory_space<vmem>>, vector<1x16xf32>,
        %scan3A_445 = arith.constant 0 : i32
        scf.yield %scan3A_445 : i32
      }
      %scan3A_127 = arith.constant 40 : i32
      %add3A_128 = arith.addi %mul3A_2, %mul3A_100 : i32
      %dma_start3A_129 = arith.constant 0 : i32
      %dma_start3A_130 = tpu.memref_slice %arg8[%add3A_128, %dma_start3A_129] : memref<25600x256xf32, #tpu.memory_space<hbm>> -> memref<40x256xf32, #tpu.memory_space<hbm>>
      %dma_start3A_131 = arith.constant 0 : i32
      %dma_start3A_132 = tpu.memref_slice %arg8[%add3A_128, %dma_start3A_131] : memref<25600x256xf32, #tpu.memory_space<hbm>> -> memref<40x256xf32, #tpu.memory_space<hbm>>
      tpu.enqueue_dma source(%arg19 : memref<40x256xf32, #tpu.memory_space<vmem>>) target(%dma_start3A_132 : memref<40x256xf32, #tpu.memory_space<hbm>>) target_semaphore(%arg23 : memref<!tpu.dma_semaphore, #tpu.memory_space<semaphore_mem>>)
      %add3A_133 = arith.constant 2 : i32
      %add3A_134 = arith.addi %add3A_98, %add3A_133 : i32
      %lt3A_135 = arith.constant 20 : i32
      %lt3A_136 = arith.cmpi slt, %add3A_134, %lt3A_135 : i32
      %convert_element_type3A_137 = arith.extui %lt3A_136 : i1 to i32
      %cond3A_138 = arith.constant 0 : i32
      %cond3A_139 = arith.cmpi ne, %convert_element_type3A_137, %cond3A_138 : i32
      scf.if %cond3A_139 {
        %add3A_141 = arith.constant 2 : i32
        %add3A_142 = arith.addi %add3A_98, %add3A_141 : i32
        %mul3A_143 = arith.constant 40 : i32
        %mul3A_144 = arith.muli %add3A_142, %mul3A_143 : i32
        %dma_start3A_145 = tpu.memref_slice %arg9[%mul3A_144] : memref<800xi32, #tpu.memory_space<vmem>> -> memref<40xi32, #tpu.memory_space<vmem>>
        %dma_start3A_146 = arith.constant 0 : i32
        %dma_start3A_147 = arith.constant 0 : i32
        %dma_start3A_148 = tpu.memref_slice %arg5[%dma_start3A_146, %dma_start3A_147] : memref<65536x256xf32, #tpu.memory_space<hbm>> -> memref<65536x256xf32, #tpu.memory_space<hbm>>
        tpu.enqueue_indirect_dma source(%dma_start3A_148 : memref<65536x256xf32, #tpu.memory_space<hbm>>) target(%arg15 : memref<40x256xf32, #tpu.memory_space<vmem>>) offsets(%dma_start3A_145 : memref<40xi32, #tpu.memory_space<vmem>>) semaphore(%arg21 : memref<!tpu.dma_semaphore, #tpu.memory_space<semaphore_mem>>)
        %dma_start3A_149 = tpu.memref_slice %arg10[%mul3A_144] : memref<800xi32, #tpu.memory_space<vmem>> -> memref<40xi32, #tpu.memory_space<vmem>>
        %dma_start3A_150 = arith.constant 0 : i32
        %dma_start3A_151 = arith.constant 0 : i32
        %dma_start3A_152 = tpu.memref_slice %arg6[%dma_start3A_150, %dma_start3A_151] : memref<4096x256xf32, #tpu.memory_space<hbm>> -> memref<4096x256xf32, #tpu.memory_space<hbm>>
        tpu.enqueue_indirect_dma source(%dma_start3A_152 : memref<4096x256xf32, #tpu.memory_space<hbm>>) target(%arg16 : memref<40x256xf32, #tpu.memory_space<vmem>>) offsets(%dma_start3A_149 : memref<40xi32, #tpu.memory_space<vmem>>) semaphore(%arg21 : memref<!tpu.dma_semaphore, #tpu.memory_space<semaphore_mem>>)
        %dma_start3A_153 = tpu.memref_slice %arg11[%mul3A_144] : memref<800xi32, #tpu.memory_space<vmem>> -> memref<40xi32, #tpu.memory_space<vmem>>
        %dma_start3A_154 = arith.constant 0 : i32
        %dma_start3A_155 = arith.constant 0 : i32
        %dma_start3A_156 = tpu.memref_slice %arg7[%dma_start3A_154, %dma_start3A_155] : memref<65536x256xf32, #tpu.memory_space<hbm>> -> memref<65536x256xf32, #tpu.memory_space<hbm>>
        tpu.enqueue_indirect_dma source(%dma_start3A_156 : memref<65536x256xf32, #tpu.memory_space<hbm>>) target(%arg17 : memref<40x256xf32, #tpu.memory_space<vmem>>) offsets(%dma_start3A_153 : memref<40xi32, #tpu.memory_space<vmem>>) semaphore(%arg21 : memref<!tpu.dma_semaphore, #tpu.memory_space<semaphore_mem>>)
      } else {
      }
      %scan3A_140 = arith.constant 0 : i32
      scf.yield %scan3A_140 : i32
    }
    %scan3A_44 = arith.constant 10 : i32
    %dma_wait3A = arith.constant 0 : i32
    %dma_wait3A_45 = tpu.memref_slice %arg8[%mul3A_2, %dma_wait3A] : memref<25600x256xf32, #tpu.memory_space<hbm>> -> memref<40x256xf32, #tpu.memory_space<hbm>>
    %dma_wait3A_46 = arith.constant 0 : i32
    %dma_wait3A_47 = tpu.memref_slice %arg8[%mul3A_2, %dma_wait3A_46] : memref<25600x256xf32, #tpu.memory_space<hbm>> -> memref<40x256xf32, #tpu.memory_space<hbm>>
    tpu.wait_dma2 semaphore(%arg22 : memref<!tpu.dma_semaphore, #tpu.memory_space<semaphore_mem>>) src(%arg18 : memref<40x256xf32, #tpu.memory_space<vmem>>) dst(%dma_wait3A_47 : memref<40x256xf32, #tpu.memory_space<hbm>>)
    %dma_wait3A_48 = arith.constant 0 : i32
    %dma_wait3A_49 = tpu.memref_slice %arg8[%mul3A_2, %dma_wait3A_48] : memref<25600x256xf32, #tpu.memory_space<hbm>> -> memref<40x256xf32, #tpu.memory_space<hbm>>
    %dma_wait3A_50 = arith.constant 0 : i32
    %dma_wait3A_51 = tpu.memref_slice %arg8[%mul3A_2, %dma_wait3A_50] : memref<25600x256xf32, #tpu.memory_space<hbm>> -> memref<40x256xf32, #tpu.memory_space<hbm>>
    tpu.wait_dma2 semaphore(%arg23 : memref<!tpu.dma_semaphore, #tpu.memory_space<semaphore_mem>>) src(%arg19 : memref<40x256xf32, #tpu.memory_space<vmem>>) dst(%dma_wait3A_51 : memref<40x256xf32, #tpu.memory_space<hbm>>)
    return
  }
}

#map = affine_map<(d0, d1) -> (0)>
#map1 = affine_map<(d0, d1) -> (0, 0)>
module attributes {stable_mosaic.version = 14 : i64} {
  func.func @k(%arg0: i32, %arg1: i32, %arg2: memref<25600xi32, #tpu.memory_space<hbm>>, %arg3: memref<25600xi32, #tpu.memory_space<hbm>>, %arg4: memref<25600xi32, #tpu.memory_space<hbm>>, %arg5: memref<65536x256xf32, #tpu.memory_space<hbm>>, %arg6: memref<4096x256xf32, #tpu.memory_space<hbm>>, %arg7: memref<65536x256xf32, #tpu.memory_space<hbm>>, %arg8: memref<25600x256xf32, #tpu.memory_space<hbm>>, %arg9: memref<800xi32, #tpu.memory_space<vmem>>, %arg10: memref<800xi32, #tpu.memory_space<vmem>>, %arg11: memref<800xi32, #tpu.memory_space<vmem>>, %arg12: memref<40x256xf32, #tpu.memory_space<vmem>>, %arg13: memref<40x256xf32, #tpu.memory_space<vmem>>, %arg14: memref<40x256xf32, #tpu.memory_space<vmem>>, %arg15: memref<40x256xf32, #tpu.memory_space<vmem>>, %arg16: memref<40x256xf32, #tpu.memory_space<vmem>>, %arg17: memref<40x256xf32, #tpu.memory_space<vmem>>, %arg18: memref<40x256xf32, #tpu.memory_space<vmem>>, %arg19: memref<40x256xf32, #tpu.memory_space<vmem>>, %arg20: memref<!tpu.dma_semaphore, #tpu.memory_space<semaphore_mem>>, %arg21: memref<!tpu.dma_semaphore, #tpu.memory_space<semaphore_mem>>, %arg22: memref<!tpu.dma_semaphore, #tpu.memory_space<semaphore_mem>>, %arg23: memref<!tpu.dma_semaphore, #tpu.memory_space<semaphore_mem>>) attributes {dimension_semantics = [#tpu.dimension_semantics<core_parallel>, #tpu.dimension_semantics<subcore_parallel>], iteration_bounds = array<i64: 2, 16>, scalar_prefetch = 0 : i64, scratch_operands = 15 : i64, tpu.core_type = #tpu.core_type<sc_vector_subcore>, window_params = [{transform_indices = #map}, {transform_indices = #map}, {transform_indices = #map}, {transform_indices = #map1}, {transform_indices = #map1}, {transform_indices = #map1}, {transform_indices = #map1}]} {
    %mul3A = arith.constant 2 : i32
    %mul3A_0 = arith.muli %arg1, %mul3A : i32
    %add3A = arith.addi %mul3A_0, %arg0 : i32
    %mul3A_1 = arith.constant 800 : i32
    %mul3A_2 = arith.muli %add3A, %mul3A_1 : i32
    "tpu.region"() ({
      %run_scoped3A = tpu.sem_alloc : memref<!tpu.dma_semaphore, #tpu.memory_space<semaphore_mem>>
      %dma_start3A_52 = tpu.memref_slice %arg2[%mul3A_2] : memref<25600xi32, #tpu.memory_space<hbm>> -> memref<800xi32, #tpu.memory_space<hbm>>
      %dma_start3A_53 = tpu.memref_slice %arg2[%mul3A_2] : memref<25600xi32, #tpu.memory_space<hbm>> -> memref<800xi32, #tpu.memory_space<hbm>>
      tpu.enqueue_dma source(%dma_start3A_53 : memref<800xi32, #tpu.memory_space<hbm>>) target(%arg9 : memref<800xi32, #tpu.memory_space<vmem>>) target_semaphore(%run_scoped3A : memref<!tpu.dma_semaphore, #tpu.memory_space<semaphore_mem>>)
      %dma_wait3A_54 = tpu.memref_slice %arg2[%mul3A_2] : memref<25600xi32, #tpu.memory_space<hbm>> -> memref<800xi32, #tpu.memory_space<hbm>>
      %dma_wait3A_55 = tpu.memref_slice %arg2[%mul3A_2] : memref<25600xi32, #tpu.memory_space<hbm>> -> memref<800xi32, #tpu.memory_space<hbm>>
      tpu.wait_dma2 semaphore(%run_scoped3A : memref<!tpu.dma_semaphore, #tpu.memory_space<semaphore_mem>>) src(%dma_wait3A_55 : memref<800xi32, #tpu.memory_space<hbm>>) dst(%arg9 : memref<800xi32, #tpu.memory_space<vmem>>)
      tpu.yield
    }) : () -> ()
    "tpu.region"() ({
      %run_scoped3A = tpu.sem_alloc : memref<!tpu.dma_semaphore, #tpu.memory_space<semaphore_mem>>
      %dma_start3A_52 = tpu.memref_slice %arg3[%mul3A_2] : memref<25600xi32, #tpu.memory_space<hbm>> -> memref<800xi32, #tpu.memory_space<hbm>>
      %dma_start3A_53 = tpu.memref_slice %arg3[%mul3A_2] : memref<25600xi32, #tpu.memory_space<hbm>> -> memref<800xi32, #tpu.memory_space<hbm>>
      tpu.enqueue_dma source(%dma_start3A_53 : memref<800xi32, #tpu.memory_space<hbm>>) target(%arg10 : memref<800xi32, #tpu.memory_space<vmem>>) target_semaphore(%run_scoped3A : memref<!tpu.dma_semaphore, #tpu.memory_space<semaphore_mem>>)
      %dma_wait3A_54 = tpu.memref_slice %arg3[%mul3A_2] : memref<25600xi32, #tpu.memory_space<hbm>> -> memref<800xi32, #tpu.memory_space<hbm>>
      %dma_wait3A_55 = tpu.memref_slice %arg3[%mul3A_2] : memref<25600xi32, #tpu.memory_space<hbm>> -> memref<800xi32, #tpu.memory_space<hbm>>
      tpu.wait_dma2 semaphore(%run_scoped3A : memref<!tpu.dma_semaphore, #tpu.memory_space<semaphore_mem>>) src(%dma_wait3A_55 : memref<800xi32, #tpu.memory_space<hbm>>) dst(%arg10 : memref<800xi32, #tpu.memory_space<vmem>>)
      tpu.yield
    }) : () -> ()
    "tpu.region"() ({
      %run_scoped3A = tpu.sem_alloc : memref<!tpu.dma_semaphore, #tpu.memory_space<semaphore_mem>>
      %dma_start3A_52 = tpu.memref_slice %arg4[%mul3A_2] : memref<25600xi32, #tpu.memory_space<hbm>> -> memref<800xi32, #tpu.memory_space<hbm>>
      %dma_start3A_53 = tpu.memref_slice %arg4[%mul3A_2] : memref<25600xi32, #tpu.memory_space<hbm>> -> memref<800xi32, #tpu.memory_space<hbm>>
      tpu.enqueue_dma source(%dma_start3A_53 : memref<800xi32, #tpu.memory_space<hbm>>) target(%arg11 : memref<800xi32, #tpu.memory_space<vmem>>) target_semaphore(%run_scoped3A : memref<!tpu.dma_semaphore, #tpu.memory_space<semaphore_mem>>)
      %dma_wait3A_54 = tpu.memref_slice %arg4[%mul3A_2] : memref<25600xi32, #tpu.memory_space<hbm>> -> memref<800xi32, #tpu.memory_space<hbm>>
      %dma_wait3A_55 = tpu.memref_slice %arg4[%mul3A_2] : memref<25600xi32, #tpu.memory_space<hbm>> -> memref<800xi32, #tpu.memory_space<hbm>>
      tpu.wait_dma2 semaphore(%run_scoped3A : memref<!tpu.dma_semaphore, #tpu.memory_space<semaphore_mem>>) src(%dma_wait3A_55 : memref<800xi32, #tpu.memory_space<hbm>>) dst(%arg11 : memref<800xi32, #tpu.memory_space<vmem>>)
      tpu.yield
    }) : () -> ()
    %scan3A = arith.constant 0 : i32
    %scan3A_3 = arith.constant 0 : i32
    %scan3A_4 = arith.constant 50 : i32
    %scan3A_5 = arith.addi %scan3A_3, %scan3A_4 : i32
    %scan3A_6 = arith.constant 1 : i32
    %scan3A_7 = scf.for %scan3A_52 = %scan3A_3 to %scan3A_5 step %scan3A_6 iter_args(%scan3A_53 = %scan3A) -> (i32)  : i32 {
      %mul3A_54 = arith.constant 16 : i32
      %mul3A_55 = arith.muli %scan3A_52, %mul3A_54 : i32
      %get3A = arith.index_cast %mul3A_55 : i32 to index
      %get3A_56 = tpu.vector_load %arg9[%get3A] {strides = array<i32>} : memref<800xi32, #tpu.memory_space<vmem>>, vector<16xi32>,
      %get3A_57 = vector.shape_cast %get3A_56 : vector<16xi32> to vector<16xi32>
      %broadcast_in_dim3A = arith.constant 65536 : i32
      %broadcast_in_dim3A_58 = vector.broadcast %broadcast_in_dim3A : i32 to vector<16xi32>
      %rem3A = arith.remsi %get3A_57, %broadcast_in_dim3A_58 : vector<16xi32>
      %swap3A = arith.index_cast %mul3A_55 : i32 to index
      %swap3A_59 = tpu.vector_load %arg9[%swap3A] {strides = array<i32>} : memref<800xi32, #tpu.memory_space<vmem>>, vector<16xi32>,
      %swap3A_60 = vector.shape_cast %swap3A_59 : vector<16xi32> to vector<16xi32>
      %swap3A_61 = vector.shape_cast %rem3A : vector<16xi32> to vector<16xi32>
      tpu.vector_store %arg9[%swap3A], %swap3A_61 {strides = array<i32>} : memref<800xi32, #tpu.memory_space<vmem>>, vector<16xi32>,
      %mul3A_62 = arith.constant 16 : i32
      %mul3A_63 = arith.muli %scan3A_52, %mul3A_62 : i32
      %get3A_64 = arith.index_cast %mul3A_63 : i32 to index
      %get3A_65 = tpu.vector_load %arg10[%get3A_64] {strides = array<i32>} : memref<800xi32, #tpu.memory_space<vmem>>, vector<16xi32>,
      %get3A_66 = vector.shape_cast %get3A_65 : vector<16xi32> to vector<16xi32>
      %broadcast_in_dim3A_67 = arith.constant 4096 : i32
      %broadcast_in_dim3A_68 = vector.broadcast %broadcast_in_dim3A_67 : i32 to vector<16xi32>
      %rem3A_69 = arith.remsi %get3A_66, %broadcast_in_dim3A_68 : vector<16xi32>
      %swap3A_70 = arith.index_cast %mul3A_63 : i32 to index
      %swap3A_71 = tpu.vector_load %arg10[%swap3A_70] {strides = array<i32>} : memref<800xi32, #tpu.memory_space<vmem>>, vector<16xi32>,
      %swap3A_72 = vector.shape_cast %swap3A_71 : vector<16xi32> to vector<16xi32>
      %swap3A_73 = vector.shape_cast %rem3A_69 : vector<16xi32> to vector<16xi32>
      tpu.vector_store %arg10[%swap3A_70], %swap3A_73 {strides = array<i32>} : memref<800xi32, #tpu.memory_space<vmem>>, vector<16xi32>,
      %mul3A_74 = arith.constant 16 : i32
      %mul3A_75 = arith.muli %scan3A_52, %mul3A_74 : i32
      %get3A_76 = arith.index_cast %mul3A_75 : i32 to index
      %get3A_77 = tpu.vector_load %arg11[%get3A_76] {strides = array<i32>} : memref<800xi32, #tpu.memory_space<vmem>>, vector<16xi32>,
      %get3A_78 = vector.shape_cast %get3A_77 : vector<16xi32> to vector<16xi32>
      %broadcast_in_dim3A_79 = arith.constant 65536 : i32
      %broadcast_in_dim3A_80 = vector.broadcast %broadcast_in_dim3A_79 : i32 to vector<16xi32>
      %rem3A_81 = arith.remsi %get3A_78, %broadcast_in_dim3A_80 : vector<16xi32>
      %swap3A_82 = arith.index_cast %mul3A_75 : i32 to index
      %swap3A_83 = tpu.vector_load %arg11[%swap3A_82] {strides = array<i32>} : memref<800xi32, #tpu.memory_space<vmem>>, vector<16xi32>,
      %swap3A_84 = vector.shape_cast %swap3A_83 : vector<16xi32> to vector<16xi32>
      %swap3A_85 = vector.shape_cast %rem3A_81 : vector<16xi32> to vector<16xi32>
      tpu.vector_store %arg11[%swap3A_82], %swap3A_85 {strides = array<i32>} : memref<800xi32, #tpu.memory_space<vmem>>, vector<16xi32>,
      %scan3A_86 = arith.constant 0 : i32
      scf.yield %scan3A_86 : i32
    }
    %scan3A_8 = arith.constant 50 : i32
    %dma_start3A = arith.constant 0 : i32
    %dma_start3A_9 = tpu.memref_slice %arg9[%dma_start3A] : memref<800xi32, #tpu.memory_space<vmem>> -> memref<40xi32, #tpu.memory_space<vmem>>
    %dma_start3A_10 = arith.constant 0 : i32
    %dma_start3A_11 = arith.constant 0 : i32
    %dma_start3A_12 = tpu.memref_slice %arg5[%dma_start3A_10, %dma_start3A_11] : memref<65536x256xf32, #tpu.memory_space<hbm>> -> memref<65536x256xf32, #tpu.memory_space<hbm>>
    tpu.enqueue_indirect_dma source(%dma_start3A_12 : memref<65536x256xf32, #tpu.memory_space<hbm>>) target(%arg12 : memref<40x256xf32, #tpu.memory_space<vmem>>) offsets(%dma_start3A_9 : memref<40xi32, #tpu.memory_space<vmem>>) semaphore(%arg20 : memref<!tpu.dma_semaphore, #tpu.memory_space<semaphore_mem>>)
    %dma_start3A_13 = arith.constant 0 : i32
    %dma_start3A_14 = tpu.memref_slice %arg10[%dma_start3A_13] : memref<800xi32, #tpu.memory_space<vmem>> -> memref<40xi32, #tpu.memory_space<vmem>>
    %dma_start3A_15 = arith.constant 0 : i32
    %dma_start3A_16 = arith.constant 0 : i32
    %dma_start3A_17 = tpu.memref_slice %arg6[%dma_start3A_15, %dma_start3A_16] : memref<4096x256xf32, #tpu.memory_space<hbm>> -> memref<4096x256xf32, #tpu.memory_space<hbm>>
    tpu.enqueue_indirect_dma source(%dma_start3A_17 : memref<4096x256xf32, #tpu.memory_space<hbm>>) target(%arg13 : memref<40x256xf32, #tpu.memory_space<vmem>>) offsets(%dma_start3A_14 : memref<40xi32, #tpu.memory_space<vmem>>) semaphore(%arg20 : memref<!tpu.dma_semaphore, #tpu.memory_space<semaphore_mem>>)
    %dma_start3A_18 = arith.constant 0 : i32
    %dma_start3A_19 = tpu.memref_slice %arg11[%dma_start3A_18] : memref<800xi32, #tpu.memory_space<vmem>> -> memref<40xi32, #tpu.memory_space<vmem>>
    %dma_start3A_20 = arith.constant 0 : i32
    %dma_start3A_21 = arith.constant 0 : i32
    %dma_start3A_22 = tpu.memref_slice %arg7[%dma_start3A_20, %dma_start3A_21] : memref<65536x256xf32, #tpu.memory_space<hbm>> -> memref<65536x256xf32, #tpu.memory_space<hbm>>
    tpu.enqueue_indirect_dma source(%dma_start3A_22 : memref<65536x256xf32, #tpu.memory_space<hbm>>) target(%arg14 : memref<40x256xf32, #tpu.memory_space<vmem>>) offsets(%dma_start3A_19 : memref<40xi32, #tpu.memory_space<vmem>>) semaphore(%arg20 : memref<!tpu.dma_semaphore, #tpu.memory_space<semaphore_mem>>)
    %dma_start3A_23 = arith.constant 40 : i32
    %dma_start3A_24 = tpu.memref_slice %arg9[%dma_start3A_23] : memref<800xi32, #tpu.memory_space<vmem>> -> memref<40xi32, #tpu.memory_space<vmem>>
    %dma_start3A_25 = arith.constant 0 : i32
    %dma_start3A_26 = arith.constant 0 : i32
    %dma_start3A_27 = tpu.memref_slice %arg5[%dma_start3A_25, %dma_start3A_26] : memref<65536x256xf32, #tpu.memory_space<hbm>> -> memref<65536x256xf32, #tpu.memory_space<hbm>>
    tpu.enqueue_indirect_dma source(%dma_start3A_27 : memref<65536x256xf32, #tpu.memory_space<hbm>>) target(%arg15 : memref<40x256xf32, #tpu.memory_space<vmem>>) offsets(%dma_start3A_24 : memref<40xi32, #tpu.memory_space<vmem>>) semaphore(%arg21 : memref<!tpu.dma_semaphore, #tpu.memory_space<semaphore_mem>>)
    %dma_start3A_28 = arith.constant 40 : i32
    %dma_start3A_29 = tpu.memref_slice %arg10[%dma_start3A_28] : memref<800xi32, #tpu.memory_space<vmem>> -> memref<40xi32, #tpu.memory_space<vmem>>
    %dma_start3A_30 = arith.constant 0 : i32
    %dma_start3A_31 = arith.constant 0 : i32
    %dma_start3A_32 = tpu.memref_slice %arg6[%dma_start3A_30, %dma_start3A_31] : memref<4096x256xf32, #tpu.memory_space<hbm>> -> memref<4096x256xf32, #tpu.memory_space<hbm>>
    tpu.enqueue_indirect_dma source(%dma_start3A_32 : memref<4096x256xf32, #tpu.memory_space<hbm>>) target(%arg16 : memref<40x256xf32, #tpu.memory_space<vmem>>) offsets(%dma_start3A_29 : memref<40xi32, #tpu.memory_space<vmem>>) semaphore(%arg21 : memref<!tpu.dma_semaphore, #tpu.memory_space<semaphore_mem>>)
    %dma_start3A_33 = arith.constant 40 : i32
    %dma_start3A_34 = tpu.memref_slice %arg11[%dma_start3A_33] : memref<800xi32, #tpu.memory_space<vmem>> -> memref<40xi32, #tpu.memory_space<vmem>>
    %dma_start3A_35 = arith.constant 0 : i32
    %dma_start3A_36 = arith.constant 0 : i32
    %dma_start3A_37 = tpu.memref_slice %arg7[%dma_start3A_35, %dma_start3A_36] : memref<65536x256xf32, #tpu.memory_space<hbm>> -> memref<65536x256xf32, #tpu.memory_space<hbm>>
    tpu.enqueue_indirect_dma source(%dma_start3A_37 : memref<65536x256xf32, #tpu.memory_space<hbm>>) target(%arg17 : memref<40x256xf32, #tpu.memory_space<vmem>>) offsets(%dma_start3A_34 : memref<40xi32, #tpu.memory_space<vmem>>) semaphore(%arg21 : memref<!tpu.dma_semaphore, #tpu.memory_space<semaphore_mem>>)
    %scan3A_38 = arith.constant 0 : i32
    %scan3A_39 = arith.constant 0 : i32
    %scan3A_40 = arith.constant 10 : i32
    %scan3A_41 = arith.addi %scan3A_39, %scan3A_40 : i32
    %scan3A_42 = arith.constant 1 : i32
    %scan3A_43 = scf.for %scan3A_52 = %scan3A_39 to %scan3A_41 step %scan3A_42 iter_args(%scan3A_53 = %scan3A_38) -> (i32)  : i32 {
      %mul3A_54 = arith.constant 2 : i32
      %mul3A_55 = arith.muli %mul3A_54, %scan3A_52 : i32
      %add3A_56 = arith.constant 0 : i32
      %add3A_57 = arith.addi %mul3A_55, %add3A_56 : i32
      %mul3A_58 = arith.constant 40 : i32
      %mul3A_59 = arith.muli %add3A_57, %mul3A_58 : i32
      %dma_wait3A_60 = arith.constant 0 : i32
      %dma_wait3A_61 = tpu.memref_slice %arg9[%dma_wait3A_60] : memref<800xi32, #tpu.memory_space<vmem>> -> memref<40xi32, #tpu.memory_space<vmem>>
      %dma_wait3A_62 = arith.constant 0 : i32
      %dma_wait3A_63 = arith.constant 0 : i32
      %dma_wait3A_64 = tpu.memref_slice %arg5[%dma_wait3A_62, %dma_wait3A_63] : memref<65536x256xf32, #tpu.memory_space<hbm>> -> memref<65536x256xf32, #tpu.memory_space<hbm>>
      tpu.wait_indirect_dma semaphore(%arg20 : memref<!tpu.dma_semaphore, #tpu.memory_space<semaphore_mem>>) src(%dma_wait3A_64 : memref<65536x256xf32, #tpu.memory_space<hbm>>) dst(%arg12 : memref<40x256xf32, #tpu.memory_space<vmem>>)
      %dma_wait3A_65 = arith.constant 0 : i32
      %dma_wait3A_66 = tpu.memref_slice %arg10[%dma_wait3A_65] : memref<800xi32, #tpu.memory_space<vmem>> -> memref<40xi32, #tpu.memory_space<vmem>>
      %dma_wait3A_67 = arith.constant 0 : i32
      %dma_wait3A_68 = arith.constant 0 : i32
      %dma_wait3A_69 = tpu.memref_slice %arg6[%dma_wait3A_67, %dma_wait3A_68] : memref<4096x256xf32, #tpu.memory_space<hbm>> -> memref<4096x256xf32, #tpu.memory_space<hbm>>
      tpu.wait_indirect_dma semaphore(%arg20 : memref<!tpu.dma_semaphore, #tpu.memory_space<semaphore_mem>>) src(%dma_wait3A_69 : memref<4096x256xf32, #tpu.memory_space<hbm>>) dst(%arg13 : memref<40x256xf32, #tpu.memory_space<vmem>>)
      %dma_wait3A_70 = arith.constant 0 : i32
      %dma_wait3A_71 = tpu.memref_slice %arg11[%dma_wait3A_70] : memref<800xi32, #tpu.memory_space<vmem>> -> memref<40xi32, #tpu.memory_space<vmem>>
      %dma_wait3A_72 = arith.constant 0 : i32
      %dma_wait3A_73 = arith.constant 0 : i32
      %dma_wait3A_74 = tpu.memref_slice %arg7[%dma_wait3A_72, %dma_wait3A_73] : memref<65536x256xf32, #tpu.memory_space<hbm>> -> memref<65536x256xf32, #tpu.memory_space<hbm>>
      tpu.wait_indirect_dma semaphore(%arg20 : memref<!tpu.dma_semaphore, #tpu.memory_space<semaphore_mem>>) src(%dma_wait3A_74 : memref<65536x256xf32, #tpu.memory_space<hbm>>) dst(%arg14 : memref<40x256xf32, #tpu.memory_space<vmem>>)
      %gt3A = arith.constant 0 : i32
      %gt3A_75 = arith.cmpi sgt, %scan3A_52, %gt3A : i32
      %convert_element_type3A = arith.extui %gt3A_75 : i1 to i32
      %cond3A = arith.constant 0 : i32
      %cond3A_76 = arith.cmpi ne, %convert_element_type3A, %cond3A : i32
      scf.if %cond3A_76 {
        %dma_wait3A_141 = arith.constant 0 : i32
        %dma_wait3A_142 = tpu.memref_slice %arg8[%mul3A_2, %dma_wait3A_141] : memref<25600x256xf32, #tpu.memory_space<hbm>> -> memref<40x256xf32, #tpu.memory_space<hbm>>
        %dma_wait3A_143 = arith.constant 0 : i32
        %dma_wait3A_144 = tpu.memref_slice %arg8[%mul3A_2, %dma_wait3A_143] : memref<25600x256xf32, #tpu.memory_space<hbm>> -> memref<40x256xf32, #tpu.memory_space<hbm>>
        tpu.wait_dma2 semaphore(%arg22 : memref<!tpu.dma_semaphore, #tpu.memory_space<semaphore_mem>>) src(%arg18 : memref<40x256xf32, #tpu.memory_space<vmem>>) dst(%dma_wait3A_144 : memref<40x256xf32, #tpu.memory_space<hbm>>)
      } else {
      }
      %scan3A_77 = arith.constant 0 : i32
      %scan3A_78 = arith.constant 0 : i32
      %scan3A_79 = arith.constant 40 : i32
      %scan3A_80 = arith.addi %scan3A_78, %scan3A_79 : i32
      %scan3A_81 = arith.constant 1 : i32
      %scan3A_82 = scf.for %scan3A_141 = %scan3A_78 to %scan3A_80 step %scan3A_81 iter_args(%scan3A_142 = %scan3A_77) -> (i32)  : i32 {
        %get3A = arith.index_cast %scan3A_141 : i32 to index
        %get3A_143 = arith.constant 0 : index
        %get3A_144 = tpu.vector_load %arg12[%get3A, %get3A_143] {strides = array<i32>} : memref<40x256xf32, #tpu.memory_space<vmem>>, vector<1x16xf32>,
        %get3A_145 = vector.shape_cast %get3A_144 : vector<1x16xf32> to vector<16xf32>
        %get3A_146 = arith.index_cast %scan3A_141 : i32 to index
        %get3A_147 = arith.constant 0 : index
        %get3A_148 = tpu.vector_load %arg13[%get3A_146, %get3A_147] {strides = array<i32>} : memref<40x256xf32, #tpu.memory_space<vmem>>, vector<1x16xf32>,
        %get3A_149 = vector.shape_cast %get3A_148 : vector<1x16xf32> to vector<16xf32>
        %add3A_150 = arith.addf %get3A_145, %get3A_149 : vector<16xf32>
        %get3A_151 = arith.index_cast %scan3A_141 : i32 to index
        %get3A_152 = arith.constant 0 : index
        %get3A_153 = tpu.vector_load %arg14[%get3A_151, %get3A_152] {strides = array<i32>} : memref<40x256xf32, #tpu.memory_space<vmem>>, vector<1x16xf32>,
        %get3A_154 = vector.shape_cast %get3A_153 : vector<1x16xf32> to vector<16xf32>
        %add3A_155 = arith.addf %add3A_150, %get3A_154 : vector<16xf32>
        %swap3A = arith.index_cast %scan3A_141 : i32 to index
        %swap3A_156 = arith.constant 0 : index
        %swap3A_157 = tpu.vector_load %arg18[%swap3A, %swap3A_156] {strides = array<i32>} : memref<40x256xf32, #tpu.memory_space<vmem>>, vector<1x16xf32>,
        %swap3A_158 = vector.shape_cast %swap3A_157 : vector<1x16xf32> to vector<16xf32>
        %swap3A_159 = vector.shape_cast %add3A_155 : vector<16xf32> to vector<1x16xf32>
        tpu.vector_store %arg18[%swap3A, %swap3A_156], %swap3A_159 {strides = array<i32>} : memref<40x256xf32, #tpu.memory_space<vmem>>, vector<1x16xf32>,
        %get3A_160 = arith.index_cast %scan3A_141 : i32 to index
        %get3A_161 = arith.constant 16 : index
        %get3A_162 = tpu.vector_load %arg12[%get3A_160, %get3A_161] {strides = array<i32>} : memref<40x256xf32, #tpu.memory_space<vmem>>, vector<1x16xf32>,
        %get3A_163 = vector.shape_cast %get3A_162 : vector<1x16xf32> to vector<16xf32>
        %get3A_164 = arith.index_cast %scan3A_141 : i32 to index
        %get3A_165 = arith.constant 16 : index
        %get3A_166 = tpu.vector_load %arg13[%get3A_164, %get3A_165] {strides = array<i32>} : memref<40x256xf32, #tpu.memory_space<vmem>>, vector<1x16xf32>,
        %get3A_167 = vector.shape_cast %get3A_166 : vector<1x16xf32> to vector<16xf32>
        %add3A_168 = arith.addf %get3A_163, %get3A_167 : vector<16xf32>
        %get3A_169 = arith.index_cast %scan3A_141 : i32 to index
        %get3A_170 = arith.constant 16 : index
        %get3A_171 = tpu.vector_load %arg14[%get3A_169, %get3A_170] {strides = array<i32>} : memref<40x256xf32, #tpu.memory_space<vmem>>, vector<1x16xf32>,
        %get3A_172 = vector.shape_cast %get3A_171 : vector<1x16xf32> to vector<16xf32>
        %add3A_173 = arith.addf %add3A_168, %get3A_172 : vector<16xf32>
        %swap3A_174 = arith.index_cast %scan3A_141 : i32 to index
        %swap3A_175 = arith.constant 16 : index
        %swap3A_176 = tpu.vector_load %arg18[%swap3A_174, %swap3A_175] {strides = array<i32>} : memref<40x256xf32, #tpu.memory_space<vmem>>, vector<1x16xf32>,
        %swap3A_177 = vector.shape_cast %swap3A_176 : vector<1x16xf32> to vector<16xf32>
        %swap3A_178 = vector.shape_cast %add3A_173 : vector<16xf32> to vector<1x16xf32>
        tpu.vector_store %arg18[%swap3A_174, %swap3A_175], %swap3A_178 {strides = array<i32>} : memref<40x256xf32, #tpu.memory_space<vmem>>, vector<1x16xf32>,
        %get3A_179 = arith.index_cast %scan3A_141 : i32 to index
        %get3A_180 = arith.constant 32 : index
        %get3A_181 = tpu.vector_load %arg12[%get3A_179, %get3A_180] {strides = array<i32>} : memref<40x256xf32, #tpu.memory_space<vmem>>, vector<1x16xf32>,
        %get3A_182 = vector.shape_cast %get3A_181 : vector<1x16xf32> to vector<16xf32>
        %get3A_183 = arith.index_cast %scan3A_141 : i32 to index
        %get3A_184 = arith.constant 32 : index
        %get3A_185 = tpu.vector_load %arg13[%get3A_183, %get3A_184] {strides = array<i32>} : memref<40x256xf32, #tpu.memory_space<vmem>>, vector<1x16xf32>,
        %get3A_186 = vector.shape_cast %get3A_185 : vector<1x16xf32> to vector<16xf32>
        %add3A_187 = arith.addf %get3A_182, %get3A_186 : vector<16xf32>
        %get3A_188 = arith.index_cast %scan3A_141 : i32 to index
        %get3A_189 = arith.constant 32 : index
        %get3A_190 = tpu.vector_load %arg14[%get3A_188, %get3A_189] {strides = array<i32>} : memref<40x256xf32, #tpu.memory_space<vmem>>, vector<1x16xf32>,
        %get3A_191 = vector.shape_cast %get3A_190 : vector<1x16xf32> to vector<16xf32>
        %add3A_192 = arith.addf %add3A_187, %get3A_191 : vector<16xf32>
        %swap3A_193 = arith.index_cast %scan3A_141 : i32 to index
        %swap3A_194 = arith.constant 32 : index
        %swap3A_195 = tpu.vector_load %arg18[%swap3A_193, %swap3A_194] {strides = array<i32>} : memref<40x256xf32, #tpu.memory_space<vmem>>, vector<1x16xf32>,
        %swap3A_196 = vector.shape_cast %swap3A_195 : vector<1x16xf32> to vector<16xf32>
        %swap3A_197 = vector.shape_cast %add3A_192 : vector<16xf32> to vector<1x16xf32>
        tpu.vector_store %arg18[%swap3A_193, %swap3A_194], %swap3A_197 {strides = array<i32>} : memref<40x256xf32, #tpu.memory_space<vmem>>, vector<1x16xf32>,
        %get3A_198 = arith.index_cast %scan3A_141 : i32 to index
        %get3A_199 = arith.constant 48 : index
        %get3A_200 = tpu.vector_load %arg12[%get3A_198, %get3A_199] {strides = array<i32>} : memref<40x256xf32, #tpu.memory_space<vmem>>, vector<1x16xf32>,
        %get3A_201 = vector.shape_cast %get3A_200 : vector<1x16xf32> to vector<16xf32>
        %get3A_202 = arith.index_cast %scan3A_141 : i32 to index
        %get3A_203 = arith.constant 48 : index
        %get3A_204 = tpu.vector_load %arg13[%get3A_202, %get3A_203] {strides = array<i32>} : memref<40x256xf32, #tpu.memory_space<vmem>>, vector<1x16xf32>,
        %get3A_205 = vector.shape_cast %get3A_204 : vector<1x16xf32> to vector<16xf32>
        %add3A_206 = arith.addf %get3A_201, %get3A_205 : vector<16xf32>
        %get3A_207 = arith.index_cast %scan3A_141 : i32 to index
        %get3A_208 = arith.constant 48 : index
        %get3A_209 = tpu.vector_load %arg14[%get3A_207, %get3A_208] {strides = array<i32>} : memref<40x256xf32, #tpu.memory_space<vmem>>, vector<1x16xf32>,
        %get3A_210 = vector.shape_cast %get3A_209 : vector<1x16xf32> to vector<16xf32>
        %add3A_211 = arith.addf %add3A_206, %get3A_210 : vector<16xf32>
        %swap3A_212 = arith.index_cast %scan3A_141 : i32 to index
        %swap3A_213 = arith.constant 48 : index
        %swap3A_214 = tpu.vector_load %arg18[%swap3A_212, %swap3A_213] {strides = array<i32>} : memref<40x256xf32, #tpu.memory_space<vmem>>, vector<1x16xf32>,
        %swap3A_215 = vector.shape_cast %swap3A_214 : vector<1x16xf32> to vector<16xf32>
        %swap3A_216 = vector.shape_cast %add3A_211 : vector<16xf32> to vector<1x16xf32>
        tpu.vector_store %arg18[%swap3A_212, %swap3A_213], %swap3A_216 {strides = array<i32>} : memref<40x256xf32, #tpu.memory_space<vmem>>, vector<1x16xf32>,
        %get3A_217 = arith.index_cast %scan3A_141 : i32 to index
        %get3A_218 = arith.constant 64 : index
        %get3A_219 = tpu.vector_load %arg12[%get3A_217, %get3A_218] {strides = array<i32>} : memref<40x256xf32, #tpu.memory_space<vmem>>, vector<1x16xf32>,
        %get3A_220 = vector.shape_cast %get3A_219 : vector<1x16xf32> to vector<16xf32>
        %get3A_221 = arith.index_cast %scan3A_141 : i32 to index
        %get3A_222 = arith.constant 64 : index
        %get3A_223 = tpu.vector_load %arg13[%get3A_221, %get3A_222] {strides = array<i32>} : memref<40x256xf32, #tpu.memory_space<vmem>>, vector<1x16xf32>,
        %get3A_224 = vector.shape_cast %get3A_223 : vector<1x16xf32> to vector<16xf32>
        %add3A_225 = arith.addf %get3A_220, %get3A_224 : vector<16xf32>
        %get3A_226 = arith.index_cast %scan3A_141 : i32 to index
        %get3A_227 = arith.constant 64 : index
        %get3A_228 = tpu.vector_load %arg14[%get3A_226, %get3A_227] {strides = array<i32>} : memref<40x256xf32, #tpu.memory_space<vmem>>, vector<1x16xf32>,
        %get3A_229 = vector.shape_cast %get3A_228 : vector<1x16xf32> to vector<16xf32>
        %add3A_230 = arith.addf %add3A_225, %get3A_229 : vector<16xf32>
        %swap3A_231 = arith.index_cast %scan3A_141 : i32 to index
        %swap3A_232 = arith.constant 64 : index
        %swap3A_233 = tpu.vector_load %arg18[%swap3A_231, %swap3A_232] {strides = array<i32>} : memref<40x256xf32, #tpu.memory_space<vmem>>, vector<1x16xf32>,
        %swap3A_234 = vector.shape_cast %swap3A_233 : vector<1x16xf32> to vector<16xf32>
        %swap3A_235 = vector.shape_cast %add3A_230 : vector<16xf32> to vector<1x16xf32>
        tpu.vector_store %arg18[%swap3A_231, %swap3A_232], %swap3A_235 {strides = array<i32>} : memref<40x256xf32, #tpu.memory_space<vmem>>, vector<1x16xf32>,
        %get3A_236 = arith.index_cast %scan3A_141 : i32 to index
        %get3A_237 = arith.constant 80 : index
        %get3A_238 = tpu.vector_load %arg12[%get3A_236, %get3A_237] {strides = array<i32>} : memref<40x256xf32, #tpu.memory_space<vmem>>, vector<1x16xf32>,
        %get3A_239 = vector.shape_cast %get3A_238 : vector<1x16xf32> to vector<16xf32>
        %get3A_240 = arith.index_cast %scan3A_141 : i32 to index
        %get3A_241 = arith.constant 80 : index
        %get3A_242 = tpu.vector_load %arg13[%get3A_240, %get3A_241] {strides = array<i32>} : memref<40x256xf32, #tpu.memory_space<vmem>>, vector<1x16xf32>,
        %get3A_243 = vector.shape_cast %get3A_242 : vector<1x16xf32> to vector<16xf32>
        %add3A_244 = arith.addf %get3A_239, %get3A_243 : vector<16xf32>
        %get3A_245 = arith.index_cast %scan3A_141 : i32 to index
        %get3A_246 = arith.constant 80 : index
        %get3A_247 = tpu.vector_load %arg14[%get3A_245, %get3A_246] {strides = array<i32>} : memref<40x256xf32, #tpu.memory_space<vmem>>, vector<1x16xf32>,
        %get3A_248 = vector.shape_cast %get3A_247 : vector<1x16xf32> to vector<16xf32>
        %add3A_249 = arith.addf %add3A_244, %get3A_248 : vector<16xf32>
        %swap3A_250 = arith.index_cast %scan3A_141 : i32 to index
        %swap3A_251 = arith.constant 80 : index
        %swap3A_252 = tpu.vector_load %arg18[%swap3A_250, %swap3A_251] {strides = array<i32>} : memref<40x256xf32, #tpu.memory_space<vmem>>, vector<1x16xf32>,
        %swap3A_253 = vector.shape_cast %swap3A_252 : vector<1x16xf32> to vector<16xf32>
        %swap3A_254 = vector.shape_cast %add3A_249 : vector<16xf32> to vector<1x16xf32>
        tpu.vector_store %arg18[%swap3A_250, %swap3A_251], %swap3A_254 {strides = array<i32>} : memref<40x256xf32, #tpu.memory_space<vmem>>, vector<1x16xf32>,
        %get3A_255 = arith.index_cast %scan3A_141 : i32 to index
        %get3A_256 = arith.constant 96 : index
        %get3A_257 = tpu.vector_load %arg12[%get3A_255, %get3A_256] {strides = array<i32>} : memref<40x256xf32, #tpu.memory_space<vmem>>, vector<1x16xf32>,
        %get3A_258 = vector.shape_cast %get3A_257 : vector<1x16xf32> to vector<16xf32>
        %get3A_259 = arith.index_cast %scan3A_141 : i32 to index
        %get3A_260 = arith.constant 96 : index
        %get3A_261 = tpu.vector_load %arg13[%get3A_259, %get3A_260] {strides = array<i32>} : memref<40x256xf32, #tpu.memory_space<vmem>>, vector<1x16xf32>,
        %get3A_262 = vector.shape_cast %get3A_261 : vector<1x16xf32> to vector<16xf32>
        %add3A_263 = arith.addf %get3A_258, %get3A_262 : vector<16xf32>
        %get3A_264 = arith.index_cast %scan3A_141 : i32 to index
        %get3A_265 = arith.constant 96 : index
        %get3A_266 = tpu.vector_load %arg14[%get3A_264, %get3A_265] {strides = array<i32>} : memref<40x256xf32, #tpu.memory_space<vmem>>, vector<1x16xf32>,
        %get3A_267 = vector.shape_cast %get3A_266 : vector<1x16xf32> to vector<16xf32>
        %add3A_268 = arith.addf %add3A_263, %get3A_267 : vector<16xf32>
        %swap3A_269 = arith.index_cast %scan3A_141 : i32 to index
        %swap3A_270 = arith.constant 96 : index
        %swap3A_271 = tpu.vector_load %arg18[%swap3A_269, %swap3A_270] {strides = array<i32>} : memref<40x256xf32, #tpu.memory_space<vmem>>, vector<1x16xf32>,
        %swap3A_272 = vector.shape_cast %swap3A_271 : vector<1x16xf32> to vector<16xf32>
        %swap3A_273 = vector.shape_cast %add3A_268 : vector<16xf32> to vector<1x16xf32>
        tpu.vector_store %arg18[%swap3A_269, %swap3A_270], %swap3A_273 {strides = array<i32>} : memref<40x256xf32, #tpu.memory_space<vmem>>, vector<1x16xf32>,
        %get3A_274 = arith.index_cast %scan3A_141 : i32 to index
        %get3A_275 = arith.constant 112 : index
        %get3A_276 = tpu.vector_load %arg12[%get3A_274, %get3A_275] {strides = array<i32>} : memref<40x256xf32, #tpu.memory_space<vmem>>, vector<1x16xf32>,
        %get3A_277 = vector.shape_cast %get3A_276 : vector<1x16xf32> to vector<16xf32>
        %get3A_278 = arith.index_cast %scan3A_141 : i32 to index
        %get3A_279 = arith.constant 112 : index
        %get3A_280 = tpu.vector_load %arg13[%get3A_278, %get3A_279] {strides = array<i32>} : memref<40x256xf32, #tpu.memory_space<vmem>>, vector<1x16xf32>,
        %get3A_281 = vector.shape_cast %get3A_280 : vector<1x16xf32> to vector<16xf32>
        %add3A_282 = arith.addf %get3A_277, %get3A_281 : vector<16xf32>
        %get3A_283 = arith.index_cast %scan3A_141 : i32 to index
        %get3A_284 = arith.constant 112 : index
        %get3A_285 = tpu.vector_load %arg14[%get3A_283, %get3A_284] {strides = array<i32>} : memref<40x256xf32, #tpu.memory_space<vmem>>, vector<1x16xf32>,
        %get3A_286 = vector.shape_cast %get3A_285 : vector<1x16xf32> to vector<16xf32>
        %add3A_287 = arith.addf %add3A_282, %get3A_286 : vector<16xf32>
        %swap3A_288 = arith.index_cast %scan3A_141 : i32 to index
        %swap3A_289 = arith.constant 112 : index
        %swap3A_290 = tpu.vector_load %arg18[%swap3A_288, %swap3A_289] {strides = array<i32>} : memref<40x256xf32, #tpu.memory_space<vmem>>, vector<1x16xf32>,
        %swap3A_291 = vector.shape_cast %swap3A_290 : vector<1x16xf32> to vector<16xf32>
        %swap3A_292 = vector.shape_cast %add3A_287 : vector<16xf32> to vector<1x16xf32>
        tpu.vector_store %arg18[%swap3A_288, %swap3A_289], %swap3A_292 {strides = array<i32>} : memref<40x256xf32, #tpu.memory_space<vmem>>, vector<1x16xf32>,
        %get3A_293 = arith.index_cast %scan3A_141 : i32 to index
        %get3A_294 = arith.constant 128 : index
        %get3A_295 = tpu.vector_load %arg12[%get3A_293, %get3A_294] {strides = array<i32>} : memref<40x256xf32, #tpu.memory_space<vmem>>, vector<1x16xf32>,
        %get3A_296 = vector.shape_cast %get3A_295 : vector<1x16xf32> to vector<16xf32>
        %get3A_297 = arith.index_cast %scan3A_141 : i32 to index
        %get3A_298 = arith.constant 128 : index
        %get3A_299 = tpu.vector_load %arg13[%get3A_297, %get3A_298] {strides = array<i32>} : memref<40x256xf32, #tpu.memory_space<vmem>>, vector<1x16xf32>,
        %get3A_300 = vector.shape_cast %get3A_299 : vector<1x16xf32> to vector<16xf32>
        %add3A_301 = arith.addf %get3A_296, %get3A_300 : vector<16xf32>
        %get3A_302 = arith.index_cast %scan3A_141 : i32 to index
        %get3A_303 = arith.constant 128 : index
        %get3A_304 = tpu.vector_load %arg14[%get3A_302, %get3A_303] {strides = array<i32>} : memref<40x256xf32, #tpu.memory_space<vmem>>, vector<1x16xf32>,
        %get3A_305 = vector.shape_cast %get3A_304 : vector<1x16xf32> to vector<16xf32>
        %add3A_306 = arith.addf %add3A_301, %get3A_305 : vector<16xf32>
        %swap3A_307 = arith.index_cast %scan3A_141 : i32 to index
        %swap3A_308 = arith.constant 128 : index
        %swap3A_309 = tpu.vector_load %arg18[%swap3A_307, %swap3A_308] {strides = array<i32>} : memref<40x256xf32, #tpu.memory_space<vmem>>, vector<1x16xf32>,
        %swap3A_310 = vector.shape_cast %swap3A_309 : vector<1x16xf32> to vector<16xf32>
        %swap3A_311 = vector.shape_cast %add3A_306 : vector<16xf32> to vector<1x16xf32>
        tpu.vector_store %arg18[%swap3A_307, %swap3A_308], %swap3A_311 {strides = array<i32>} : memref<40x256xf32, #tpu.memory_space<vmem>>, vector<1x16xf32>,
        %get3A_312 = arith.index_cast %scan3A_141 : i32 to index
        %get3A_313 = arith.constant 144 : index
        %get3A_314 = tpu.vector_load %arg12[%get3A_312, %get3A_313] {strides = array<i32>} : memref<40x256xf32, #tpu.memory_space<vmem>>, vector<1x16xf32>,
        %get3A_315 = vector.shape_cast %get3A_314 : vector<1x16xf32> to vector<16xf32>
        %get3A_316 = arith.index_cast %scan3A_141 : i32 to index
        %get3A_317 = arith.constant 144 : index
        %get3A_318 = tpu.vector_load %arg13[%get3A_316, %get3A_317] {strides = array<i32>} : memref<40x256xf32, #tpu.memory_space<vmem>>, vector<1x16xf32>,
        %get3A_319 = vector.shape_cast %get3A_318 : vector<1x16xf32> to vector<16xf32>
        %add3A_320 = arith.addf %get3A_315, %get3A_319 : vector<16xf32>
        %get3A_321 = arith.index_cast %scan3A_141 : i32 to index
        %get3A_322 = arith.constant 144 : index
        %get3A_323 = tpu.vector_load %arg14[%get3A_321, %get3A_322] {strides = array<i32>} : memref<40x256xf32, #tpu.memory_space<vmem>>, vector<1x16xf32>,
        %get3A_324 = vector.shape_cast %get3A_323 : vector<1x16xf32> to vector<16xf32>
        %add3A_325 = arith.addf %add3A_320, %get3A_324 : vector<16xf32>
        %swap3A_326 = arith.index_cast %scan3A_141 : i32 to index
        %swap3A_327 = arith.constant 144 : index
        %swap3A_328 = tpu.vector_load %arg18[%swap3A_326, %swap3A_327] {strides = array<i32>} : memref<40x256xf32, #tpu.memory_space<vmem>>, vector<1x16xf32>,
        %swap3A_329 = vector.shape_cast %swap3A_328 : vector<1x16xf32> to vector<16xf32>
        %swap3A_330 = vector.shape_cast %add3A_325 : vector<16xf32> to vector<1x16xf32>
        tpu.vector_store %arg18[%swap3A_326, %swap3A_327], %swap3A_330 {strides = array<i32>} : memref<40x256xf32, #tpu.memory_space<vmem>>, vector<1x16xf32>,
        %get3A_331 = arith.index_cast %scan3A_141 : i32 to index
        %get3A_332 = arith.constant 160 : index
        %get3A_333 = tpu.vector_load %arg12[%get3A_331, %get3A_332] {strides = array<i32>} : memref<40x256xf32, #tpu.memory_space<vmem>>, vector<1x16xf32>,
        %get3A_334 = vector.shape_cast %get3A_333 : vector<1x16xf32> to vector<16xf32>
        %get3A_335 = arith.index_cast %scan3A_141 : i32 to index
        %get3A_336 = arith.constant 160 : index
        %get3A_337 = tpu.vector_load %arg13[%get3A_335, %get3A_336] {strides = array<i32>} : memref<40x256xf32, #tpu.memory_space<vmem>>, vector<1x16xf32>,
        %get3A_338 = vector.shape_cast %get3A_337 : vector<1x16xf32> to vector<16xf32>
        %add3A_339 = arith.addf %get3A_334, %get3A_338 : vector<16xf32>
        %get3A_340 = arith.index_cast %scan3A_141 : i32 to index
        %get3A_341 = arith.constant 160 : index
        %get3A_342 = tpu.vector_load %arg14[%get3A_340, %get3A_341] {strides = array<i32>} : memref<40x256xf32, #tpu.memory_space<vmem>>, vector<1x16xf32>,
        %get3A_343 = vector.shape_cast %get3A_342 : vector<1x16xf32> to vector<16xf32>
        %add3A_344 = arith.addf %add3A_339, %get3A_343 : vector<16xf32>
        %swap3A_345 = arith.index_cast %scan3A_141 : i32 to index
        %swap3A_346 = arith.constant 160 : index
        %swap3A_347 = tpu.vector_load %arg18[%swap3A_345, %swap3A_346] {strides = array<i32>} : memref<40x256xf32, #tpu.memory_space<vmem>>, vector<1x16xf32>,
        %swap3A_348 = vector.shape_cast %swap3A_347 : vector<1x16xf32> to vector<16xf32>
        %swap3A_349 = vector.shape_cast %add3A_344 : vector<16xf32> to vector<1x16xf32>
        tpu.vector_store %arg18[%swap3A_345, %swap3A_346], %swap3A_349 {strides = array<i32>} : memref<40x256xf32, #tpu.memory_space<vmem>>, vector<1x16xf32>,
        %get3A_350 = arith.index_cast %scan3A_141 : i32 to index
        %get3A_351 = arith.constant 176 : index
        %get3A_352 = tpu.vector_load %arg12[%get3A_350, %get3A_351] {strides = array<i32>} : memref<40x256xf32, #tpu.memory_space<vmem>>, vector<1x16xf32>,
        %get3A_353 = vector.shape_cast %get3A_352 : vector<1x16xf32> to vector<16xf32>
        %get3A_354 = arith.index_cast %scan3A_141 : i32 to index
        %get3A_355 = arith.constant 176 : index
        %get3A_356 = tpu.vector_load %arg13[%get3A_354, %get3A_355] {strides = array<i32>} : memref<40x256xf32, #tpu.memory_space<vmem>>, vector<1x16xf32>,
        %get3A_357 = vector.shape_cast %get3A_356 : vector<1x16xf32> to vector<16xf32>
        %add3A_358 = arith.addf %get3A_353, %get3A_357 : vector<16xf32>
        %get3A_359 = arith.index_cast %scan3A_141 : i32 to index
        %get3A_360 = arith.constant 176 : index
        %get3A_361 = tpu.vector_load %arg14[%get3A_359, %get3A_360] {strides = array<i32>} : memref<40x256xf32, #tpu.memory_space<vmem>>, vector<1x16xf32>,
        %get3A_362 = vector.shape_cast %get3A_361 : vector<1x16xf32> to vector<16xf32>
        %add3A_363 = arith.addf %add3A_358, %get3A_362 : vector<16xf32>
        %swap3A_364 = arith.index_cast %scan3A_141 : i32 to index
        %swap3A_365 = arith.constant 176 : index
        %swap3A_366 = tpu.vector_load %arg18[%swap3A_364, %swap3A_365] {strides = array<i32>} : memref<40x256xf32, #tpu.memory_space<vmem>>, vector<1x16xf32>,
        %swap3A_367 = vector.shape_cast %swap3A_366 : vector<1x16xf32> to vector<16xf32>
        %swap3A_368 = vector.shape_cast %add3A_363 : vector<16xf32> to vector<1x16xf32>
        tpu.vector_store %arg18[%swap3A_364, %swap3A_365], %swap3A_368 {strides = array<i32>} : memref<40x256xf32, #tpu.memory_space<vmem>>, vector<1x16xf32>,
        %get3A_369 = arith.index_cast %scan3A_141 : i32 to index
        %get3A_370 = arith.constant 192 : index
        %get3A_371 = tpu.vector_load %arg12[%get3A_369, %get3A_370] {strides = array<i32>} : memref<40x256xf32, #tpu.memory_space<vmem>>, vector<1x16xf32>,
        %get3A_372 = vector.shape_cast %get3A_371 : vector<1x16xf32> to vector<16xf32>
        %get3A_373 = arith.index_cast %scan3A_141 : i32 to index
        %get3A_374 = arith.constant 192 : index
        %get3A_375 = tpu.vector_load %arg13[%get3A_373, %get3A_374] {strides = array<i32>} : memref<40x256xf32, #tpu.memory_space<vmem>>, vector<1x16xf32>,
        %get3A_376 = vector.shape_cast %get3A_375 : vector<1x16xf32> to vector<16xf32>
        %add3A_377 = arith.addf %get3A_372, %get3A_376 : vector<16xf32>
        %get3A_378 = arith.index_cast %scan3A_141 : i32 to index
        %get3A_379 = arith.constant 192 : index
        %get3A_380 = tpu.vector_load %arg14[%get3A_378, %get3A_379] {strides = array<i32>} : memref<40x256xf32, #tpu.memory_space<vmem>>, vector<1x16xf32>,
        %get3A_381 = vector.shape_cast %get3A_380 : vector<1x16xf32> to vector<16xf32>
        %add3A_382 = arith.addf %add3A_377, %get3A_381 : vector<16xf32>
        %swap3A_383 = arith.index_cast %scan3A_141 : i32 to index
        %swap3A_384 = arith.constant 192 : index
        %swap3A_385 = tpu.vector_load %arg18[%swap3A_383, %swap3A_384] {strides = array<i32>} : memref<40x256xf32, #tpu.memory_space<vmem>>, vector<1x16xf32>,
        %swap3A_386 = vector.shape_cast %swap3A_385 : vector<1x16xf32> to vector<16xf32>
        %swap3A_387 = vector.shape_cast %add3A_382 : vector<16xf32> to vector<1x16xf32>
        tpu.vector_store %arg18[%swap3A_383, %swap3A_384], %swap3A_387 {strides = array<i32>} : memref<40x256xf32, #tpu.memory_space<vmem>>, vector<1x16xf32>,
        %get3A_388 = arith.index_cast %scan3A_141 : i32 to index
        %get3A_389 = arith.constant 208 : index
        %get3A_390 = tpu.vector_load %arg12[%get3A_388, %get3A_389] {strides = array<i32>} : memref<40x256xf32, #tpu.memory_space<vmem>>, vector<1x16xf32>,
        %get3A_391 = vector.shape_cast %get3A_390 : vector<1x16xf32> to vector<16xf32>
        %get3A_392 = arith.index_cast %scan3A_141 : i32 to index
        %get3A_393 = arith.constant 208 : index
        %get3A_394 = tpu.vector_load %arg13[%get3A_392, %get3A_393] {strides = array<i32>} : memref<40x256xf32, #tpu.memory_space<vmem>>, vector<1x16xf32>,
        %get3A_395 = vector.shape_cast %get3A_394 : vector<1x16xf32> to vector<16xf32>
        %add3A_396 = arith.addf %get3A_391, %get3A_395 : vector<16xf32>
        %get3A_397 = arith.index_cast %scan3A_141 : i32 to index
        %get3A_398 = arith.constant 208 : index
        %get3A_399 = tpu.vector_load %arg14[%get3A_397, %get3A_398] {strides = array<i32>} : memref<40x256xf32, #tpu.memory_space<vmem>>, vector<1x16xf32>,
        %get3A_400 = vector.shape_cast %get3A_399 : vector<1x16xf32> to vector<16xf32>
        %add3A_401 = arith.addf %add3A_396, %get3A_400 : vector<16xf32>
        %swap3A_402 = arith.index_cast %scan3A_141 : i32 to index
        %swap3A_403 = arith.constant 208 : index
        %swap3A_404 = tpu.vector_load %arg18[%swap3A_402, %swap3A_403] {strides = array<i32>} : memref<40x256xf32, #tpu.memory_space<vmem>>, vector<1x16xf32>,
        %swap3A_405 = vector.shape_cast %swap3A_404 : vector<1x16xf32> to vector<16xf32>
        %swap3A_406 = vector.shape_cast %add3A_401 : vector<16xf32> to vector<1x16xf32>
        tpu.vector_store %arg18[%swap3A_402, %swap3A_403], %swap3A_406 {strides = array<i32>} : memref<40x256xf32, #tpu.memory_space<vmem>>, vector<1x16xf32>,
        %get3A_407 = arith.index_cast %scan3A_141 : i32 to index
        %get3A_408 = arith.constant 224 : index
        %get3A_409 = tpu.vector_load %arg12[%get3A_407, %get3A_408] {strides = array<i32>} : memref<40x256xf32, #tpu.memory_space<vmem>>, vector<1x16xf32>,
        %get3A_410 = vector.shape_cast %get3A_409 : vector<1x16xf32> to vector<16xf32>
        %get3A_411 = arith.index_cast %scan3A_141 : i32 to index
        %get3A_412 = arith.constant 224 : index
        %get3A_413 = tpu.vector_load %arg13[%get3A_411, %get3A_412] {strides = array<i32>} : memref<40x256xf32, #tpu.memory_space<vmem>>, vector<1x16xf32>,
        %get3A_414 = vector.shape_cast %get3A_413 : vector<1x16xf32> to vector<16xf32>
        %add3A_415 = arith.addf %get3A_410, %get3A_414 : vector<16xf32>
        %get3A_416 = arith.index_cast %scan3A_141 : i32 to index
        %get3A_417 = arith.constant 224 : index
        %get3A_418 = tpu.vector_load %arg14[%get3A_416, %get3A_417] {strides = array<i32>} : memref<40x256xf32, #tpu.memory_space<vmem>>, vector<1x16xf32>,
        %get3A_419 = vector.shape_cast %get3A_418 : vector<1x16xf32> to vector<16xf32>
        %add3A_420 = arith.addf %add3A_415, %get3A_419 : vector<16xf32>
        %swap3A_421 = arith.index_cast %scan3A_141 : i32 to index
        %swap3A_422 = arith.constant 224 : index
        %swap3A_423 = tpu.vector_load %arg18[%swap3A_421, %swap3A_422] {strides = array<i32>} : memref<40x256xf32, #tpu.memory_space<vmem>>, vector<1x16xf32>,
        %swap3A_424 = vector.shape_cast %swap3A_423 : vector<1x16xf32> to vector<16xf32>
        %swap3A_425 = vector.shape_cast %add3A_420 : vector<16xf32> to vector<1x16xf32>
        tpu.vector_store %arg18[%swap3A_421, %swap3A_422], %swap3A_425 {strides = array<i32>} : memref<40x256xf32, #tpu.memory_space<vmem>>, vector<1x16xf32>,
        %get3A_426 = arith.index_cast %scan3A_141 : i32 to index
        %get3A_427 = arith.constant 240 : index
        %get3A_428 = tpu.vector_load %arg12[%get3A_426, %get3A_427] {strides = array<i32>} : memref<40x256xf32, #tpu.memory_space<vmem>>, vector<1x16xf32>,
        %get3A_429 = vector.shape_cast %get3A_428 : vector<1x16xf32> to vector<16xf32>
        %get3A_430 = arith.index_cast %scan3A_141 : i32 to index
        %get3A_431 = arith.constant 240 : index
        %get3A_432 = tpu.vector_load %arg13[%get3A_430, %get3A_431] {strides = array<i32>} : memref<40x256xf32, #tpu.memory_space<vmem>>, vector<1x16xf32>,
        %get3A_433 = vector.shape_cast %get3A_432 : vector<1x16xf32> to vector<16xf32>
        %add3A_434 = arith.addf %get3A_429, %get3A_433 : vector<16xf32>
        %get3A_435 = arith.index_cast %scan3A_141 : i32 to index
        %get3A_436 = arith.constant 240 : index
        %get3A_437 = tpu.vector_load %arg14[%get3A_435, %get3A_436] {strides = array<i32>} : memref<40x256xf32, #tpu.memory_space<vmem>>, vector<1x16xf32>,
        %get3A_438 = vector.shape_cast %get3A_437 : vector<1x16xf32> to vector<16xf32>
        %add3A_439 = arith.addf %add3A_434, %get3A_438 : vector<16xf32>
        %swap3A_440 = arith.index_cast %scan3A_141 : i32 to index
        %swap3A_441 = arith.constant 240 : index
        %swap3A_442 = tpu.vector_load %arg18[%swap3A_440, %swap3A_441] {strides = array<i32>} : memref<40x256xf32, #tpu.memory_space<vmem>>, vector<1x16xf32>,
        %swap3A_443 = vector.shape_cast %swap3A_442 : vector<1x16xf32> to vector<16xf32>
        %swap3A_444 = vector.shape_cast %add3A_439 : vector<16xf32> to vector<1x16xf32>
        tpu.vector_store %arg18[%swap3A_440, %swap3A_441], %swap3A_444 {strides = array<i32>} : memref<40x256xf32, #tpu.memory_space<vmem>>, vector<1x16xf32>,
        %scan3A_445 = arith.constant 0 : i32
        scf.yield %scan3A_445 : i32
      }
      %scan3A_83 = arith.constant 40 : i32
      %add3A_84 = arith.addi %mul3A_2, %mul3A_59 : i32
      %dma_start3A_85 = arith.constant 0 : i32
      %dma_start3A_86 = tpu.memref_slice %arg8[%add3A_84, %dma_start3A_85] : memref<25600x256xf32, #tpu.memory_space<hbm>> -> memref<40x256xf32, #tpu.memory_space<hbm>>
      %dma_start3A_87 = arith.constant 0 : i32
      %dma_start3A_88 = tpu.memref_slice %arg8[%add3A_84, %dma_start3A_87] : memref<25600x256xf32, #tpu.memory_space<hbm>> -> memref<40x256xf32, #tpu.memory_space<hbm>>
      tpu.enqueue_dma source(%arg18 : memref<40x256xf32, #tpu.memory_space<vmem>>) target(%dma_start3A_88 : memref<40x256xf32, #tpu.memory_space<hbm>>) target_semaphore(%arg22 : memref<!tpu.dma_semaphore, #tpu.memory_space<semaphore_mem>>)
      %add3A_89 = arith.constant 2 : i32
      %add3A_90 = arith.addi %add3A_57, %add3A_89 : i32
      %lt3A = arith.constant 20 : i32
      %lt3A_91 = arith.cmpi slt, %add3A_90, %lt3A : i32
      %convert_element_type3A_92 = arith.extui %lt3A_91 : i1 to i32
      %cond3A_93 = arith.constant 0 : i32
      %cond3A_94 = arith.cmpi ne, %convert_element_type3A_92, %cond3A_93 : i32
      scf.if %cond3A_94 {
        %add3A_141 = arith.constant 2 : i32
        %add3A_142 = arith.addi %add3A_57, %add3A_141 : i32
        %mul3A_143 = arith.constant 40 : i32
        %mul3A_144 = arith.muli %add3A_142, %mul3A_143 : i32
        %dma_start3A_145 = tpu.memref_slice %arg9[%mul3A_144] : memref<800xi32, #tpu.memory_space<vmem>> -> memref<40xi32, #tpu.memory_space<vmem>>
        %dma_start3A_146 = arith.constant 0 : i32
        %dma_start3A_147 = arith.constant 0 : i32
        %dma_start3A_148 = tpu.memref_slice %arg5[%dma_start3A_146, %dma_start3A_147] : memref<65536x256xf32, #tpu.memory_space<hbm>> -> memref<65536x256xf32, #tpu.memory_space<hbm>>
        tpu.enqueue_indirect_dma source(%dma_start3A_148 : memref<65536x256xf32, #tpu.memory_space<hbm>>) target(%arg12 : memref<40x256xf32, #tpu.memory_space<vmem>>) offsets(%dma_start3A_145 : memref<40xi32, #tpu.memory_space<vmem>>) semaphore(%arg20 : memref<!tpu.dma_semaphore, #tpu.memory_space<semaphore_mem>>)
        %dma_start3A_149 = tpu.memref_slice %arg10[%mul3A_144] : memref<800xi32, #tpu.memory_space<vmem>> -> memref<40xi32, #tpu.memory_space<vmem>>
        %dma_start3A_150 = arith.constant 0 : i32
        %dma_start3A_151 = arith.constant 0 : i32
        %dma_start3A_152 = tpu.memref_slice %arg6[%dma_start3A_150, %dma_start3A_151] : memref<4096x256xf32, #tpu.memory_space<hbm>> -> memref<4096x256xf32, #tpu.memory_space<hbm>>
        tpu.enqueue_indirect_dma source(%dma_start3A_152 : memref<4096x256xf32, #tpu.memory_space<hbm>>) target(%arg13 : memref<40x256xf32, #tpu.memory_space<vmem>>) offsets(%dma_start3A_149 : memref<40xi32, #tpu.memory_space<vmem>>) semaphore(%arg20 : memref<!tpu.dma_semaphore, #tpu.memory_space<semaphore_mem>>)
        %dma_start3A_153 = tpu.memref_slice %arg11[%mul3A_144] : memref<800xi32, #tpu.memory_space<vmem>> -> memref<40xi32, #tpu.memory_space<vmem>>
        %dma_start3A_154 = arith.constant 0 : i32
        %dma_start3A_155 = arith.constant 0 : i32
        %dma_start3A_156 = tpu.memref_slice %arg7[%dma_start3A_154, %dma_start3A_155] : memref<65536x256xf32, #tpu.memory_space<hbm>> -> memref<65536x256xf32, #tpu.memory_space<hbm>>
        tpu.enqueue_indirect_dma source(%dma_start3A_156 : memref<65536x256xf32, #tpu.memory_space<hbm>>) target(%arg14 : memref<40x256xf32, #tpu.memory_space<vmem>>) offsets(%dma_start3A_153 : memref<40xi32, #tpu.memory_space<vmem>>) semaphore(%arg20 : memref<!tpu.dma_semaphore, #tpu.memory_space<semaphore_mem>>)
      } else {
      }
      %mul3A_95 = arith.constant 2 : i32
      %mul3A_96 = arith.muli %mul3A_95, %scan3A_52 : i32
      %add3A_97 = arith.constant 1 : i32
      %add3A_98 = arith.addi %mul3A_96, %add3A_97 : i32
      %mul3A_99 = arith.constant 40 : i32
      %mul3A_100 = arith.muli %add3A_98, %mul3A_99 : i32
      %dma_wait3A_101 = arith.constant 0 : i32
      %dma_wait3A_102 = tpu.memref_slice %arg9[%dma_wait3A_101] : memref<800xi32, #tpu.memory_space<vmem>> -> memref<40xi32, #tpu.memory_space<vmem>>
      %dma_wait3A_103 = arith.constant 0 : i32
      %dma_wait3A_104 = arith.constant 0 : i32
      %dma_wait3A_105 = tpu.memref_slice %arg5[%dma_wait3A_103, %dma_wait3A_104] : memref<65536x256xf32, #tpu.memory_space<hbm>> -> memref<65536x256xf32, #tpu.memory_space<hbm>>
      tpu.wait_indirect_dma semaphore(%arg21 : memref<!tpu.dma_semaphore, #tpu.memory_space<semaphore_mem>>) src(%dma_wait3A_105 : memref<65536x256xf32, #tpu.memory_space<hbm>>) dst(%arg15 : memref<40x256xf32, #tpu.memory_space<vmem>>)
      %dma_wait3A_106 = arith.constant 0 : i32
      %dma_wait3A_107 = tpu.memref_slice %arg10[%dma_wait3A_106] : memref<800xi32, #tpu.memory_space<vmem>> -> memref<40xi32, #tpu.memory_space<vmem>>
      %dma_wait3A_108 = arith.constant 0 : i32
      %dma_wait3A_109 = arith.constant 0 : i32
      %dma_wait3A_110 = tpu.memref_slice %arg6[%dma_wait3A_108, %dma_wait3A_109] : memref<4096x256xf32, #tpu.memory_space<hbm>> -> memref<4096x256xf32, #tpu.memory_space<hbm>>
      tpu.wait_indirect_dma semaphore(%arg21 : memref<!tpu.dma_semaphore, #tpu.memory_space<semaphore_mem>>) src(%dma_wait3A_110 : memref<4096x256xf32, #tpu.memory_space<hbm>>) dst(%arg16 : memref<40x256xf32, #tpu.memory_space<vmem>>)
      %dma_wait3A_111 = arith.constant 0 : i32
      %dma_wait3A_112 = tpu.memref_slice %arg11[%dma_wait3A_111] : memref<800xi32, #tpu.memory_space<vmem>> -> memref<40xi32, #tpu.memory_space<vmem>>
      %dma_wait3A_113 = arith.constant 0 : i32
      %dma_wait3A_114 = arith.constant 0 : i32
      %dma_wait3A_115 = tpu.memref_slice %arg7[%dma_wait3A_113, %dma_wait3A_114] : memref<65536x256xf32, #tpu.memory_space<hbm>> -> memref<65536x256xf32, #tpu.memory_space<hbm>>
      tpu.wait_indirect_dma semaphore(%arg21 : memref<!tpu.dma_semaphore, #tpu.memory_space<semaphore_mem>>) src(%dma_wait3A_115 : memref<65536x256xf32, #tpu.memory_space<hbm>>) dst(%arg17 : memref<40x256xf32, #tpu.memory_space<vmem>>)
      %gt3A_116 = arith.constant 0 : i32
      %gt3A_117 = arith.cmpi sgt, %scan3A_52, %gt3A_116 : i32
      %convert_element_type3A_118 = arith.extui %gt3A_117 : i1 to i32
      %cond3A_119 = arith.constant 0 : i32
      %cond3A_120 = arith.cmpi ne, %convert_element_type3A_118, %cond3A_119 : i32
      scf.if %cond3A_120 {
        %dma_wait3A_141 = arith.constant 0 : i32
        %dma_wait3A_142 = tpu.memref_slice %arg8[%mul3A_2, %dma_wait3A_141] : memref<25600x256xf32, #tpu.memory_space<hbm>> -> memref<40x256xf32, #tpu.memory_space<hbm>>
        %dma_wait3A_143 = arith.constant 0 : i32
        %dma_wait3A_144 = tpu.memref_slice %arg8[%mul3A_2, %dma_wait3A_143] : memref<25600x256xf32, #tpu.memory_space<hbm>> -> memref<40x256xf32, #tpu.memory_space<hbm>>
        tpu.wait_dma2 semaphore(%arg23 : memref<!tpu.dma_semaphore, #tpu.memory_space<semaphore_mem>>) src(%arg19 : memref<40x256xf32, #tpu.memory_space<vmem>>) dst(%dma_wait3A_144 : memref<40x256xf32, #tpu.memory_space<hbm>>)
      } else {
      }
      %scan3A_121 = arith.constant 0 : i32
      %scan3A_122 = arith.constant 0 : i32
      %scan3A_123 = arith.constant 40 : i32
      %scan3A_124 = arith.addi %scan3A_122, %scan3A_123 : i32
      %scan3A_125 = arith.constant 1 : i32
      %scan3A_126 = scf.for %scan3A_141 = %scan3A_122 to %scan3A_124 step %scan3A_125 iter_args(%scan3A_142 = %scan3A_121) -> (i32)  : i32 {
        %get3A = arith.index_cast %scan3A_141 : i32 to index
        %get3A_143 = arith.constant 0 : index
        %get3A_144 = tpu.vector_load %arg15[%get3A, %get3A_143] {strides = array<i32>} : memref<40x256xf32, #tpu.memory_space<vmem>>, vector<1x16xf32>,
        %get3A_145 = vector.shape_cast %get3A_144 : vector<1x16xf32> to vector<16xf32>
        %get3A_146 = arith.index_cast %scan3A_141 : i32 to index
        %get3A_147 = arith.constant 0 : index
        %get3A_148 = tpu.vector_load %arg16[%get3A_146, %get3A_147] {strides = array<i32>} : memref<40x256xf32, #tpu.memory_space<vmem>>, vector<1x16xf32>,
        %get3A_149 = vector.shape_cast %get3A_148 : vector<1x16xf32> to vector<16xf32>
        %add3A_150 = arith.addf %get3A_145, %get3A_149 : vector<16xf32>
        %get3A_151 = arith.index_cast %scan3A_141 : i32 to index
        %get3A_152 = arith.constant 0 : index
        %get3A_153 = tpu.vector_load %arg17[%get3A_151, %get3A_152] {strides = array<i32>} : memref<40x256xf32, #tpu.memory_space<vmem>>, vector<1x16xf32>,
        %get3A_154 = vector.shape_cast %get3A_153 : vector<1x16xf32> to vector<16xf32>
        %add3A_155 = arith.addf %add3A_150, %get3A_154 : vector<16xf32>
        %swap3A = arith.index_cast %scan3A_141 : i32 to index
        %swap3A_156 = arith.constant 0 : index
        %swap3A_157 = tpu.vector_load %arg19[%swap3A, %swap3A_156] {strides = array<i32>} : memref<40x256xf32, #tpu.memory_space<vmem>>, vector<1x16xf32>,
        %swap3A_158 = vector.shape_cast %swap3A_157 : vector<1x16xf32> to vector<16xf32>
        %swap3A_159 = vector.shape_cast %add3A_155 : vector<16xf32> to vector<1x16xf32>
        tpu.vector_store %arg19[%swap3A, %swap3A_156], %swap3A_159 {strides = array<i32>} : memref<40x256xf32, #tpu.memory_space<vmem>>, vector<1x16xf32>,
        %get3A_160 = arith.index_cast %scan3A_141 : i32 to index
        %get3A_161 = arith.constant 16 : index
        %get3A_162 = tpu.vector_load %arg15[%get3A_160, %get3A_161] {strides = array<i32>} : memref<40x256xf32, #tpu.memory_space<vmem>>, vector<1x16xf32>,
        %get3A_163 = vector.shape_cast %get3A_162 : vector<1x16xf32> to vector<16xf32>
        %get3A_164 = arith.index_cast %scan3A_141 : i32 to index
        %get3A_165 = arith.constant 16 : index
        %get3A_166 = tpu.vector_load %arg16[%get3A_164, %get3A_165] {strides = array<i32>} : memref<40x256xf32, #tpu.memory_space<vmem>>, vector<1x16xf32>,
        %get3A_167 = vector.shape_cast %get3A_166 : vector<1x16xf32> to vector<16xf32>
        %add3A_168 = arith.addf %get3A_163, %get3A_167 : vector<16xf32>
        %get3A_169 = arith.index_cast %scan3A_141 : i32 to index
        %get3A_170 = arith.constant 16 : index
        %get3A_171 = tpu.vector_load %arg17[%get3A_169, %get3A_170] {strides = array<i32>} : memref<40x256xf32, #tpu.memory_space<vmem>>, vector<1x16xf32>,
        %get3A_172 = vector.shape_cast %get3A_171 : vector<1x16xf32> to vector<16xf32>
        %add3A_173 = arith.addf %add3A_168, %get3A_172 : vector<16xf32>
        %swap3A_174 = arith.index_cast %scan3A_141 : i32 to index
        %swap3A_175 = arith.constant 16 : index
        %swap3A_176 = tpu.vector_load %arg19[%swap3A_174, %swap3A_175] {strides = array<i32>} : memref<40x256xf32, #tpu.memory_space<vmem>>, vector<1x16xf32>,
        %swap3A_177 = vector.shape_cast %swap3A_176 : vector<1x16xf32> to vector<16xf32>
        %swap3A_178 = vector.shape_cast %add3A_173 : vector<16xf32> to vector<1x16xf32>
        tpu.vector_store %arg19[%swap3A_174, %swap3A_175], %swap3A_178 {strides = array<i32>} : memref<40x256xf32, #tpu.memory_space<vmem>>, vector<1x16xf32>,
        %get3A_179 = arith.index_cast %scan3A_141 : i32 to index
        %get3A_180 = arith.constant 32 : index
        %get3A_181 = tpu.vector_load %arg15[%get3A_179, %get3A_180] {strides = array<i32>} : memref<40x256xf32, #tpu.memory_space<vmem>>, vector<1x16xf32>,
        %get3A_182 = vector.shape_cast %get3A_181 : vector<1x16xf32> to vector<16xf32>
        %get3A_183 = arith.index_cast %scan3A_141 : i32 to index
        %get3A_184 = arith.constant 32 : index
        %get3A_185 = tpu.vector_load %arg16[%get3A_183, %get3A_184] {strides = array<i32>} : memref<40x256xf32, #tpu.memory_space<vmem>>, vector<1x16xf32>,
        %get3A_186 = vector.shape_cast %get3A_185 : vector<1x16xf32> to vector<16xf32>
        %add3A_187 = arith.addf %get3A_182, %get3A_186 : vector<16xf32>
        %get3A_188 = arith.index_cast %scan3A_141 : i32 to index
        %get3A_189 = arith.constant 32 : index
        %get3A_190 = tpu.vector_load %arg17[%get3A_188, %get3A_189] {strides = array<i32>} : memref<40x256xf32, #tpu.memory_space<vmem>>, vector<1x16xf32>,
        %get3A_191 = vector.shape_cast %get3A_190 : vector<1x16xf32> to vector<16xf32>
        %add3A_192 = arith.addf %add3A_187, %get3A_191 : vector<16xf32>
        %swap3A_193 = arith.index_cast %scan3A_141 : i32 to index
        %swap3A_194 = arith.constant 32 : index
        %swap3A_195 = tpu.vector_load %arg19[%swap3A_193, %swap3A_194] {strides = array<i32>} : memref<40x256xf32, #tpu.memory_space<vmem>>, vector<1x16xf32>,
        %swap3A_196 = vector.shape_cast %swap3A_195 : vector<1x16xf32> to vector<16xf32>
        %swap3A_197 = vector.shape_cast %add3A_192 : vector<16xf32> to vector<1x16xf32>
        tpu.vector_store %arg19[%swap3A_193, %swap3A_194], %swap3A_197 {strides = array<i32>} : memref<40x256xf32, #tpu.memory_space<vmem>>, vector<1x16xf32>,
        %get3A_198 = arith.index_cast %scan3A_141 : i32 to index
        %get3A_199 = arith.constant 48 : index
        %get3A_200 = tpu.vector_load %arg15[%get3A_198, %get3A_199] {strides = array<i32>} : memref<40x256xf32, #tpu.memory_space<vmem>>, vector<1x16xf32>,
        %get3A_201 = vector.shape_cast %get3A_200 : vector<1x16xf32> to vector<16xf32>
        %get3A_202 = arith.index_cast %scan3A_141 : i32 to index
        %get3A_203 = arith.constant 48 : index
        %get3A_204 = tpu.vector_load %arg16[%get3A_202, %get3A_203] {strides = array<i32>} : memref<40x256xf32, #tpu.memory_space<vmem>>, vector<1x16xf32>,
        %get3A_205 = vector.shape_cast %get3A_204 : vector<1x16xf32> to vector<16xf32>
        %add3A_206 = arith.addf %get3A_201, %get3A_205 : vector<16xf32>
        %get3A_207 = arith.index_cast %scan3A_141 : i32 to index
        %get3A_208 = arith.constant 48 : index
        %get3A_209 = tpu.vector_load %arg17[%get3A_207, %get3A_208] {strides = array<i32>} : memref<40x256xf32, #tpu.memory_space<vmem>>, vector<1x16xf32>,
        %get3A_210 = vector.shape_cast %get3A_209 : vector<1x16xf32> to vector<16xf32>
        %add3A_211 = arith.addf %add3A_206, %get3A_210 : vector<16xf32>
        %swap3A_212 = arith.index_cast %scan3A_141 : i32 to index
        %swap3A_213 = arith.constant 48 : index
        %swap3A_214 = tpu.vector_load %arg19[%swap3A_212, %swap3A_213] {strides = array<i32>} : memref<40x256xf32, #tpu.memory_space<vmem>>, vector<1x16xf32>,
        %swap3A_215 = vector.shape_cast %swap3A_214 : vector<1x16xf32> to vector<16xf32>
        %swap3A_216 = vector.shape_cast %add3A_211 : vector<16xf32> to vector<1x16xf32>
        tpu.vector_store %arg19[%swap3A_212, %swap3A_213], %swap3A_216 {strides = array<i32>} : memref<40x256xf32, #tpu.memory_space<vmem>>, vector<1x16xf32>,
        %get3A_217 = arith.index_cast %scan3A_141 : i32 to index
        %get3A_218 = arith.constant 64 : index
        %get3A_219 = tpu.vector_load %arg15[%get3A_217, %get3A_218] {strides = array<i32>} : memref<40x256xf32, #tpu.memory_space<vmem>>, vector<1x16xf32>,
        %get3A_220 = vector.shape_cast %get3A_219 : vector<1x16xf32> to vector<16xf32>
        %get3A_221 = arith.index_cast %scan3A_141 : i32 to index
        %get3A_222 = arith.constant 64 : index
        %get3A_223 = tpu.vector_load %arg16[%get3A_221, %get3A_222] {strides = array<i32>} : memref<40x256xf32, #tpu.memory_space<vmem>>, vector<1x16xf32>,
        %get3A_224 = vector.shape_cast %get3A_223 : vector<1x16xf32> to vector<16xf32>
        %add3A_225 = arith.addf %get3A_220, %get3A_224 : vector<16xf32>
        %get3A_226 = arith.index_cast %scan3A_141 : i32 to index
        %get3A_227 = arith.constant 64 : index
        %get3A_228 = tpu.vector_load %arg17[%get3A_226, %get3A_227] {strides = array<i32>} : memref<40x256xf32, #tpu.memory_space<vmem>>, vector<1x16xf32>,
        %get3A_229 = vector.shape_cast %get3A_228 : vector<1x16xf32> to vector<16xf32>
        %add3A_230 = arith.addf %add3A_225, %get3A_229 : vector<16xf32>
        %swap3A_231 = arith.index_cast %scan3A_141 : i32 to index
        %swap3A_232 = arith.constant 64 : index
        %swap3A_233 = tpu.vector_load %arg19[%swap3A_231, %swap3A_232] {strides = array<i32>} : memref<40x256xf32, #tpu.memory_space<vmem>>, vector<1x16xf32>,
        %swap3A_234 = vector.shape_cast %swap3A_233 : vector<1x16xf32> to vector<16xf32>
        %swap3A_235 = vector.shape_cast %add3A_230 : vector<16xf32> to vector<1x16xf32>
        tpu.vector_store %arg19[%swap3A_231, %swap3A_232], %swap3A_235 {strides = array<i32>} : memref<40x256xf32, #tpu.memory_space<vmem>>, vector<1x16xf32>,
        %get3A_236 = arith.index_cast %scan3A_141 : i32 to index
        %get3A_237 = arith.constant 80 : index
        %get3A_238 = tpu.vector_load %arg15[%get3A_236, %get3A_237] {strides = array<i32>} : memref<40x256xf32, #tpu.memory_space<vmem>>, vector<1x16xf32>,
        %get3A_239 = vector.shape_cast %get3A_238 : vector<1x16xf32> to vector<16xf32>
        %get3A_240 = arith.index_cast %scan3A_141 : i32 to index
        %get3A_241 = arith.constant 80 : index
        %get3A_242 = tpu.vector_load %arg16[%get3A_240, %get3A_241] {strides = array<i32>} : memref<40x256xf32, #tpu.memory_space<vmem>>, vector<1x16xf32>,
        %get3A_243 = vector.shape_cast %get3A_242 : vector<1x16xf32> to vector<16xf32>
        %add3A_244 = arith.addf %get3A_239, %get3A_243 : vector<16xf32>
        %get3A_245 = arith.index_cast %scan3A_141 : i32 to index
        %get3A_246 = arith.constant 80 : index
        %get3A_247 = tpu.vector_load %arg17[%get3A_245, %get3A_246] {strides = array<i32>} : memref<40x256xf32, #tpu.memory_space<vmem>>, vector<1x16xf32>,
        %get3A_248 = vector.shape_cast %get3A_247 : vector<1x16xf32> to vector<16xf32>
        %add3A_249 = arith.addf %add3A_244, %get3A_248 : vector<16xf32>
        %swap3A_250 = arith.index_cast %scan3A_141 : i32 to index
        %swap3A_251 = arith.constant 80 : index
        %swap3A_252 = tpu.vector_load %arg19[%swap3A_250, %swap3A_251] {strides = array<i32>} : memref<40x256xf32, #tpu.memory_space<vmem>>, vector<1x16xf32>,
        %swap3A_253 = vector.shape_cast %swap3A_252 : vector<1x16xf32> to vector<16xf32>
        %swap3A_254 = vector.shape_cast %add3A_249 : vector<16xf32> to vector<1x16xf32>
        tpu.vector_store %arg19[%swap3A_250, %swap3A_251], %swap3A_254 {strides = array<i32>} : memref<40x256xf32, #tpu.memory_space<vmem>>, vector<1x16xf32>,
        %get3A_255 = arith.index_cast %scan3A_141 : i32 to index
        %get3A_256 = arith.constant 96 : index
        %get3A_257 = tpu.vector_load %arg15[%get3A_255, %get3A_256] {strides = array<i32>} : memref<40x256xf32, #tpu.memory_space<vmem>>, vector<1x16xf32>,
        %get3A_258 = vector.shape_cast %get3A_257 : vector<1x16xf32> to vector<16xf32>
        %get3A_259 = arith.index_cast %scan3A_141 : i32 to index
        %get3A_260 = arith.constant 96 : index
        %get3A_261 = tpu.vector_load %arg16[%get3A_259, %get3A_260] {strides = array<i32>} : memref<40x256xf32, #tpu.memory_space<vmem>>, vector<1x16xf32>,
        %get3A_262 = vector.shape_cast %get3A_261 : vector<1x16xf32> to vector<16xf32>
        %add3A_263 = arith.addf %get3A_258, %get3A_262 : vector<16xf32>
        %get3A_264 = arith.index_cast %scan3A_141 : i32 to index
        %get3A_265 = arith.constant 96 : index
        %get3A_266 = tpu.vector_load %arg17[%get3A_264, %get3A_265] {strides = array<i32>} : memref<40x256xf32, #tpu.memory_space<vmem>>, vector<1x16xf32>,
        %get3A_267 = vector.shape_cast %get3A_266 : vector<1x16xf32> to vector<16xf32>
        %add3A_268 = arith.addf %add3A_263, %get3A_267 : vector<16xf32>
        %swap3A_269 = arith.index_cast %scan3A_141 : i32 to index
        %swap3A_270 = arith.constant 96 : index
        %swap3A_271 = tpu.vector_load %arg19[%swap3A_269, %swap3A_270] {strides = array<i32>} : memref<40x256xf32, #tpu.memory_space<vmem>>, vector<1x16xf32>,
        %swap3A_272 = vector.shape_cast %swap3A_271 : vector<1x16xf32> to vector<16xf32>
        %swap3A_273 = vector.shape_cast %add3A_268 : vector<16xf32> to vector<1x16xf32>
        tpu.vector_store %arg19[%swap3A_269, %swap3A_270], %swap3A_273 {strides = array<i32>} : memref<40x256xf32, #tpu.memory_space<vmem>>, vector<1x16xf32>,
        %get3A_274 = arith.index_cast %scan3A_141 : i32 to index
        %get3A_275 = arith.constant 112 : index
        %get3A_276 = tpu.vector_load %arg15[%get3A_274, %get3A_275] {strides = array<i32>} : memref<40x256xf32, #tpu.memory_space<vmem>>, vector<1x16xf32>,
        %get3A_277 = vector.shape_cast %get3A_276 : vector<1x16xf32> to vector<16xf32>
        %get3A_278 = arith.index_cast %scan3A_141 : i32 to index
        %get3A_279 = arith.constant 112 : index
        %get3A_280 = tpu.vector_load %arg16[%get3A_278, %get3A_279] {strides = array<i32>} : memref<40x256xf32, #tpu.memory_space<vmem>>, vector<1x16xf32>,
        %get3A_281 = vector.shape_cast %get3A_280 : vector<1x16xf32> to vector<16xf32>
        %add3A_282 = arith.addf %get3A_277, %get3A_281 : vector<16xf32>
        %get3A_283 = arith.index_cast %scan3A_141 : i32 to index
        %get3A_284 = arith.constant 112 : index
        %get3A_285 = tpu.vector_load %arg17[%get3A_283, %get3A_284] {strides = array<i32>} : memref<40x256xf32, #tpu.memory_space<vmem>>, vector<1x16xf32>,
        %get3A_286 = vector.shape_cast %get3A_285 : vector<1x16xf32> to vector<16xf32>
        %add3A_287 = arith.addf %add3A_282, %get3A_286 : vector<16xf32>
        %swap3A_288 = arith.index_cast %scan3A_141 : i32 to index
        %swap3A_289 = arith.constant 112 : index
        %swap3A_290 = tpu.vector_load %arg19[%swap3A_288, %swap3A_289] {strides = array<i32>} : memref<40x256xf32, #tpu.memory_space<vmem>>, vector<1x16xf32>,
        %swap3A_291 = vector.shape_cast %swap3A_290 : vector<1x16xf32> to vector<16xf32>
        %swap3A_292 = vector.shape_cast %add3A_287 : vector<16xf32> to vector<1x16xf32>
        tpu.vector_store %arg19[%swap3A_288, %swap3A_289], %swap3A_292 {strides = array<i32>} : memref<40x256xf32, #tpu.memory_space<vmem>>, vector<1x16xf32>,
        %get3A_293 = arith.index_cast %scan3A_141 : i32 to index
        %get3A_294 = arith.constant 128 : index
        %get3A_295 = tpu.vector_load %arg15[%get3A_293, %get3A_294] {strides = array<i32>} : memref<40x256xf32, #tpu.memory_space<vmem>>, vector<1x16xf32>,
        %get3A_296 = vector.shape_cast %get3A_295 : vector<1x16xf32> to vector<16xf32>
        %get3A_297 = arith.index_cast %scan3A_141 : i32 to index
        %get3A_298 = arith.constant 128 : index
        %get3A_299 = tpu.vector_load %arg16[%get3A_297, %get3A_298] {strides = array<i32>} : memref<40x256xf32, #tpu.memory_space<vmem>>, vector<1x16xf32>,
        %get3A_300 = vector.shape_cast %get3A_299 : vector<1x16xf32> to vector<16xf32>
        %add3A_301 = arith.addf %get3A_296, %get3A_300 : vector<16xf32>
        %get3A_302 = arith.index_cast %scan3A_141 : i32 to index
        %get3A_303 = arith.constant 128 : index
        %get3A_304 = tpu.vector_load %arg17[%get3A_302, %get3A_303] {strides = array<i32>} : memref<40x256xf32, #tpu.memory_space<vmem>>, vector<1x16xf32>,
        %get3A_305 = vector.shape_cast %get3A_304 : vector<1x16xf32> to vector<16xf32>
        %add3A_306 = arith.addf %add3A_301, %get3A_305 : vector<16xf32>
        %swap3A_307 = arith.index_cast %scan3A_141 : i32 to index
        %swap3A_308 = arith.constant 128 : index
        %swap3A_309 = tpu.vector_load %arg19[%swap3A_307, %swap3A_308] {strides = array<i32>} : memref<40x256xf32, #tpu.memory_space<vmem>>, vector<1x16xf32>,
        %swap3A_310 = vector.shape_cast %swap3A_309 : vector<1x16xf32> to vector<16xf32>
        %swap3A_311 = vector.shape_cast %add3A_306 : vector<16xf32> to vector<1x16xf32>
        tpu.vector_store %arg19[%swap3A_307, %swap3A_308], %swap3A_311 {strides = array<i32>} : memref<40x256xf32, #tpu.memory_space<vmem>>, vector<1x16xf32>,
        %get3A_312 = arith.index_cast %scan3A_141 : i32 to index
        %get3A_313 = arith.constant 144 : index
        %get3A_314 = tpu.vector_load %arg15[%get3A_312, %get3A_313] {strides = array<i32>} : memref<40x256xf32, #tpu.memory_space<vmem>>, vector<1x16xf32>,
        %get3A_315 = vector.shape_cast %get3A_314 : vector<1x16xf32> to vector<16xf32>
        %get3A_316 = arith.index_cast %scan3A_141 : i32 to index
        %get3A_317 = arith.constant 144 : index
        %get3A_318 = tpu.vector_load %arg16[%get3A_316, %get3A_317] {strides = array<i32>} : memref<40x256xf32, #tpu.memory_space<vmem>>, vector<1x16xf32>,
        %get3A_319 = vector.shape_cast %get3A_318 : vector<1x16xf32> to vector<16xf32>
        %add3A_320 = arith.addf %get3A_315, %get3A_319 : vector<16xf32>
        %get3A_321 = arith.index_cast %scan3A_141 : i32 to index
        %get3A_322 = arith.constant 144 : index
        %get3A_323 = tpu.vector_load %arg17[%get3A_321, %get3A_322] {strides = array<i32>} : memref<40x256xf32, #tpu.memory_space<vmem>>, vector<1x16xf32>,
        %get3A_324 = vector.shape_cast %get3A_323 : vector<1x16xf32> to vector<16xf32>
        %add3A_325 = arith.addf %add3A_320, %get3A_324 : vector<16xf32>
        %swap3A_326 = arith.index_cast %scan3A_141 : i32 to index
        %swap3A_327 = arith.constant 144 : index
        %swap3A_328 = tpu.vector_load %arg19[%swap3A_326, %swap3A_327] {strides = array<i32>} : memref<40x256xf32, #tpu.memory_space<vmem>>, vector<1x16xf32>,
        %swap3A_329 = vector.shape_cast %swap3A_328 : vector<1x16xf32> to vector<16xf32>
        %swap3A_330 = vector.shape_cast %add3A_325 : vector<16xf32> to vector<1x16xf32>
        tpu.vector_store %arg19[%swap3A_326, %swap3A_327], %swap3A_330 {strides = array<i32>} : memref<40x256xf32, #tpu.memory_space<vmem>>, vector<1x16xf32>,
        %get3A_331 = arith.index_cast %scan3A_141 : i32 to index
        %get3A_332 = arith.constant 160 : index
        %get3A_333 = tpu.vector_load %arg15[%get3A_331, %get3A_332] {strides = array<i32>} : memref<40x256xf32, #tpu.memory_space<vmem>>, vector<1x16xf32>,
        %get3A_334 = vector.shape_cast %get3A_333 : vector<1x16xf32> to vector<16xf32>
        %get3A_335 = arith.index_cast %scan3A_141 : i32 to index
        %get3A_336 = arith.constant 160 : index
        %get3A_337 = tpu.vector_load %arg16[%get3A_335, %get3A_336] {strides = array<i32>} : memref<40x256xf32, #tpu.memory_space<vmem>>, vector<1x16xf32>,
        %get3A_338 = vector.shape_cast %get3A_337 : vector<1x16xf32> to vector<16xf32>
        %add3A_339 = arith.addf %get3A_334, %get3A_338 : vector<16xf32>
        %get3A_340 = arith.index_cast %scan3A_141 : i32 to index
        %get3A_341 = arith.constant 160 : index
        %get3A_342 = tpu.vector_load %arg17[%get3A_340, %get3A_341] {strides = array<i32>} : memref<40x256xf32, #tpu.memory_space<vmem>>, vector<1x16xf32>,
        %get3A_343 = vector.shape_cast %get3A_342 : vector<1x16xf32> to vector<16xf32>
        %add3A_344 = arith.addf %add3A_339, %get3A_343 : vector<16xf32>
        %swap3A_345 = arith.index_cast %scan3A_141 : i32 to index
        %swap3A_346 = arith.constant 160 : index
        %swap3A_347 = tpu.vector_load %arg19[%swap3A_345, %swap3A_346] {strides = array<i32>} : memref<40x256xf32, #tpu.memory_space<vmem>>, vector<1x16xf32>,
        %swap3A_348 = vector.shape_cast %swap3A_347 : vector<1x16xf32> to vector<16xf32>
        %swap3A_349 = vector.shape_cast %add3A_344 : vector<16xf32> to vector<1x16xf32>
        tpu.vector_store %arg19[%swap3A_345, %swap3A_346], %swap3A_349 {strides = array<i32>} : memref<40x256xf32, #tpu.memory_space<vmem>>, vector<1x16xf32>,
        %get3A_350 = arith.index_cast %scan3A_141 : i32 to index
        %get3A_351 = arith.constant 176 : index
        %get3A_352 = tpu.vector_load %arg15[%get3A_350, %get3A_351] {strides = array<i32>} : memref<40x256xf32, #tpu.memory_space<vmem>>, vector<1x16xf32>,
        %get3A_353 = vector.shape_cast %get3A_352 : vector<1x16xf32> to vector<16xf32>
        %get3A_354 = arith.index_cast %scan3A_141 : i32 to index
        %get3A_355 = arith.constant 176 : index
        %get3A_356 = tpu.vector_load %arg16[%get3A_354, %get3A_355] {strides = array<i32>} : memref<40x256xf32, #tpu.memory_space<vmem>>, vector<1x16xf32>,
        %get3A_357 = vector.shape_cast %get3A_356 : vector<1x16xf32> to vector<16xf32>
        %add3A_358 = arith.addf %get3A_353, %get3A_357 : vector<16xf32>
        %get3A_359 = arith.index_cast %scan3A_141 : i32 to index
        %get3A_360 = arith.constant 176 : index
        %get3A_361 = tpu.vector_load %arg17[%get3A_359, %get3A_360] {strides = array<i32>} : memref<40x256xf32, #tpu.memory_space<vmem>>, vector<1x16xf32>,
        %get3A_362 = vector.shape_cast %get3A_361 : vector<1x16xf32> to vector<16xf32>
        %add3A_363 = arith.addf %add3A_358, %get3A_362 : vector<16xf32>
        %swap3A_364 = arith.index_cast %scan3A_141 : i32 to index
        %swap3A_365 = arith.constant 176 : index
        %swap3A_366 = tpu.vector_load %arg19[%swap3A_364, %swap3A_365] {strides = array<i32>} : memref<40x256xf32, #tpu.memory_space<vmem>>, vector<1x16xf32>,
        %swap3A_367 = vector.shape_cast %swap3A_366 : vector<1x16xf32> to vector<16xf32>
        %swap3A_368 = vector.shape_cast %add3A_363 : vector<16xf32> to vector<1x16xf32>
        tpu.vector_store %arg19[%swap3A_364, %swap3A_365], %swap3A_368 {strides = array<i32>} : memref<40x256xf32, #tpu.memory_space<vmem>>, vector<1x16xf32>,
        %get3A_369 = arith.index_cast %scan3A_141 : i32 to index
        %get3A_370 = arith.constant 192 : index
        %get3A_371 = tpu.vector_load %arg15[%get3A_369, %get3A_370] {strides = array<i32>} : memref<40x256xf32, #tpu.memory_space<vmem>>, vector<1x16xf32>,
        %get3A_372 = vector.shape_cast %get3A_371 : vector<1x16xf32> to vector<16xf32>
        %get3A_373 = arith.index_cast %scan3A_141 : i32 to index
        %get3A_374 = arith.constant 192 : index
        %get3A_375 = tpu.vector_load %arg16[%get3A_373, %get3A_374] {strides = array<i32>} : memref<40x256xf32, #tpu.memory_space<vmem>>, vector<1x16xf32>,
        %get3A_376 = vector.shape_cast %get3A_375 : vector<1x16xf32> to vector<16xf32>
        %add3A_377 = arith.addf %get3A_372, %get3A_376 : vector<16xf32>
        %get3A_378 = arith.index_cast %scan3A_141 : i32 to index
        %get3A_379 = arith.constant 192 : index
        %get3A_380 = tpu.vector_load %arg17[%get3A_378, %get3A_379] {strides = array<i32>} : memref<40x256xf32, #tpu.memory_space<vmem>>, vector<1x16xf32>,
        %get3A_381 = vector.shape_cast %get3A_380 : vector<1x16xf32> to vector<16xf32>
        %add3A_382 = arith.addf %add3A_377, %get3A_381 : vector<16xf32>
        %swap3A_383 = arith.index_cast %scan3A_141 : i32 to index
        %swap3A_384 = arith.constant 192 : index
        %swap3A_385 = tpu.vector_load %arg19[%swap3A_383, %swap3A_384] {strides = array<i32>} : memref<40x256xf32, #tpu.memory_space<vmem>>, vector<1x16xf32>,
        %swap3A_386 = vector.shape_cast %swap3A_385 : vector<1x16xf32> to vector<16xf32>
        %swap3A_387 = vector.shape_cast %add3A_382 : vector<16xf32> to vector<1x16xf32>
        tpu.vector_store %arg19[%swap3A_383, %swap3A_384], %swap3A_387 {strides = array<i32>} : memref<40x256xf32, #tpu.memory_space<vmem>>, vector<1x16xf32>,
        %get3A_388 = arith.index_cast %scan3A_141 : i32 to index
        %get3A_389 = arith.constant 208 : index
        %get3A_390 = tpu.vector_load %arg15[%get3A_388, %get3A_389] {strides = array<i32>} : memref<40x256xf32, #tpu.memory_space<vmem>>, vector<1x16xf32>,
        %get3A_391 = vector.shape_cast %get3A_390 : vector<1x16xf32> to vector<16xf32>
        %get3A_392 = arith.index_cast %scan3A_141 : i32 to index
        %get3A_393 = arith.constant 208 : index
        %get3A_394 = tpu.vector_load %arg16[%get3A_392, %get3A_393] {strides = array<i32>} : memref<40x256xf32, #tpu.memory_space<vmem>>, vector<1x16xf32>,
        %get3A_395 = vector.shape_cast %get3A_394 : vector<1x16xf32> to vector<16xf32>
        %add3A_396 = arith.addf %get3A_391, %get3A_395 : vector<16xf32>
        %get3A_397 = arith.index_cast %scan3A_141 : i32 to index
        %get3A_398 = arith.constant 208 : index
        %get3A_399 = tpu.vector_load %arg17[%get3A_397, %get3A_398] {strides = array<i32>} : memref<40x256xf32, #tpu.memory_space<vmem>>, vector<1x16xf32>,
        %get3A_400 = vector.shape_cast %get3A_399 : vector<1x16xf32> to vector<16xf32>
        %add3A_401 = arith.addf %add3A_396, %get3A_400 : vector<16xf32>
        %swap3A_402 = arith.index_cast %scan3A_141 : i32 to index
        %swap3A_403 = arith.constant 208 : index
        %swap3A_404 = tpu.vector_load %arg19[%swap3A_402, %swap3A_403] {strides = array<i32>} : memref<40x256xf32, #tpu.memory_space<vmem>>, vector<1x16xf32>,
        %swap3A_405 = vector.shape_cast %swap3A_404 : vector<1x16xf32> to vector<16xf32>
        %swap3A_406 = vector.shape_cast %add3A_401 : vector<16xf32> to vector<1x16xf32>
        tpu.vector_store %arg19[%swap3A_402, %swap3A_403], %swap3A_406 {strides = array<i32>} : memref<40x256xf32, #tpu.memory_space<vmem>>, vector<1x16xf32>,
        %get3A_407 = arith.index_cast %scan3A_141 : i32 to index
        %get3A_408 = arith.constant 224 : index
        %get3A_409 = tpu.vector_load %arg15[%get3A_407, %get3A_408] {strides = array<i32>} : memref<40x256xf32, #tpu.memory_space<vmem>>, vector<1x16xf32>,
        %get3A_410 = vector.shape_cast %get3A_409 : vector<1x16xf32> to vector<16xf32>
        %get3A_411 = arith.index_cast %scan3A_141 : i32 to index
        %get3A_412 = arith.constant 224 : index
        %get3A_413 = tpu.vector_load %arg16[%get3A_411, %get3A_412] {strides = array<i32>} : memref<40x256xf32, #tpu.memory_space<vmem>>, vector<1x16xf32>,
        %get3A_414 = vector.shape_cast %get3A_413 : vector<1x16xf32> to vector<16xf32>
        %add3A_415 = arith.addf %get3A_410, %get3A_414 : vector<16xf32>
        %get3A_416 = arith.index_cast %scan3A_141 : i32 to index
        %get3A_417 = arith.constant 224 : index
        %get3A_418 = tpu.vector_load %arg17[%get3A_416, %get3A_417] {strides = array<i32>} : memref<40x256xf32, #tpu.memory_space<vmem>>, vector<1x16xf32>,
        %get3A_419 = vector.shape_cast %get3A_418 : vector<1x16xf32> to vector<16xf32>
        %add3A_420 = arith.addf %add3A_415, %get3A_419 : vector<16xf32>
        %swap3A_421 = arith.index_cast %scan3A_141 : i32 to index
        %swap3A_422 = arith.constant 224 : index
        %swap3A_423 = tpu.vector_load %arg19[%swap3A_421, %swap3A_422] {strides = array<i32>} : memref<40x256xf32, #tpu.memory_space<vmem>>, vector<1x16xf32>,
        %swap3A_424 = vector.shape_cast %swap3A_423 : vector<1x16xf32> to vector<16xf32>
        %swap3A_425 = vector.shape_cast %add3A_420 : vector<16xf32> to vector<1x16xf32>
        tpu.vector_store %arg19[%swap3A_421, %swap3A_422], %swap3A_425 {strides = array<i32>} : memref<40x256xf32, #tpu.memory_space<vmem>>, vector<1x16xf32>,
        %get3A_426 = arith.index_cast %scan3A_141 : i32 to index
        %get3A_427 = arith.constant 240 : index
        %get3A_428 = tpu.vector_load %arg15[%get3A_426, %get3A_427] {strides = array<i32>} : memref<40x256xf32, #tpu.memory_space<vmem>>, vector<1x16xf32>,
        %get3A_429 = vector.shape_cast %get3A_428 : vector<1x16xf32> to vector<16xf32>
        %get3A_430 = arith.index_cast %scan3A_141 : i32 to index
        %get3A_431 = arith.constant 240 : index
        %get3A_432 = tpu.vector_load %arg16[%get3A_430, %get3A_431] {strides = array<i32>} : memref<40x256xf32, #tpu.memory_space<vmem>>, vector<1x16xf32>,
        %get3A_433 = vector.shape_cast %get3A_432 : vector<1x16xf32> to vector<16xf32>
        %add3A_434 = arith.addf %get3A_429, %get3A_433 : vector<16xf32>
        %get3A_435 = arith.index_cast %scan3A_141 : i32 to index
        %get3A_436 = arith.constant 240 : index
        %get3A_437 = tpu.vector_load %arg17[%get3A_435, %get3A_436] {strides = array<i32>} : memref<40x256xf32, #tpu.memory_space<vmem>>, vector<1x16xf32>,
        %get3A_438 = vector.shape_cast %get3A_437 : vector<1x16xf32> to vector<16xf32>
        %add3A_439 = arith.addf %add3A_434, %get3A_438 : vector<16xf32>
        %swap3A_440 = arith.index_cast %scan3A_141 : i32 to index
        %swap3A_441 = arith.constant 240 : index
        %swap3A_442 = tpu.vector_load %arg19[%swap3A_440, %swap3A_441] {strides = array<i32>} : memref<40x256xf32, #tpu.memory_space<vmem>>, vector<1x16xf32>,
        %swap3A_443 = vector.shape_cast %swap3A_442 : vector<1x16xf32> to vector<16xf32>
        %swap3A_444 = vector.shape_cast %add3A_439 : vector<16xf32> to vector<1x16xf32>
        tpu.vector_store %arg19[%swap3A_440, %swap3A_441], %swap3A_444 {strides = array<i32>} : memref<40x256xf32, #tpu.memory_space<vmem>>, vector<1x16xf32>,
        %scan3A_445 = arith.constant 0 : i32
        scf.yield %scan3A_445 : i32
      }
      %scan3A_127 = arith.constant 40 : i32
      %add3A_128 = arith.addi %mul3A_2, %mul3A_100 : i32
      %dma_start3A_129 = arith.constant 0 : i32
      %dma_start3A_130 = tpu.memref_slice %arg8[%add3A_128, %dma_start3A_129] : memref<25600x256xf32, #tpu.memory_space<hbm>> -> memref<40x256xf32, #tpu.memory_space<hbm>>
      %dma_start3A_131 = arith.constant 0 : i32
      %dma_start3A_132 = tpu.memref_slice %arg8[%add3A_128, %dma_start3A_131] : memref<25600x256xf32, #tpu.memory_space<hbm>> -> memref<40x256xf32, #tpu.memory_space<hbm>>
      tpu.enqueue_dma source(%arg19 : memref<40x256xf32, #tpu.memory_space<vmem>>) target(%dma_start3A_132 : memref<40x256xf32, #tpu.memory_space<hbm>>) target_semaphore(%arg23 : memref<!tpu.dma_semaphore, #tpu.memory_space<semaphore_mem>>)
      %add3A_133 = arith.constant 2 : i32
      %add3A_134 = arith.addi %add3A_98, %add3A_133 : i32
      %lt3A_135 = arith.constant 20 : i32
      %lt3A_136 = arith.cmpi slt, %add3A_134, %lt3A_135 : i32
      %convert_element_type3A_137 = arith.extui %lt3A_136 : i1 to i32
      %cond3A_138 = arith.constant 0 : i32
      %cond3A_139 = arith.cmpi ne, %convert_element_type3A_137, %cond3A_138 : i32
      scf.if %cond3A_139 {
        %add3A_141 = arith.constant 2 : i32
        %add3A_142 = arith.addi %add3A_98, %add3A_141 : i32
        %mul3A_143 = arith.constant 40 : i32
        %mul3A_144 = arith.muli %add3A_142, %mul3A_143 : i32
        %dma_start3A_145 = tpu.memref_slice %arg9[%mul3A_144] : memref<800xi32, #tpu.memory_space<vmem>> -> memref<40xi32, #tpu.memory_space<vmem>>
        %dma_start3A_146 = arith.constant 0 : i32
        %dma_start3A_147 = arith.constant 0 : i32
        %dma_start3A_148 = tpu.memref_slice %arg5[%dma_start3A_146, %dma_start3A_147] : memref<65536x256xf32, #tpu.memory_space<hbm>> -> memref<65536x256xf32, #tpu.memory_space<hbm>>
        tpu.enqueue_indirect_dma source(%dma_start3A_148 : memref<65536x256xf32, #tpu.memory_space<hbm>>) target(%arg15 : memref<40x256xf32, #tpu.memory_space<vmem>>) offsets(%dma_start3A_145 : memref<40xi32, #tpu.memory_space<vmem>>) semaphore(%arg21 : memref<!tpu.dma_semaphore, #tpu.memory_space<semaphore_mem>>)
        %dma_start3A_149 = tpu.memref_slice %arg10[%mul3A_144] : memref<800xi32, #tpu.memory_space<vmem>> -> memref<40xi32, #tpu.memory_space<vmem>>
        %dma_start3A_150 = arith.constant 0 : i32
        %dma_start3A_151 = arith.constant 0 : i32
        %dma_start3A_152 = tpu.memref_slice %arg6[%dma_start3A_150, %dma_start3A_151] : memref<4096x256xf32, #tpu.memory_space<hbm>> -> memref<4096x256xf32, #tpu.memory_space<hbm>>
        tpu.enqueue_indirect_dma source(%dma_start3A_152 : memref<4096x256xf32, #tpu.memory_space<hbm>>) target(%arg16 : memref<40x256xf32, #tpu.memory_space<vmem>>) offsets(%dma_start3A_149 : memref<40xi32, #tpu.memory_space<vmem>>) semaphore(%arg21 : memref<!tpu.dma_semaphore, #tpu.memory_space<semaphore_mem>>)
        %dma_start3A_153 = tpu.memref_slice %arg11[%mul3A_144] : memref<800xi32, #tpu.memory_space<vmem>> -> memref<40xi32, #tpu.memory_space<vmem>>
        %dma_start3A_154 = arith.constant 0 : i32
        %dma_start3A_155 = arith.constant 0 : i32
        %dma_start3A_156 = tpu.memref_slice %arg7[%dma_start3A_154, %dma_start3A_155] : memref<65536x256xf32, #tpu.memory_space<hbm>> -> memref<65536x256xf32, #tpu.memory_space<hbm>>
        tpu.enqueue_indirect_dma source(%dma_start3A_156 : memref<65536x256xf32, #tpu.memory_space<hbm>>) target(%arg17 : memref<40x256xf32, #tpu.memory_space<vmem>>) offsets(%dma_start3A_153 : memref<40xi32, #tpu.memory_space<vmem>>) semaphore(%arg21 : memref<!tpu.dma_semaphore, #tpu.memory_space<semaphore_mem>>)
      } else {
      }
      %scan3A_140 = arith.constant 0 : i32
      scf.yield %scan3A_140 : i32
    }
    %scan3A_44 = arith.constant 10 : i32
    %dma_wait3A = arith.constant 0 : i32
    %dma_wait3A_45 = tpu.memref_slice %arg8[%mul3A_2, %dma_wait3A] : memref<25600x256xf32, #tpu.memory_space<hbm>> -> memref<40x256xf32, #tpu.memory_space<hbm>>
    %dma_wait3A_46 = arith.constant 0 : i32
    %dma_wait3A_47 = tpu.memref_slice %arg8[%mul3A_2, %dma_wait3A_46] : memref<25600x256xf32, #tpu.memory_space<hbm>> -> memref<40x256xf32, #tpu.memory_space<hbm>>
    tpu.wait_dma2 semaphore(%arg22 : memref<!tpu.dma_semaphore, #tpu.memory_space<semaphore_mem>>) src(%arg18 : memref<40x256xf32, #tpu.memory_space<vmem>>) dst(%dma_wait3A_47 : memref<40x256xf32, #tpu.memory_space<hbm>>)
    %dma_wait3A_48 = arith.constant 0 : i32
    %dma_wait3A_49 = tpu.memref_slice %arg8[%mul3A_2, %dma_wait3A_48] : memref<25600x256xf32, #tpu.memory_space<hbm>> -> memref<40x256xf32, #tpu.memory_space<hbm>>
    %dma_wait3A_50 = arith.constant 0 : i32
    %dma_wait3A_51 = tpu.memref_slice %arg8[%mul3A_2, %dma_wait3A_50] : memref<25600x256xf32, #tpu.memory_space<hbm>> -> memref<40x256xf32, #tpu.memory_space<hbm>>
    tpu.wait_dma2 semaphore(%arg23 : memref<!tpu.dma_semaphore, #tpu.memory_space<semaphore_mem>>) src(%arg19 : memref<40x256xf32, #tpu.memory_space<vmem>>) dst(%dma_wait3A_51 : memref<40x256xf32, #tpu.memory_space<hbm>>)
    return
  }
}

module attributes {stable_mosaic.version = 14 : i64} {
  func.func @_tc_body(%arg0: i32, %arg1: memref<1600x256xf32, #tpu.memory_space<vmem>>, %arg2: memref<8x200x16xf32, #tpu.memory_space<vmem>>, %arg3: memref<8x200xi32, #tpu.memory_space<vmem>>, %arg4: memref<8x256xf32, #tpu.memory_space<vmem>>, %arg5: memref<128x256xf32, #tpu.memory_space<vmem>>, %arg6: memref<1600x256xf32, #tpu.memory_space<vmem>>, %arg7: memref<200x200xbf16, #tpu.memory_space<vmem>>, %arg8: memref<1600x8xbf16, #tpu.memory_space<vmem>>, %arg9: memref<8x1600xbf16, #tpu.memory_space<vmem>>, %arg10: memref<16x256xf32, #tpu.memory_space<vmem>>, %arg11: memref<1x256xf32, #tpu.memory_space<vmem>>, %arg12: memref<1x256xf32, #tpu.memory_space<vmem>>, %arg13: memref<1x256xf32, #tpu.memory_space<vmem>>, %arg14: memref<256x256xf32, #tpu.memory_space<vmem>>, %arg15: memref<1x256xf32, #tpu.memory_space<vmem>>, %arg16: memref<256x256xf32, #tpu.memory_space<vmem>>, %arg17: memref<1x256xf32, #tpu.memory_space<vmem>>, %arg18: memref<256x256xf32, #tpu.memory_space<vmem>>, %arg19: memref<1x256xf32, #tpu.memory_space<vmem>>, %arg20: memref<256x256xf32, #tpu.memory_space<vmem>>, %arg21: memref<1x256xf32, #tpu.memory_space<vmem>>, %arg22: memref<256x512xf32, #tpu.memory_space<vmem>>, %arg23: memref<1x512xf32, #tpu.memory_space<vmem>>, %arg24: memref<8x512xf32, #tpu.memory_space<vmem>>) attributes {dimension_semantics = [#tpu.dimension_semantics<arbitrary>], iteration_bounds = array<i64: 16>, scalar_prefetch = 0 : i64, scratch_operands = 0 : i64, tpu.core_type = #tpu.core_type<tc>, window_params = [{transform_indices = @transform_0, window_bounds = array<i64: 1600, 256>}, {transform_indices = @transform_1, window_bounds = array<i64: 8, 200, 16>}, {transform_indices = @transform_2, window_bounds = array<i64: 8, 200>}, {pipeline_mode = #tpu.pipeline_mode<synchronous>, transform_indices = @transform_3, window_bounds = array<i64: 8, 256>}, {pipeline_mode = #tpu.pipeline_mode<synchronous>, transform_indices = @transform_4, window_bounds = array<i64: 128, 256>}, {pipeline_mode = #tpu.pipeline_mode<synchronous>, transform_indices = @transform_5, window_bounds = array<i64: 1600, 256>}, {pipeline_mode = #tpu.pipeline_mode<synchronous>, transform_indices = @transform_6, window_bounds = array<i64: 200, 200>}, {pipeline_mode = #tpu.pipeline_mode<synchronous>, transform_indices = @transform_7, window_bounds = array<i64: 1600, 8>}, {pipeline_mode = #tpu.pipeline_mode<synchronous>, transform_indices = @transform_8, window_bounds = array<i64: 8, 1600>}, {pipeline_mode = #tpu.pipeline_mode<synchronous>, transform_indices = @transform_9, window_bounds = array<i64: 16, 256>}, {pipeline_mode = #tpu.pipeline_mode<synchronous>, transform_indices = @transform_10, window_bounds = array<i64: 1, 256>}, {pipeline_mode = #tpu.pipeline_mode<synchronous>, transform_indices = @transform_11, window_bounds = array<i64: 1, 256>}, {pipeline_mode = #tpu.pipeline_mode<synchronous>, transform_indices = @transform_12, window_bounds = array<i64: 1, 256>}, {pipeline_mode = #tpu.pipeline_mode<synchronous>, transform_indices = @transform_13, window_bounds = array<i64: 256, 256>}, {pipeline_mode = #tpu.pipeline_mode<synchronous>, transform_indices = @transform_14, window_bounds = array<i64: 1, 256>}, {pipeline_mode = #tpu.pipeline_mode<synchronous>, transform_indices = @transform_15, window_bounds = array<i64: 256, 256>}, {pipeline_mode = #tpu.pipeline_mode<synchronous>, transform_indices = @transform_16, window_bounds = array<i64: 1, 256>}, {pipeline_mode = #tpu.pipeline_mode<synchronous>, transform_indices = @transform_17, window_bounds = array<i64: 256, 256>}, {pipeline_mode = #tpu.pipeline_mode<synchronous>, transform_indices = @transform_18, window_bounds = array<i64: 1, 256>}, {pipeline_mode = #tpu.pipeline_mode<synchronous>, transform_indices = @transform_19, window_bounds = array<i64: 256, 256>}, {pipeline_mode = #tpu.pipeline_mode<synchronous>, transform_indices = @transform_20, window_bounds = array<i64: 1, 256>}, {pipeline_mode = #tpu.pipeline_mode<synchronous>, transform_indices = @transform_21, window_bounds = array<i64: 256, 512>}, {pipeline_mode = #tpu.pipeline_mode<synchronous>, transform_indices = @transform_22, window_bounds = array<i64: 1, 512>}, {transform_indices = @transform_23, window_bounds = array<i64: 8, 512>}]} {
    %get3A = arith.constant 0 : index
    %get3A_0 = arith.constant 0 : index
    %get3A_1 = vector.load %arg3[%get3A, %get3A_0] : memref<8x200xi32, #tpu.memory_space<vmem>>, vector<8x200xi32>
    %transpose3A = tpu.transpose %get3A_1, [1, 0] : vector<8x200xi32> -> vector<200x8xi32>
    %slice3A = vector.extract_strided_slice %transpose3A {offsets = [0, 0], sizes = [200, 1], strides = [1, 1]} : vector<200x8xi32> to vector<200x1xi32>
    %slice3A_2 = vector.extract_strided_slice %transpose3A {offsets = [0, 1], sizes = [200, 1], strides = [1, 1]} : vector<200x8xi32> to vector<200x1xi32>
    %slice3A_3 = vector.extract_strided_slice %transpose3A {offsets = [0, 2], sizes = [200, 1], strides = [1, 1]} : vector<200x8xi32> to vector<200x1xi32>
    %slice3A_4 = vector.extract_strided_slice %transpose3A {offsets = [0, 3], sizes = [200, 1], strides = [1, 1]} : vector<200x8xi32> to vector<200x1xi32>
    %slice3A_5 = vector.extract_strided_slice %transpose3A {offsets = [0, 4], sizes = [200, 1], strides = [1, 1]} : vector<200x8xi32> to vector<200x1xi32>
    %slice3A_6 = vector.extract_strided_slice %transpose3A {offsets = [0, 5], sizes = [200, 1], strides = [1, 1]} : vector<200x8xi32> to vector<200x1xi32>
    %slice3A_7 = vector.extract_strided_slice %transpose3A {offsets = [0, 6], sizes = [200, 1], strides = [1, 1]} : vector<200x8xi32> to vector<200x1xi32>
    %slice3A_8 = vector.extract_strided_slice %transpose3A {offsets = [0, 7], sizes = [200, 1], strides = [1, 1]} : vector<200x8xi32> to vector<200x1xi32>
    %concatenate3A = tpu.concatenate %slice3A, %slice3A_2, %slice3A_3, %slice3A_4, %slice3A_5, %slice3A_6, %slice3A_7, %slice3A_8 in 0 : vector<200x1xi32>, vector<200x1xi32>, vector<200x1xi32>, vector<200x1xi32>, vector<200x1xi32>, vector<200x1xi32>, vector<200x1xi32>, vector<200x1xi32> -> vector<1600x1xi32>
    %and3A = arith.constant 7 : i32
    %and3A_9 = vector.broadcast %and3A : i32 to vector<1600x1xi32>
    %and3A_10 = arith.andi %concatenate3A, %and3A_9 : vector<1600x1xi32>
    %iota3A = tpu.iota {dimensions = array<i32: 1>} : vector<1600x8xi32>
    %eq3A = vector.broadcast %and3A_10 : vector<1600x1xi32> to vector<1600x8xi32>
    %eq3A_11 = arith.cmpi eq, %eq3A, %iota3A : vector<1600x8xi32>
    %convert_element_type3A = arith.extui %eq3A_11 : vector<1600x8xi1> to vector<1600x8xi32>
    %convert_element_type3A_12 = arith.sitofp %convert_element_type3A : vector<1600x8xi32> to vector<1600x8xf32>
    %convert_element_type3A_13 = arith.truncf %convert_element_type3A_12 : vector<1600x8xf32> to vector<1600x8xbf16>
    %shift_right_logical3A = arith.constant 3 : i32
    %shift_right_logical3A_14 = vector.broadcast %shift_right_logical3A : i32 to vector<1600x1xi32>
    %shift_right_logical3A_15 = arith.shrui %concatenate3A, %shift_right_logical3A_14 : vector<1600x1xi32>
    %iota3A_16 = tpu.iota {dimensions = array<i32: 1>} : vector<1600x128xi32>
    %eq3A_17 = vector.broadcast %shift_right_logical3A_15 : vector<1600x1xi32> to vector<1600x128xi32>
    %eq3A_18 = arith.cmpi eq, %eq3A_17, %iota3A_16 : vector<1600x128xi32>
    %convert_element_type3A_19 = arith.extui %eq3A_18 : vector<1600x128xi1> to vector<1600x128xi32>
    %convert_element_type3A_20 = arith.sitofp %convert_element_type3A_19 : vector<1600x128xi32> to vector<1600x128xf32>
    %convert_element_type3A_21 = arith.truncf %convert_element_type3A_20 : vector<1600x128xf32> to vector<1600x128xbf16>
    %get3A_22 = arith.constant 0 : index
    %get3A_23 = arith.constant 0 : index
    %get3A_24 = vector.load %arg10[%get3A_22, %get3A_23] : memref<16x256xf32, #tpu.memory_space<vmem>>, vector<16x256xf32>
    %get3A_25 = arith.constant 0 : index
    %get3A_26 = arith.constant 0 : index
    %get3A_27 = arith.constant 0 : index
    %get3A_28 = vector.load %arg2[%get3A_25, %get3A_26, %get3A_27] : memref<8x200x16xf32, #tpu.memory_space<vmem>>, vector<1x200x16xf32>
    %get3A_29 = vector.shape_cast %get3A_28 : vector<1x200x16xf32> to vector<200x16xf32>
    %dot_general3A = arith.constant dense<0.000000e+00> : vector<200x256xf32>
    %dot_general3A_30 = tpu.matmul %get3A_29, %get3A_24, %dot_general3A {dimension_numbers = #tpu.dot_dimension_numbers<[1], [0], [0], [1], [0, 0, 1, 1], [], []>, transpose_lhs_hint = false} : vector<200x16xf32>, vector<16x256xf32>, vector<200x256xf32> -> vector<200x256xf32>
    %get3A_31 = arith.constant 1 : index
    %get3A_32 = arith.constant 0 : index
    %get3A_33 = arith.constant 0 : index
    %get3A_34 = vector.load %arg2[%get3A_31, %get3A_32, %get3A_33] : memref<8x200x16xf32, #tpu.memory_space<vmem>>, vector<1x200x16xf32>
    %get3A_35 = vector.shape_cast %get3A_34 : vector<1x200x16xf32> to vector<200x16xf32>
    %dot_general3A_36 = arith.constant dense<0.000000e+00> : vector<200x256xf32>
    %dot_general3A_37 = tpu.matmul %get3A_35, %get3A_24, %dot_general3A_36 {dimension_numbers = #tpu.dot_dimension_numbers<[1], [0], [0], [1], [0, 0, 1, 1], [], []>, transpose_lhs_hint = false} : vector<200x16xf32>, vector<16x256xf32>, vector<200x256xf32> -> vector<200x256xf32>
    %get3A_38 = arith.constant 2 : index
    %get3A_39 = arith.constant 0 : index
    %get3A_40 = arith.constant 0 : index
    %get3A_41 = vector.load %arg2[%get3A_38, %get3A_39, %get3A_40] : memref<8x200x16xf32, #tpu.memory_space<vmem>>, vector<1x200x16xf32>
    %get3A_42 = vector.shape_cast %get3A_41 : vector<1x200x16xf32> to vector<200x16xf32>
    %dot_general3A_43 = arith.constant dense<0.000000e+00> : vector<200x256xf32>
    %dot_general3A_44 = tpu.matmul %get3A_42, %get3A_24, %dot_general3A_43 {dimension_numbers = #tpu.dot_dimension_numbers<[1], [0], [0], [1], [0, 0, 1, 1], [], []>, transpose_lhs_hint = false} : vector<200x16xf32>, vector<16x256xf32>, vector<200x256xf32> -> vector<200x256xf32>
    %get3A_45 = arith.constant 3 : index
    %get3A_46 = arith.constant 0 : index
    %get3A_47 = arith.constant 0 : index
    %get3A_48 = vector.load %arg2[%get3A_45, %get3A_46, %get3A_47] : memref<8x200x16xf32, #tpu.memory_space<vmem>>, vector<1x200x16xf32>
    %get3A_49 = vector.shape_cast %get3A_48 : vector<1x200x16xf32> to vector<200x16xf32>
    %dot_general3A_50 = arith.constant dense<0.000000e+00> : vector<200x256xf32>
    %dot_general3A_51 = tpu.matmul %get3A_49, %get3A_24, %dot_general3A_50 {dimension_numbers = #tpu.dot_dimension_numbers<[1], [0], [0], [1], [0, 0, 1, 1], [], []>, transpose_lhs_hint = false} : vector<200x16xf32>, vector<16x256xf32>, vector<200x256xf32> -> vector<200x256xf32>
    %get3A_52 = arith.constant 4 : index
    %get3A_53 = arith.constant 0 : index
    %get3A_54 = arith.constant 0 : index
    %get3A_55 = vector.load %arg2[%get3A_52, %get3A_53, %get3A_54] : memref<8x200x16xf32, #tpu.memory_space<vmem>>, vector<1x200x16xf32>
    %get3A_56 = vector.shape_cast %get3A_55 : vector<1x200x16xf32> to vector<200x16xf32>
    %dot_general3A_57 = arith.constant dense<0.000000e+00> : vector<200x256xf32>
    %dot_general3A_58 = tpu.matmul %get3A_56, %get3A_24, %dot_general3A_57 {dimension_numbers = #tpu.dot_dimension_numbers<[1], [0], [0], [1], [0, 0, 1, 1], [], []>, transpose_lhs_hint = false} : vector<200x16xf32>, vector<16x256xf32>, vector<200x256xf32> -> vector<200x256xf32>
    %get3A_59 = arith.constant 5 : index
    %get3A_60 = arith.constant 0 : index
    %get3A_61 = arith.constant 0 : index
    %get3A_62 = vector.load %arg2[%get3A_59, %get3A_60, %get3A_61] : memref<8x200x16xf32, #tpu.memory_space<vmem>>, vector<1x200x16xf32>
    %get3A_63 = vector.shape_cast %get3A_62 : vector<1x200x16xf32> to vector<200x16xf32>
    %dot_general3A_64 = arith.constant dense<0.000000e+00> : vector<200x256xf32>
    %dot_general3A_65 = tpu.matmul %get3A_63, %get3A_24, %dot_general3A_64 {dimension_numbers = #tpu.dot_dimension_numbers<[1], [0], [0], [1], [0, 0, 1, 1], [], []>, transpose_lhs_hint = false} : vector<200x16xf32>, vector<16x256xf32>, vector<200x256xf32> -> vector<200x256xf32>
    %get3A_66 = arith.constant 6 : index
    %get3A_67 = arith.constant 0 : index
    %get3A_68 = arith.constant 0 : index
    %get3A_69 = vector.load %arg2[%get3A_66, %get3A_67, %get3A_68] : memref<8x200x16xf32, #tpu.memory_space<vmem>>, vector<1x200x16xf32>
    %get3A_70 = vector.shape_cast %get3A_69 : vector<1x200x16xf32> to vector<200x16xf32>
    %dot_general3A_71 = arith.constant dense<0.000000e+00> : vector<200x256xf32>
    %dot_general3A_72 = tpu.matmul %get3A_70, %get3A_24, %dot_general3A_71 {dimension_numbers = #tpu.dot_dimension_numbers<[1], [0], [0], [1], [0, 0, 1, 1], [], []>, transpose_lhs_hint = false} : vector<200x16xf32>, vector<16x256xf32>, vector<200x256xf32> -> vector<200x256xf32>
    %get3A_73 = arith.constant 7 : index
    %get3A_74 = arith.constant 0 : index
    %get3A_75 = arith.constant 0 : index
    %get3A_76 = vector.load %arg2[%get3A_73, %get3A_74, %get3A_75] : memref<8x200x16xf32, #tpu.memory_space<vmem>>, vector<1x200x16xf32>
    %get3A_77 = vector.shape_cast %get3A_76 : vector<1x200x16xf32> to vector<200x16xf32>
    %dot_general3A_78 = arith.constant dense<0.000000e+00> : vector<200x256xf32>
    %dot_general3A_79 = tpu.matmul %get3A_77, %get3A_24, %dot_general3A_78 {dimension_numbers = #tpu.dot_dimension_numbers<[1], [0], [0], [1], [0, 0, 1, 1], [], []>, transpose_lhs_hint = false} : vector<200x16xf32>, vector<16x256xf32>, vector<200x256xf32> -> vector<200x256xf32>
    %concatenate3A_80 = tpu.concatenate %dot_general3A_30, %dot_general3A_37, %dot_general3A_44, %dot_general3A_51, %dot_general3A_58, %dot_general3A_65, %dot_general3A_72, %dot_general3A_79 in 0 : vector<200x256xf32>, vector<200x256xf32>, vector<200x256xf32>, vector<200x256xf32>, vector<200x256xf32>, vector<200x256xf32>, vector<200x256xf32>, vector<200x256xf32> -> vector<1600x256xf32>
    %get3A_81 = arith.constant 0 : index
    %get3A_82 = arith.constant 0 : index
    %get3A_83 = vector.load %arg1[%get3A_81, %get3A_82] : memref<1600x256xf32, #tpu.memory_space<vmem>>, vector<1600x256xf32>
    %add3A = arith.addf %get3A_83, %concatenate3A_80 : vector<1600x256xf32>
    %get3A_84 = arith.constant 0 : index
    %get3A_85 = arith.constant 0 : index
    %get3A_86 = vector.load %arg11[%get3A_84, %get3A_85] : memref<1x256xf32, #tpu.memory_space<vmem>>, vector<1x256xf32>
    %add3A_87 = vector.broadcast %get3A_86 : vector<1x256xf32> to vector<1600x256xf32>
    %add3A_88 = arith.addf %add3A, %add3A_87 : vector<1600x256xf32>
    %get3A_89 = arith.constant 0 : index
    %get3A_90 = arith.constant 0 : index
    %get3A_91 = vector.load %arg4[%get3A_89, %get3A_90] : memref<8x256xf32, #tpu.memory_space<vmem>>, vector<8x256xf32>
    %convert_element_type3A_92 = arith.truncf %get3A_91 : vector<8x256xf32> to vector<8x256xbf16>
    %dot_general3A_93 = arith.constant dense<0.000000e+00> : vector<1600x256xf32>
    %dot_general3A_94 = tpu.matmul %convert_element_type3A_13, %convert_element_type3A_92, %dot_general3A_93 {dimension_numbers = #tpu.dot_dimension_numbers<[1], [0], [0], [1], [0, 0, 1, 1], [], []>, transpose_lhs_hint = false} : vector<1600x8xbf16>, vector<8x256xbf16>, vector<1600x256xf32> -> vector<1600x256xf32>
    %add3A_95 = arith.addf %add3A_88, %dot_general3A_94 : vector<1600x256xf32>
    %get3A_96 = arith.constant 0 : index
    %get3A_97 = arith.constant 0 : index
    %get3A_98 = vector.load %arg5[%get3A_96, %get3A_97] : memref<128x256xf32, #tpu.memory_space<vmem>>, vector<128x256xf32>
    %convert_element_type3A_99 = arith.truncf %get3A_98 : vector<128x256xf32> to vector<128x256xbf16>
    %dot_general3A_100 = arith.constant dense<0.000000e+00> : vector<1600x256xf32>
    %dot_general3A_101 = tpu.matmul %convert_element_type3A_21, %convert_element_type3A_99, %dot_general3A_100 {dimension_numbers = #tpu.dot_dimension_numbers<[1], [0], [0], [1], [0, 0, 1, 1], [], []>, transpose_lhs_hint = false} : vector<1600x128xbf16>, vector<128x256xbf16>, vector<1600x256xf32> -> vector<1600x256xf32>
    %add3A_102 = arith.addf %add3A_95, %dot_general3A_101 : vector<1600x256xf32>
    %mul3A = arith.constant 5.000000e-01 : f32
    %mul3A_103 = vector.broadcast %mul3A : f32 to vector<1600x256xf32>
    %mul3A_104 = arith.mulf %mul3A_103, %add3A_102 : vector<1600x256xf32>
    %mul3A_105 = arith.constant 0.707106769 : f32
    %mul3A_106 = vector.broadcast %mul3A_105 : f32 to vector<1600x256xf32>
    %mul3A_107 = arith.mulf %add3A_102, %mul3A_106 : vector<1600x256xf32>
    %erf3A = math.erf %mul3A_107 : vector<1600x256xf32>
    %add3A_108 = arith.constant 1.000000e+00 : f32
    %add3A_109 = vector.broadcast %add3A_108 : f32 to vector<1600x256xf32>
    %add3A_110 = arith.addf %add3A_109, %erf3A : vector<1600x256xf32>
    %mul3A_111 = arith.mulf %mul3A_104, %add3A_110 : vector<1600x256xf32>
    %reduce_sum3A = arith.constant dense<0.000000e+00> : vector<1600xf32>
    %reduce_sum3A_112 = vector.multi_reduction <add>, %mul3A_111, %reduce_sum3A [1] : vector<1600x256xf32> to vector<1600xf32>
    %broadcast_in_dim3A = vector.shape_cast %reduce_sum3A_112 : vector<1600xf32> to vector<1600x1xf32>
    %div3A = arith.constant 2.560000e+02 : f32
    %div3A_113 = vector.broadcast %div3A : f32 to vector<1600x1xf32>
    %div3A_114 = arith.divf %broadcast_in_dim3A, %div3A_113 : vector<1600x1xf32>
    %sub3A = vector.broadcast %div3A_114 : vector<1600x1xf32> to vector<1600x256xf32>
    %sub3A_115 = arith.subf %mul3A_111, %sub3A : vector<1600x256xf32>
    %sub3A_116 = vector.broadcast %div3A_114 : vector<1600x1xf32> to vector<1600x256xf32>
    %sub3A_117 = arith.subf %mul3A_111, %sub3A_116 : vector<1600x256xf32>
    %mul3A_118 = arith.mulf %sub3A_115, %sub3A_117 : vector<1600x256xf32>
    %reduce_sum3A_119 = arith.constant dense<0.000000e+00> : vector<1600xf32>
    %reduce_sum3A_120 = vector.multi_reduction <add>, %mul3A_118, %reduce_sum3A_119 [1] : vector<1600x256xf32> to vector<1600xf32>
    %broadcast_in_dim3A_121 = vector.shape_cast %reduce_sum3A_120 : vector<1600xf32> to vector<1600x1xf32>
    %div3A_122 = arith.constant 2.560000e+02 : f32
    %div3A_123 = vector.broadcast %div3A_122 : f32 to vector<1600x1xf32>
    %div3A_124 = arith.divf %broadcast_in_dim3A_121, %div3A_123 : vector<1600x1xf32>
    %sub3A_125 = vector.broadcast %div3A_114 : vector<1600x1xf32> to vector<1600x256xf32>
    %sub3A_126 = arith.subf %mul3A_111, %sub3A_125 : vector<1600x256xf32>
    %add3A_127 = arith.constant 9.99999974E-6 : f32
    %add3A_128 = vector.broadcast %add3A_127 : f32 to vector<1600x1xf32>
    %add3A_129 = arith.addf %div3A_124, %add3A_128 : vector<1600x1xf32>
    %rsqrt3A = math.rsqrt %add3A_129 : vector<1600x1xf32>
    %mul3A_130 = vector.broadcast %rsqrt3A : vector<1600x1xf32> to vector<1600x256xf32>
    %mul3A_131 = arith.mulf %sub3A_126, %mul3A_130 : vector<1600x256xf32>
    %get3A_132 = arith.constant 0 : index
    %get3A_133 = arith.constant 0 : index
    %get3A_134 = vector.load %arg12[%get3A_132, %get3A_133] : memref<1x256xf32, #tpu.memory_space<vmem>>, vector<1x256xf32>
    %mul3A_135 = vector.broadcast %get3A_134 : vector<1x256xf32> to vector<1600x256xf32>
    %mul3A_136 = arith.mulf %mul3A_131, %mul3A_135 : vector<1600x256xf32>
    %get3A_137 = arith.constant 0 : index
    %get3A_138 = arith.constant 0 : index
    %get3A_139 = vector.load %arg13[%get3A_137, %get3A_138] : memref<1x256xf32, #tpu.memory_space<vmem>>, vector<1x256xf32>
    %add3A_140 = vector.broadcast %get3A_139 : vector<1x256xf32> to vector<1600x256xf32>
    %add3A_141 = arith.addf %mul3A_136, %add3A_140 : vector<1600x256xf32>
    %get3A_142 = arith.constant 0 : index
    %get3A_143 = arith.constant 0 : index
    %get3A_144 = vector.load %arg6[%get3A_142, %get3A_143] : memref<1600x256xf32, #tpu.memory_space<vmem>>, vector<1600x256xf32>
    %add3A_145 = arith.addf %add3A_141, %get3A_144 : vector<1600x256xf32>
    %broadcast_in_dim3A_146 = arith.constant 0.000000e+00 : f32
    %broadcast_in_dim3A_147 = vector.broadcast %broadcast_in_dim3A_146 : f32 to vector<8x256xf32>
    %get3A_148 = arith.constant 0 : index
    %get3A_149 = arith.constant 0 : index
    %get3A_150 = vector.load %arg7[%get3A_148, %get3A_149] : memref<200x200xbf16, #tpu.memory_space<vmem>>, vector<200x200xbf16>
    %get3A_151 = arith.constant 0 : index
    %get3A_152 = arith.constant 0 : index
    %get3A_153 = vector.load %arg8[%get3A_151, %get3A_152] : memref<1600x8xbf16, #tpu.memory_space<vmem>>, vector<1600x8xbf16>
    %get3A_154 = arith.constant 0 : index
    %get3A_155 = arith.constant 0 : index
    %get3A_156 = vector.load %arg9[%get3A_154, %get3A_155] : memref<8x1600xbf16, #tpu.memory_space<vmem>>, vector<8x1600xbf16>
    %get3A_157 = arith.constant 0 : index
    %get3A_158 = arith.constant 0 : index
    %get3A_159 = vector.load %arg14[%get3A_157, %get3A_158] : memref<256x256xf32, #tpu.memory_space<vmem>>, vector<256x256xf32>
    %convert_element_type3A_160 = arith.truncf %get3A_159 : vector<256x256xf32> to vector<256x256xbf16>
    %get3A_161 = arith.constant 0 : index
    %get3A_162 = arith.constant 0 : index
    %get3A_163 = vector.load %arg15[%get3A_161, %get3A_162] : memref<1x256xf32, #tpu.memory_space<vmem>>, vector<1x256xf32>
    %convert_element_type3A_164 = arith.truncf %add3A_145 : vector<1600x256xf32> to vector<1600x256xbf16>
    %dot_general3A_165 = arith.constant dense<0.000000e+00> : vector<1600x256xf32>
    %dot_general3A_166 = tpu.matmul %convert_element_type3A_164, %convert_element_type3A_160, %dot_general3A_165 {dimension_numbers = #tpu.dot_dimension_numbers<[1], [0], [0], [1], [0, 0, 1, 1], [], []>, transpose_lhs_hint = false} : vector<1600x256xbf16>, vector<256x256xbf16>, vector<1600x256xf32> -> vector<1600x256xf32>
    %add3A_167 = vector.broadcast %get3A_163 : vector<1x256xf32> to vector<1600x256xf32>
    %add3A_168 = arith.addf %dot_general3A_166, %add3A_167 : vector<1600x256xf32>
    %convert_element_type3A_169 = arith.truncf %broadcast_in_dim3A_147 : vector<8x256xf32> to vector<8x256xbf16>
    %dot_general3A_170 = arith.constant dense<0.000000e+00> : vector<8x256xf32>
    %dot_general3A_171 = tpu.matmul %convert_element_type3A_169, %convert_element_type3A_160, %dot_general3A_170 {dimension_numbers = #tpu.dot_dimension_numbers<[1], [0], [0], [1], [0, 0, 1, 1], [], []>, transpose_lhs_hint = false} : vector<8x256xbf16>, vector<256x256xbf16>, vector<8x256xf32> -> vector<8x256xf32>
    %add3A_172 = vector.broadcast %get3A_163 : vector<1x256xf32> to vector<8x256xf32>
    %add3A_173 = arith.addf %dot_general3A_171, %add3A_172 : vector<8x256xf32>
    %convert_element_type3A_174 = arith.truncf %add3A_173 : vector<8x256xf32> to vector<8x256xbf16>
    %dot_general3A_175 = arith.constant dense<0.000000e+00> : vector<1600x256xf32>
    %dot_general3A_176 = tpu.matmul %get3A_153, %convert_element_type3A_174, %dot_general3A_175 {dimension_numbers = #tpu.dot_dimension_numbers<[1], [0], [0], [1], [0, 0, 1, 1], [], []>, transpose_lhs_hint = false} : vector<1600x8xbf16>, vector<8x256xbf16>, vector<1600x256xf32> -> vector<1600x256xf32>
    %convert_element_type3A_177 = arith.truncf %add3A_168 : vector<1600x256xf32> to vector<1600x256xbf16>
    %slice3A_178 = vector.extract_strided_slice %convert_element_type3A_177 {offsets = [0, 0], sizes = [200, 256], strides = [1, 1]} : vector<1600x256xbf16> to vector<200x256xbf16>
    %dot_general3A_179 = arith.constant dense<0.000000e+00> : vector<200x256xf32>
    %dot_general3A_180 = tpu.matmul %get3A_150, %slice3A_178, %dot_general3A_179 {dimension_numbers = #tpu.dot_dimension_numbers<[1], [0], [0], [1], [0, 0, 1, 1], [], []>, transpose_lhs_hint = false} : vector<200x200xbf16>, vector<200x256xbf16>, vector<200x256xf32> -> vector<200x256xf32>
    %slice3A_181 = vector.extract_strided_slice %convert_element_type3A_177 {offsets = [200, 0], sizes = [200, 256], strides = [1, 1]} : vector<1600x256xbf16> to vector<200x256xbf16>
    %dot_general3A_182 = arith.constant dense<0.000000e+00> : vector<200x256xf32>
    %dot_general3A_183 = tpu.matmul %get3A_150, %slice3A_181, %dot_general3A_182 {dimension_numbers = #tpu.dot_dimension_numbers<[1], [0], [0], [1], [0, 0, 1, 1], [], []>, transpose_lhs_hint = false} : vector<200x200xbf16>, vector<200x256xbf16>, vector<200x256xf32> -> vector<200x256xf32>
    %slice3A_184 = vector.extract_strided_slice %convert_element_type3A_177 {offsets = [400, 0], sizes = [200, 256], strides = [1, 1]} : vector<1600x256xbf16> to vector<200x256xbf16>
    %dot_general3A_185 = arith.constant dense<0.000000e+00> : vector<200x256xf32>
    %dot_general3A_186 = tpu.matmul %get3A_150, %slice3A_184, %dot_general3A_185 {dimension_numbers = #tpu.dot_dimension_numbers<[1], [0], [0], [1], [0, 0, 1, 1], [], []>, transpose_lhs_hint = false} : vector<200x200xbf16>, vector<200x256xbf16>, vector<200x256xf32> -> vector<200x256xf32>
    %slice3A_187 = vector.extract_strided_slice %convert_element_type3A_177 {offsets = [600, 0], sizes = [200, 256], strides = [1, 1]} : vector<1600x256xbf16> to vector<200x256xbf16>
    %dot_general3A_188 = arith.constant dense<0.000000e+00> : vector<200x256xf32>
    %dot_general3A_189 = tpu.matmul %get3A_150, %slice3A_187, %dot_general3A_188 {dimension_numbers = #tpu.dot_dimension_numbers<[1], [0], [0], [1], [0, 0, 1, 1], [], []>, transpose_lhs_hint = false} : vector<200x200xbf16>, vector<200x256xbf16>, vector<200x256xf32> -> vector<200x256xf32>
    %slice3A_190 = vector.extract_strided_slice %convert_element_type3A_177 {offsets = [800, 0], sizes = [200, 256], strides = [1, 1]} : vector<1600x256xbf16> to vector<200x256xbf16>
    %dot_general3A_191 = arith.constant dense<0.000000e+00> : vector<200x256xf32>
    %dot_general3A_192 = tpu.matmul %get3A_150, %slice3A_190, %dot_general3A_191 {dimension_numbers = #tpu.dot_dimension_numbers<[1], [0], [0], [1], [0, 0, 1, 1], [], []>, transpose_lhs_hint = false} : vector<200x200xbf16>, vector<200x256xbf16>, vector<200x256xf32> -> vector<200x256xf32>
    %slice3A_193 = vector.extract_strided_slice %convert_element_type3A_177 {offsets = [1000, 0], sizes = [200, 256], strides = [1, 1]} : vector<1600x256xbf16> to vector<200x256xbf16>
    %dot_general3A_194 = arith.constant dense<0.000000e+00> : vector<200x256xf32>
    %dot_general3A_195 = tpu.matmul %get3A_150, %slice3A_193, %dot_general3A_194 {dimension_numbers = #tpu.dot_dimension_numbers<[1], [0], [0], [1], [0, 0, 1, 1], [], []>, transpose_lhs_hint = false} : vector<200x200xbf16>, vector<200x256xbf16>, vector<200x256xf32> -> vector<200x256xf32>
    %slice3A_196 = vector.extract_strided_slice %convert_element_type3A_177 {offsets = [1200, 0], sizes = [200, 256], strides = [1, 1]} : vector<1600x256xbf16> to vector<200x256xbf16>
    %dot_general3A_197 = arith.constant dense<0.000000e+00> : vector<200x256xf32>
    %dot_general3A_198 = tpu.matmul %get3A_150, %slice3A_196, %dot_general3A_197 {dimension_numbers = #tpu.dot_dimension_numbers<[1], [0], [0], [1], [0, 0, 1, 1], [], []>, transpose_lhs_hint = false} : vector<200x200xbf16>, vector<200x256xbf16>, vector<200x256xf32> -> vector<200x256xf32>
    %slice3A_199 = vector.extract_strided_slice %convert_element_type3A_177 {offsets = [1400, 0], sizes = [200, 256], strides = [1, 1]} : vector<1600x256xbf16> to vector<200x256xbf16>
    %dot_general3A_200 = arith.constant dense<0.000000e+00> : vector<200x256xf32>
    %dot_general3A_201 = tpu.matmul %get3A_150, %slice3A_199, %dot_general3A_200 {dimension_numbers = #tpu.dot_dimension_numbers<[1], [0], [0], [1], [0, 0, 1, 1], [], []>, transpose_lhs_hint = false} : vector<200x200xbf16>, vector<200x256xbf16>, vector<200x256xf32> -> vector<200x256xf32>
    %concatenate3A_202 = tpu.concatenate %dot_general3A_180, %dot_general3A_183, %dot_general3A_186, %dot_general3A_189, %dot_general3A_192, %dot_general3A_195, %dot_general3A_198, %dot_general3A_201 in 0 : vector<200x256xf32>, vector<200x256xf32>, vector<200x256xf32>, vector<200x256xf32>, vector<200x256xf32>, vector<200x256xf32>, vector<200x256xf32>, vector<200x256xf32> -> vector<1600x256xf32>
    %add3A_203 = arith.addf %concatenate3A_202, %dot_general3A_176 : vector<1600x256xf32>
    %max3A = arith.constant 0.000000e+00 : f32
    %max3A_204 = vector.broadcast %max3A : f32 to vector<1600x256xf32>
    %max3A_205 = arith.maximumf %add3A_203, %max3A_204 : vector<1600x256xf32>
    %dot_general3A_206 = arith.constant dense<0.000000e+00> : vector<8x256xf32>
    %dot_general3A_207 = tpu.matmul %get3A_156, %convert_element_type3A_177, %dot_general3A_206 {dimension_numbers = #tpu.dot_dimension_numbers<[1], [0], [0], [1], [0, 0, 1, 1], [], []>, transpose_lhs_hint = false} : vector<8x1600xbf16>, vector<1600x256xbf16>, vector<8x256xf32> -> vector<8x256xf32>
    %mul3A_208 = arith.constant 0.00497512426 : f32
    %mul3A_209 = vector.broadcast %mul3A_208 : f32 to vector<8x256xf32>
    %mul3A_210 = arith.mulf %mul3A_209, %add3A_173 : vector<8x256xf32>
    %add3A_211 = arith.addf %dot_general3A_207, %mul3A_210 : vector<8x256xf32>
    %max3A_212 = arith.constant 0.000000e+00 : f32
    %max3A_213 = vector.broadcast %max3A_212 : f32 to vector<8x256xf32>
    %max3A_214 = arith.maximumf %add3A_211, %max3A_213 : vector<8x256xf32>
    %get3A_215 = arith.constant 0 : index
    %get3A_216 = arith.constant 0 : index
    %get3A_217 = vector.load %arg16[%get3A_215, %get3A_216] : memref<256x256xf32, #tpu.memory_space<vmem>>, vector<256x256xf32>
    %convert_element_type3A_218 = arith.truncf %get3A_217 : vector<256x256xf32> to vector<256x256xbf16>
    %get3A_219 = arith.constant 0 : index
    %get3A_220 = arith.constant 0 : index
    %get3A_221 = vector.load %arg17[%get3A_219, %get3A_220] : memref<1x256xf32, #tpu.memory_space<vmem>>, vector<1x256xf32>
    %convert_element_type3A_222 = arith.truncf %max3A_205 : vector<1600x256xf32> to vector<1600x256xbf16>
    %dot_general3A_223 = arith.constant dense<0.000000e+00> : vector<1600x256xf32>
    %dot_general3A_224 = tpu.matmul %convert_element_type3A_222, %convert_element_type3A_218, %dot_general3A_223 {dimension_numbers = #tpu.dot_dimension_numbers<[1], [0], [0], [1], [0, 0, 1, 1], [], []>, transpose_lhs_hint = false} : vector<1600x256xbf16>, vector<256x256xbf16>, vector<1600x256xf32> -> vector<1600x256xf32>
    %add3A_225 = vector.broadcast %get3A_221 : vector<1x256xf32> to vector<1600x256xf32>
    %add3A_226 = arith.addf %dot_general3A_224, %add3A_225 : vector<1600x256xf32>
    %convert_element_type3A_227 = arith.truncf %max3A_214 : vector<8x256xf32> to vector<8x256xbf16>
    %dot_general3A_228 = arith.constant dense<0.000000e+00> : vector<8x256xf32>
    %dot_general3A_229 = tpu.matmul %convert_element_type3A_227, %convert_element_type3A_218, %dot_general3A_228 {dimension_numbers = #tpu.dot_dimension_numbers<[1], [0], [0], [1], [0, 0, 1, 1], [], []>, transpose_lhs_hint = false} : vector<8x256xbf16>, vector<256x256xbf16>, vector<8x256xf32> -> vector<8x256xf32>
    %add3A_230 = vector.broadcast %get3A_221 : vector<1x256xf32> to vector<8x256xf32>
    %add3A_231 = arith.addf %dot_general3A_229, %add3A_230 : vector<8x256xf32>
    %convert_element_type3A_232 = arith.truncf %add3A_231 : vector<8x256xf32> to vector<8x256xbf16>
    %dot_general3A_233 = arith.constant dense<0.000000e+00> : vector<1600x256xf32>
    %dot_general3A_234 = tpu.matmul %get3A_153, %convert_element_type3A_232, %dot_general3A_233 {dimension_numbers = #tpu.dot_dimension_numbers<[1], [0], [0], [1], [0, 0, 1, 1], [], []>, transpose_lhs_hint = false} : vector<1600x8xbf16>, vector<8x256xbf16>, vector<1600x256xf32> -> vector<1600x256xf32>
    %convert_element_type3A_235 = arith.truncf %add3A_226 : vector<1600x256xf32> to vector<1600x256xbf16>
    %slice3A_236 = vector.extract_strided_slice %convert_element_type3A_235 {offsets = [0, 0], sizes = [200, 256], strides = [1, 1]} : vector<1600x256xbf16> to vector<200x256xbf16>
    %dot_general3A_237 = arith.constant dense<0.000000e+00> : vector<200x256xf32>
    %dot_general3A_238 = tpu.matmul %get3A_150, %slice3A_236, %dot_general3A_237 {dimension_numbers = #tpu.dot_dimension_numbers<[1], [0], [0], [1], [0, 0, 1, 1], [], []>, transpose_lhs_hint = false} : vector<200x200xbf16>, vector<200x256xbf16>, vector<200x256xf32> -> vector<200x256xf32>
    %slice3A_239 = vector.extract_strided_slice %convert_element_type3A_235 {offsets = [200, 0], sizes = [200, 256], strides = [1, 1]} : vector<1600x256xbf16> to vector<200x256xbf16>
    %dot_general3A_240 = arith.constant dense<0.000000e+00> : vector<200x256xf32>
    %dot_general3A_241 = tpu.matmul %get3A_150, %slice3A_239, %dot_general3A_240 {dimension_numbers = #tpu.dot_dimension_numbers<[1], [0], [0], [1], [0, 0, 1, 1], [], []>, transpose_lhs_hint = false} : vector<200x200xbf16>, vector<200x256xbf16>, vector<200x256xf32> -> vector<200x256xf32>
    %slice3A_242 = vector.extract_strided_slice %convert_element_type3A_235 {offsets = [400, 0], sizes = [200, 256], strides = [1, 1]} : vector<1600x256xbf16> to vector<200x256xbf16>
    %dot_general3A_243 = arith.constant dense<0.000000e+00> : vector<200x256xf32>
    %dot_general3A_244 = tpu.matmul %get3A_150, %slice3A_242, %dot_general3A_243 {dimension_numbers = #tpu.dot_dimension_numbers<[1], [0], [0], [1], [0, 0, 1, 1], [], []>, transpose_lhs_hint = false} : vector<200x200xbf16>, vector<200x256xbf16>, vector<200x256xf32> -> vector<200x256xf32>
    %slice3A_245 = vector.extract_strided_slice %convert_element_type3A_235 {offsets = [600, 0], sizes = [200, 256], strides = [1, 1]} : vector<1600x256xbf16> to vector<200x256xbf16>
    %dot_general3A_246 = arith.constant dense<0.000000e+00> : vector<200x256xf32>
    %dot_general3A_247 = tpu.matmul %get3A_150, %slice3A_245, %dot_general3A_246 {dimension_numbers = #tpu.dot_dimension_numbers<[1], [0], [0], [1], [0, 0, 1, 1], [], []>, transpose_lhs_hint = false} : vector<200x200xbf16>, vector<200x256xbf16>, vector<200x256xf32> -> vector<200x256xf32>
    %slice3A_248 = vector.extract_strided_slice %convert_element_type3A_235 {offsets = [800, 0], sizes = [200, 256], strides = [1, 1]} : vector<1600x256xbf16> to vector<200x256xbf16>
    %dot_general3A_249 = arith.constant dense<0.000000e+00> : vector<200x256xf32>
    %dot_general3A_250 = tpu.matmul %get3A_150, %slice3A_248, %dot_general3A_249 {dimension_numbers = #tpu.dot_dimension_numbers<[1], [0], [0], [1], [0, 0, 1, 1], [], []>, transpose_lhs_hint = false} : vector<200x200xbf16>, vector<200x256xbf16>, vector<200x256xf32> -> vector<200x256xf32>
    %slice3A_251 = vector.extract_strided_slice %convert_element_type3A_235 {offsets = [1000, 0], sizes = [200, 256], strides = [1, 1]} : vector<1600x256xbf16> to vector<200x256xbf16>
    %dot_general3A_252 = arith.constant dense<0.000000e+00> : vector<200x256xf32>
    %dot_general3A_253 = tpu.matmul %get3A_150, %slice3A_251, %dot_general3A_252 {dimension_numbers = #tpu.dot_dimension_numbers<[1], [0], [0], [1], [0, 0, 1, 1], [], []>, transpose_lhs_hint = false} : vector<200x200xbf16>, vector<200x256xbf16>, vector<200x256xf32> -> vector<200x256xf32>
    %slice3A_254 = vector.extract_strided_slice %convert_element_type3A_235 {offsets = [1200, 0], sizes = [200, 256], strides = [1, 1]} : vector<1600x256xbf16> to vector<200x256xbf16>
    %dot_general3A_255 = arith.constant dense<0.000000e+00> : vector<200x256xf32>
    %dot_general3A_256 = tpu.matmul %get3A_150, %slice3A_254, %dot_general3A_255 {dimension_numbers = #tpu.dot_dimension_numbers<[1], [0], [0], [1], [0, 0, 1, 1], [], []>, transpose_lhs_hint = false} : vector<200x200xbf16>, vector<200x256xbf16>, vector<200x256xf32> -> vector<200x256xf32>
    %slice3A_257 = vector.extract_strided_slice %convert_element_type3A_235 {offsets = [1400, 0], sizes = [200, 256], strides = [1, 1]} : vector<1600x256xbf16> to vector<200x256xbf16>
    %dot_general3A_258 = arith.constant dense<0.000000e+00> : vector<200x256xf32>
    %dot_general3A_259 = tpu.matmul %get3A_150, %slice3A_257, %dot_general3A_258 {dimension_numbers = #tpu.dot_dimension_numbers<[1], [0], [0], [1], [0, 0, 1, 1], [], []>, transpose_lhs_hint = false} : vector<200x200xbf16>, vector<200x256xbf16>, vector<200x256xf32> -> vector<200x256xf32>
    %concatenate3A_260 = tpu.concatenate %dot_general3A_238, %dot_general3A_241, %dot_general3A_244, %dot_general3A_247, %dot_general3A_250, %dot_general3A_253, %dot_general3A_256, %dot_general3A_259 in 0 : vector<200x256xf32>, vector<200x256xf32>, vector<200x256xf32>, vector<200x256xf32>, vector<200x256xf32>, vector<200x256xf32>, vector<200x256xf32>, vector<200x256xf32> -> vector<1600x256xf32>
    %add3A_261 = arith.addf %concatenate3A_260, %dot_general3A_234 : vector<1600x256xf32>
    %max3A_262 = arith.constant 0.000000e+00 : f32
    %max3A_263 = vector.broadcast %max3A_262 : f32 to vector<1600x256xf32>
    %max3A_264 = arith.maximumf %add3A_261, %max3A_263 : vector<1600x256xf32>
    %dot_general3A_265 = arith.constant dense<0.000000e+00> : vector<8x256xf32>
    %dot_general3A_266 = tpu.matmul %get3A_156, %convert_element_type3A_235, %dot_general3A_265 {dimension_numbers = #tpu.dot_dimension_numbers<[1], [0], [0], [1], [0, 0, 1, 1], [], []>, transpose_lhs_hint = false} : vector<8x1600xbf16>, vector<1600x256xbf16>, vector<8x256xf32> -> vector<8x256xf32>
    %mul3A_267 = arith.constant 0.00497512426 : f32
    %mul3A_268 = vector.broadcast %mul3A_267 : f32 to vector<8x256xf32>
    %mul3A_269 = arith.mulf %mul3A_268, %add3A_231 : vector<8x256xf32>
    %add3A_270 = arith.addf %dot_general3A_266, %mul3A_269 : vector<8x256xf32>
    %max3A_271 = arith.constant 0.000000e+00 : f32
    %max3A_272 = vector.broadcast %max3A_271 : f32 to vector<8x256xf32>
    %max3A_273 = arith.maximumf %add3A_270, %max3A_272 : vector<8x256xf32>
    %get3A_274 = arith.constant 0 : index
    %get3A_275 = arith.constant 0 : index
    %get3A_276 = vector.load %arg18[%get3A_274, %get3A_275] : memref<256x256xf32, #tpu.memory_space<vmem>>, vector<256x256xf32>
    %convert_element_type3A_277 = arith.truncf %get3A_276 : vector<256x256xf32> to vector<256x256xbf16>
    %get3A_278 = arith.constant 0 : index
    %get3A_279 = arith.constant 0 : index
    %get3A_280 = vector.load %arg19[%get3A_278, %get3A_279] : memref<1x256xf32, #tpu.memory_space<vmem>>, vector<1x256xf32>
    %convert_element_type3A_281 = arith.truncf %max3A_264 : vector<1600x256xf32> to vector<1600x256xbf16>
    %dot_general3A_282 = arith.constant dense<0.000000e+00> : vector<1600x256xf32>
    %dot_general3A_283 = tpu.matmul %convert_element_type3A_281, %convert_element_type3A_277, %dot_general3A_282 {dimension_numbers = #tpu.dot_dimension_numbers<[1], [0], [0], [1], [0, 0, 1, 1], [], []>, transpose_lhs_hint = false} : vector<1600x256xbf16>, vector<256x256xbf16>, vector<1600x256xf32> -> vector<1600x256xf32>
    %add3A_284 = vector.broadcast %get3A_280 : vector<1x256xf32> to vector<1600x256xf32>
    %add3A_285 = arith.addf %dot_general3A_283, %add3A_284 : vector<1600x256xf32>
    %convert_element_type3A_286 = arith.truncf %max3A_273 : vector<8x256xf32> to vector<8x256xbf16>
    %dot_general3A_287 = arith.constant dense<0.000000e+00> : vector<8x256xf32>
    %dot_general3A_288 = tpu.matmul %convert_element_type3A_286, %convert_element_type3A_277, %dot_general3A_287 {dimension_numbers = #tpu.dot_dimension_numbers<[1], [0], [0], [1], [0, 0, 1, 1], [], []>, transpose_lhs_hint = false} : vector<8x256xbf16>, vector<256x256xbf16>, vector<8x256xf32> -> vector<8x256xf32>
    %add3A_289 = vector.broadcast %get3A_280 : vector<1x256xf32> to vector<8x256xf32>
    %add3A_290 = arith.addf %dot_general3A_288, %add3A_289 : vector<8x256xf32>
    %convert_element_type3A_291 = arith.truncf %add3A_285 : vector<1600x256xf32> to vector<1600x256xbf16>
    %dot_general3A_292 = arith.constant dense<0.000000e+00> : vector<8x256xf32>
    %dot_general3A_293 = tpu.matmul %get3A_156, %convert_element_type3A_291, %dot_general3A_292 {dimension_numbers = #tpu.dot_dimension_numbers<[1], [0], [0], [1], [0, 0, 1, 1], [], []>, transpose_lhs_hint = false} : vector<8x1600xbf16>, vector<1600x256xbf16>, vector<8x256xf32> -> vector<8x256xf32>
    %mul3A_294 = arith.constant 0.00497512426 : f32
    %mul3A_295 = vector.broadcast %mul3A_294 : f32 to vector<8x256xf32>
    %mul3A_296 = arith.mulf %mul3A_295, %add3A_290 : vector<8x256xf32>
    %add3A_297 = arith.addf %dot_general3A_293, %mul3A_296 : vector<8x256xf32>
    %max3A_298 = arith.constant 0.000000e+00 : f32
    %max3A_299 = vector.broadcast %max3A_298 : f32 to vector<8x256xf32>
    %max3A_300 = arith.maximumf %add3A_297, %max3A_299 : vector<8x256xf32>
    %get3A_301 = arith.constant 0 : index
    %get3A_302 = arith.constant 0 : index
    %get3A_303 = vector.load %arg20[%get3A_301, %get3A_302] : memref<256x256xf32, #tpu.memory_space<vmem>>, vector<256x256xf32>
    %dot_general3A_304 = arith.constant dense<0.000000e+00> : vector<8x256xf32>
    %dot_general3A_305 = tpu.matmul %max3A_300, %get3A_303, %dot_general3A_304 {dimension_numbers = #tpu.dot_dimension_numbers<[1], [0], [0], [1], [0, 0, 1, 1], [], []>, transpose_lhs_hint = false} : vector<8x256xf32>, vector<256x256xf32>, vector<8x256xf32> -> vector<8x256xf32>
    %get3A_306 = arith.constant 0 : index
    %get3A_307 = arith.constant 0 : index
    %get3A_308 = vector.load %arg21[%get3A_306, %get3A_307] : memref<1x256xf32, #tpu.memory_space<vmem>>, vector<1x256xf32>
    %add3A_309 = vector.broadcast %get3A_308 : vector<1x256xf32> to vector<8x256xf32>
    %add3A_310 = arith.addf %dot_general3A_305, %add3A_309 : vector<8x256xf32>
    %max3A_311 = arith.constant 0.000000e+00 : f32
    %max3A_312 = vector.broadcast %max3A_311 : f32 to vector<8x256xf32>
    %max3A_313 = arith.maximumf %add3A_310, %max3A_312 : vector<8x256xf32>
    %get3A_314 = arith.constant 0 : index
    %get3A_315 = arith.constant 0 : index
    %get3A_316 = vector.load %arg22[%get3A_314, %get3A_315] : memref<256x512xf32, #tpu.memory_space<vmem>>, vector<256x512xf32>
    %dot_general3A_317 = arith.constant dense<0.000000e+00> : vector<8x512xf32>
    %dot_general3A_318 = tpu.matmul %max3A_313, %get3A_316, %dot_general3A_317 {dimension_numbers = #tpu.dot_dimension_numbers<[1], [0], [0], [1], [0, 0, 1, 1], [], []>, transpose_lhs_hint = false} : vector<8x256xf32>, vector<256x512xf32>, vector<8x512xf32> -> vector<8x512xf32>
    %get3A_319 = arith.constant 0 : index
    %get3A_320 = arith.constant 0 : index
    %get3A_321 = vector.load %arg23[%get3A_319, %get3A_320] : memref<1x512xf32, #tpu.memory_space<vmem>>, vector<1x512xf32>
    %add3A_322 = vector.broadcast %get3A_321 : vector<1x512xf32> to vector<8x512xf32>
    %add3A_323 = arith.addf %dot_general3A_318, %add3A_322 : vector<8x512xf32>
    %mul3A_324 = arith.mulf %add3A_323, %add3A_323 : vector<8x512xf32>
    %reduce_sum3A_325 = arith.constant dense<0.000000e+00> : vector<8xf32>
    %reduce_sum3A_326 = vector.multi_reduction <add>, %mul3A_324, %reduce_sum3A_325 [1] : vector<8x512xf32> to vector<8xf32>
    %broadcast_in_dim3A_327 = vector.shape_cast %reduce_sum3A_326 : vector<8xf32> to vector<8x1xf32>
    %sqrt3A = math.sqrt %broadcast_in_dim3A_327 : vector<8x1xf32>
    %max3A_328 = arith.constant 9.99999996E-13 : f32
    %max3A_329 = vector.broadcast %max3A_328 : f32 to vector<8x1xf32>
    %max3A_330 = arith.maximumf %sqrt3A, %max3A_329 : vector<8x1xf32>
    %div3A_331 = vector.broadcast %max3A_330 : vector<8x1xf32> to vector<8x512xf32>
    %div3A_332 = arith.divf %add3A_323, %div3A_331 : vector<8x512xf32>
    %swap3A = arith.constant 0 : index
    %swap3A_333 = arith.constant 0 : index
    %swap3A_334 = vector.load %arg24[%swap3A, %swap3A_333] : memref<8x512xf32, #tpu.memory_space<vmem>>, vector<8x512xf32>
    tpu.vector_store %arg24[%swap3A, %swap3A_333], %div3A_332 {strides = array<i32>} : memref<8x512xf32, #tpu.memory_space<vmem>>, vector<8x512xf32>,
    return
  }
  func.func @transform_0(%arg0: i32) -> (i32, i32) {
    %c0_i32 = arith.constant 0 : i32
    %c0_i32_0 = arith.constant 0 : i32
    return %arg0, %c0_i32 : i32, i32
  }
  func.func @transform_1(%arg0: i32) -> (i32, i32, i32) {
    %c0_i32 = arith.constant 0 : i32
    %c0_i32_0 = arith.constant 0 : i32
    %c0_i32_1 = arith.constant 0 : i32
    return %arg0, %c0_i32, %c0_i32_0 : i32, i32, i32
  }
  func.func @transform_2(%arg0: i32) -> (i32, i32) {
    %c0_i32 = arith.constant 0 : i32
    %c0_i32_0 = arith.constant 0 : i32
    return %arg0, %c0_i32 : i32, i32
  }
  func.func @transform_3(%arg0: i32) -> (i32, i32) {
    %c0_i32 = arith.constant 0 : i32
    %c0_i32_0 = arith.constant 0 : i32
    %c0_i32_1 = arith.constant 0 : i32
    return %c0_i32, %c0_i32_0 : i32, i32
  }
  func.func @transform_4(%arg0: i32) -> (i32, i32) {
    %c0_i32 = arith.constant 0 : i32
    %c0_i32_0 = arith.constant 0 : i32
    %c0_i32_1 = arith.constant 0 : i32
    return %c0_i32, %c0_i32_0 : i32, i32
  }
  func.func @transform_5(%arg0: i32) -> (i32, i32) {
    %c0_i32 = arith.constant 0 : i32
    %c0_i32_0 = arith.constant 0 : i32
    %c0_i32_1 = arith.constant 0 : i32
    return %c0_i32, %c0_i32_0 : i32, i32
  }
  func.func @transform_6(%arg0: i32) -> (i32, i32) {
    %c0_i32 = arith.constant 0 : i32
    %c0_i32_0 = arith.constant 0 : i32
    %c0_i32_1 = arith.constant 0 : i32
    return %c0_i32, %c0_i32_0 : i32, i32
  }
  func.func @transform_7(%arg0: i32) -> (i32, i32) {
    %c0_i32 = arith.constant 0 : i32
    %c0_i32_0 = arith.constant 0 : i32
    %c0_i32_1 = arith.constant 0 : i32
    return %c0_i32, %c0_i32_0 : i32, i32
  }
  func.func @transform_8(%arg0: i32) -> (i32, i32) {
    %c0_i32 = arith.constant 0 : i32
    %c0_i32_0 = arith.constant 0 : i32
    %c0_i32_1 = arith.constant 0 : i32
    return %c0_i32, %c0_i32_0 : i32, i32
  }
  func.func @transform_9(%arg0: i32) -> (i32, i32) {
    %c0_i32 = arith.constant 0 : i32
    %c0_i32_0 = arith.constant 0 : i32
    %c0_i32_1 = arith.constant 0 : i32
    return %c0_i32, %c0_i32_0 : i32, i32
  }
  func.func @transform_10(%arg0: i32) -> (i32, i32) {
    %c0_i32 = arith.constant 0 : i32
    %c0_i32_0 = arith.constant 0 : i32
    %c0_i32_1 = arith.constant 0 : i32
    return %c0_i32, %c0_i32_0 : i32, i32
  }
  func.func @transform_11(%arg0: i32) -> (i32, i32) {
    %c0_i32 = arith.constant 0 : i32
    %c0_i32_0 = arith.constant 0 : i32
    %c0_i32_1 = arith.constant 0 : i32
    return %c0_i32, %c0_i32_0 : i32, i32
  }
  func.func @transform_12(%arg0: i32) -> (i32, i32) {
    %c0_i32 = arith.constant 0 : i32
    %c0_i32_0 = arith.constant 0 : i32
    %c0_i32_1 = arith.constant 0 : i32
    return %c0_i32, %c0_i32_0 : i32, i32
  }
  func.func @transform_13(%arg0: i32) -> (i32, i32) {
    %c0_i32 = arith.constant 0 : i32
    %c0_i32_0 = arith.constant 0 : i32
    %c0_i32_1 = arith.constant 0 : i32
    return %c0_i32, %c0_i32_0 : i32, i32
  }
  func.func @transform_14(%arg0: i32) -> (i32, i32) {
    %c0_i32 = arith.constant 0 : i32
    %c0_i32_0 = arith.constant 0 : i32
    %c0_i32_1 = arith.constant 0 : i32
    return %c0_i32, %c0_i32_0 : i32, i32
  }
  func.func @transform_15(%arg0: i32) -> (i32, i32) {
    %c0_i32 = arith.constant 0 : i32
    %c0_i32_0 = arith.constant 0 : i32
    %c0_i32_1 = arith.constant 0 : i32
    return %c0_i32, %c0_i32_0 : i32, i32
  }
  func.func @transform_16(%arg0: i32) -> (i32, i32) {
    %c0_i32 = arith.constant 0 : i32
    %c0_i32_0 = arith.constant 0 : i32
    %c0_i32_1 = arith.constant 0 : i32
    return %c0_i32, %c0_i32_0 : i32, i32
  }
  func.func @transform_17(%arg0: i32) -> (i32, i32) {
    %c0_i32 = arith.constant 0 : i32
    %c0_i32_0 = arith.constant 0 : i32
    %c0_i32_1 = arith.constant 0 : i32
    return %c0_i32, %c0_i32_0 : i32, i32
  }
  func.func @transform_18(%arg0: i32) -> (i32, i32) {
    %c0_i32 = arith.constant 0 : i32
    %c0_i32_0 = arith.constant 0 : i32
    %c0_i32_1 = arith.constant 0 : i32
    return %c0_i32, %c0_i32_0 : i32, i32
  }
  func.func @transform_19(%arg0: i32) -> (i32, i32) {
    %c0_i32 = arith.constant 0 : i32
    %c0_i32_0 = arith.constant 0 : i32
    %c0_i32_1 = arith.constant 0 : i32
    return %c0_i32, %c0_i32_0 : i32, i32
  }
  func.func @transform_20(%arg0: i32) -> (i32, i32) {
    %c0_i32 = arith.constant 0 : i32
    %c0_i32_0 = arith.constant 0 : i32
    %c0_i32_1 = arith.constant 0 : i32
    return %c0_i32, %c0_i32_0 : i32, i32
  }
  func.func @transform_21(%arg0: i32) -> (i32, i32) {
    %c0_i32 = arith.constant 0 : i32
    %c0_i32_0 = arith.constant 0 : i32
    %c0_i32_1 = arith.constant 0 : i32
    return %c0_i32, %c0_i32_0 : i32, i32
  }
  func.func @transform_22(%arg0: i32) -> (i32, i32) {
    %c0_i32 = arith.constant 0 : i32
    %c0_i32_0 = arith.constant 0 : i32
    %c0_i32_1 = arith.constant 0 : i32
    return %c0_i32, %c0_i32_0 : i32, i32
  }
  func.func @transform_23(%arg0: i32) -> (i32, i32) {
    %c0_i32 = arith.constant 0 : i32
    %c0_i32_0 = arith.constant 0 : i32
    return %arg0, %c0_i32 : i32, i32
  }
}

</mosaic_0001>

<sc_bundles>
// kernel: kernel.6.cloned.1.call-start
scs
__scs_entry_jumppad:
0x0: {  	(pc) =	sbr.rel $0x88, $3  }
0x1: {  	(tag) =	ssettag $0x0;
	lr =	simm.s32 $0x1  }
0x2: {  	[smem:$0x3F88] =	sst lr;
	_ =	strace $0xD0000000  }
0x3: {  	_ = 	snop  }
0x4: {  	_ = 	snop  }
0x5: {  	_ = 	snop  }
0x6: {  	_ = 	snop  }
0x7: {  	_ = 	snop  }
__scs_overlays_trampoline_lowered:
0x8: {  	[smem:$0x3F97] =	sst s0  }
0x9: {  	[smem:$0x3F98] =	sst s1  }
0xa: {  	[smem:$0x3F99] =	sst s2  }
0xb: {  	[smem:$0x3F9A] =	sst s3  }
0xc: {  	[smem:$0x3F9B] =	sst s4  }
0xd: {  	[smem:$0x3F9C] =	sst s5  }
0xe: {  	[smem:$0x3F9D] =	sst s6  }
0xf: {  	[smem:$0x3F9E] =	sst s7  }
0x10: {  	[smem:$0x3F9F] =	sst s8  }
0x11: {  	[smem:$0x3FA0] =	sst s9;
	s0 =	simm.s32 @!p0 $0x0  }
0x12: {  	s1 =	sld [smem:$0x3F86];
	s0 =	simm.s32 @p0 $0x1  }
0x13: {  	[smem:$0x3FA1] =	sst s0;
	s0 =	simm.s32 @!p1 $0x0  }
0x14: {  	s2 =	sld [smem:$0x3F85];
	s0 =	simm.s32 @p1 $0x1  }
0x15: {  	[smem:$0x3FA2] =	sst s0;
	s0 =	simm.s32 @!p2 $0x0  }
0x16: {  	s3 =	sld [smem:$0x3FDB];
	s0 =	simm.s32 @p2 $0x1  }
0x17: {  	s4 =	simm.s32 $0x1BF5;
	[smem:$0x3FA4] =	sst s0  }
0x18: {  	s0 =	sld [smem:$0x3F87];
	_ =	swait.ge [sflag:s4], $0x0  }
0x19: {  	s7 =	sld [smem:$0x3F88]  }
0x1a: {  	s8 =	sadd.s32 $0xFFFFE003, lr  }
0x1b: {  	s9 =	sadd.s32 $0xFFFFFEF7, lr;
	s5 =	simm.s32 $0xFFFFFFFF;
	p2 =	slt.u32 s8, $0xFFFFF086  }
0x1c: {  	p1 =	slt.u32 s9, $0xF7A;
	s5 =	simm.s32 @!p2 $0x0  }
0x1d: {  	s5 =	simm.s32 @p1 $0x1;
	p0 =	seq.s32 s7, s2  }
0x1e: {  	s7 =	smul.u32 @!p0 $0xF7A, s2;
	p2 =	seq.s32 @!p0 s5, $0x0  }
0x1f: {  	s9 =	smul.u32 $0xF7A, s1;
	s8 =	simm.s32 @!p0 $0x1BF5;
	p2 =	por !p2, p0  }
0x20: {  	[sflag:s8] =	ssyncset.s32 @!p0 $0xFFFFF086;
	s6 =	sadd.s32 @!p0 s3, s7;
	s7 =	simm.s32 @!p0 $0x108  }
0x21: {  	s3 =	sadd.s32 s3, s9;
	s6 =	sadd.s32 @!p0 $0x88, s6;
	s7 =	simm.s32 @p2 $0x1082  }
0x22: {  	[simem:s7], [sflag:s8] =	dma.local @!p0 [hbm:s6], $0xF7A  }
0x23: {  	s9 =	sor.u32 $0xD0000000, s2;
	s6 =	simm.s32 $0x108;
	_ =	swait.ge @!p0 [sflag:s8], $0x0  }
0x24: {  	s3 =	sadd.s32 $0x88, s3;
	s6 =	simm.s32 @!p1 $0x1082;
	[sflag:s4] =	ssyncset.s32 $0xFFFFF086  }
0x25: {  	[simem:s6], [sflag:s4] =	dma.local [hbm:s3], $0xF7A  }
0x26: {  	[smem:$0x3F88] =	sst s1;
	(tag) =	ssettag s2;
	_ =	strace s9  }
0x27: {  	s1 =	sld [smem:$0x3F98]  }
0x28: {  	s2 =	sld [smem:$0x3F99]  }
0x29: {  	s4 =	sld [smem:$0x3F9B]  }
0x2a: {  	p0 =	seq.s32 s5, $0x0;
	s5 =	sld [smem:$0x3F9C]  }
0x2b: {  	s6 =	sld [smem:$0x3F9D]  }
0x2c: {  	s7 =	sld [smem:$0x3F9E]  }
0x2d: {  	s3 =	simm.s32 $0x108;
	s8 =	sld [smem:$0x3F9F]  }
0x2e: {  	s3 =	simm.s32 @!p0 $0x1082;
	s9 =	sld [smem:$0x3FA0]  }
0x2f: {  	lr =	sadd.s32 s0, s3;
	s0 =	sld [smem:$0x3F97]  }
0x30: {  	s3 =	sld [smem:$0x3F9A]  }
0x31: {  	[smem:$0x3FA3] =	sst s10  }
0x32: {  	s10 =	sld [smem:$0x3FA1];
	_ =	sdelay $0x3  }
0x33: {  	p0 =	seq.s32 s10, $0x1;
	s10 =	sld [smem:$0x3FA3];
	_ =	sdelay $0x3  }
0x34: {  	[smem:$0x3FA3] =	sst s10  }
0x35: {  	s10 =	sld [smem:$0x3FA2];
	_ =	sdelay $0x3  }
0x36: {  	p1 =	seq.s32 s10, $0x1;
	s10 =	sld [smem:$0x3FA3];
	_ =	sdelay $0x3  }
0x37: {  	[smem:$0x3FA3] =	sst s10  }
0x38: {  	s10 =	sld [smem:$0x3FA4]  }
0x39: {  	_ = 	snop;
	(pc) =	sbr.ind lr, $3  }
0x3a: {  	_ = 	snop  }
0x3b: {  	_ = 	snop  }
0x3c: {  	p2 =	seq.s32 s10, $0x1;
	s10 =	sld [smem:$0x3FA3]  }
0x3d: {  	_ =	shalt  }
0x3e: {  	_ =	shalt  }
0x3f: {  	_ =	shalt  }
0x40: {  	_ =	shalt  }
0x41: {  	_ =	shalt  }
0x42: {  	_ =	shalt  }
0x43: {  	_ =	shalt  }
0x44: {  	_ =	shalt  }
0x45: {  	_ =	shalt  }
0x46: {  	_ =	shalt  }
0x47: {  	_ =	shalt  }
0x48: {  	_ =	shalt  }
0x49: {  	_ =	shalt  }
0x4a: {  	_ =	shalt  }
0x4b: {  	_ =	shalt  }
0x4c: {  	_ =	shalt  }
0x4d: {  	_ =	shalt  }
0x4e: {  	_ =	shalt  }
0x4f: {  	_ =	shalt  }
0x50: {  	_ =	shalt  }
0x51: {  	_ =	shalt  }
0x52: {  	_ =	shalt  }
0x53: {  	_ =	shalt  }
0x54: {  	_ =	shalt  }
0x55: {  	_ =	shalt  }
0x56: {  	_ =	shalt  }
0x57: {  	_ =	shalt  }
0x58: {  	_ =	shalt  }
0x59: {  	_ =	shalt  }
0x5a: {  	_ =	shalt  }
0x5b: {  	_ =	shalt  }
0x5c: {  	_ =	shalt  }
0x5d: {  	_ =	shalt  }
0x5e: {  	_ =	shalt  }
0x5f: {  	_ =	shalt  }
0x60: {  	_ =	shalt  }
0x61: {  	_ =	shalt  }
0x62: {  	_ =	shalt  }
0x63: {  	_ =	shalt  }
0x64: {  	_ =	shalt  }
0x65: {  	_ =	shalt  }
0x66: {  	_ =	shalt  }
0x67: {  	_ =	shalt  }
0x68: {  	_ =	shalt  }
0x69: {  	_ =	shalt  }
0x6a: {  	_ =	shalt  }
0x6b: {  	_ =	shalt  }
0x6c: {  	_ =	shalt  }
0x6d: {  	_ =	shalt  }
0x6e: {  	_ =	shalt  }
0x6f: {  	_ =	shalt  }
0x70: {  	_ =	shalt  }
0x71: {  	_ =	shalt  }
0x72: {  	_ =	shalt  }
0x73: {  	_ =	shalt  }
0x74: {  	_ =	shalt  }
0x75: {  	_ =	shalt  }
0x76: {  	_ =	shalt  }
0x77: {  	_ =	shalt  }
0x78: {  	_ =	shalt  }
0x79: {  	_ =	shalt  }
0x7a: {  	_ =	shalt  }
0x7b: {  	_ =	shalt  }
0x7c: {  	_ =	shalt  }
0x7d: {  	_ =	shalt  }
0x7e: {  	_ =	shalt  }
0x7f: {  	_ =	shalt  }
0x80: {  	_ =	shalt  }
0x81: {  	_ =	shalt  }
0x82: {  	_ =	shalt  }
0x83: {  	_ =	shalt  }
0x84: {  	_ =	shalt  }
0x85: {  	_ =	shalt  }
0x86: {  	_ =	shalt  }
0x87: {  	_ =	shalt  }
.Lfunc_end0:
.L_simem_size_0:
called_computation_lowered:
.L_overlay_start_0:
0x88: {  	s2 =	sld [smem:$0x3FD9]  }
0x89: {  	s3 =	sld [smem:$0x3FFE];
	_ =	sdelay $0x1  }
0x8a: {  	s1 =	srdreg.scid  }
0x8b: {  	s0 =	sand.u32 $0x1, s1  }
0x8c: {  	s17 =	sshll.u32 s0, $0xA;
	s2 =	sadd.s32 s3, s2  }
0x8d: {  	s2 =	sadd.s32 s2, s17  }
0x8e: {  	[smem:$0x3FAF] =	sst s2  }
0x8f: {  	_ = 	snop  }
0x90: {  	s2 =	sld [smem:$0x3FC2]  }
0x91: {  	s18 =	sld [smem:$0x3FC1]  }
0x92: {  	s4 =	sld [smem:$0x3FC0];
	(tm) =	ssettm $0x1  }
0x93: {  	s5 =	sld [smem:$0x3FFB];
	_ =	sdelay $0x3  }
0x94: {  	_ =	strace s5  }
0x95: {  	s5 =	sld [smem:$0x3FFC];
	_ =	sdelay $0x3  }
0x96: {  	_ =	strace s5  }
0x97: {  	s5 =	sld [smem:$0x3FFD];
	_ =	sdelay $0x3  }
0x98: {  	_ =	strace s5  }
0x99: {  	_ =	strace $0x8FFFFFFF  }
0x9a: {  	s19 =	sld [smem:$0x3FDB];
	_ =	sdelay $0x1  }
0x9b: {  	s6 =	simm.s32 $_scs_section_size  }
0x9c: {  	s7 =	simm.s32 $_size__tile_overlayer_lowered;
	s8 =	simm.s32 $_tile_overlayer_lowered  }
0x9d: {  	s22 =	simm.s32 $0x1BFF;
	s21 =	sshll.u32 s8, $0x1;
	s5 =	sadd.s32 s6, s19  }
0x9e: {  	s9 =	simm.s32 $0x0;
	s20 =	sshll.u32 s7, $0x1;
	s7 =	sadd.s32 s21, s5  }
0x9f: {  	[timem:s9], [sflag:s22] =	dma.local [hbm:s7], s20  }
0xa0: {  	_ =	swait.ge [sflag:s22], s20  }
0xa1: {  	s6 =	ssub.s32 $0x0, s20;
	[sflag:s22] =	ssyncset.done $0x0  }
0xa2: {  	[sflag:s22] =	ssyncadd.s32 s6;
	_ =	sdelay $0x1  }
0xa3: {  	s23 =	simm.s32 $0x1B8B  }
0xa4: {  	_ =	swait.ge [sflag:s23], $0x1  }
0xa5: {  	[sflag:s23] =	ssyncset.done $0x0  }
0xa6: {  	s25 =	simm.s32 $0x1B8E;
	s24 =	sld [smem:$0x3FFE];
	[sflag:s23] =	ssyncadd.s32 $0xFFFFFFFF  }
0xa7: {  	s26 =	simm.s32 $execute0_lowered;
	[smem:$0x3FD2] =	sst s25  }
0xa8: {  	s7 =	sshll.u32 s26, $0x1;
	_ =	strace $0x80000046;
	[dreg:$0x1] =	wrdreg $0xFFFFFFFF  }
0xa9: {  	s28 =	simm.s32 $_size_execute0_lowered;
	s5 =	sadd.s32 s5, s7;
	[dreg:$0x0] =	wrdreg $0x0  }
0xaa: {  	s7 =	sshll.u32 s28, $0x1;
	[dreg:$0x2] =	wrdreg s5  }
0xab: {  	[dreg:$0x3] =	wrdreg s7  }
0xac: {  	[dreg:$0x4] =	wrdreg $0xC0  }
0xad: {  	_ =	task [dreg:s9], $0x5FFFF  }
0xae: {  	[dreg:$0x1] =	wrdreg $0xFFFFFFFF  }
0xaf: {  	[dreg:$0x0] =	wrdreg $0x60  }
0xb0: {  	[dreg:$0x2] =	wrdreg s24  }
0xb1: {  	[dreg:$0x3] =	wrdreg s2  }
0xb2: {  	[dreg:$0x4] =	wrdreg s18  }
0xb3: {  	[dreg:$0x5] =	wrdreg s4  }
0xb4: {  	[dreg:$0x6] =	wrdreg $0x9  }
0xb5: {  	_ =	task.clear_ibuf [dreg:s9], $0x7FFFF;
	_ =	strace $0x90000046  }
0xb6: {  	s29 =	simm.s32 $0x9;
	_ =	strace $0x80000048  }
0xb7: {  	_ =	swait.ge [sflag:s29], $0x1  }
0xb8: {  	[sflag:s29] =	ssyncadd.s32 $0xFFFFFFFF  }
0xb9: {  	_ =	strace $0x90000048  }
0xba: {  	_ =	sfence  }
0xbb: {  	s30 =	sld [smem:$0x0];
	_ =	sdelay $0x2  }
0xbc: {  	s31 =	sshll.u32 s1, $0xD;
	s1 =	sshrl.u32 s1, $0x2  }
0xbd: {  	s3 =	sand.u32 $0x4000, s31;
	s1 =	sadd.s32 s1, s30  }
0xbe: {  	s0 =	sor.u32 s3, s0;
	s1 =	sshll.u32 s1, $0x11  }
0xbf: {  	s0 =	sor.u32 s1, s0  }
0xc0: {  	s0 =	sadd.s32 $0x8F2B, s0  }
0xc1: {  	[sflag:s0] =	ssyncadd.remote.s32 $0x1  }
0xc2: {  	_ =	sfence.sel $0xFFFF  }
0xc3: {  	[dreg:$0x0] =	wrdreg $0xFFFFFFFF;
	(pc) =	sbr.abs _section_cstart, $3  }
0xc4: {  	[dreg:$0x1] =	wrdreg $0xFFFFFFFF  }
0xc5: {  	_ =	task.clear_ibuf [dreg:s9], $0x2FFFF;
	_ =	strace $0x9FFFFFFF  }
0xc6: {  	(tm) =	ssettm $0x7FFFFFFF  }
0xc7: {  	_ =	shalt  }
tec
execute0_lowered:
.L_overlay_start_1:
0x0: {  	(tag) =	ssettag $0x1  }
0x1: {  	s0 =	rddreg [dreg:$0x0]  }
0x2: {  	s1 =	rddreg [dreg:$0x1]  }
0x3: {  	s2 =	srdreg.scid;
	s4 =	stileid.u32  }
0x4: {  	s3 =	rddreg [dreg:$0x2];
	s15 =	simm.s32 $0x9A80;
	s10 =	simm.s32 $0xB280  }
0x5: {  	s12 =	simm.s32 $0xBA80;
	s13 =	simm.s32 $0xC280;
	s16 =	simm.s32 $0xCA80  }
0x6: {  	s17 =	simm.s32 $0xD280;
	s18 =	simm.s32 $0xDA80;
	s19 =	simm.s32 $0xE280  }
0x7: {  	s20 =	simm.s32 $0xEA80;
	s2 =	sand.u32 $0x1, s2;
	s5 =	sshll.u32 s4, $0x1  }
0x8: {  	s21 =	simm.s32 $0xF280;
	s22 =	simm.s32 $0x1;
	s6 =	sor.u32 s2, s5  }
0x9: {  	s23 =	simm.s32 $0xFA80;
	s24 =	simm.s32 $0x2;
	s6 =	smul.u32 $0x320, s6  }
0xa: {  	s25 =	simm.s32 $0x12280;
	s4 =	rddreg [dreg:$0x3];
	s2 =	ssub.s32 $0x2, s2  }
0xb: {  	s5 =	simm.s32 $0x0;
	s8 =	sshrl.u32 s2, $0x1;
	s7 =	sshrl.u32 s6, $0x3  }
0xc: {  	[smem:$0x7FF] =	sst s5;
	s28 =	ssub.s32 s2, s8;
	s9 =	sadd.s32 s7, s0  }
.Ltmp0:
0xd: {  	s7 =	sadd.s32 $0x6A00, s0;
	s0 =	smax.u32 s28, $0x1;
	(pc) =	sbr.rel .LBB2_1-.Ltmp0, $4  }
0xe: {  	_ =	strace $0x80000047;
	s29 =	sadd.s32 $0x4000, s9;
	[dreg:$0x8] =	wrdreg s0  }
0xf: {  	v2 =	vlaneseq.u32;
	s14 =	simm.s32 $0x0;
	s30 =	sadd.s32 $0x4E00, s9;
	[dreg:$0x5] =	wrdreg s29  }
0x10: {  	vm0 =	vmmov $0xffff;
	v1 =	vshrl.u32 v2, $0x3;
	s8 =	simm.s32 $0xA280;
	s31 =	sadd.s32 $0x5C00, s9;
	[dreg:$0x6] =	wrdreg s30  }
0x11: {  	v0 =	vand.u32 $0x7, v2;
	v2 =	vor.u32 $0x8, v2;
	v1 =	vmul.u32 $0x8, v1;
	s11 =	sadd.s32 $0x28, s6;
	s9 =	simm.s32 $0xAA80;
	[dreg:$0x7] =	wrdreg s31  }
.LBB2_12:
0x12: {  	s0 =	simm.s32 $0x3  }
0x13: {  	_ =	swait.ge [sflag:s0], $0x2800  }
0x14: {  	[sflag:s0] =	ssyncset.done $0x0  }
0x15: {  	s2 =	simm.s32 $0x4;
	[sflag:s0] =	ssyncadd.s32 $0xFFFFD800  }
0x16: {  	_ =	swait.ge [sflag:s2], $0x2800  }
0x17: {  	s14 =	rddreg [dreg:$0x9]  }
0x18: {  	s31 =	rddreg [dreg:$0x8];
	s14 =	sadd.s32 $0x1, s14  }
0x19: {  	p0 =	sne.s32 s14, s31  }
.Ltmp1:
0x1a: {  	_ = 	snop;
	(pc) =	sbr.rel @!p0 .LBB2_13-.Ltmp1, $3  }
0x1b: {  	_ =	sdelay $0x1  }
0x1c: {  	[sflag:s2] =	ssyncset.done $0x0  }
0x1d: {  	[sflag:s2] =	ssyncadd.s32 $0xFFFFD800  }
.LBB2_1:
0x1e: {  	[dreg:$0x9] =	wrdreg s14  }
0x1f: {  	s0 =	rddreg [dreg:$0x5];
	s2 =	simm.s32 $0x5  }
0x20: {  	[tilespmem:s5], [sflag:$0x5] =	stream.linear.gather [hbm4b:s0+s5], $0x320, $0x38;
	[tilespmem:$0x14A80] =	vst v63  }
0x21: {  	_ =	swait.ge [sflag:s2], $0x320  }
0x22: {  	[sflag:s2] =	ssyncset.done $0x0  }
0x23: {  	s29 =	simm.s32 $0x380;
	s28 =	rddreg [dreg:$0x6];
	[sflag:s2] =	ssyncadd.s32 $0xFFFFFCE0  }
0x24: {  	[tilespmem:s29], [sflag:$0x5] =	stream.linear.gather [hbm4b:s28+s5], $0x320, $0x38;
	[tilespmem:$0x14A80] =	vst v63  }
0x25: {  	_ =	swait.ge [sflag:s2], $0x320  }
0x26: {  	[sflag:s2] =	ssyncset.done $0x0  }
0x27: {  	s31 =	simm.s32 $0x700;
	s30 =	rddreg [dreg:$0x7];
	[sflag:s2] =	ssyncadd.s32 $0xFFFFFCE0  }
0x28: {  	[tilespmem:s31], [sflag:$0x5] =	stream.linear.gather [hbm4b:s30+s5], $0x320, $0x38;
	[tilespmem:$0x14A80] =	vst v63  }
0x29: {  	_ =	swait.ge [sflag:s2], $0x320  }
0x2a: {  	[sflag:s2] =	ssyncset.done $0x0  }
0x2b: {  	s0 =	simm.s32 $0x0;
	[sflag:s2] =	ssyncadd.s32 $0xFFFFFCE0  }
0x2c: {  	v4 =	vld [tilespmem:s0+$0x0]  }
0x2d: {  	s2 =	simm.s32 $0x40;
	v3 =	vld [tilespmem:s0+$0x380]  }
.LBB2_2:
0x2e: {  	p0 =	sne.s32 s2, $0xC40;
	v5 =	vld [tilespmem:s0+$0x700];
	_ =	sdelay $0x2  }
0x2f: {  	v6 =	vshra.s32 v4, $0x1F  }
0x30: {  	v6 =	vshrl.u32 v6, $0x10;
	v7 =	vshra.s32 v3, $0x1F  }
0x31: {  	v6 =	vadd.s32 v6, v4;
	v7 =	vshrl.u32 v7, $0x14;
	v8 =	vshra.s32 v5, $0x1F  }
.Ltmp2:
0x32: {  	v6 =	vand.u32 $0xFFFF0000, v6;
	v7 =	vadd.s32 v7, v3;
	v8 =	vshrl.u32 v8, $0x10;
	(pc) =	sbr.rel @p0 .LBB2_2-.Ltmp2, $4  }
0x33: {  	v4 =	vsub.s32 v4, v6;
	v6 =	vand.u32 $0xFFFFF000, v7;
	v7 =	vadd.s32 v8, v5  }
0x34: {  	s26 =	sshra.s32 s2, $0x2;
	[tilespmem:s0+$0x0] =	vst v4;
	v3 =	vsub.s32 v3, v6;
	v6 =	vand.u32 $0xFFFF0000, v7  }
0x35: {  	v4 =	vld [tilespmem:s26+$0x0];
	[tilespmem:s0+$0x380] =	vst v3;
	v5 =	vsub.s32 v5, v6  }
0x36: {  	s2 =	sadd.s32 $0x40, s2;
	v3 =	vld [tilespmem:s26+$0x380];
	[tilespmem:s0+$0x700] =	vst v5;
	s0 =	smov.u32 s26  }
0x37: {  	v5 =	vld [tilespmem:s0+$0x700];
	_ =	sdelay $0x2  }
0x38: {  	v6 =	vshra.s32 v4, $0x1F  }
0x39: {  	v6 =	vshrl.u32 v6, $0x10;
	v7 =	vshra.s32 v3, $0x1F  }
0x3a: {  	v6 =	vadd.s32 v6, v4;
	v7 =	vshrl.u32 v7, $0x14;
	v8 =	vshra.s32 v5, $0x1F  }
0x3b: {  	v6 =	vand.u32 $0xFFFF0000, v6;
	v7 =	vadd.s32 v7, v3;
	v8 =	vshrl.u32 v8, $0x10  }
0x3c: {  	v42 =	vsub.s32 v4, v6;
	v43 =	vand.u32 $0xFFFFF000, v7;
	v44 =	vadd.s32 v8, v5  }
0x3d: {  	[tilespmem:s0+$0x0] =	vst v42;
	v3 =	vsub.s32 v3, v43;
	v45 =	vand.u32 $0xFFFF0000, v44  }
0x3e: {  	[tilespmem:s0+$0x380] =	vst v3;
	v3 =	vsub.s32 v5, v45  }
0x3f: {  	[tilespmem:s0+$0x700] =	vst v3  }
0x40: {  	v3 =	vld [tilespmem:$0x0];
	_ =	sdelay $0x4  }
0x41: {  	v46 =	vshll.u32 v3, $0x1  }
0x42: {  	v3 =	vand.u32 $0x7, v3;
	v4 =	vand.u32 $0xFFFFFFF0, v46  }
0x43: {  	v3 =	vor.u32 v3, v4  }
0x44: {  	v4 =	vperm.xlane v3, v0;
	_ =	sdelay $0x1  }
0x45: {  	v3 =	vperm.xlane v3, v2;
	v4 =	vadd.s32 v1, v4;
	_ =	sdelay $0x1  }
0x46: {  	v3 =	vadd.s32 v1, v3;
	_ =	sdelay $0x1  }
0x47: {  	s26 =	simm.s32 $0x0;
	s29 =	simm.s32 $0xA80  }
0x48: {  	[tilespmem:s29], [sflag:$0x1] =	stream.indirect_vreg.gather [hbm4b:s1+s26], $0x80, v4, vm0, $0xb8;
	[tilespmem:$0x14A80] =	vst v63  }
0x49: {  	s30 =	simm.s32 $0x1280  }
0x4a: {  	[tilespmem:s30], [sflag:$0x1] =	stream.indirect_vreg.gather [hbm4b:s1+s26], $0x80, v3, vm0, $0xb8;
	[tilespmem:$0x14A80] =	vst v63  }
0x4b: {  	v3 =	vld [tilespmem:$0x10];
	_ =	sdelay $0x4  }
0x4c: {  	v47 =	vshll.u32 v3, $0x1  }
0x4d: {  	v3 =	vand.u32 $0x7, v3;
	v4 =	vand.u32 $0xFFFFFFF0, v47  }
0x4e: {  	v3 =	vor.u32 v3, v4  }
0x4f: {  	v4 =	vperm.xlane v3, v0;
	_ =	sdelay $0x1  }
0x50: {  	v3 =	vperm.xlane v3, v2;
	v4 =	vadd.s32 v1, v4;
	_ =	sdelay $0x1  }
0x51: {  	v3 =	vadd.s32 v1, v3;
	_ =	sdelay $0x1  }
0x52: {  	s31 =	simm.s32 $0x1A80  }
0x53: {  	[tilespmem:s31], [sflag:$0x1] =	stream.indirect_vreg.gather [hbm4b:s1+s26], $0x80, v4, vm0, $0xb8;
	[tilespmem:$0x14A80] =	vst v63  }
0x54: {  	s2 =	simm.s32 $0x2280  }
0x55: {  	[tilespmem:s2], [sflag:$0x1] =	stream.indirect_vreg.gather [hbm4b:s1+s26], $0x80, v3, vm0, $0xb8;
	[tilespmem:$0x14A80] =	vst v63  }
0x56: {  	v3 =	vld.msk [tilespmem:$0x20], $0xff;
	_ =	sdelay $0x4  }
0x57: {  	v48 =	vshll.u32 v3, $0x1  }
0x58: {  	v3 =	vand.u32 $0x7, v3;
	v4 =	vand.u32 $0xFFFFFFF0, v48  }
0x59: {  	v3 =	vor.u32 v3, v4  }
0x5a: {  	v3 =	vperm.xlane v3, v0;
	_ =	sdelay $0x1  }
0x5b: {  	v3 =	vadd.s32 v1, v3;
	_ =	sdelay $0x3  }
0x5c: {  	s14 =	simm.s32 $0x2A80  }
0x5d: {  	[tilespmem:s14], [sflag:$0x1] =	stream.indirect_vreg.gather [hbm4b:s1+s26], $0x80, v3, vm0, $0xb8;
	[tilespmem:$0x14A80] =	vst v63  }
0x5e: {  	v3 =	vld [tilespmem:$0x380];
	_ =	sdelay $0x4  }
0x5f: {  	v49 =	vshll.u32 v3, $0x1  }
0x60: {  	v3 =	vand.u32 $0x7, v3;
	v4 =	vand.u32 $0xFFFFFFF0, v49  }
0x61: {  	v3 =	vor.u32 v3, v4  }
0x62: {  	v4 =	vperm.xlane v3, v0;
	_ =	sdelay $0x1  }
0x63: {  	v3 =	vperm.xlane v3, v2;
	v4 =	vadd.s32 v1, v4;
	_ =	sdelay $0x1  }
0x64: {  	v3 =	vadd.s32 v1, v3;
	_ =	sdelay $0x1  }
0x65: {  	s29 =	simm.s32 $0x3280  }
0x66: {  	[tilespmem:s29], [sflag:$0x1] =	stream.indirect_vreg.gather [hbm4b:s3+s26], $0x80, v4, vm0, $0xb8;
	[tilespmem:$0x14A80] =	vst v63  }
0x67: {  	s30 =	simm.s32 $0x3A80  }
0x68: {  	[tilespmem:s30], [sflag:$0x1] =	stream.indirect_vreg.gather [hbm4b:s3+s26], $0x80, v3, vm0, $0xb8;
	[tilespmem:$0x14A80] =	vst v63  }
0x69: {  	v3 =	vld [tilespmem:$0x390];
	_ =	sdelay $0x4  }
0x6a: {  	v50 =	vshll.u32 v3, $0x1  }
0x6b: {  	v3 =	vand.u32 $0x7, v3;
	v4 =	vand.u32 $0xFFFFFFF0, v50  }
0x6c: {  	v3 =	vor.u32 v3, v4  }
0x6d: {  	v4 =	vperm.xlane v3, v0;
	_ =	sdelay $0x1  }
0x6e: {  	v3 =	vperm.xlane v3, v2;
	v4 =	vadd.s32 v1, v4;
	_ =	sdelay $0x1  }
0x6f: {  	v3 =	vadd.s32 v1, v3;
	_ =	sdelay $0x1  }
0x70: {  	s31 =	simm.s32 $0x4280  }
0x71: {  	[tilespmem:s31], [sflag:$0x1] =	stream.indirect_vreg.gather [hbm4b:s3+s26], $0x80, v4, vm0, $0xb8;
	[tilespmem:$0x14A80] =	vst v63  }
0x72: {  	s2 =	simm.s32 $0x4A80  }
0x73: {  	[tilespmem:s2], [sflag:$0x1] =	stream.indirect_vreg.gather [hbm4b:s3+s26], $0x80, v3, vm0, $0xb8;
	[tilespmem:$0x14A80] =	vst v63  }
0x74: {  	v3 =	vld.msk [tilespmem:$0x3A0], $0xff;
	_ =	sdelay $0x4  }
0x75: {  	v51 =	vshll.u32 v3, $0x1  }
0x76: {  	v3 =	vand.u32 $0x7, v3;
	v4 =	vand.u32 $0xFFFFFFF0, v51  }
0x77: {  	v3 =	vor.u32 v3, v4  }
0x78: {  	v3 =	vperm.xlane v3, v0;
	_ =	sdelay $0x1  }
0x79: {  	v3 =	vadd.s32 v1, v3;
	_ =	sdelay $0x3  }
0x7a: {  	s14 =	simm.s32 $0x5280  }
0x7b: {  	[tilespmem:s14], [sflag:$0x1] =	stream.indirect_vreg.gather [hbm4b:s3+s26], $0x80, v3, vm0, $0xb8;
	[tilespmem:$0x14A80] =	vst v63  }
0x7c: {  	v3 =	vld [tilespmem:$0x700];
	_ =	sdelay $0x4  }
0x7d: {  	v52 =	vshll.u32 v3, $0x1  }
0x7e: {  	v3 =	vand.u32 $0x7, v3;
	v4 =	vand.u32 $0xFFFFFFF0, v52  }
0x7f: {  	v3 =	vor.u32 v3, v4  }
0x80: {  	v4 =	vperm.xlane v3, v0;
	_ =	sdelay $0x1  }
0x81: {  	v3 =	vperm.xlane v3, v2;
	v4 =	vadd.s32 v1, v4;
	_ =	sdelay $0x1  }
0x82: {  	v3 =	vadd.s32 v1, v3;
	_ =	sdelay $0x1  }
0x83: {  	s29 =	simm.s32 $0x5A80  }
0x84: {  	[tilespmem:s29], [sflag:$0x1] =	stream.indirect_vreg.gather [hbm4b:s4+s26], $0x80, v4, vm0, $0xb8;
	[tilespmem:$0x14A80] =	vst v63  }
0x85: {  	s30 =	simm.s32 $0x6280  }
0x86: {  	[tilespmem:s30], [sflag:$0x1] =	stream.indirect_vreg.gather [hbm4b:s4+s26], $0x80, v3, vm0, $0xb8;
	[tilespmem:$0x14A80] =	vst v63  }
0x87: {  	v3 =	vld [tilespmem:$0x710];
	_ =	sdelay $0x4  }
0x88: {  	v53 =	vshll.u32 v3, $0x1  }
0x89: {  	v3 =	vand.u32 $0x7, v3;
	v4 =	vand.u32 $0xFFFFFFF0, v53  }
0x8a: {  	v3 =	vor.u32 v3, v4  }
0x8b: {  	v4 =	vperm.xlane v3, v0;
	_ =	sdelay $0x1  }
0x8c: {  	v3 =	vperm.xlane v3, v2;
	v4 =	vadd.s32 v1, v4;
	_ =	sdelay $0x1  }
0x8d: {  	v3 =	vadd.s32 v1, v3;
	_ =	sdelay $0x1  }
0x8e: {  	s31 =	simm.s32 $0x6A80  }
0x8f: {  	[tilespmem:s31], [sflag:$0x1] =	stream.indirect_vreg.gather [hbm4b:s4+s26], $0x80, v4, vm0, $0xb8;
	[tilespmem:$0x14A80] =	vst v63  }
0x90: {  	s2 =	simm.s32 $0x7280  }
0x91: {  	[tilespmem:s2], [sflag:$0x1] =	stream.indirect_vreg.gather [hbm4b:s4+s26], $0x80, v3, vm0, $0xb8;
	[tilespmem:$0x14A80] =	vst v63  }
0x92: {  	v3 =	vld.msk [tilespmem:$0x720], $0xff;
	_ =	sdelay $0x4  }
0x93: {  	v54 =	vshll.u32 v3, $0x1  }
0x94: {  	v3 =	vand.u32 $0x7, v3;
	v4 =	vand.u32 $0xFFFFFFF0, v54  }
0x95: {  	v3 =	vor.u32 v3, v4  }
0x96: {  	v3 =	vperm.xlane v3, v0;
	_ =	sdelay $0x1  }
0x97: {  	v3 =	vadd.s32 v1, v3;
	_ =	sdelay $0x3  }
0x98: {  	s14 =	simm.s32 $0x7A80  }
0x99: {  	[tilespmem:s14], [sflag:$0x1] =	stream.indirect_vreg.gather [hbm4b:s4+s26], $0x80, v3, vm0, $0xb8;
	[tilespmem:$0x14A80] =	vst v63  }
0x9a: {  	v3 =	vld [tilespmem:$0x28];
	_ =	sdelay $0x4  }
0x9b: {  	v55 =	vshll.u32 v3, $0x1  }
0x9c: {  	v3 =	vand.u32 $0x7, v3;
	v4 =	vand.u32 $0xFFFFFFF0, v55  }
0x9d: {  	v3 =	vor.u32 v3, v4  }
0x9e: {  	v4 =	vperm.xlane v3, v0;
	_ =	sdelay $0x1  }
0x9f: {  	v3 =	vperm.xlane v3, v2;
	v4 =	vadd.s32 v1, v4;
	_ =	sdelay $0x1  }
0xa0: {  	v3 =	vadd.s32 v1, v3;
	_ =	sdelay $0x1  }
0xa1: {  	s29 =	simm.s32 $0x8280  }
0xa2: {  	[tilespmem:s29], [sflag:$0x2] =	stream.indirect_vreg.gather [hbm4b:s1+s26], $0x80, v4, vm0, $0xb8;
	[tilespmem:$0x14A80] =	vst v63  }
0xa3: {  	s30 =	simm.s32 $0x8A80  }
0xa4: {  	[tilespmem:s30], [sflag:$0x2] =	stream.indirect_vreg.gather [hbm4b:s1+s26], $0x80, v3, vm0, $0xb8;
	[tilespmem:$0x14A80] =	vst v63  }
0xa5: {  	v3 =	vld [tilespmem:$0x38];
	_ =	sdelay $0x4  }
0xa6: {  	v56 =	vshll.u32 v3, $0x1  }
0xa7: {  	v3 =	vand.u32 $0x7, v3;
	v4 =	vand.u32 $0xFFFFFFF0, v56  }
0xa8: {  	v3 =	vor.u32 v3, v4  }
0xa9: {  	v4 =	vperm.xlane v3, v0;
	_ =	sdelay $0x1  }
0xaa: {  	v3 =	vperm.xlane v3, v2;
	v4 =	vadd.s32 v1, v4;
	_ =	sdelay $0x1  }
0xab: {  	v3 =	vadd.s32 v1, v3;
	_ =	sdelay $0x1  }
0xac: {  	s31 =	simm.s32 $0x9280  }
0xad: {  	[tilespmem:s31], [sflag:$0x2] =	stream.indirect_vreg.gather [hbm4b:s1+s26], $0x80, v4, vm0, $0xb8;
	[tilespmem:$0x14A80] =	vst v63  }
0xae: {  	_ = 	snop  }
0xaf: {  	[tilespmem:s15], [sflag:$0x2] =	stream.indirect_vreg.gather [hbm4b:s1+s26], $0x80, v3, vm0, $0xb8;
	[tilespmem:$0x14A80] =	vst v63  }
0xb0: {  	v3 =	vld.msk [tilespmem:$0x48], $0xff;
	_ =	sdelay $0x4  }
0xb1: {  	v57 =	vshll.u32 v3, $0x1  }
0xb2: {  	v3 =	vand.u32 $0x7, v3;
	v4 =	vand.u32 $0xFFFFFFF0, v57  }
0xb3: {  	v3 =	vor.u32 v3, v4  }
0xb4: {  	v3 =	vperm.xlane v3, v0;
	_ =	sdelay $0x1  }
0xb5: {  	v3 =	vadd.s32 v1, v3;
	_ =	sdelay $0x4  }
0xb6: {  	[tilespmem:s8], [sflag:$0x2] =	stream.indirect_vreg.gather [hbm4b:s1+s26], $0x80, v3, vm0, $0xb8;
	[tilespmem:$0x14A80] =	vst v63  }
0xb7: {  	v3 =	vld [tilespmem:$0x3A8];
	_ =	sdelay $0x4  }
0xb8: {  	v58 =	vshll.u32 v3, $0x1  }
0xb9: {  	v3 =	vand.u32 $0x7, v3;
	v4 =	vand.u32 $0xFFFFFFF0, v58  }
0xba: {  	v3 =	vor.u32 v3, v4  }
0xbb: {  	v4 =	vperm.xlane v3, v0;
	_ =	sdelay $0x1  }
0xbc: {  	v3 =	vperm.xlane v3, v2;
	v4 =	vadd.s32 v1, v4;
	_ =	sdelay $0x1  }
0xbd: {  	v3 =	vadd.s32 v1, v3;
	_ =	sdelay $0x2  }
0xbe: {  	[tilespmem:s9], [sflag:$0x2] =	stream.indirect_vreg.gather [hbm4b:s3+s26], $0x80, v4, vm0, $0xb8;
	[tilespmem:$0x14A80] =	vst v63  }
0xbf: {  	_ = 	snop  }
0xc0: {  	[tilespmem:s10], [sflag:$0x2] =	stream.indirect_vreg.gather [hbm4b:s3+s26], $0x80, v3, vm0, $0xb8;
	[tilespmem:$0x14A80] =	vst v63  }
0xc1: {  	v3 =	vld [tilespmem:$0x3B8];
	_ =	sdelay $0x4  }
0xc2: {  	v59 =	vshll.u32 v3, $0x1  }
0xc3: {  	v3 =	vand.u32 $0x7, v3;
	v4 =	vand.u32 $0xFFFFFFF0, v59  }
0xc4: {  	v3 =	vor.u32 v3, v4  }
0xc5: {  	v4 =	vperm.xlane v3, v0;
	_ =	sdelay $0x1  }
0xc6: {  	v3 =	vperm.xlane v3, v2;
	v4 =	vadd.s32 v1, v4;
	_ =	sdelay $0x1  }
0xc7: {  	v3 =	vadd.s32 v1, v3;
	_ =	sdelay $0x2  }
0xc8: {  	[tilespmem:s12], [sflag:$0x2] =	stream.indirect_vreg.gather [hbm4b:s3+s26], $0x80, v4, vm0, $0xb8;
	[tilespmem:$0x14A80] =	vst v63  }
0xc9: {  	_ = 	snop  }
0xca: {  	[tilespmem:s13], [sflag:$0x2] =	stream.indirect_vreg.gather [hbm4b:s3+s26], $0x80, v3, vm0, $0xb8;
	[tilespmem:$0x14A80] =	vst v63  }
0xcb: {  	v3 =	vld.msk [tilespmem:$0x3C8], $0xff;
	_ =	sdelay $0x4  }
0xcc: {  	v60 =	vshll.u32 v3, $0x1  }
0xcd: {  	v3 =	vand.u32 $0x7, v3;
	v4 =	vand.u32 $0xFFFFFFF0, v60  }
0xce: {  	v3 =	vor.u32 v3, v4  }
0xcf: {  	v3 =	vperm.xlane v3, v0;
	_ =	sdelay $0x1  }
0xd0: {  	v3 =	vadd.s32 v1, v3;
	_ =	sdelay $0x4  }
0xd1: {  	[tilespmem:s16], [sflag:$0x2] =	stream.indirect_vreg.gather [hbm4b:s3+s26], $0x80, v3, vm0, $0xb8;
	[tilespmem:$0x14A80] =	vst v63  }
0xd2: {  	v3 =	vld [tilespmem:$0x728];
	_ =	sdelay $0x4  }
0xd3: {  	v61 =	vshll.u32 v3, $0x1  }
0xd4: {  	v3 =	vand.u32 $0x7, v3;
	v4 =	vand.u32 $0xFFFFFFF0, v61  }
0xd5: {  	v3 =	vor.u32 v3, v4  }
0xd6: {  	v4 =	vperm.xlane v3, v0;
	_ =	sdelay $0x1  }
0xd7: {  	v3 =	vperm.xlane v3, v2;
	v4 =	vadd.s32 v1, v4;
	_ =	sdelay $0x1  }
0xd8: {  	v3 =	vadd.s32 v1, v3;
	_ =	sdelay $0x2  }
0xd9: {  	[tilespmem:s17], [sflag:$0x2] =	stream.indirect_vreg.gather [hbm4b:s4+s26], $0x80, v4, vm0, $0xb8;
	[tilespmem:$0x14A80] =	vst v63  }
0xda: {  	_ = 	snop  }
0xdb: {  	[tilespmem:s18], [sflag:$0x2] =	stream.indirect_vreg.gather [hbm4b:s4+s26], $0x80, v3, vm0, $0xb8;
	[tilespmem:$0x14A80] =	vst v63  }
0xdc: {  	v3 =	vld [tilespmem:$0x738];
	_ =	sdelay $0x4  }
0xdd: {  	v62 =	vshll.u32 v3, $0x1  }
0xde: {  	v3 =	vand.u32 $0x7, v3;
	v4 =	vand.u32 $0xFFFFFFF0, v62  }
0xdf: {  	v3 =	vor.u32 v3, v4  }
0xe0: {  	v4 =	vperm.xlane v3, v0;
	_ =	sdelay $0x1  }
0xe1: {  	v3 =	vperm.xlane v3, v2;
	v4 =	vadd.s32 v1, v4;
	_ =	sdelay $0x1  }
0xe2: {  	v3 =	vadd.s32 v1, v3;
	_ =	sdelay $0x2  }
0xe3: {  	[tilespmem:s19], [sflag:$0x2] =	stream.indirect_vreg.gather [hbm4b:s4+s26], $0x80, v4, vm0, $0xb8;
	[tilespmem:$0x14A80] =	vst v63  }
0xe4: {  	_ = 	snop  }
0xe5: {  	[tilespmem:s20], [sflag:$0x2] =	stream.indirect_vreg.gather [hbm4b:s4+s26], $0x80, v3, vm0, $0xb8;
	[tilespmem:$0x14A80] =	vst v63  }
0xe6: {  	v3 =	vld.msk [tilespmem:$0x748], $0xff;
	_ =	sdelay $0x4  }
0xe7: {  	v63 =	vshll.u32 v3, $0x1  }
0xe8: {  	v3 =	vand.u32 $0x7, v3;
	v4 =	vand.u32 $0xFFFFFFF0, v63  }
0xe9: {  	v3 =	vor.u32 v3, v4  }
0xea: {  	v3 =	vperm.xlane v3, v0;
	_ =	sdelay $0x1  }
0xeb: {  	v3 =	vadd.s32 v1, v3;
	_ =	sdelay $0x3  }
0xec: {  	s28 =	simm.s32 $0x0  }
0xed: {  	[tilespmem:s21], [sflag:$0x2] =	stream.indirect_vreg.gather [hbm4b:s4+s26], $0x80, v3, vm0, $0xb8;
	[tilespmem:$0x14A80] =	vst v63  }
.LBB2_4:
0xee: {  	_ =	swait.ge [sflag:s22], $0x2800  }
0xef: {  	[sflag:s22] =	ssyncset.done $0x0  }
0xf0: {  	[sflag:s22] =	ssyncadd.s32 $0xFFFFD800  }
0xf1: {  	_ =	swait.ge [sflag:s22], $0x2800  }
0xf2: {  	[sflag:s22] =	ssyncset.done $0x0  }
0xf3: {  	[sflag:s22] =	ssyncadd.s32 $0xFFFFD800  }
0xf4: {  	_ =	swait.ge [sflag:s22], $0x2800  }
0xf5: {  	p0 =	seq.s32 s28, $0x0;
	[sflag:s22] =	ssyncset.done $0x0  }
0xf6: {  	s0 =	simm.s32 @!p0 $0x3;
	[sflag:s22] =	ssyncadd.s32 $0xFFFFD800  }
0xf7: {  	_ =	swait.ge @!p0 [sflag:s0], $0x2800  }
0xf8: {  	s2 =	sand.u32 $0x3800, s26;
	s29 =	sand.u32 $0x380, s26;
	[sflag:s0] =	ssyncset.done @!p0 $0x0  }
0xf9: {  	s30 =	sor.u32 s29, s2;
	[sflag:s0] =	ssyncadd.s32 @!p0 $0xFFFFD800  }
0xfa: {  	v3 =	vld [tilespmem:s30+$0xEF0]  }
0xfb: {  	v4 =	vld [tilespmem:s30+$0x36F0]  }
0xfc: {  	v5 =	vld [tilespmem:s30+$0xA80]  }
0xfd: {  	v6 =	vld [tilespmem:s30+$0x5EF0]  }
0xfe: {  	v7 =	vld [tilespmem:s30+$0x3280]  }
0xff: {  	v8 =	vld [tilespmem:s30+$0xA90]  }
0x100: {  	v9 =	vld [tilespmem:s30+$0x3290]  }
0x101: {  	v10 =	vld [tilespmem:s30+$0x32A0]  }
0x102: {  	v11 =	vld [tilespmem:s30+$0x32B0]  }
0x103: {  	v12 =	vld [tilespmem:s30+$0x32C0]  }
0x104: {  	v13 =	vld [tilespmem:s30+$0xAD0]  }
0x105: {  	v14 =	vld [tilespmem:s30+$0x32D0]  }
0x106: {  	v15 =	vld [tilespmem:s30+$0xAE0]  }
0x107: {  	v16 =	vld [tilespmem:s30+$0x32E0]  }
0x108: {  	v17 =	vld [tilespmem:s30+$0xAF0]  }
0x109: {  	v18 =	vld [tilespmem:s30+$0x32F0]  }
0x10a: {  	v19 =	vld [tilespmem:s30+$0xE80]  }
0x10b: {  	v20 =	vld [tilespmem:s30+$0x3680]  }
0x10c: {  	v21 =	vld [tilespmem:s30+$0xE90]  }
0x10d: {  	v22 =	vld [tilespmem:s30+$0x3690]  }
0x10e: {  	v23 =	vld [tilespmem:s30+$0xEA0]  }
0x10f: {  	v24 =	vld [tilespmem:s30+$0x36A0]  }
0x110: {  	v25 =	vld [tilespmem:s30+$0xEB0]  }
0x111: {  	v26 =	vld [tilespmem:s30+$0x36B0]  }
0x112: {  	v27 =	vld [tilespmem:s30+$0xEC0]  }
0x113: {  	v28 =	vld [tilespmem:s30+$0x36C0]  }
0x114: {  	v29 =	vld [tilespmem:s30+$0xED0]  }
0x115: {  	v30 =	vld [tilespmem:s30+$0x36D0]  }
0x116: {  	v33 =	vld [tilespmem:s30+$0x5A80]  }
0x117: {  	v34 =	vld [tilespmem:s30+$0x5A90]  }
0x118: {  	v35 =	vld [tilespmem:s30+$0x5AA0];
	v3 =	vadd.f32 v4, v3  }
0x119: {  	v4 =	vld [tilespmem:s30+$0xAA0]  }
0x11a: {  	v3 =	vadd.f32 v6, v3;
	v6 =	vld [tilespmem:s30+$0xAB0]  }
0x11b: {  	v5 =	vadd.f32 v7, v5;
	v7 =	vld [tilespmem:s30+$0x5AB0]  }
0x11c: {  	[tilespmem:s30+$0xFEF0] =	vst v3;
	v3 =	vld [tilespmem:s30+$0xAC0]  }
0x11d: {  	v31 =	vld [tilespmem:s30+$0xEE0];
	v8 =	vadd.f32 v9, v8  }
0x11e: {  	v36 =	vld [tilespmem:s30+$0x5AC0];
	v5 =	vadd.f32 v33, v5;
	v4 =	vadd.f32 v10, v4  }
0x11f: {  	v9 =	vld [tilespmem:s30+$0x5AD0];
	v6 =	vadd.f32 v11, v6  }
0x120: {  	v8 =	vadd.f32 v34, v8;
	[tilespmem:s30+$0xFA80] =	vst v5;
	v5 =	vld [tilespmem:s30+$0x5AF0];
	v4 =	vadd.f32 v35, v4  }
0x121: {  	v62 =	vld [tilespmem:s30+$0x5AE0];
	v3 =	vadd.f32 v12, v3;
	v6 =	vadd.f32 v7, v6  }
0x122: {  	v63 =	vld [tilespmem:s30+$0x5E80];
	[tilespmem:s30+$0xFAA0] =	vst v4;
	v4 =	vadd.f32 v14, v13;
	v7 =	vadd.f32 v18, v17  }
0x123: {  	v32 =	vld [tilespmem:s30+$0x36E0];
	v13 =	vadd.f32 v20, v19;
	v14 =	vadd.f32 v22, v21  }
0x124: {  	v12 =	vld [tilespmem:s30+$0x5E90];
	v3 =	vadd.f32 v36, v3;
	[tilespmem:s30+$0xFAB0] =	vst v6;
	v6 =	vadd.f32 v16, v15  }
0x125: {  	[tilespmem:s30+$0xFA90] =	vst v8;
	v8 =	vld [tilespmem:s30+$0x5EA0];
	v4 =	vadd.f32 v9, v4;
	v15 =	vadd.f32 v5, v7  }
0x126: {  	v9 =	vld [tilespmem:s30+$0x5EB0];
	v5 =	vadd.f32 v28, v27;
	v7 =	vadd.f32 v30, v29;
	[tilespmem:s30+$0xFAC0] =	vst v3  }
0x127: {  	s31 =	simm.s32 $0x80;
	s2 =	simm.s32 $0x100;
	v10 =	vld [tilespmem:s30+$0x5EC0];
	v13 =	vadd.f32 v63, v13;
	v6 =	vadd.f32 v62, v6;
	[tilespmem:s30+$0xFAD0] =	vst v4  }
0x128: {  	s14 =	sand.u32 $0x380, s31;
	s0 =	sand.u32 $0x3800, s2;
	v11 =	vld [tilespmem:s30+$0x5ED0];
	v3 =	vadd.f32 v24, v23;
	v4 =	vadd.f32 v26, v25;
	[tilespmem:s30+$0xFAF0] =	vst v15  }
0x129: {  	s29 =	smul.u32 $0x50, s28;
	s2 =	simm.s32 $0x200;
	s0 =	sor.u32 s14, s0;
	v14 =	vadd.f32 v12, v14;
	v12 =	vld [tilespmem:s30+$0x5EE0];
	[tilespmem:s30+$0xFAE0] =	vst v6;
	v6 =	vadd.f32 v32, v31  }
.LBB2_5:
0x12a: {  	p1 =	sne.s32 s2, $0x2700;
	v15 =	vld [tilespmem:s0+$0xEF0];
	[tilespmem:s30+$0xFE80] =	vst v13;
	v3 =	vadd.f32 v8, v3  }
0x12b: {  	v8 =	vld [tilespmem:s0+$0x36F0];
	[tilespmem:s30+$0xFE90] =	vst v14;
	v4 =	vadd.f32 v9, v4  }
0x12c: {  	v9 =	vld [tilespmem:s0+$0xA80];
	[tilespmem:s30+$0xFEA0] =	vst v3;
	v3 =	vadd.f32 v10, v5  }
0x12d: {  	v5 =	vld [tilespmem:s0+$0x5EF0];
	[tilespmem:s30+$0xFEB0] =	vst v4;
	v4 =	vadd.f32 v11, v7  }
0x12e: {  	v7 =	vld [tilespmem:s0+$0x3280];
	[tilespmem:s30+$0xFEC0] =	vst v3;
	v3 =	vadd.f32 v12, v6  }
0x12f: {  	v6 =	vld [tilespmem:s0+$0xA90];
	[tilespmem:s30+$0xFED0] =	vst v4  }
0x130: {  	v4 =	vld [tilespmem:s0+$0x3290];
	v8 =	vadd.f32 v8, v15;
	[tilespmem:s30+$0xFEE0] =	vst v3;
	s30 =	smov.u32 s0  }
0x131: {  	v3 =	vld [tilespmem:s30+$0xAA0]  }
0x132: {  	v10 =	vld [tilespmem:s30+$0x32A0];
	v5 =	vadd.f32 v5, v8  }
0x133: {  	v8 =	vadd.f32 v7, v9;
	v7 =	vld [tilespmem:s30+$0xAB0]  }
0x134: {  	v9 =	vld [tilespmem:s30+$0x32B0];
	[tilespmem:s30+$0xFEF0] =	vst v5  }
0x135: {  	v11 =	vadd.f32 v4, v6;
	v4 =	vld [tilespmem:s30+$0xAC0]  }
0x136: {  	v5 =	vld [tilespmem:s30+$0x32C0]  }
0x137: {  	v10 =	vadd.f32 v10, v3;
	v3 =	vld [tilespmem:s30+$0xAD0]  }
0x138: {  	v6 =	vld [tilespmem:s30+$0x32D0]  }
0x139: {  	v9 =	vadd.f32 v9, v7;
	v7 =	vld [tilespmem:s30+$0xAE0]  }
0x13a: {  	v12 =	vld [tilespmem:s30+$0x32E0]  }
0x13b: {  	v13 =	vadd.f32 v5, v4;
	v4 =	vld [tilespmem:s30+$0xAF0]  }
0x13c: {  	v5 =	vld [tilespmem:s30+$0x32F0]  }
0x13d: {  	v14 =	vadd.f32 v6, v3;
	v3 =	vld [tilespmem:s30+$0xE80]  }
0x13e: {  	v6 =	vld [tilespmem:s30+$0x3680]  }
0x13f: {  	v12 =	vadd.f32 v12, v7;
	v7 =	vld [tilespmem:s30+$0xE90]  }
0x140: {  	v15 =	vld [tilespmem:s30+$0x3690]  }
0x141: {  	v16 =	vadd.f32 v5, v4;
	v4 =	vld [tilespmem:s30+$0xEA0]  }
0x142: {  	v5 =	vld [tilespmem:s30+$0x36A0]  }
0x143: {  	v17 =	vadd.f32 v6, v3;
	v6 =	vld [tilespmem:s30+$0xEB0]  }
0x144: {  	v18 =	vld [tilespmem:s30+$0x36B0]  }
0x145: {  	v15 =	vadd.f32 v15, v7;
	v7 =	vld [tilespmem:s30+$0xEC0]  }
0x146: {  	v19 =	vld [tilespmem:s30+$0x36C0]  }
0x147: {  	v3 =	vadd.f32 v5, v4;
	v20 =	vld [tilespmem:s30+$0xED0]  }
0x148: {  	v21 =	vld [tilespmem:s30+$0x36D0]  }
0x149: {  	v4 =	vadd.f32 v18, v6;
	v6 =	vld [tilespmem:s30+$0xEE0]  }
0x14a: {  	v18 =	vld [tilespmem:s30+$0x36E0]  }
0x14b: {  	v22 =	vld [tilespmem:s30+$0x5A80];
	v5 =	vadd.f32 v19, v7  }
0x14c: {  	v19 =	vld [tilespmem:s30+$0x5A90]  }
0x14d: {  	v23 =	vld [tilespmem:s30+$0x5AA0];
	v7 =	vadd.f32 v21, v20  }
0x14e: {  	v20 =	vld [tilespmem:s30+$0x5AB0]  }
0x14f: {  	v21 =	vld [tilespmem:s30+$0x5AC0];
	v6 =	vadd.f32 v18, v6  }
0x150: {  	v8 =	vadd.f32 v22, v8;
	v18 =	vld [tilespmem:s30+$0x5AD0]  }
0x151: {  	v11 =	vadd.f32 v19, v11;
	v19 =	vld [tilespmem:s30+$0x5AE0]  }
0x152: {  	[tilespmem:s30+$0xFA80] =	vst v8;
	v8 =	vadd.f32 v23, v10;
	v10 =	vld [tilespmem:s30+$0x5AF0]  }
0x153: {  	[tilespmem:s30+$0xFA90] =	vst v11;
	v9 =	vadd.f32 v20, v9;
	v11 =	vld [tilespmem:s30+$0x5E80]  }
0x154: {  	[tilespmem:s30+$0xFAA0] =	vst v8;
	v13 =	vadd.f32 v21, v13;
	v20 =	vld [tilespmem:s30+$0x5E90]  }
.Ltmp3:
0x155: {  	[tilespmem:s30+$0xFAB0] =	vst v9;
	v14 =	vadd.f32 v18, v14;
	v8 =	vld [tilespmem:s30+$0x5EA0];
	(pc) =	sbr.rel @p1 .LBB2_5-.Ltmp3, $4  }
0x156: {  	[tilespmem:s30+$0xFAC0] =	vst v13;
	v12 =	vadd.f32 v19, v12;
	v9 =	vld [tilespmem:s30+$0x5EB0]  }
0x157: {  	s31 =	sadd.s32 $0x80, s31;
	[tilespmem:s30+$0xFAD0] =	vst v14;
	v14 =	vadd.f32 v10, v16;
	v10 =	vld [tilespmem:s30+$0x5EC0]  }
0x158: {  	s14 =	sand.u32 $0x380, s31;
	s0 =	sand.u32 $0x3800, s2;
	[tilespmem:s30+$0xFAE0] =	vst v12;
	v13 =	vadd.f32 v11, v17;
	v11 =	vld [tilespmem:s30+$0x5ED0]  }
0x159: {  	s2 =	sadd.s32 $0x100, s2;
	s0 =	sor.u32 s14, s0;
	[tilespmem:s30+$0xFAF0] =	vst v14;
	v14 =	vadd.f32 v20, v15;
	v12 =	vld [tilespmem:s30+$0x5EE0]  }
0x15a: {  	v15 =	vld [tilespmem:s0+$0xEF0];
	[tilespmem:s30+$0xFE80] =	vst v13;
	v3 =	vadd.f32 v8, v3  }
0x15b: {  	v13 =	vld [tilespmem:s0+$0x36F0];
	[tilespmem:s30+$0xFE90] =	vst v14;
	v4 =	vadd.f32 v9, v4  }
0x15c: {  	v57 =	vld [tilespmem:s0+$0xA80];
	[tilespmem:s30+$0xFEA0] =	vst v3;
	v5 =	vadd.f32 v10, v5  }
0x15d: {  	v3 =	vld [tilespmem:s0+$0x5EF0];
	[tilespmem:s30+$0xFEB0] =	vst v4;
	v7 =	vadd.f32 v11, v7  }
0x15e: {  	v4 =	vld [tilespmem:s0+$0x3280];
	[tilespmem:s30+$0xFEC0] =	vst v5;
	v6 =	vadd.f32 v12, v6  }
0x15f: {  	v5 =	vld [tilespmem:s0+$0xA90];
	[tilespmem:s30+$0xFED0] =	vst v7  }
0x160: {  	v7 =	vld [tilespmem:s0+$0x3290];
	[tilespmem:s30+$0xFEE0] =	vst v6  }
0x161: {  	v59 =	vld [tilespmem:s0+$0xAA0]  }
0x162: {  	v60 =	vld [tilespmem:s0+$0x32A0]  }
0x163: {  	v61 =	vld [tilespmem:s0+$0xAB0]  }
0x164: {  	v62 =	vld [tilespmem:s0+$0x32B0]  }
0x165: {  	v63 =	vld [tilespmem:s0+$0x32C0]  }
0x166: {  	v40 =	vld [tilespmem:s0+$0xAD0]  }
0x167: {  	v14 =	vld [tilespmem:s0+$0x32D0]  }
0x168: {  	v41 =	vld [tilespmem:s0+$0xAE0]  }
0x169: {  	v16 =	vld [tilespmem:s0+$0x32E0]  }
0x16a: {  	v17 =	vld [tilespmem:s0+$0xAF0]  }
0x16b: {  	v18 =	vld [tilespmem:s0+$0x32F0]  }
0x16c: {  	v19 =	vld [tilespmem:s0+$0xE80]  }
0x16d: {  	v20 =	vld [tilespmem:s0+$0x3680]  }
0x16e: {  	v21 =	vld [tilespmem:s0+$0xE90]  }
0x16f: {  	v22 =	vld [tilespmem:s0+$0x3690]  }
0x170: {  	v23 =	vld [tilespmem:s0+$0xEA0]  }
0x171: {  	v24 =	vld [tilespmem:s0+$0x36A0]  }
0x172: {  	v25 =	vld [tilespmem:s0+$0xEB0]  }
0x173: {  	v26 =	vld [tilespmem:s0+$0x36B0]  }
0x174: {  	v27 =	vld [tilespmem:s0+$0xEC0]  }
0x175: {  	v28 =	vld [tilespmem:s0+$0x36C0]  }
0x176: {  	v29 =	vld [tilespmem:s0+$0xED0]  }
0x177: {  	v30 =	vld [tilespmem:s0+$0x36D0]  }
0x178: {  	v31 =	vld [tilespmem:s0+$0xEE0]  }
0x179: {  	v32 =	vld [tilespmem:s0+$0x36E0]  }
0x17a: {  	v58 =	vadd.f32 v13, v15;
	v33 =	vld [tilespmem:s0+$0x5A80]  }
0x17b: {  	v34 =	vld [tilespmem:s0+$0x5A90]  }
0x17c: {  	v35 =	vld [tilespmem:s0+$0x5AA0];
	v3 =	vadd.f32 v3, v58  }
0x17d: {  	v42 =	vld [tilespmem:s0+$0x5AB0]  }
0x17e: {  	v4 =	vadd.f32 v4, v57;
	[tilespmem:s0+$0xFEF0] =	vst v3;
	v3 =	vld [tilespmem:s0+$0xAC0]  }
0x17f: {  	v43 =	vld [tilespmem:s0+$0x5AD0];
	v5 =	vadd.f32 v7, v5  }
0x180: {  	v36 =	vld [tilespmem:s0+$0x5AC0];
	v4 =	vadd.f32 v33, v4;
	v9 =	vadd.f32 v60, v59  }
0x181: {  	v44 =	vld [tilespmem:s0+$0x5AE0];
	v6 =	vadd.f32 v62, v61;
	v5 =	vadd.f32 v34, v5  }
0x182: {  	v45 =	vld [tilespmem:s0+$0x5AF0];
	v48 =	vadd.f32 v14, v40;
	[tilespmem:s0+$0xFA80] =	vst v4;
	v9 =	vadd.f32 v35, v9  }
0x183: {  	v47 =	vld [tilespmem:s0+$0x5E90];
	v6 =	vadd.f32 v42, v6;
	[tilespmem:s0+$0xFA90] =	vst v5;
	v3 =	vadd.f32 v63, v3  }
0x184: {  	v49 =	vld [tilespmem:s0+$0x5EA0];
	v50 =	vadd.f32 v16, v41;
	v7 =	vadd.f32 v43, v48;
	[tilespmem:s0+$0xFAA0] =	vst v9  }
0x185: {  	v46 =	vld [tilespmem:s0+$0x5E80];
	v51 =	vadd.f32 v18, v17;
	[tilespmem:s0+$0xFAB0] =	vst v6;
	v3 =	vadd.f32 v36, v3  }
0x186: {  	v52 =	vld [tilespmem:s0+$0x5EC0];
	v54 =	vadd.f32 v22, v21;
	v10 =	vadd.f32 v44, v50;
	[tilespmem:s0+$0xFAD0] =	vst v7  }
0x187: {  	v56 =	vadd.f32 v24, v23;
	v4 =	vadd.f32 v45, v51;
	[tilespmem:s0+$0xFAC0] =	vst v3;
	v3 =	vld [tilespmem:s0+$0x5EB0]  }
0x188: {  	v58 =	vld [tilespmem:s0+$0x5EE0];
	v53 =	vadd.f32 v20, v19;
	v8 =	vadd.f32 v47, v54;
	[tilespmem:s0+$0xFAE0] =	vst v10  }
0x189: {  	v55 =	vld [tilespmem:s0+$0x5ED0];
	v59 =	vadd.f32 v28, v27;
	v60 =	vadd.f32 v49, v56;
	[tilespmem:s0+$0xFAF0] =	vst v4  }
0x18a: {  	v57 =	vadd.f32 v26, v25;
	v5 =	vadd.f32 v46, v53;
	[tilespmem:s0+$0xFE90] =	vst v8  }
0x18b: {  	v62 =	vadd.f32 v32, v31;
	v63 =	vadd.f32 v52, v59;
	[tilespmem:s0+$0xFEA0] =	vst v60  }
0x18c: {  	p1 =	seq.s32 s28, $0x9;
	v61 =	vadd.f32 v30, v29;
	[tilespmem:s0+$0xFE80] =	vst v5;
	v3 =	vadd.f32 v3, v57  }
.Ltmp4:
0x18d: {  	v4 =	vadd.f32 v58, v62;
	[tilespmem:s0+$0xFEC0] =	vst v63;
	(pc) =	sbr.rel @p1 .LBB2_8-.Ltmp4, $4  }
0x18e: {  	s2 =	sadd.s32 s6, s29;
	[tilespmem:s0+$0xFEB0] =	vst v3;
	v3 =	vadd.f32 v55, v61  }
0x18f: {  	s2 =	sshll.u32 s2, $0x5;
	[tilespmem:s0+$0xFEE0] =	vst v4  }
0x190: {  	s31 =	sadd.s32 s7, s2;
	[tilespmem:s0+$0xFED0] =	vst v3  }
0x191: {  	[hbm4b:s31+s5] =	stream.linear.scatter [tilespmem:s23], [sflag:$0x3], $0x2800, $0x38;
	[tilespmem:$0x14A80] =	vst v63  }
0x192: {  	v3 =	vld [tilespmem:s29+$0x50];
	_ =	sdelay $0x4  }
0x193: {  	v4 =	vshll.u32 v3, $0x1  }
0x194: {  	v3 =	vand.u32 $0x7, v3;
	v4 =	vand.u32 $0xFFFFFFF0, v4  }
0x195: {  	v3 =	vor.u32 v3, v4  }
0x196: {  	v4 =	vperm.xlane v3, v0;
	_ =	sdelay $0x1  }
0x197: {  	v3 =	vperm.xlane v3, v2;
	v4 =	vadd.s32 v1, v4;
	_ =	sdelay $0x1  }
0x198: {  	v3 =	vadd.s32 v1, v3;
	_ =	sdelay $0x1  }
0x199: {  	s0 =	simm.s32 $0xA80  }
0x19a: {  	[tilespmem:s0], [sflag:$0x1] =	stream.indirect_vreg.gather [hbm4b:s1+s5], $0x80, v4, vm0, $0xb8;
	[tilespmem:$0x14A80] =	vst v63  }
0x19b: {  	s30 =	simm.s32 $0x1280  }
0x19c: {  	[tilespmem:s30], [sflag:$0x1] =	stream.indirect_vreg.gather [hbm4b:s1+s5], $0x80, v3, vm0, $0xb8;
	[tilespmem:$0x14A80] =	vst v63  }
0x19d: {  	v3 =	vld [tilespmem:s29+$0x60];
	_ =	sdelay $0x4  }
0x19e: {  	v56 =	vshll.u32 v3, $0x1  }
0x19f: {  	v3 =	vand.u32 $0x7, v3;
	v4 =	vand.u32 $0xFFFFFFF0, v56  }
0x1a0: {  	v3 =	vor.u32 v3, v4  }
0x1a1: {  	v4 =	vperm.xlane v3, v0;
	_ =	sdelay $0x1  }
0x1a2: {  	v3 =	vperm.xlane v3, v2;
	v4 =	vadd.s32 v1, v4;
	_ =	sdelay $0x1  }
0x1a3: {  	v3 =	vadd.s32 v1, v3;
	_ =	sdelay $0x1  }
0x1a4: {  	s31 =	simm.s32 $0x1A80  }
0x1a5: {  	[tilespmem:s31], [sflag:$0x1] =	stream.indirect_vreg.gather [hbm4b:s1+s5], $0x80, v4, vm0, $0xb8;
	[tilespmem:$0x14A80] =	vst v63  }
0x1a6: {  	s2 =	simm.s32 $0x2280  }
0x1a7: {  	[tilespmem:s2], [sflag:$0x1] =	stream.indirect_vreg.gather [hbm4b:s1+s5], $0x80, v3, vm0, $0xb8;
	[tilespmem:$0x14A80] =	vst v63  }
0x1a8: {  	v3 =	vld.msk [tilespmem:s29+$0x70], $0xff;
	_ =	sdelay $0x4  }
0x1a9: {  	v57 =	vshll.u32 v3, $0x1  }
0x1aa: {  	v3 =	vand.u32 $0x7, v3;
	v4 =	vand.u32 $0xFFFFFFF0, v57  }
0x1ab: {  	v3 =	vor.u32 v3, v4  }
0x1ac: {  	v3 =	vperm.xlane v3, v0;
	_ =	sdelay $0x1  }
0x1ad: {  	v3 =	vadd.s32 v1, v3;
	_ =	sdelay $0x3  }
0x1ae: {  	s14 =	simm.s32 $0x2A80  }
0x1af: {  	[tilespmem:s14], [sflag:$0x1] =	stream.indirect_vreg.gather [hbm4b:s1+s5], $0x80, v3, vm0, $0xb8;
	[tilespmem:$0x14A80] =	vst v63  }
0x1b0: {  	v3 =	vld [tilespmem:s29+$0x3D0];
	_ =	sdelay $0x4  }
0x1b1: {  	v58 =	vshll.u32 v3, $0x1  }
0x1b2: {  	v3 =	vand.u32 $0x7, v3;
	v4 =	vand.u32 $0xFFFFFFF0, v58  }
0x1b3: {  	v3 =	vor.u32 v3, v4  }
0x1b4: {  	v4 =	vperm.xlane v3, v0;
	_ =	sdelay $0x1  }
0x1b5: {  	v3 =	vperm.xlane v3, v2;
	v4 =	vadd.s32 v1, v4;
	_ =	sdelay $0x1  }
0x1b6: {  	v3 =	vadd.s32 v1, v3;
	_ =	sdelay $0x1  }
0x1b7: {  	s30 =	simm.s32 $0x3280  }
0x1b8: {  	[tilespmem:s30], [sflag:$0x1] =	stream.indirect_vreg.gather [hbm4b:s3+s5], $0x80, v4, vm0, $0xb8;
	[tilespmem:$0x14A80] =	vst v63  }
0x1b9: {  	s31 =	simm.s32 $0x3A80  }
0x1ba: {  	[tilespmem:s31], [sflag:$0x1] =	stream.indirect_vreg.gather [hbm4b:s3+s5], $0x80, v3, vm0, $0xb8;
	[tilespmem:$0x14A80] =	vst v63  }
0x1bb: {  	v3 =	vld [tilespmem:s29+$0x3E0];
	_ =	sdelay $0x4  }
0x1bc: {  	v59 =	vshll.u32 v3, $0x1  }
0x1bd: {  	v3 =	vand.u32 $0x7, v3;
	v4 =	vand.u32 $0xFFFFFFF0, v59  }
0x1be: {  	v3 =	vor.u32 v3, v4  }
0x1bf: {  	v4 =	vperm.xlane v3, v0;
	_ =	sdelay $0x1  }
0x1c0: {  	v3 =	vperm.xlane v3, v2;
	v4 =	vadd.s32 v1, v4;
	_ =	sdelay $0x1  }
0x1c1: {  	v3 =	vadd.s32 v1, v3;
	_ =	sdelay $0x1  }
0x1c2: {  	s2 =	simm.s32 $0x4280  }
0x1c3: {  	[tilespmem:s2], [sflag:$0x1] =	stream.indirect_vreg.gather [hbm4b:s3+s5], $0x80, v4, vm0, $0xb8;
	[tilespmem:$0x14A80] =	vst v63  }
0x1c4: {  	s14 =	simm.s32 $0x4A80  }
0x1c5: {  	[tilespmem:s14], [sflag:$0x1] =	stream.indirect_vreg.gather [hbm4b:s3+s5], $0x80, v3, vm0, $0xb8;
	[tilespmem:$0x14A80] =	vst v63  }
0x1c6: {  	v3 =	vld.msk [tilespmem:s29+$0x3F0], $0xff;
	_ =	sdelay $0x4  }
0x1c7: {  	v60 =	vshll.u32 v3, $0x1  }
0x1c8: {  	v3 =	vand.u32 $0x7, v3;
	v4 =	vand.u32 $0xFFFFFFF0, v60  }
0x1c9: {  	v3 =	vor.u32 v3, v4  }
0x1ca: {  	v3 =	vperm.xlane v3, v0;
	_ =	sdelay $0x1  }
0x1cb: {  	v3 =	vadd.s32 v1, v3;
	_ =	sdelay $0x3  }
0x1cc: {  	s30 =	simm.s32 $0x5280  }
0x1cd: {  	[tilespmem:s30], [sflag:$0x1] =	stream.indirect_vreg.gather [hbm4b:s3+s5], $0x80, v3, vm0, $0xb8;
	[tilespmem:$0x14A80] =	vst v63  }
0x1ce: {  	v3 =	vld [tilespmem:s29+$0x750];
	_ =	sdelay $0x4  }
0x1cf: {  	v61 =	vshll.u32 v3, $0x1  }
0x1d0: {  	v3 =	vand.u32 $0x7, v3;
	v4 =	vand.u32 $0xFFFFFFF0, v61  }
0x1d1: {  	v3 =	vor.u32 v3, v4  }
0x1d2: {  	v4 =	vperm.xlane v3, v0;
	_ =	sdelay $0x1  }
0x1d3: {  	v3 =	vperm.xlane v3, v2;
	v4 =	vadd.s32 v1, v4;
	_ =	sdelay $0x1  }
0x1d4: {  	v3 =	vadd.s32 v1, v3;
	_ =	sdelay $0x1  }
0x1d5: {  	s31 =	simm.s32 $0x5A80  }
0x1d6: {  	[tilespmem:s31], [sflag:$0x1] =	stream.indirect_vreg.gather [hbm4b:s4+s5], $0x80, v4, vm0, $0xb8;
	[tilespmem:$0x14A80] =	vst v63  }
0x1d7: {  	s2 =	simm.s32 $0x6280  }
0x1d8: {  	[tilespmem:s2], [sflag:$0x1] =	stream.indirect_vreg.gather [hbm4b:s4+s5], $0x80, v3, vm0, $0xb8;
	[tilespmem:$0x14A80] =	vst v63  }
0x1d9: {  	v3 =	vld [tilespmem:s29+$0x760];
	_ =	sdelay $0x4  }
0x1da: {  	v62 =	vshll.u32 v3, $0x1  }
0x1db: {  	v3 =	vand.u32 $0x7, v3;
	v4 =	vand.u32 $0xFFFFFFF0, v62  }
0x1dc: {  	v3 =	vor.u32 v3, v4  }
0x1dd: {  	v4 =	vperm.xlane v3, v0;
	_ =	sdelay $0x1  }
0x1de: {  	v3 =	vperm.xlane v3, v2;
	v4 =	vadd.s32 v1, v4;
	_ =	sdelay $0x1  }
0x1df: {  	v3 =	vadd.s32 v1, v3;
	_ =	sdelay $0x1  }
0x1e0: {  	s14 =	simm.s32 $0x6A80  }
0x1e1: {  	[tilespmem:s14], [sflag:$0x1] =	stream.indirect_vreg.gather [hbm4b:s4+s5], $0x80, v4, vm0, $0xb8;
	[tilespmem:$0x14A80] =	vst v63  }
0x1e2: {  	s30 =	simm.s32 $0x7280  }
0x1e3: {  	[tilespmem:s30], [sflag:$0x1] =	stream.indirect_vreg.gather [hbm4b:s4+s5], $0x80, v3, vm0, $0xb8;
	[tilespmem:$0x14A80] =	vst v63  }
0x1e4: {  	v3 =	vld.msk [tilespmem:s29+$0x770], $0xff;
	_ =	sdelay $0x4  }
0x1e5: {  	v63 =	vshll.u32 v3, $0x1  }
0x1e6: {  	v3 =	vand.u32 $0x7, v3;
	v4 =	vand.u32 $0xFFFFFFF0, v63  }
0x1e7: {  	v3 =	vor.u32 v3, v4  }
0x1e8: {  	v3 =	vperm.xlane v3, v0;
	_ =	sdelay $0x1  }
0x1e9: {  	v3 =	vadd.s32 v1, v3;
	_ =	sdelay $0x3  }
0x1ea: {  	s31 =	simm.s32 $0x7A80  }
0x1eb: {  	[tilespmem:s31], [sflag:$0x1] =	stream.indirect_vreg.gather [hbm4b:s4+s5], $0x80, v3, vm0, $0xb8;
	[tilespmem:$0x14A80] =	vst v63  }
.LBB2_8:
0x1ec: {  	_ =	swait.ge [sflag:s24], $0x2800  }
0x1ed: {  	[sflag:s24] =	ssyncset.done $0x0  }
0x1ee: {  	[sflag:s24] =	ssyncadd.s32 $0xFFFFD800  }
0x1ef: {  	_ =	swait.ge [sflag:s24], $0x2800  }
0x1f0: {  	[sflag:s24] =	ssyncset.done $0x0  }
0x1f1: {  	[sflag:s24] =	ssyncadd.s32 $0xFFFFD800  }
0x1f2: {  	_ =	swait.ge [sflag:s24], $0x2800  }
0x1f3: {  	[sflag:s24] =	ssyncset.done $0x0  }
0x1f4: {  	s0 =	simm.s32 @!p0 $0x4;
	[sflag:s24] =	ssyncadd.s32 $0xFFFFD800  }
0x1f5: {  	s2 =	simm.s32 $0x0;
	_ =	swait.ge @!p0 [sflag:s0], $0x2800  }
0x1f6: {  	s14 =	sand.u32 $0x3800, s2;
	s2 =	sand.u32 $0x380, s2;
	[sflag:s0] =	ssyncset.done @!p0 $0x0  }
0x1f7: {  	s30 =	sor.u32 s2, s14;
	[sflag:s0] =	ssyncadd.s32 @!p0 $0xFFFFD800  }
0x1f8: {  	v3 =	vld [tilespmem:s30+$0x86F0]  }
0x1f9: {  	v4 =	vld [tilespmem:s30+$0xAEF0]  }
0x1fa: {  	v5 =	vld [tilespmem:s30+$0x8280]  }
0x1fb: {  	v6 =	vld [tilespmem:s30+$0xD6F0]  }
0x1fc: {  	v7 =	vld [tilespmem:s30+$0xAA80]  }
0x1fd: {  	v8 =	vld [tilespmem:s30+$0x8290]  }
0x1fe: {  	v9 =	vld [tilespmem:s30+$0xAA90]  }
0x1ff: {  	v10 =	vld [tilespmem:s30+$0xAAA0]  }
0x200: {  	v11 =	vld [tilespmem:s30+$0xAAB0]  }
0x201: {  	v12 =	vld [tilespmem:s30+$0xAAC0]  }
0x202: {  	v13 =	vld [tilespmem:s30+$0x82D0]  }
0x203: {  	v14 =	vld [tilespmem:s30+$0xAAD0]  }
0x204: {  	v15 =	vld [tilespmem:s30+$0x82E0]  }
0x205: {  	v16 =	vld [tilespmem:s30+$0xAAE0]  }
0x206: {  	v17 =	vld [tilespmem:s30+$0x82F0]  }
0x207: {  	v18 =	vld [tilespmem:s30+$0xAAF0]  }
0x208: {  	v19 =	vld [tilespmem:s30+$0x8680]  }
0x209: {  	v20 =	vld [tilespmem:s30+$0xAE80]  }
0x20a: {  	v21 =	vld [tilespmem:s30+$0x8690]  }
0x20b: {  	v22 =	vld [tilespmem:s30+$0xAE90]  }
0x20c: {  	v23 =	vld [tilespmem:s30+$0x86A0]  }
0x20d: {  	v24 =	vld [tilespmem:s30+$0xAEA0]  }
0x20e: {  	v25 =	vld [tilespmem:s30+$0x86B0]  }
0x20f: {  	v26 =	vld [tilespmem:s30+$0xAEB0]  }
0x210: {  	v27 =	vld [tilespmem:s30+$0x86C0]  }
0x211: {  	v28 =	vld [tilespmem:s30+$0xAEC0]  }
0x212: {  	v29 =	vld [tilespmem:s30+$0x86D0]  }
0x213: {  	v30 =	vld [tilespmem:s30+$0xAED0]  }
0x214: {  	v33 =	vld [tilespmem:s30+$0xD280]  }
0x215: {  	v34 =	vld [tilespmem:s30+$0xD290]  }
0x216: {  	v35 =	vld [tilespmem:s30+$0xD2A0];
	v3 =	vadd.f32 v4, v3  }
0x217: {  	v4 =	vld [tilespmem:s30+$0x82A0]  }
0x218: {  	v3 =	vadd.f32 v6, v3;
	v6 =	vld [tilespmem:s30+$0x82B0]  }
0x219: {  	v5 =	vadd.f32 v7, v5;
	v7 =	vld [tilespmem:s30+$0xD2B0]  }
0x21a: {  	[tilespmem:s30+$0x126F0] =	vst v3;
	v3 =	vld [tilespmem:s30+$0x82C0]  }
0x21b: {  	v31 =	vld [tilespmem:s30+$0x86E0];
	v8 =	vadd.f32 v9, v8  }
0x21c: {  	v36 =	vld [tilespmem:s30+$0xD2C0];
	v5 =	vadd.f32 v33, v5;
	v4 =	vadd.f32 v10, v4  }
0x21d: {  	v9 =	vld [tilespmem:s30+$0xD2D0];
	v6 =	vadd.f32 v11, v6  }
0x21e: {  	v8 =	vadd.f32 v34, v8;
	[tilespmem:s30+$0x12280] =	vst v5;
	v5 =	vld [tilespmem:s30+$0xD2F0];
	v4 =	vadd.f32 v35, v4  }
0x21f: {  	v62 =	vld [tilespmem:s30+$0xD2E0];
	v3 =	vadd.f32 v12, v3;
	v6 =	vadd.f32 v7, v6  }
0x220: {  	v63 =	vld [tilespmem:s30+$0xD680];
	[tilespmem:s30+$0x122A0] =	vst v4;
	v4 =	vadd.f32 v14, v13;
	v7 =	vadd.f32 v18, v17  }
0x221: {  	v32 =	vld [tilespmem:s30+$0xAEE0];
	v13 =	vadd.f32 v20, v19;
	v14 =	vadd.f32 v22, v21  }
0x222: {  	v12 =	vld [tilespmem:s30+$0xD690];
	v3 =	vadd.f32 v36, v3;
	[tilespmem:s30+$0x122B0] =	vst v6;
	v6 =	vadd.f32 v16, v15  }
0x223: {  	[tilespmem:s30+$0x12290] =	vst v8;
	v8 =	vld [tilespmem:s30+$0xD6A0];
	v4 =	vadd.f32 v9, v4;
	v15 =	vadd.f32 v5, v7  }
0x224: {  	v9 =	vld [tilespmem:s30+$0xD6B0];
	v5 =	vadd.f32 v28, v27;
	v7 =	vadd.f32 v30, v29;
	[tilespmem:s30+$0x122C0] =	vst v3  }
0x225: {  	s31 =	simm.s32 $0x80;
	s2 =	simm.s32 $0x100;
	v10 =	vld [tilespmem:s30+$0xD6C0];
	v13 =	vadd.f32 v63, v13;
	v6 =	vadd.f32 v62, v6;
	[tilespmem:s30+$0x122D0] =	vst v4  }
0x226: {  	s14 =	sand.u32 $0x380, s31;
	s0 =	sand.u32 $0x3800, s2;
	v11 =	vld [tilespmem:s30+$0xD6D0];
	v3 =	vadd.f32 v24, v23;
	v4 =	vadd.f32 v26, v25;
	[tilespmem:s30+$0x122F0] =	vst v15  }
0x227: {  	s2 =	simm.s32 $0x200;
	s0 =	sor.u32 s14, s0;
	v14 =	vadd.f32 v12, v14;
	v12 =	vld [tilespmem:s30+$0xD6E0];
	[tilespmem:s30+$0x122E0] =	vst v6;
	v6 =	vadd.f32 v32, v31  }
.LBB2_9:
0x228: {  	p0 =	sne.s32 s2, $0x2700;
	v15 =	vld [tilespmem:s0+$0x86F0];
	[tilespmem:s30+$0x12680] =	vst v13;
	v3 =	vadd.f32 v8, v3  }
0x229: {  	v8 =	vld [tilespmem:s0+$0xAEF0];
	[tilespmem:s30+$0x12690] =	vst v14;
	v4 =	vadd.f32 v9, v4  }
0x22a: {  	v9 =	vld [tilespmem:s0+$0x8280];
	[tilespmem:s30+$0x126A0] =	vst v3;
	v3 =	vadd.f32 v10, v5  }
0x22b: {  	v5 =	vld [tilespmem:s0+$0xD6F0];
	[tilespmem:s30+$0x126B0] =	vst v4;
	v4 =	vadd.f32 v11, v7  }
0x22c: {  	v7 =	vld [tilespmem:s0+$0xAA80];
	[tilespmem:s30+$0x126C0] =	vst v3;
	v3 =	vadd.f32 v12, v6  }
0x22d: {  	v6 =	vld [tilespmem:s0+$0x8290];
	[tilespmem:s30+$0x126D0] =	vst v4  }
0x22e: {  	v4 =	vld [tilespmem:s0+$0xAA90];
	v8 =	vadd.f32 v8, v15;
	[tilespmem:s30+$0x126E0] =	vst v3;
	s30 =	smov.u32 s0  }
0x22f: {  	v3 =	vld [tilespmem:s30+$0x82A0]  }
0x230: {  	v10 =	vld [tilespmem:s30+$0xAAA0];
	v5 =	vadd.f32 v5, v8  }
0x231: {  	v8 =	vadd.f32 v7, v9;
	v7 =	vld [tilespmem:s30+$0x82B0]  }
0x232: {  	v9 =	vld [tilespmem:s30+$0xAAB0];
	[tilespmem:s30+$0x126F0] =	vst v5  }
0x233: {  	v11 =	vadd.f32 v4, v6;
	v4 =	vld [tilespmem:s30+$0x82C0]  }
0x234: {  	v5 =	vld [tilespmem:s30+$0xAAC0]  }
0x235: {  	v10 =	vadd.f32 v10, v3;
	v3 =	vld [tilespmem:s30+$0x82D0]  }
0x236: {  	v6 =	vld [tilespmem:s30+$0xAAD0]  }
0x237: {  	v9 =	vadd.f32 v9, v7;
	v7 =	vld [tilespmem:s30+$0x82E0]  }
0x238: {  	v12 =	vld [tilespmem:s30+$0xAAE0]  }
0x239: {  	v13 =	vadd.f32 v5, v4;
	v4 =	vld [tilespmem:s30+$0x82F0]  }
0x23a: {  	v5 =	vld [tilespmem:s30+$0xAAF0]  }
0x23b: {  	v14 =	vadd.f32 v6, v3;
	v3 =	vld [tilespmem:s30+$0x8680]  }
0x23c: {  	v6 =	vld [tilespmem:s30+$0xAE80]  }
0x23d: {  	v12 =	vadd.f32 v12, v7;
	v7 =	vld [tilespmem:s30+$0x8690]  }
0x23e: {  	v15 =	vld [tilespmem:s30+$0xAE90]  }
0x23f: {  	v16 =	vadd.f32 v5, v4;
	v4 =	vld [tilespmem:s30+$0x86A0]  }
0x240: {  	v5 =	vld [tilespmem:s30+$0xAEA0]  }
0x241: {  	v17 =	vadd.f32 v6, v3;
	v6 =	vld [tilespmem:s30+$0x86B0]  }
0x242: {  	v18 =	vld [tilespmem:s30+$0xAEB0]  }
0x243: {  	v15 =	vadd.f32 v15, v7;
	v7 =	vld [tilespmem:s30+$0x86C0]  }
0x244: {  	v19 =	vld [tilespmem:s30+$0xAEC0]  }
0x245: {  	v3 =	vadd.f32 v5, v4;
	v20 =	vld [tilespmem:s30+$0x86D0]  }
0x246: {  	v21 =	vld [tilespmem:s30+$0xAED0]  }
0x247: {  	v4 =	vadd.f32 v18, v6;
	v6 =	vld [tilespmem:s30+$0x86E0]  }
0x248: {  	v18 =	vld [tilespmem:s30+$0xAEE0]  }
0x249: {  	v22 =	vld [tilespmem:s30+$0xD280];
	v5 =	vadd.f32 v19, v7  }
0x24a: {  	v19 =	vld [tilespmem:s30+$0xD290]  }
0x24b: {  	v23 =	vld [tilespmem:s30+$0xD2A0];
	v7 =	vadd.f32 v21, v20  }
0x24c: {  	v20 =	vld [tilespmem:s30+$0xD2B0]  }
0x24d: {  	v21 =	vld [tilespmem:s30+$0xD2C0];
	v6 =	vadd.f32 v18, v6  }
0x24e: {  	v8 =	vadd.f32 v22, v8;
	v18 =	vld [tilespmem:s30+$0xD2D0]  }
0x24f: {  	v11 =	vadd.f32 v19, v11;
	v19 =	vld [tilespmem:s30+$0xD2E0]  }
0x250: {  	[tilespmem:s30+$0x12280] =	vst v8;
	v8 =	vadd.f32 v23, v10;
	v10 =	vld [tilespmem:s30+$0xD2F0]  }
0x251: {  	[tilespmem:s30+$0x12290] =	vst v11;
	v9 =	vadd.f32 v20, v9;
	v11 =	vld [tilespmem:s30+$0xD680]  }
0x252: {  	[tilespmem:s30+$0x122A0] =	vst v8;
	v13 =	vadd.f32 v21, v13;
	v20 =	vld [tilespmem:s30+$0xD690]  }
.Ltmp5:
0x253: {  	[tilespmem:s30+$0x122B0] =	vst v9;
	v14 =	vadd.f32 v18, v14;
	v8 =	vld [tilespmem:s30+$0xD6A0];
	(pc) =	sbr.rel @p0 .LBB2_9-.Ltmp5, $4  }
0x254: {  	[tilespmem:s30+$0x122C0] =	vst v13;
	v12 =	vadd.f32 v19, v12;
	v9 =	vld [tilespmem:s30+$0xD6B0]  }
0x255: {  	s31 =	sadd.s32 $0x80, s31;
	[tilespmem:s30+$0x122D0] =	vst v14;
	v14 =	vadd.f32 v10, v16;
	v10 =	vld [tilespmem:s30+$0xD6C0]  }
0x256: {  	s14 =	sand.u32 $0x380, s31;
	s0 =	sand.u32 $0x3800, s2;
	[tilespmem:s30+$0x122E0] =	vst v12;
	v13 =	vadd.f32 v11, v17;
	v11 =	vld [tilespmem:s30+$0xD6D0]  }
0x257: {  	s2 =	sadd.s32 $0x100, s2;
	s0 =	sor.u32 s14, s0;
	[tilespmem:s30+$0x122F0] =	vst v14;
	v14 =	vadd.f32 v20, v15;
	v12 =	vld [tilespmem:s30+$0xD6E0]  }
0x258: {  	v15 =	vld [tilespmem:s0+$0x86F0];
	[tilespmem:s30+$0x12680] =	vst v13;
	v3 =	vadd.f32 v8, v3  }
0x259: {  	v13 =	vld [tilespmem:s0+$0xAEF0];
	[tilespmem:s30+$0x12690] =	vst v14;
	v4 =	vadd.f32 v9, v4  }
0x25a: {  	v57 =	vld [tilespmem:s0+$0x8280];
	[tilespmem:s30+$0x126A0] =	vst v3;
	v5 =	vadd.f32 v10, v5  }
0x25b: {  	v3 =	vld [tilespmem:s0+$0xD6F0];
	[tilespmem:s30+$0x126B0] =	vst v4;
	v7 =	vadd.f32 v11, v7  }
0x25c: {  	v4 =	vld [tilespmem:s0+$0xAA80];
	[tilespmem:s30+$0x126C0] =	vst v5;
	v6 =	vadd.f32 v12, v6  }
0x25d: {  	v5 =	vld [tilespmem:s0+$0x8290];
	[tilespmem:s30+$0x126D0] =	vst v7  }
0x25e: {  	v7 =	vld [tilespmem:s0+$0xAA90];
	[tilespmem:s30+$0x126E0] =	vst v6  }
0x25f: {  	v59 =	vld [tilespmem:s0+$0x82A0]  }
0x260: {  	v60 =	vld [tilespmem:s0+$0xAAA0]  }
0x261: {  	v61 =	vld [tilespmem:s0+$0x82B0]  }
0x262: {  	v62 =	vld [tilespmem:s0+$0xAAB0]  }
0x263: {  	v63 =	vld [tilespmem:s0+$0xAAC0]  }
0x264: {  	v40 =	vld [tilespmem:s0+$0x82D0]  }
0x265: {  	v14 =	vld [tilespmem:s0+$0xAAD0]  }
0x266: {  	v41 =	vld [tilespmem:s0+$0x82E0]  }
0x267: {  	v16 =	vld [tilespmem:s0+$0xAAE0]  }
0x268: {  	v17 =	vld [tilespmem:s0+$0x82F0]  }
0x269: {  	v18 =	vld [tilespmem:s0+$0xAAF0]  }
0x26a: {  	v19 =	vld [tilespmem:s0+$0x8680]  }
0x26b: {  	v20 =	vld [tilespmem:s0+$0xAE80]  }
0x26c: {  	v21 =	vld [tilespmem:s0+$0x8690]  }
0x26d: {  	v22 =	vld [tilespmem:s0+$0xAE90]  }
0x26e: {  	v23 =	vld [tilespmem:s0+$0x86A0]  }
0x26f: {  	v24 =	vld [tilespmem:s0+$0xAEA0]  }
0x270: {  	v25 =	vld [tilespmem:s0+$0x86B0]  }
0x271: {  	v26 =	vld [tilespmem:s0+$0xAEB0]  }
0x272: {  	v27 =	vld [tilespmem:s0+$0x86C0]  }
0x273: {  	v28 =	vld [tilespmem:s0+$0xAEC0]  }
0x274: {  	v29 =	vld [tilespmem:s0+$0x86D0]  }
0x275: {  	v30 =	vld [tilespmem:s0+$0xAED0]  }
0x276: {  	v31 =	vld [tilespmem:s0+$0x86E0]  }
0x277: {  	v32 =	vld [tilespmem:s0+$0xAEE0]  }
0x278: {  	v58 =	vadd.f32 v13, v15;
	v33 =	vld [tilespmem:s0+$0xD280]  }
0x279: {  	v34 =	vld [tilespmem:s0+$0xD290]  }
0x27a: {  	v35 =	vld [tilespmem:s0+$0xD2A0];
	v3 =	vadd.f32 v3, v58  }
0x27b: {  	v42 =	vld [tilespmem:s0+$0xD2B0]  }
0x27c: {  	v4 =	vadd.f32 v4, v57;
	[tilespmem:s0+$0x126F0] =	vst v3;
	v3 =	vld [tilespmem:s0+$0x82C0]  }
0x27d: {  	v43 =	vld [tilespmem:s0+$0xD2D0];
	v5 =	vadd.f32 v7, v5  }
0x27e: {  	v36 =	vld [tilespmem:s0+$0xD2C0];
	v4 =	vadd.f32 v33, v4;
	v9 =	vadd.f32 v60, v59  }
0x27f: {  	v44 =	vld [tilespmem:s0+$0xD2E0];
	v6 =	vadd.f32 v62, v61;
	v5 =	vadd.f32 v34, v5  }
0x280: {  	v45 =	vld [tilespmem:s0+$0xD2F0];
	v48 =	vadd.f32 v14, v40;
	[tilespmem:s0+$0x12280] =	vst v4;
	v9 =	vadd.f32 v35, v9  }
0x281: {  	v47 =	vld [tilespmem:s0+$0xD690];
	v6 =	vadd.f32 v42, v6;
	[tilespmem:s0+$0x12290] =	vst v5;
	v3 =	vadd.f32 v63, v3  }
0x282: {  	v49 =	vld [tilespmem:s0+$0xD6A0];
	v50 =	vadd.f32 v16, v41;
	v7 =	vadd.f32 v43, v48;
	[tilespmem:s0+$0x122A0] =	vst v9  }
0x283: {  	v46 =	vld [tilespmem:s0+$0xD680];
	v51 =	vadd.f32 v18, v17;
	[tilespmem:s0+$0x122B0] =	vst v6;
	v3 =	vadd.f32 v36, v3  }
0x284: {  	v52 =	vld [tilespmem:s0+$0xD6C0];
	v54 =	vadd.f32 v22, v21;
	v10 =	vadd.f32 v44, v50;
	[tilespmem:s0+$0x122D0] =	vst v7  }
0x285: {  	v56 =	vadd.f32 v24, v23;
	v4 =	vadd.f32 v45, v51;
	[tilespmem:s0+$0x122C0] =	vst v3;
	v3 =	vld [tilespmem:s0+$0xD6B0]  }
0x286: {  	v58 =	vld [tilespmem:s0+$0xD6E0];
	v53 =	vadd.f32 v20, v19;
	v8 =	vadd.f32 v47, v54;
	[tilespmem:s0+$0x122E0] =	vst v10  }
0x287: {  	v55 =	vld [tilespmem:s0+$0xD6D0];
	v59 =	vadd.f32 v28, v27;
	v60 =	vadd.f32 v49, v56;
	[tilespmem:s0+$0x122F0] =	vst v4  }
0x288: {  	v57 =	vadd.f32 v26, v25;
	v5 =	vadd.f32 v46, v53;
	[tilespmem:s0+$0x12690] =	vst v8  }
0x289: {  	v62 =	vadd.f32 v32, v31;
	v63 =	vadd.f32 v52, v59;
	[tilespmem:s0+$0x126A0] =	vst v60  }
0x28a: {  	v61 =	vadd.f32 v30, v29;
	[tilespmem:s0+$0x12680] =	vst v5;
	v3 =	vadd.f32 v3, v57  }
.Ltmp6:
0x28b: {  	v4 =	vadd.f32 v58, v62;
	[tilespmem:s0+$0x126C0] =	vst v63;
	(pc) =	sbr.rel @p1 .LBB2_12-.Ltmp6, $4  }
0x28c: {  	s2 =	sadd.s32 s29, s11;
	[tilespmem:s0+$0x126B0] =	vst v3;
	v3 =	vadd.f32 v55, v61  }
0x28d: {  	s2 =	sshll.u32 s2, $0x5;
	[tilespmem:s0+$0x126E0] =	vst v4  }
0x28e: {  	s31 =	sadd.s32 s7, s2;
	[tilespmem:s0+$0x126D0] =	vst v3  }
0x28f: {  	[hbm4b:s31+s5] =	stream.linear.scatter [tilespmem:s25], [sflag:$0x4], $0x2800, $0x38;
	[tilespmem:$0x14A80] =	vst v63  }
0x290: {  	v3 =	vld [tilespmem:s29+$0x78];
	_ =	sdelay $0x4  }
0x291: {  	v4 =	vshll.u32 v3, $0x1  }
0x292: {  	v3 =	vand.u32 $0x7, v3;
	v4 =	vand.u32 $0xFFFFFFF0, v4  }
0x293: {  	v3 =	vor.u32 v3, v4  }
0x294: {  	v4 =	vperm.xlane v3, v0;
	_ =	sdelay $0x1  }
0x295: {  	v3 =	vperm.xlane v3, v2;
	v4 =	vadd.s32 v1, v4;
	_ =	sdelay $0x1  }
0x296: {  	v3 =	vadd.s32 v1, v3;
	_ =	sdelay $0x1  }
0x297: {  	s0 =	simm.s32 $0x8280  }
0x298: {  	[tilespmem:s0], [sflag:$0x2] =	stream.indirect_vreg.gather [hbm4b:s1+s5], $0x80, v4, vm0, $0xb8;
	[tilespmem:$0x14A80] =	vst v63  }
0x299: {  	s30 =	simm.s32 $0x8A80  }
0x29a: {  	[tilespmem:s30], [sflag:$0x2] =	stream.indirect_vreg.gather [hbm4b:s1+s5], $0x80, v3, vm0, $0xb8;
	[tilespmem:$0x14A80] =	vst v63  }
0x29b: {  	v3 =	vld [tilespmem:s29+$0x88];
	_ =	sdelay $0x4  }
0x29c: {  	v56 =	vshll.u32 v3, $0x1  }
0x29d: {  	v3 =	vand.u32 $0x7, v3;
	v4 =	vand.u32 $0xFFFFFFF0, v56  }
0x29e: {  	v3 =	vor.u32 v3, v4  }
0x29f: {  	v4 =	vperm.xlane v3, v0;
	_ =	sdelay $0x1  }
0x2a0: {  	v3 =	vperm.xlane v3, v2;
	v4 =	vadd.s32 v1, v4;
	_ =	sdelay $0x1  }
0x2a1: {  	v3 =	vadd.s32 v1, v3;
	_ =	sdelay $0x1  }
0x2a2: {  	s31 =	simm.s32 $0x9280  }
0x2a3: {  	[tilespmem:s31], [sflag:$0x2] =	stream.indirect_vreg.gather [hbm4b:s1+s5], $0x80, v4, vm0, $0xb8;
	[tilespmem:$0x14A80] =	vst v63  }
0x2a4: {  	_ = 	snop  }
0x2a5: {  	[tilespmem:s15], [sflag:$0x2] =	stream.indirect_vreg.gather [hbm4b:s1+s5], $0x80, v3, vm0, $0xb8;
	[tilespmem:$0x14A80] =	vst v63  }
0x2a6: {  	v3 =	vld.msk [tilespmem:s29+$0x98], $0xff;
	_ =	sdelay $0x4  }
0x2a7: {  	v57 =	vshll.u32 v3, $0x1  }
0x2a8: {  	v3 =	vand.u32 $0x7, v3;
	v4 =	vand.u32 $0xFFFFFFF0, v57  }
0x2a9: {  	v3 =	vor.u32 v3, v4  }
0x2aa: {  	v3 =	vperm.xlane v3, v0;
	_ =	sdelay $0x1  }
0x2ab: {  	v3 =	vadd.s32 v1, v3;
	_ =	sdelay $0x4  }
0x2ac: {  	[tilespmem:s8], [sflag:$0x2] =	stream.indirect_vreg.gather [hbm4b:s1+s5], $0x80, v3, vm0, $0xb8;
	[tilespmem:$0x14A80] =	vst v63  }
0x2ad: {  	v3 =	vld [tilespmem:s29+$0x3F8];
	_ =	sdelay $0x4  }
0x2ae: {  	v58 =	vshll.u32 v3, $0x1  }
0x2af: {  	v3 =	vand.u32 $0x7, v3;
	v4 =	vand.u32 $0xFFFFFFF0, v58  }
0x2b0: {  	v3 =	vor.u32 v3, v4  }
0x2b1: {  	v4 =	vperm.xlane v3, v0;
	_ =	sdelay $0x1  }
0x2b2: {  	v3 =	vperm.xlane v3, v2;
	v4 =	vadd.s32 v1, v4;
	_ =	sdelay $0x1  }
0x2b3: {  	v3 =	vadd.s32 v1, v3;
	_ =	sdelay $0x2  }
0x2b4: {  	[tilespmem:s9], [sflag:$0x2] =	stream.indirect_vreg.gather [hbm4b:s3+s5], $0x80, v4, vm0, $0xb8;
	[tilespmem:$0x14A80] =	vst v63  }
0x2b5: {  	_ = 	snop  }
0x2b6: {  	[tilespmem:s10], [sflag:$0x2] =	stream.indirect_vreg.gather [hbm4b:s3+s5], $0x80, v3, vm0, $0xb8;
	[tilespmem:$0x14A80] =	vst v63  }
0x2b7: {  	v3 =	vld [tilespmem:s29+$0x408];
	_ =	sdelay $0x4  }
0x2b8: {  	v59 =	vshll.u32 v3, $0x1  }
0x2b9: {  	v3 =	vand.u32 $0x7, v3;
	v4 =	vand.u32 $0xFFFFFFF0, v59  }
0x2ba: {  	v3 =	vor.u32 v3, v4  }
0x2bb: {  	v4 =	vperm.xlane v3, v0;
	_ =	sdelay $0x1  }
0x2bc: {  	v3 =	vperm.xlane v3, v2;
	v4 =	vadd.s32 v1, v4;
	_ =	sdelay $0x1  }
0x2bd: {  	v3 =	vadd.s32 v1, v3;
	_ =	sdelay $0x2  }
0x2be: {  	[tilespmem:s12], [sflag:$0x2] =	stream.indirect_vreg.gather [hbm4b:s3+s5], $0x80, v4, vm0, $0xb8;
	[tilespmem:$0x14A80] =	vst v63  }
0x2bf: {  	_ = 	snop  }
0x2c0: {  	[tilespmem:s13], [sflag:$0x2] =	stream.indirect_vreg.gather [hbm4b:s3+s5], $0x80, v3, vm0, $0xb8;
	[tilespmem:$0x14A80] =	vst v63  }
0x2c1: {  	v3 =	vld.msk [tilespmem:s29+$0x418], $0xff;
	_ =	sdelay $0x4  }
0x2c2: {  	v60 =	vshll.u32 v3, $0x1  }
0x2c3: {  	v3 =	vand.u32 $0x7, v3;
	v4 =	vand.u32 $0xFFFFFFF0, v60  }
0x2c4: {  	v3 =	vor.u32 v3, v4  }
0x2c5: {  	v3 =	vperm.xlane v3, v0;
	_ =	sdelay $0x1  }
0x2c6: {  	v3 =	vadd.s32 v1, v3;
	_ =	sdelay $0x4  }
0x2c7: {  	[tilespmem:s16], [sflag:$0x2] =	stream.indirect_vreg.gather [hbm4b:s3+s5], $0x80, v3, vm0, $0xb8;
	[tilespmem:$0x14A80] =	vst v63  }
0x2c8: {  	v3 =	vld [tilespmem:s29+$0x778];
	_ =	sdelay $0x4  }
0x2c9: {  	v61 =	vshll.u32 v3, $0x1  }
0x2ca: {  	v3 =	vand.u32 $0x7, v3;
	v4 =	vand.u32 $0xFFFFFFF0, v61  }
0x2cb: {  	v3 =	vor.u32 v3, v4  }
0x2cc: {  	v4 =	vperm.xlane v3, v0;
	_ =	sdelay $0x1  }
0x2cd: {  	v3 =	vperm.xlane v3, v2;
	v4 =	vadd.s32 v1, v4;
	_ =	sdelay $0x1  }
0x2ce: {  	v3 =	vadd.s32 v1, v3;
	_ =	sdelay $0x2  }
0x2cf: {  	[tilespmem:s17], [sflag:$0x2] =	stream.indirect_vreg.gather [hbm4b:s4+s5], $0x80, v4, vm0, $0xb8;
	[tilespmem:$0x14A80] =	vst v63  }
0x2d0: {  	_ = 	snop  }
0x2d1: {  	[tilespmem:s18], [sflag:$0x2] =	stream.indirect_vreg.gather [hbm4b:s4+s5], $0x80, v3, vm0, $0xb8;
	[tilespmem:$0x14A80] =	vst v63  }
0x2d2: {  	v3 =	vld [tilespmem:s29+$0x788];
	_ =	sdelay $0x4  }
0x2d3: {  	v62 =	vshll.u32 v3, $0x1  }
0x2d4: {  	v3 =	vand.u32 $0x7, v3;
	v4 =	vand.u32 $0xFFFFFFF0, v62  }
0x2d5: {  	v3 =	vor.u32 v3, v4  }
0x2d6: {  	v4 =	vperm.xlane v3, v0;
	_ =	sdelay $0x1  }
0x2d7: {  	v3 =	vperm.xlane v3, v2;
	v4 =	vadd.s32 v1, v4;
	_ =	sdelay $0x1  }
0x2d8: {  	v3 =	vadd.s32 v1, v3;
	_ =	sdelay $0x2  }
0x2d9: {  	[tilespmem:s19], [sflag:$0x2] =	stream.indirect_vreg.gather [hbm4b:s4+s5], $0x80, v4, vm0, $0xb8;
	[tilespmem:$0x14A80] =	vst v63  }
0x2da: {  	_ = 	snop  }
0x2db: {  	[tilespmem:s20], [sflag:$0x2] =	stream.indirect_vreg.gather [hbm4b:s4+s5], $0x80, v3, vm0, $0xb8;
	[tilespmem:$0x14A80] =	vst v63  }
0x2dc: {  	v3 =	vld.msk [tilespmem:s29+$0x798], $0xff;
	_ =	sdelay $0x4  }
0x2dd: {  	v63 =	vshll.u32 v3, $0x1  }
0x2de: {  	v3 =	vand.u32 $0x7, v3;
	v4 =	vand.u32 $0xFFFFFFF0, v63  }
0x2df: {  	v3 =	vor.u32 v3, v4  }
0x2e0: {  	v3 =	vperm.xlane v3, v0;
	_ =	sdelay $0x1  }
0x2e1: {  	v3 =	vadd.s32 v1, v3  }
.Ltmp7:
0x2e2: {  	_ = 	snop;
	(pc) =	sbr.rel .LBB2_4-.Ltmp7, $3  }
0x2e3: {  	_ =	sdelay $0x1  }
0x2e4: {  	s28 =	sadd.s32 $0x1, s28  }
0x2e5: {  	[tilespmem:s21], [sflag:$0x2] =	stream.indirect_vreg.gather [hbm4b:s4+s5], $0x80, v3, vm0, $0xb8;
	[tilespmem:$0x14A80] =	vst v63  }
.LBB2_13:
0x2e6: {  	_ =	sfence.sel $0x180000  }
0x2e7: {  	[bflag:$0x0] =	sbarrier.arrive $0xFFFF  }
0x2e8: {  	_ =	strace $0x90000047  }
0x2e9: {  	s0 =	stileid.u32;
	[bflag:$0x2] =	sbarrier.arrive $0xFFFF  }
0x2ea: {  	p0 =	sne.s32 s0, $0x0;
	s0 =	rddreg [dreg:$0x4]  }
0x2eb: {  	s0 =	sadd.s32 @!p0 $0x100000, s0  }
0x2ec: {  	[sflag:s0] =	ssyncadd.tile.s32 @!p0 $0x1;
	_ =	shalt  }
.Lfunc_end2:
_tile_overlayer_lowered:
.L_overlay_start_2:
0x2ed: {  	(tag) =	ssettag $0x2  }
0x2ee: {  	s0 =	rddreg [dreg:$0x0];
	s2 =	stileid.u32  }
0x2ef: {  	s1 =	rddreg [dreg:$0x1];
	p0 =	sne.s32 s2, $0x0  }
0x2f0: {  	s3 =	rddreg [dreg:$0x2];
	[bflag:$0x3] =	sbarrier.arrive $0xFFFF;
	s2 =	simm.s32 @!p0 $0x1C05  }
0x2f1: {  	[timem:s3], [sflag:s2] =	dma.local @!p0 [hbm:s0], s1  }
0x2f2: {  	s0 =	simm.s32 @!p0 $0x5  }
0x2f3: {  	_ =	swait.ge @!p0 [sflag:s0], s1  }
0x2f4: {  	s1 =	ssub.s32 @!p0 $0x0, s1;
	[sflag:s0] =	ssyncset.done @!p0 $0x0  }
0x2f5: {  	[sflag:s0] =	ssyncadd.s32 @!p0 s1  }
0x2f6: {  	[bflag:$0x3] =	sbarrier.arrive $0xFFFF  }
0x2f7: {  	_ =	shalt  }

// kernel: kernel.9.cloned.1.call-start
scs
__scs_entry_jumppad:
0x0: {  	(pc) =	sbr.rel $0x88, $3  }
0x1: {  	(tag) =	ssettag $0x0;
	lr =	simm.s32 $0x1  }
0x2: {  	[smem:$0x3F88] =	sst lr;
	_ =	strace $0xD0000000  }
0x3: {  	_ = 	snop  }
0x4: {  	_ = 	snop  }
0x5: {  	_ = 	snop  }
0x6: {  	_ = 	snop  }
0x7: {  	_ = 	snop  }
__scs_overlays_trampoline_lowered:
0x8: {  	[smem:$0x3F97] =	sst s0  }
0x9: {  	[smem:$0x3F98] =	sst s1  }
0xa: {  	[smem:$0x3F99] =	sst s2  }
0xb: {  	[smem:$0x3F9A] =	sst s3  }
0xc: {  	[smem:$0x3F9B] =	sst s4  }
0xd: {  	[smem:$0x3F9C] =	sst s5  }
0xe: {  	[smem:$0x3F9D] =	sst s6  }
0xf: {  	[smem:$0x3F9E] =	sst s7  }
0x10: {  	[smem:$0x3F9F] =	sst s8  }
0x11: {  	[smem:$0x3FA0] =	sst s9;
	s0 =	simm.s32 @!p0 $0x0  }
0x12: {  	s1 =	sld [smem:$0x3F86];
	s0 =	simm.s32 @p0 $0x1  }
0x13: {  	[smem:$0x3FA1] =	sst s0;
	s0 =	simm.s32 @!p1 $0x0  }
0x14: {  	s2 =	sld [smem:$0x3F85];
	s0 =	simm.s32 @p1 $0x1  }
0x15: {  	[smem:$0x3FA2] =	sst s0;
	s0 =	simm.s32 @!p2 $0x0  }
0x16: {  	s3 =	sld [smem:$0x3FDB];
	s0 =	simm.s32 @p2 $0x1  }
0x17: {  	s4 =	simm.s32 $0x1BF5;
	[smem:$0x3FA4] =	sst s0  }
0x18: {  	s0 =	sld [smem:$0x3F87];
	_ =	swait.ge [sflag:s4], $0x0  }
0x19: {  	s7 =	sld [smem:$0x3F88]  }
0x1a: {  	s8 =	sadd.s32 $0xFFFFE003, lr  }
0x1b: {  	s9 =	sadd.s32 $0xFFFFFEF7, lr;
	s5 =	simm.s32 $0xFFFFFFFF;
	p2 =	slt.u32 s8, $0xFFFFF086  }
0x1c: {  	p1 =	slt.u32 s9, $0xF7A;
	s5 =	simm.s32 @!p2 $0x0  }
0x1d: {  	s5 =	simm.s32 @p1 $0x1;
	p0 =	seq.s32 s7, s2  }
0x1e: {  	s7 =	smul.u32 @!p0 $0xF7A, s2;
	p2 =	seq.s32 @!p0 s5, $0x0  }
0x1f: {  	s9 =	smul.u32 $0xF7A, s1;
	s8 =	simm.s32 @!p0 $0x1BF5;
	p2 =	por !p2, p0  }
0x20: {  	[sflag:s8] =	ssyncset.s32 @!p0 $0xFFFFF086;
	s6 =	sadd.s32 @!p0 s3, s7;
	s7 =	simm.s32 @!p0 $0x108  }
0x21: {  	s3 =	sadd.s32 s3, s9;
	s6 =	sadd.s32 @!p0 $0x88, s6;
	s7 =	simm.s32 @p2 $0x1082  }
0x22: {  	[simem:s7], [sflag:s8] =	dma.local @!p0 [hbm:s6], $0xF7A  }
0x23: {  	s9 =	sor.u32 $0xD0000000, s2;
	s6 =	simm.s32 $0x108;
	_ =	swait.ge @!p0 [sflag:s8], $0x0  }
0x24: {  	s3 =	sadd.s32 $0x88, s3;
	s6 =	simm.s32 @!p1 $0x1082;
	[sflag:s4] =	ssyncset.s32 $0xFFFFF086  }
0x25: {  	[simem:s6], [sflag:s4] =	dma.local [hbm:s3], $0xF7A  }
0x26: {  	[smem:$0x3F88] =	sst s1;
	(tag) =	ssettag s2;
	_ =	strace s9  }
0x27: {  	s1 =	sld [smem:$0x3F98]  }
0x28: {  	s2 =	sld [smem:$0x3F99]  }
0x29: {  	s4 =	sld [smem:$0x3F9B]  }
0x2a: {  	p0 =	seq.s32 s5, $0x0;
	s5 =	sld [smem:$0x3F9C]  }
0x2b: {  	s6 =	sld [smem:$0x3F9D]  }
0x2c: {  	s7 =	sld [smem:$0x3F9E]  }
0x2d: {  	s3 =	simm.s32 $0x108;
	s8 =	sld [smem:$0x3F9F]  }
0x2e: {  	s3 =	simm.s32 @!p0 $0x1082;
	s9 =	sld [smem:$0x3FA0]  }
0x2f: {  	lr =	sadd.s32 s0, s3;
	s0 =	sld [smem:$0x3F97]  }
0x30: {  	s3 =	sld [smem:$0x3F9A]  }
0x31: {  	[smem:$0x3FA3] =	sst s10  }
0x32: {  	s10 =	sld [smem:$0x3FA1];
	_ =	sdelay $0x3  }
0x33: {  	p0 =	seq.s32 s10, $0x1;
	s10 =	sld [smem:$0x3FA3];
	_ =	sdelay $0x3  }
0x34: {  	[smem:$0x3FA3] =	sst s10  }
0x35: {  	s10 =	sld [smem:$0x3FA2];
	_ =	sdelay $0x3  }
0x36: {  	p1 =	seq.s32 s10, $0x1;
	s10 =	sld [smem:$0x3FA3];
	_ =	sdelay $0x3  }
0x37: {  	[smem:$0x3FA3] =	sst s10  }
0x38: {  	s10 =	sld [smem:$0x3FA4]  }
0x39: {  	_ = 	snop;
	(pc) =	sbr.ind lr, $3  }
0x3a: {  	_ = 	snop  }
0x3b: {  	_ = 	snop  }
0x3c: {  	p2 =	seq.s32 s10, $0x1;
	s10 =	sld [smem:$0x3FA3]  }
0x3d: {  	_ =	shalt  }
0x3e: {  	_ =	shalt  }
0x3f: {  	_ =	shalt  }
0x40: {  	_ =	shalt  }
0x41: {  	_ =	shalt  }
0x42: {  	_ =	shalt  }
0x43: {  	_ =	shalt  }
0x44: {  	_ =	shalt  }
0x45: {  	_ =	shalt  }
0x46: {  	_ =	shalt  }
0x47: {  	_ =	shalt  }
0x48: {  	_ =	shalt  }
0x49: {  	_ =	shalt  }
0x4a: {  	_ =	shalt  }
0x4b: {  	_ =	shalt  }
0x4c: {  	_ =	shalt  }
0x4d: {  	_ =	shalt  }
0x4e: {  	_ =	shalt  }
0x4f: {  	_ =	shalt  }
0x50: {  	_ =	shalt  }
0x51: {  	_ =	shalt  }
0x52: {  	_ =	shalt  }
0x53: {  	_ =	shalt  }
0x54: {  	_ =	shalt  }
0x55: {  	_ =	shalt  }
0x56: {  	_ =	shalt  }
0x57: {  	_ =	shalt  }
0x58: {  	_ =	shalt  }
0x59: {  	_ =	shalt  }
0x5a: {  	_ =	shalt  }
0x5b: {  	_ =	shalt  }
0x5c: {  	_ =	shalt  }
0x5d: {  	_ =	shalt  }
0x5e: {  	_ =	shalt  }
0x5f: {  	_ =	shalt  }
0x60: {  	_ =	shalt  }
0x61: {  	_ =	shalt  }
0x62: {  	_ =	shalt  }
0x63: {  	_ =	shalt  }
0x64: {  	_ =	shalt  }
0x65: {  	_ =	shalt  }
0x66: {  	_ =	shalt  }
0x67: {  	_ =	shalt  }
0x68: {  	_ =	shalt  }
0x69: {  	_ =	shalt  }
0x6a: {  	_ =	shalt  }
0x6b: {  	_ =	shalt  }
0x6c: {  	_ =	shalt  }
0x6d: {  	_ =	shalt  }
0x6e: {  	_ =	shalt  }
0x6f: {  	_ =	shalt  }
0x70: {  	_ =	shalt  }
0x71: {  	_ =	shalt  }
0x72: {  	_ =	shalt  }
0x73: {  	_ =	shalt  }
0x74: {  	_ =	shalt  }
0x75: {  	_ =	shalt  }
0x76: {  	_ =	shalt  }
0x77: {  	_ =	shalt  }
0x78: {  	_ =	shalt  }
0x79: {  	_ =	shalt  }
0x7a: {  	_ =	shalt  }
0x7b: {  	_ =	shalt  }
0x7c: {  	_ =	shalt  }
0x7d: {  	_ =	shalt  }
0x7e: {  	_ =	shalt  }
0x7f: {  	_ =	shalt  }
0x80: {  	_ =	shalt  }
0x81: {  	_ =	shalt  }
0x82: {  	_ =	shalt  }
0x83: {  	_ =	shalt  }
0x84: {  	_ =	shalt  }
0x85: {  	_ =	shalt  }
0x86: {  	_ =	shalt  }
0x87: {  	_ =	shalt  }
.Lfunc_end0:
.L_simem_size_0:
called_computation.1_lowered:
.L_overlay_start_0:
0x88: {  	s2 =	sld [smem:$0x3FD9]  }
0x89: {  	s3 =	sld [smem:$0x3FFE];
	_ =	sdelay $0x1  }
0x8a: {  	s1 =	srdreg.scid  }
0x8b: {  	s0 =	sand.u32 $0x1, s1  }
0x8c: {  	s17 =	sshll.u32 s0, $0xA;
	s2 =	sadd.s32 s3, s2  }
0x8d: {  	s2 =	sadd.s32 s2, s17  }
0x8e: {  	[smem:$0x3FAF] =	sst s2  }
0x8f: {  	_ = 	snop  }
0x90: {  	s18 =	sld [smem:$0x3FC2]  }
0x91: {  	s4 =	sld [smem:$0x3FC1]  }
0x92: {  	s5 =	sld [smem:$0x3FC0]  }
0x93: {  	s6 =	sld [smem:$0x3FD0];
	(tm) =	ssettm $0x1  }
0x94: {  	s19 =	sld [smem:$0x3FFB];
	_ =	sdelay $0x3  }
0x95: {  	_ =	strace s19  }
0x96: {  	s2 =	sld [smem:$0x3FFC];
	_ =	sdelay $0x3  }
0x97: {  	_ =	strace s2  }
0x98: {  	s2 =	sld [smem:$0x3FFD];
	_ =	sdelay $0x3  }
0x99: {  	_ =	strace s2  }
0x9a: {  	_ =	strace $0x8FFFFFFF  }
0x9b: {  	s20 =	sld [smem:$0x3FDB];
	_ =	sdelay $0x1  }
0x9c: {  	s7 =	simm.s32 $_scs_section_size  }
0x9d: {  	s8 =	simm.s32 $_size__tile_overlayer_lowered;
	s9 =	simm.s32 $_tile_overlayer_lowered  }
0x9e: {  	s10 =	simm.s32 $0x1BFF;
	s21 =	sshll.u32 s9, $0x1;
	s7 =	sadd.s32 s7, s20  }
0x9f: {  	s22 =	simm.s32 $0x0;
	s8 =	sshll.u32 s8, $0x1;
	s9 =	sadd.s32 s21, s7  }
0xa0: {  	[timem:s22], [sflag:s10] =	dma.local [hbm:s9], s8  }
0xa1: {  	_ =	swait.ge [sflag:s10], s8  }
0xa2: {  	s8 =	ssub.s32 $0x0, s8;
	[sflag:s10] =	ssyncset.done $0x0  }
0xa3: {  	[sflag:s10] =	ssyncadd.s32 s8;
	_ =	sdelay $0x1  }
0xa4: {  	s23 =	simm.s32 $0x1B8B  }
0xa5: {  	_ =	swait.ge [sflag:s23], $0x1  }
0xa6: {  	[sflag:s23] =	ssyncset.done $0x0  }
0xa7: {  	[sflag:s23] =	ssyncadd.s32 $0xFFFFFFFF  }
0xa8: {  	s8 =	sld [smem:$0x0]  }
0xa9: {  	s9 =	sand.u32 $0xFFFFFFFE, s1  }
0xaa: {  	p0 =	sne.s32 s1, s9  }
0xab: {  	s9 =	sshll.u32 @p0 s9, $0xE  }
0xac: {  	s9 =	sadd.s32 @p0 $0x11B8D, s9;
	s10 =	sshll.u32 @p0 s8, $0x11  }
0xad: {  	s9 =	sor.u32 @p0 s10, s9  }
0xae: {  	[sflag:s9] =	ssyncadd.remote.s32 @p0 $0x1;
	_ =	sdelay $0x1  }
0xaf: {  	s9 =	simm.s32 @p0 $0x1B8D  }
0xb0: {  	_ =	swait.eq @p0 [sflag:s9], $0x1  }
0xb1: {  	[sflag:s9] =	ssyncadd.s32 @p0 $0xFFFFFFFF  }
0xb2: {  	s10 =	sshll.u32 @!p0 s1, $0xE  }
0xb3: {  	s10 =	sor.u32 @!p0 $0x4000, s10;
	s9 =	simm.s32 @!p0 $0x1B8D  }
0xb4: {  	s8 =	sshll.u32 @!p0 s8, $0x11;
	s10 =	sadd.s32 @!p0 $0x11B8D, s10;
	_ =	swait.eq @!p0 [sflag:s9], $0x1  }
0xb5: {  	s8 =	sor.u32 @!p0 s8, s10;
	[sflag:s9] =	ssyncadd.s32 @!p0 $0xFFFFFFFF  }
0xb6: {  	s25 =	simm.s32 $0x1B8E;
	s24 =	sld [smem:$0x3FFE];
	[sflag:s8] =	ssyncadd.remote.s32 @!p0 $0x1  }
0xb7: {  	s26 =	simm.s32 $execute0_lowered;
	[smem:$0x3FD2] =	sst s25  }
0xb8: {  	s9 =	sshll.u32 s26, $0x1;
	_ =	strace $0x80000049;
	[dreg:$0x1] =	wrdreg $0xFFFFFFFF  }
0xb9: {  	s28 =	simm.s32 $_size_execute0_lowered;
	s7 =	sadd.s32 s7, s9;
	[dreg:$0x0] =	wrdreg $0x0  }
0xba: {  	s9 =	sshll.u32 s28, $0x1;
	[dreg:$0x2] =	wrdreg s7  }
0xbb: {  	[dreg:$0x3] =	wrdreg s9  }
0xbc: {  	[dreg:$0x4] =	wrdreg $0xC0  }
0xbd: {  	_ =	task [dreg:s22], $0x5FFFF  }
0xbe: {  	[dreg:$0x1] =	wrdreg $0xFFFFFFFF  }
0xbf: {  	[dreg:$0x0] =	wrdreg $0x60  }
0xc0: {  	[dreg:$0x2] =	wrdreg s6  }
0xc1: {  	[dreg:$0x3] =	wrdreg s24  }
0xc2: {  	[dreg:$0x4] =	wrdreg s18  }
0xc3: {  	[dreg:$0x5] =	wrdreg s4  }
0xc4: {  	[dreg:$0x6] =	wrdreg s5  }
0xc5: {  	[dreg:$0x7] =	wrdreg $0xA  }
0xc6: {  	_ =	task.clear_ibuf [dreg:s22], $0x8FFFF;
	_ =	strace $0x90000049  }
0xc7: {  	s29 =	simm.s32 $0xA;
	_ =	strace $0x8000004B  }
0xc8: {  	_ =	swait.ge [sflag:s29], $0x1  }
0xc9: {  	[sflag:s29] =	ssyncadd.s32 $0xFFFFFFFF  }
0xca: {  	_ =	strace $0x9000004B  }
0xcb: {  	_ =	sfence  }
0xcc: {  	s30 =	sld [smem:$0x0];
	_ =	sdelay $0x2  }
0xcd: {  	s31 =	sshll.u32 s1, $0xD;
	s1 =	sshrl.u32 s1, $0x2  }
0xce: {  	s4 =	sand.u32 $0x4000, s31;
	s1 =	sadd.s32 s1, s30  }
0xcf: {  	s0 =	sor.u32 s4, s0;
	s1 =	sshll.u32 s1, $0x11  }
0xd0: {  	s0 =	sor.u32 s1, s0  }
0xd1: {  	s0 =	sadd.s32 $0x8F2B, s0  }
0xd2: {  	[sflag:s0] =	ssyncadd.remote.s32 $0x1  }
0xd3: {  	_ =	sfence.sel $0xFFFF  }
0xd4: {  	[dreg:$0x0] =	wrdreg $0xFFFFFFFF;
	(pc) =	sbr.abs _section_cstart, $3  }
0xd5: {  	[dreg:$0x1] =	wrdreg $0xFFFFFFFF  }
0xd6: {  	_ =	task.clear_ibuf [dreg:s22], $0x2FFFF;
	_ =	strace $0x9FFFFFFF  }
0xd7: {  	(tm) =	ssettm $0x7FFFFFFF  }
tec
execute0_lowered:
.L_overlay_start_1:
0x0: {  	(tag) =	ssettag $0x1  }
0x1: {  	s0 =	rddreg [dreg:$0x0]  }
0x2: {  	s2 =	rddreg [dreg:$0x1]  }
0x3: {  	s1 =	rddreg [dreg:$0x2]  }
0x4: {  	s4 =	srdreg.scid;
	s5 =	stileid.u32  }
0x5: {  	s3 =	rddreg [dreg:$0x3];
	s15 =	simm.s32 $0x9A80;
	s12 =	simm.s32 $0xBA80  }
0x6: {  	s13 =	simm.s32 $0xC280;
	s16 =	simm.s32 $0xCA80;
	s17 =	simm.s32 $0xD280  }
0x7: {  	s18 =	simm.s32 $0xDA80;
	s19 =	simm.s32 $0xE280;
	s20 =	simm.s32 $0xEA80  }
0x8: {  	s21 =	simm.s32 $0xF280;
	s22 =	simm.s32 $0x1;
	s23 =	simm.s32 $0xFA80  }
0x9: {  	s24 =	simm.s32 $0x2;
	s25 =	simm.s32 $0x12280;
	s14 =	simm.s32 $0x0  }
0xa: {  	s7 =	sand.u32 $0x1, s4;
	s5 =	sshll.u32 s5, $0x1;
	s4 =	rddreg [dreg:$0x4]  }
0xb: {  	s6 =	sor.u32 s7, s5;
	s5 =	simm.s32 $0x0;
	s8 =	ssub.s32 $0x2, s7  }
0xc: {  	s6 =	smul.u32 $0x320, s6;
	[smem:$0x7FF] =	sst s5;
	s10 =	sshrl.u32 s8, $0x1  }
0xd: {  	s7 =	sadd.s32 $0xD0600, s2;
	_ =	strace $0x8000004A;
	s28 =	ssub.s32 s8, s10  }
.Ltmp0:
0xe: {  	s9 =	sshrl.u32 s6, $0x3;
	s31 =	smax.u32 s28, $0x1;
	(pc) =	sbr.rel .LBB2_1-.Ltmp0, $4  }
0xf: {  	s11 =	sadd.s32 s9, s2;
	s0 =	sadd.s32 s0, s9;
	[dreg:$0x9] =	wrdreg s31  }
0x10: {  	v2 =	vlaneseq.u32;
	s8 =	simm.s32 $0xA280;
	[dreg:$0x6] =	wrdreg s0;
	s29 =	sadd.s32 $0xCEA00, s11  }
0x11: {  	vm0 =	vmmov $0xffff;
	v1 =	vshrl.u32 v2, $0x3;
	s10 =	simm.s32 $0xB280;
	s30 =	sadd.s32 $0xCF800, s11;
	[dreg:$0x7] =	wrdreg s29  }
0x12: {  	v0 =	vand.u32 $0x7, v2;
	v2 =	vor.u32 $0x8, v2;
	v1 =	vmul.u32 $0x8, v1;
	s9 =	simm.s32 $0xAA80;
	s11 =	sadd.s32 $0x28, s6;
	[dreg:$0x8] =	wrdreg s30  }
.LBB2_12:
0x13: {  	s0 =	simm.s32 $0x3  }
0x14: {  	_ =	swait.ge [sflag:s0], $0x2800  }
0x15: {  	[sflag:s0] =	ssyncset.done $0x0  }
0x16: {  	s2 =	simm.s32 $0x4;
	[sflag:s0] =	ssyncadd.s32 $0xFFFFD800  }
0x17: {  	_ =	swait.ge [sflag:s2], $0x2800  }
0x18: {  	s14 =	rddreg [dreg:$0xa]  }
0x19: {  	s31 =	rddreg [dreg:$0x9];
	s14 =	sadd.s32 $0x1, s14  }
0x1a: {  	p0 =	sne.s32 s14, s31  }
.Ltmp1:
0x1b: {  	_ = 	snop;
	(pc) =	sbr.rel @!p0 .LBB2_13-.Ltmp1, $3  }
0x1c: {  	_ =	sdelay $0x1  }
0x1d: {  	[sflag:s2] =	ssyncset.done $0x0  }
0x1e: {  	[sflag:s2] =	ssyncadd.s32 $0xFFFFD800  }
.LBB2_1:
0x1f: {  	[dreg:$0xa] =	wrdreg s14  }
0x20: {  	s0 =	rddreg [dreg:$0x6];
	s2 =	simm.s32 $0x5  }
0x21: {  	[tilespmem:s5], [sflag:$0x5] =	stream.linear.gather [hbm4b:s0+s5], $0x320, $0x38;
	[tilespmem:$0x14A80] =	vst v63  }
0x22: {  	_ =	swait.ge [sflag:s2], $0x320  }
0x23: {  	[sflag:s2] =	ssyncset.done $0x0  }
0x24: {  	s29 =	simm.s32 $0x380;
	s28 =	rddreg [dreg:$0x7];
	[sflag:s2] =	ssyncadd.s32 $0xFFFFFCE0  }
0x25: {  	[tilespmem:s29], [sflag:$0x5] =	stream.linear.gather [hbm4b:s28+s5], $0x320, $0x38;
	[tilespmem:$0x14A80] =	vst v63  }
0x26: {  	_ =	swait.ge [sflag:s2], $0x320  }
0x27: {  	[sflag:s2] =	ssyncset.done $0x0  }
0x28: {  	s31 =	simm.s32 $0x700;
	s30 =	rddreg [dreg:$0x8];
	[sflag:s2] =	ssyncadd.s32 $0xFFFFFCE0  }
0x29: {  	[tilespmem:s31], [sflag:$0x5] =	stream.linear.gather [hbm4b:s30+s5], $0x320, $0x38;
	[tilespmem:$0x14A80] =	vst v63  }
0x2a: {  	_ =	swait.ge [sflag:s2], $0x320  }
0x2b: {  	[sflag:s2] =	ssyncset.done $0x0  }
0x2c: {  	s0 =	simm.s32 $0x0;
	[sflag:s2] =	ssyncadd.s32 $0xFFFFFCE0  }
0x2d: {  	v4 =	vld [tilespmem:s0+$0x0]  }
0x2e: {  	s2 =	simm.s32 $0x40;
	v3 =	vld [tilespmem:s0+$0x380]  }
.LBB2_2:
0x2f: {  	p0 =	sne.s32 s2, $0xC40;
	v5 =	vld [tilespmem:s0+$0x700];
	_ =	sdelay $0x2  }
0x30: {  	v6 =	vshra.s32 v4, $0x1F  }
0x31: {  	v6 =	vshrl.u32 v6, $0x10;
	v7 =	vshra.s32 v3, $0x1F  }
0x32: {  	v6 =	vadd.s32 v6, v4;
	v7 =	vshrl.u32 v7, $0x14;
	v8 =	vshra.s32 v5, $0x1F  }
.Ltmp2:
0x33: {  	v6 =	vand.u32 $0xFFFF0000, v6;
	v7 =	vadd.s32 v7, v3;
	v8 =	vshrl.u32 v8, $0x10;
	(pc) =	sbr.rel @p0 .LBB2_2-.Ltmp2, $4  }
0x34: {  	v4 =	vsub.s32 v4, v6;
	v6 =	vand.u32 $0xFFFFF000, v7;
	v7 =	vadd.s32 v8, v5  }
0x35: {  	s26 =	sshra.s32 s2, $0x2;
	[tilespmem:s0+$0x0] =	vst v4;
	v3 =	vsub.s32 v3, v6;
	v6 =	vand.u32 $0xFFFF0000, v7  }
0x36: {  	v4 =	vld [tilespmem:s26+$0x0];
	[tilespmem:s0+$0x380] =	vst v3;
	v5 =	vsub.s32 v5, v6  }
0x37: {  	s2 =	sadd.s32 $0x40, s2;
	v3 =	vld [tilespmem:s26+$0x380];
	[tilespmem:s0+$0x700] =	vst v5;
	s0 =	smov.u32 s26  }
0x38: {  	v5 =	vld [tilespmem:s0+$0x700];
	_ =	sdelay $0x2  }
0x39: {  	v6 =	vshra.s32 v4, $0x1F  }
0x3a: {  	v6 =	vshrl.u32 v6, $0x10;
	v7 =	vshra.s32 v3, $0x1F  }
0x3b: {  	v6 =	vadd.s32 v6, v4;
	v7 =	vshrl.u32 v7, $0x14;
	v8 =	vshra.s32 v5, $0x1F  }
0x3c: {  	v6 =	vand.u32 $0xFFFF0000, v6;
	v7 =	vadd.s32 v7, v3;
	v8 =	vshrl.u32 v8, $0x10  }
0x3d: {  	v42 =	vsub.s32 v4, v6;
	v43 =	vand.u32 $0xFFFFF000, v7;
	v44 =	vadd.s32 v8, v5  }
0x3e: {  	[tilespmem:s0+$0x0] =	vst v42;
	v3 =	vsub.s32 v3, v43;
	v45 =	vand.u32 $0xFFFF0000, v44  }
0x3f: {  	[tilespmem:s0+$0x380] =	vst v3;
	v3 =	vsub.s32 v5, v45  }
0x40: {  	[tilespmem:s0+$0x700] =	vst v3  }
0x41: {  	v3 =	vld [tilespmem:$0x0];
	_ =	sdelay $0x4  }
0x42: {  	v46 =	vshll.u32 v3, $0x1  }
0x43: {  	v3 =	vand.u32 $0x7, v3;
	v4 =	vand.u32 $0xFFFFFFF0, v46  }
0x44: {  	v3 =	vor.u32 v3, v4  }
0x45: {  	v4 =	vperm.xlane v3, v0;
	_ =	sdelay $0x1  }
0x46: {  	v3 =	vperm.xlane v3, v2;
	v4 =	vadd.s32 v1, v4;
	_ =	sdelay $0x1  }
0x47: {  	v3 =	vadd.s32 v1, v3;
	_ =	sdelay $0x1  }
0x48: {  	s26 =	simm.s32 $0x0;
	s29 =	simm.s32 $0xA80  }
0x49: {  	[tilespmem:s29], [sflag:$0x1] =	stream.indirect_vreg.gather [hbm4b:s1+s26], $0x80, v4, vm0, $0xb8;
	[tilespmem:$0x14A80] =	vst v63  }
0x4a: {  	s30 =	simm.s32 $0x1280  }
0x4b: {  	[tilespmem:s30], [sflag:$0x1] =	stream.indirect_vreg.gather [hbm4b:s1+s26], $0x80, v3, vm0, $0xb8;
	[tilespmem:$0x14A80] =	vst v63  }
0x4c: {  	v3 =	vld [tilespmem:$0x10];
	_ =	sdelay $0x4  }
0x4d: {  	v47 =	vshll.u32 v3, $0x1  }
0x4e: {  	v3 =	vand.u32 $0x7, v3;
	v4 =	vand.u32 $0xFFFFFFF0, v47  }
0x4f: {  	v3 =	vor.u32 v3, v4  }
0x50: {  	v4 =	vperm.xlane v3, v0;
	_ =	sdelay $0x1  }
0x51: {  	v3 =	vperm.xlane v3, v2;
	v4 =	vadd.s32 v1, v4;
	_ =	sdelay $0x1  }
0x52: {  	v3 =	vadd.s32 v1, v3;
	_ =	sdelay $0x1  }
0x53: {  	s31 =	simm.s32 $0x1A80  }
0x54: {  	[tilespmem:s31], [sflag:$0x1] =	stream.indirect_vreg.gather [hbm4b:s1+s26], $0x80, v4, vm0, $0xb8;
	[tilespmem:$0x14A80] =	vst v63  }
0x55: {  	s2 =	simm.s32 $0x2280  }
0x56: {  	[tilespmem:s2], [sflag:$0x1] =	stream.indirect_vreg.gather [hbm4b:s1+s26], $0x80, v3, vm0, $0xb8;
	[tilespmem:$0x14A80] =	vst v63  }
0x57: {  	v3 =	vld.msk [tilespmem:$0x20], $0xff;
	_ =	sdelay $0x4  }
0x58: {  	v48 =	vshll.u32 v3, $0x1  }
0x59: {  	v3 =	vand.u32 $0x7, v3;
	v4 =	vand.u32 $0xFFFFFFF0, v48  }
0x5a: {  	v3 =	vor.u32 v3, v4  }
0x5b: {  	v3 =	vperm.xlane v3, v0;
	_ =	sdelay $0x1  }
0x5c: {  	v3 =	vadd.s32 v1, v3;
	_ =	sdelay $0x3  }
0x5d: {  	s14 =	simm.s32 $0x2A80  }
0x5e: {  	[tilespmem:s14], [sflag:$0x1] =	stream.indirect_vreg.gather [hbm4b:s1+s26], $0x80, v3, vm0, $0xb8;
	[tilespmem:$0x14A80] =	vst v63  }
0x5f: {  	v3 =	vld [tilespmem:$0x380];
	_ =	sdelay $0x4  }
0x60: {  	v49 =	vshll.u32 v3, $0x1  }
0x61: {  	v3 =	vand.u32 $0x7, v3;
	v4 =	vand.u32 $0xFFFFFFF0, v49  }
0x62: {  	v3 =	vor.u32 v3, v4  }
0x63: {  	v4 =	vperm.xlane v3, v0;
	_ =	sdelay $0x1  }
0x64: {  	v3 =	vperm.xlane v3, v2;
	v4 =	vadd.s32 v1, v4;
	_ =	sdelay $0x1  }
0x65: {  	v3 =	vadd.s32 v1, v3;
	_ =	sdelay $0x1  }
0x66: {  	s29 =	simm.s32 $0x3280  }
0x67: {  	[tilespmem:s29], [sflag:$0x1] =	stream.indirect_vreg.gather [hbm4b:s3+s26], $0x80, v4, vm0, $0xb8;
	[tilespmem:$0x14A80] =	vst v63  }
0x68: {  	s30 =	simm.s32 $0x3A80  }
0x69: {  	[tilespmem:s30], [sflag:$0x1] =	stream.indirect_vreg.gather [hbm4b:s3+s26], $0x80, v3, vm0, $0xb8;
	[tilespmem:$0x14A80] =	vst v63  }
0x6a: {  	v3 =	vld [tilespmem:$0x390];
	_ =	sdelay $0x4  }
0x6b: {  	v50 =	vshll.u32 v3, $0x1  }
0x6c: {  	v3 =	vand.u32 $0x7, v3;
	v4 =	vand.u32 $0xFFFFFFF0, v50  }
0x6d: {  	v3 =	vor.u32 v3, v4  }
0x6e: {  	v4 =	vperm.xlane v3, v0;
	_ =	sdelay $0x1  }
0x6f: {  	v3 =	vperm.xlane v3, v2;
	v4 =	vadd.s32 v1, v4;
	_ =	sdelay $0x1  }
0x70: {  	v3 =	vadd.s32 v1, v3;
	_ =	sdelay $0x1  }
0x71: {  	s31 =	simm.s32 $0x4280  }
0x72: {  	[tilespmem:s31], [sflag:$0x1] =	stream.indirect_vreg.gather [hbm4b:s3+s26], $0x80, v4, vm0, $0xb8;
	[tilespmem:$0x14A80] =	vst v63  }
0x73: {  	s2 =	simm.s32 $0x4A80  }
0x74: {  	[tilespmem:s2], [sflag:$0x1] =	stream.indirect_vreg.gather [hbm4b:s3+s26], $0x80, v3, vm0, $0xb8;
	[tilespmem:$0x14A80] =	vst v63  }
0x75: {  	v3 =	vld.msk [tilespmem:$0x3A0], $0xff;
	_ =	sdelay $0x4  }
0x76: {  	v51 =	vshll.u32 v3, $0x1  }
0x77: {  	v3 =	vand.u32 $0x7, v3;
	v4 =	vand.u32 $0xFFFFFFF0, v51  }
0x78: {  	v3 =	vor.u32 v3, v4  }
0x79: {  	v3 =	vperm.xlane v3, v0;
	_ =	sdelay $0x1  }
0x7a: {  	v3 =	vadd.s32 v1, v3;
	_ =	sdelay $0x3  }
0x7b: {  	s14 =	simm.s32 $0x5280  }
0x7c: {  	[tilespmem:s14], [sflag:$0x1] =	stream.indirect_vreg.gather [hbm4b:s3+s26], $0x80, v3, vm0, $0xb8;
	[tilespmem:$0x14A80] =	vst v63  }
0x7d: {  	v3 =	vld [tilespmem:$0x700];
	_ =	sdelay $0x4  }
0x7e: {  	v52 =	vshll.u32 v3, $0x1  }
0x7f: {  	v3 =	vand.u32 $0x7, v3;
	v4 =	vand.u32 $0xFFFFFFF0, v52  }
0x80: {  	v3 =	vor.u32 v3, v4  }
0x81: {  	v4 =	vperm.xlane v3, v0;
	_ =	sdelay $0x1  }
0x82: {  	v3 =	vperm.xlane v3, v2;
	v4 =	vadd.s32 v1, v4;
	_ =	sdelay $0x1  }
0x83: {  	v3 =	vadd.s32 v1, v3;
	_ =	sdelay $0x1  }
0x84: {  	s29 =	simm.s32 $0x5A80  }
0x85: {  	[tilespmem:s29], [sflag:$0x1] =	stream.indirect_vreg.gather [hbm4b:s4+s26], $0x80, v4, vm0, $0xb8;
	[tilespmem:$0x14A80] =	vst v63  }
0x86: {  	s30 =	simm.s32 $0x6280  }
0x87: {  	[tilespmem:s30], [sflag:$0x1] =	stream.indirect_vreg.gather [hbm4b:s4+s26], $0x80, v3, vm0, $0xb8;
	[tilespmem:$0x14A80] =	vst v63  }
0x88: {  	v3 =	vld [tilespmem:$0x710];
	_ =	sdelay $0x4  }
0x89: {  	v53 =	vshll.u32 v3, $0x1  }
0x8a: {  	v3 =	vand.u32 $0x7, v3;
	v4 =	vand.u32 $0xFFFFFFF0, v53  }
0x8b: {  	v3 =	vor.u32 v3, v4  }
0x8c: {  	v4 =	vperm.xlane v3, v0;
	_ =	sdelay $0x1  }
0x8d: {  	v3 =	vperm.xlane v3, v2;
	v4 =	vadd.s32 v1, v4;
	_ =	sdelay $0x1  }
0x8e: {  	v3 =	vadd.s32 v1, v3;
	_ =	sdelay $0x1  }
0x8f: {  	s31 =	simm.s32 $0x6A80  }
0x90: {  	[tilespmem:s31], [sflag:$0x1] =	stream.indirect_vreg.gather [hbm4b:s4+s26], $0x80, v4, vm0, $0xb8;
	[tilespmem:$0x14A80] =	vst v63  }
0x91: {  	s2 =	simm.s32 $0x7280  }
0x92: {  	[tilespmem:s2], [sflag:$0x1] =	stream.indirect_vreg.gather [hbm4b:s4+s26], $0x80, v3, vm0, $0xb8;
	[tilespmem:$0x14A80] =	vst v63  }
0x93: {  	v3 =	vld.msk [tilespmem:$0x720], $0xff;
	_ =	sdelay $0x4  }
0x94: {  	v54 =	vshll.u32 v3, $0x1  }
0x95: {  	v3 =	vand.u32 $0x7, v3;
	v4 =	vand.u32 $0xFFFFFFF0, v54  }
0x96: {  	v3 =	vor.u32 v3, v4  }
0x97: {  	v3 =	vperm.xlane v3, v0;
	_ =	sdelay $0x1  }
0x98: {  	v3 =	vadd.s32 v1, v3;
	_ =	sdelay $0x3  }
0x99: {  	s14 =	simm.s32 $0x7A80  }
0x9a: {  	[tilespmem:s14], [sflag:$0x1] =	stream.indirect_vreg.gather [hbm4b:s4+s26], $0x80, v3, vm0, $0xb8;
	[tilespmem:$0x14A80] =	vst v63  }
0x9b: {  	v3 =	vld [tilespmem:$0x28];
	_ =	sdelay $0x4  }
0x9c: {  	v55 =	vshll.u32 v3, $0x1  }
0x9d: {  	v3 =	vand.u32 $0x7, v3;
	v4 =	vand.u32 $0xFFFFFFF0, v55  }
0x9e: {  	v3 =	vor.u32 v3, v4  }
0x9f: {  	v4 =	vperm.xlane v3, v0;
	_ =	sdelay $0x1  }
0xa0: {  	v3 =	vperm.xlane v3, v2;
	v4 =	vadd.s32 v1, v4;
	_ =	sdelay $0x1  }
0xa1: {  	v3 =	vadd.s32 v1, v3;
	_ =	sdelay $0x1  }
0xa2: {  	s29 =	simm.s32 $0x8280  }
0xa3: {  	[tilespmem:s29], [sflag:$0x2] =	stream.indirect_vreg.gather [hbm4b:s1+s26], $0x80, v4, vm0, $0xb8;
	[tilespmem:$0x14A80] =	vst v63  }
0xa4: {  	s30 =	simm.s32 $0x8A80  }
0xa5: {  	[tilespmem:s30], [sflag:$0x2] =	stream.indirect_vreg.gather [hbm4b:s1+s26], $0x80, v3, vm0, $0xb8;
	[tilespmem:$0x14A80] =	vst v63  }
0xa6: {  	v3 =	vld [tilespmem:$0x38];
	_ =	sdelay $0x4  }
0xa7: {  	v56 =	vshll.u32 v3, $0x1  }
0xa8: {  	v3 =	vand.u32 $0x7, v3;
	v4 =	vand.u32 $0xFFFFFFF0, v56  }
0xa9: {  	v3 =	vor.u32 v3, v4  }
0xaa: {  	v4 =	vperm.xlane v3, v0;
	_ =	sdelay $0x1  }
0xab: {  	v3 =	vperm.xlane v3, v2;
	v4 =	vadd.s32 v1, v4;
	_ =	sdelay $0x1  }
0xac: {  	v3 =	vadd.s32 v1, v3;
	_ =	sdelay $0x1  }
0xad: {  	s31 =	simm.s32 $0x9280  }
0xae: {  	[tilespmem:s31], [sflag:$0x2] =	stream.indirect_vreg.gather [hbm4b:s1+s26], $0x80, v4, vm0, $0xb8;
	[tilespmem:$0x14A80] =	vst v63  }
0xaf: {  	_ = 	snop  }
0xb0: {  	[tilespmem:s15], [sflag:$0x2] =	stream.indirect_vreg.gather [hbm4b:s1+s26], $0x80, v3, vm0, $0xb8;
	[tilespmem:$0x14A80] =	vst v63  }
0xb1: {  	v3 =	vld.msk [tilespmem:$0x48], $0xff;
	_ =	sdelay $0x4  }
0xb2: {  	v57 =	vshll.u32 v3, $0x1  }
0xb3: {  	v3 =	vand.u32 $0x7, v3;
	v4 =	vand.u32 $0xFFFFFFF0, v57  }
0xb4: {  	v3 =	vor.u32 v3, v4  }
0xb5: {  	v3 =	vperm.xlane v3, v0;
	_ =	sdelay $0x1  }
0xb6: {  	v3 =	vadd.s32 v1, v3;
	_ =	sdelay $0x4  }
0xb7: {  	[tilespmem:s8], [sflag:$0x2] =	stream.indirect_vreg.gather [hbm4b:s1+s26], $0x80, v3, vm0, $0xb8;
	[tilespmem:$0x14A80] =	vst v63  }
0xb8: {  	v3 =	vld [tilespmem:$0x3A8];
	_ =	sdelay $0x4  }
0xb9: {  	v58 =	vshll.u32 v3, $0x1  }
0xba: {  	v3 =	vand.u32 $0x7, v3;
	v4 =	vand.u32 $0xFFFFFFF0, v58  }
0xbb: {  	v3 =	vor.u32 v3, v4  }
0xbc: {  	v4 =	vperm.xlane v3, v0;
	_ =	sdelay $0x1  }
0xbd: {  	v3 =	vperm.xlane v3, v2;
	v4 =	vadd.s32 v1, v4;
	_ =	sdelay $0x1  }
0xbe: {  	v3 =	vadd.s32 v1, v3;
	_ =	sdelay $0x2  }
0xbf: {  	[tilespmem:s9], [sflag:$0x2] =	stream.indirect_vreg.gather [hbm4b:s3+s26], $0x80, v4, vm0, $0xb8;
	[tilespmem:$0x14A80] =	vst v63  }
0xc0: {  	_ = 	snop  }
0xc1: {  	[tilespmem:s10], [sflag:$0x2] =	stream.indirect_vreg.gather [hbm4b:s3+s26], $0x80, v3, vm0, $0xb8;
	[tilespmem:$0x14A80] =	vst v63  }
0xc2: {  	v3 =	vld [tilespmem:$0x3B8];
	_ =	sdelay $0x4  }
0xc3: {  	v59 =	vshll.u32 v3, $0x1  }
0xc4: {  	v3 =	vand.u32 $0x7, v3;
	v4 =	vand.u32 $0xFFFFFFF0, v59  }
0xc5: {  	v3 =	vor.u32 v3, v4  }
0xc6: {  	v4 =	vperm.xlane v3, v0;
	_ =	sdelay $0x1  }
0xc7: {  	v3 =	vperm.xlane v3, v2;
	v4 =	vadd.s32 v1, v4;
	_ =	sdelay $0x1  }
0xc8: {  	v3 =	vadd.s32 v1, v3;
	_ =	sdelay $0x2  }
0xc9: {  	[tilespmem:s12], [sflag:$0x2] =	stream.indirect_vreg.gather [hbm4b:s3+s26], $0x80, v4, vm0, $0xb8;
	[tilespmem:$0x14A80] =	vst v63  }
0xca: {  	_ = 	snop  }
0xcb: {  	[tilespmem:s13], [sflag:$0x2] =	stream.indirect_vreg.gather [hbm4b:s3+s26], $0x80, v3, vm0, $0xb8;
	[tilespmem:$0x14A80] =	vst v63  }
0xcc: {  	v3 =	vld.msk [tilespmem:$0x3C8], $0xff;
	_ =	sdelay $0x4  }
0xcd: {  	v60 =	vshll.u32 v3, $0x1  }
0xce: {  	v3 =	vand.u32 $0x7, v3;
	v4 =	vand.u32 $0xFFFFFFF0, v60  }
0xcf: {  	v3 =	vor.u32 v3, v4  }
0xd0: {  	v3 =	vperm.xlane v3, v0;
	_ =	sdelay $0x1  }
0xd1: {  	v3 =	vadd.s32 v1, v3;
	_ =	sdelay $0x4  }
0xd2: {  	[tilespmem:s16], [sflag:$0x2] =	stream.indirect_vreg.gather [hbm4b:s3+s26], $0x80, v3, vm0, $0xb8;
	[tilespmem:$0x14A80] =	vst v63  }
0xd3: {  	v3 =	vld [tilespmem:$0x728];
	_ =	sdelay $0x4  }
0xd4: {  	v61 =	vshll.u32 v3, $0x1  }
0xd5: {  	v3 =	vand.u32 $0x7, v3;
	v4 =	vand.u32 $0xFFFFFFF0, v61  }
0xd6: {  	v3 =	vor.u32 v3, v4  }
0xd7: {  	v4 =	vperm.xlane v3, v0;
	_ =	sdelay $0x1  }
0xd8: {  	v3 =	vperm.xlane v3, v2;
	v4 =	vadd.s32 v1, v4;
	_ =	sdelay $0x1  }
0xd9: {  	v3 =	vadd.s32 v1, v3;
	_ =	sdelay $0x2  }
0xda: {  	[tilespmem:s17], [sflag:$0x2] =	stream.indirect_vreg.gather [hbm4b:s4+s26], $0x80, v4, vm0, $0xb8;
	[tilespmem:$0x14A80] =	vst v63  }
0xdb: {  	_ = 	snop  }
0xdc: {  	[tilespmem:s18], [sflag:$0x2] =	stream.indirect_vreg.gather [hbm4b:s4+s26], $0x80, v3, vm0, $0xb8;
	[tilespmem:$0x14A80] =	vst v63  }
0xdd: {  	v3 =	vld [tilespmem:$0x738];
	_ =	sdelay $0x4  }
0xde: {  	v62 =	vshll.u32 v3, $0x1  }
0xdf: {  	v3 =	vand.u32 $0x7, v3;
	v4 =	vand.u32 $0xFFFFFFF0, v62  }
0xe0: {  	v3 =	vor.u32 v3, v4  }
0xe1: {  	v4 =	vperm.xlane v3, v0;
	_ =	sdelay $0x1  }
0xe2: {  	v3 =	vperm.xlane v3, v2;
	v4 =	vadd.s32 v1, v4;
	_ =	sdelay $0x1  }
0xe3: {  	v3 =	vadd.s32 v1, v3;
	_ =	sdelay $0x2  }
0xe4: {  	[tilespmem:s19], [sflag:$0x2] =	stream.indirect_vreg.gather [hbm4b:s4+s26], $0x80, v4, vm0, $0xb8;
	[tilespmem:$0x14A80] =	vst v63  }
0xe5: {  	_ = 	snop  }
0xe6: {  	[tilespmem:s20], [sflag:$0x2] =	stream.indirect_vreg.gather [hbm4b:s4+s26], $0x80, v3, vm0, $0xb8;
	[tilespmem:$0x14A80] =	vst v63  }
0xe7: {  	v3 =	vld.msk [tilespmem:$0x748], $0xff;
	_ =	sdelay $0x4  }
0xe8: {  	v63 =	vshll.u32 v3, $0x1  }
0xe9: {  	v3 =	vand.u32 $0x7, v3;
	v4 =	vand.u32 $0xFFFFFFF0, v63  }
0xea: {  	v3 =	vor.u32 v3, v4  }
0xeb: {  	v3 =	vperm.xlane v3, v0;
	_ =	sdelay $0x1  }
0xec: {  	v3 =	vadd.s32 v1, v3;
	_ =	sdelay $0x3  }
0xed: {  	s28 =	simm.s32 $0x0  }
0xee: {  	[tilespmem:s21], [sflag:$0x2] =	stream.indirect_vreg.gather [hbm4b:s4+s26], $0x80, v3, vm0, $0xb8;
	[tilespmem:$0x14A80] =	vst v63  }
.LBB2_4:
0xef: {  	_ =	swait.ge [sflag:s22], $0x2800  }
0xf0: {  	[sflag:s22] =	ssyncset.done $0x0  }
0xf1: {  	[sflag:s22] =	ssyncadd.s32 $0xFFFFD800  }
0xf2: {  	_ =	swait.ge [sflag:s22], $0x2800  }
0xf3: {  	[sflag:s22] =	ssyncset.done $0x0  }
0xf4: {  	[sflag:s22] =	ssyncadd.s32 $0xFFFFD800  }
0xf5: {  	_ =	swait.ge [sflag:s22], $0x2800  }
0xf6: {  	p0 =	seq.s32 s28, $0x0;
	[sflag:s22] =	ssyncset.done $0x0  }
0xf7: {  	s0 =	simm.s32 @!p0 $0x3;
	[sflag:s22] =	ssyncadd.s32 $0xFFFFD800  }
0xf8: {  	_ =	swait.ge @!p0 [sflag:s0], $0x2800  }
0xf9: {  	s2 =	sand.u32 $0x3800, s26;
	s29 =	sand.u32 $0x380, s26;
	[sflag:s0] =	ssyncset.done @!p0 $0x0  }
0xfa: {  	s30 =	sor.u32 s29, s2;
	[sflag:s0] =	ssyncadd.s32 @!p0 $0xFFFFD800  }
0xfb: {  	v3 =	vld [tilespmem:s30+$0xEF0]  }
0xfc: {  	v4 =	vld [tilespmem:s30+$0x36F0]  }
0xfd: {  	v5 =	vld [tilespmem:s30+$0xA80]  }
0xfe: {  	v6 =	vld [tilespmem:s30+$0x5EF0]  }
0xff: {  	v7 =	vld [tilespmem:s30+$0x3280]  }
0x100: {  	v8 =	vld [tilespmem:s30+$0xA90]  }
0x101: {  	v9 =	vld [tilespmem:s30+$0x3290]  }
0x102: {  	v10 =	vld [tilespmem:s30+$0x32A0]  }
0x103: {  	v11 =	vld [tilespmem:s30+$0x32B0]  }
0x104: {  	v12 =	vld [tilespmem:s30+$0x32C0]  }
0x105: {  	v13 =	vld [tilespmem:s30+$0xAD0]  }
0x106: {  	v14 =	vld [tilespmem:s30+$0x32D0]  }
0x107: {  	v15 =	vld [tilespmem:s30+$0xAE0]  }
0x108: {  	v16 =	vld [tilespmem:s30+$0x32E0]  }
0x109: {  	v17 =	vld [tilespmem:s30+$0xAF0]  }
0x10a: {  	v18 =	vld [tilespmem:s30+$0x32F0]  }
0x10b: {  	v19 =	vld [tilespmem:s30+$0xE80]  }
0x10c: {  	v20 =	vld [tilespmem:s30+$0x3680]  }
0x10d: {  	v21 =	vld [tilespmem:s30+$0xE90]  }
0x10e: {  	v22 =	vld [tilespmem:s30+$0x3690]  }
0x10f: {  	v23 =	vld [tilespmem:s30+$0xEA0]  }
0x110: {  	v24 =	vld [tilespmem:s30+$0x36A0]  }
0x111: {  	v25 =	vld [tilespmem:s30+$0xEB0]  }
0x112: {  	v26 =	vld [tilespmem:s30+$0x36B0]  }
0x113: {  	v27 =	vld [tilespmem:s30+$0xEC0]  }
0x114: {  	v28 =	vld [tilespmem:s30+$0x36C0]  }
0x115: {  	v29 =	vld [tilespmem:s30+$0xED0]  }
0x116: {  	v30 =	vld [tilespmem:s30+$0x36D0]  }
0x117: {  	v33 =	vld [tilespmem:s30+$0x5A80]  }
0x118: {  	v34 =	vld [tilespmem:s30+$0x5A90]  }
0x119: {  	v35 =	vld [tilespmem:s30+$0x5AA0];
	v3 =	vadd.f32 v4, v3  }
0x11a: {  	v4 =	vld [tilespmem:s30+$0xAA0]  }
0x11b: {  	v3 =	vadd.f32 v6, v3;
	v6 =	vld [tilespmem:s30+$0xAB0]  }
0x11c: {  	v5 =	vadd.f32 v7, v5;
	v7 =	vld [tilespmem:s30+$0x5AB0]  }
0x11d: {  	[tilespmem:s30+$0xFEF0] =	vst v3;
	v3 =	vld [tilespmem:s30+$0xAC0]  }
0x11e: {  	v31 =	vld [tilespmem:s30+$0xEE0];
	v8 =	vadd.f32 v9, v8  }
0x11f: {  	v36 =	vld [tilespmem:s30+$0x5AC0];
	v5 =	vadd.f32 v33, v5;
	v4 =	vadd.f32 v10, v4  }
0x120: {  	v9 =	vld [tilespmem:s30+$0x5AD0];
	v6 =	vadd.f32 v11, v6  }
0x121: {  	v8 =	vadd.f32 v34, v8;
	[tilespmem:s30+$0xFA80] =	vst v5;
	v5 =	vld [tilespmem:s30+$0x5AF0];
	v4 =	vadd.f32 v35, v4  }
0x122: {  	v62 =	vld [tilespmem:s30+$0x5AE0];
	v3 =	vadd.f32 v12, v3;
	v6 =	vadd.f32 v7, v6  }
0x123: {  	v63 =	vld [tilespmem:s30+$0x5E80];
	[tilespmem:s30+$0xFAA0] =	vst v4;
	v4 =	vadd.f32 v14, v13;
	v7 =	vadd.f32 v18, v17  }
0x124: {  	v32 =	vld [tilespmem:s30+$0x36E0];
	v13 =	vadd.f32 v20, v19;
	v14 =	vadd.f32 v22, v21  }
0x125: {  	v12 =	vld [tilespmem:s30+$0x5E90];
	v3 =	vadd.f32 v36, v3;
	[tilespmem:s30+$0xFAB0] =	vst v6;
	v6 =	vadd.f32 v16, v15  }
0x126: {  	[tilespmem:s30+$0xFA90] =	vst v8;
	v8 =	vld [tilespmem:s30+$0x5EA0];
	v4 =	vadd.f32 v9, v4;
	v15 =	vadd.f32 v5, v7  }
0x127: {  	v9 =	vld [tilespmem:s30+$0x5EB0];
	v5 =	vadd.f32 v28, v27;
	v7 =	vadd.f32 v30, v29;
	[tilespmem:s30+$0xFAC0] =	vst v3  }
0x128: {  	s31 =	simm.s32 $0x80;
	s2 =	simm.s32 $0x100;
	v10 =	vld [tilespmem:s30+$0x5EC0];
	v13 =	vadd.f32 v63, v13;
	v6 =	vadd.f32 v62, v6;
	[tilespmem:s30+$0xFAD0] =	vst v4  }
0x129: {  	s14 =	sand.u32 $0x380, s31;
	s0 =	sand.u32 $0x3800, s2;
	v11 =	vld [tilespmem:s30+$0x5ED0];
	v3 =	vadd.f32 v24, v23;
	v4 =	vadd.f32 v26, v25;
	[tilespmem:s30+$0xFAF0] =	vst v15  }
0x12a: {  	s29 =	smul.u32 $0x50, s28;
	s2 =	simm.s32 $0x200;
	s0 =	sor.u32 s14, s0;
	v14 =	vadd.f32 v12, v14;
	v12 =	vld [tilespmem:s30+$0x5EE0];
	[tilespmem:s30+$0xFAE0] =	vst v6;
	v6 =	vadd.f32 v32, v31  }
.LBB2_5:
0x12b: {  	p1 =	sne.s32 s2, $0x2700;
	v15 =	vld [tilespmem:s0+$0xEF0];
	[tilespmem:s30+$0xFE80] =	vst v13;
	v3 =	vadd.f32 v8, v3  }
0x12c: {  	v8 =	vld [tilespmem:s0+$0x36F0];
	[tilespmem:s30+$0xFE90] =	vst v14;
	v4 =	vadd.f32 v9, v4  }
0x12d: {  	v9 =	vld [tilespmem:s0+$0xA80];
	[tilespmem:s30+$0xFEA0] =	vst v3;
	v3 =	vadd.f32 v10, v5  }
0x12e: {  	v5 =	vld [tilespmem:s0+$0x5EF0];
	[tilespmem:s30+$0xFEB0] =	vst v4;
	v4 =	vadd.f32 v11, v7  }
0x12f: {  	v7 =	vld [tilespmem:s0+$0x3280];
	[tilespmem:s30+$0xFEC0] =	vst v3;
	v3 =	vadd.f32 v12, v6  }
0x130: {  	v6 =	vld [tilespmem:s0+$0xA90];
	[tilespmem:s30+$0xFED0] =	vst v4  }
0x131: {  	v4 =	vld [tilespmem:s0+$0x3290];
	v8 =	vadd.f32 v8, v15;
	[tilespmem:s30+$0xFEE0] =	vst v3;
	s30 =	smov.u32 s0  }
0x132: {  	v3 =	vld [tilespmem:s30+$0xAA0]  }
0x133: {  	v10 =	vld [tilespmem:s30+$0x32A0];
	v5 =	vadd.f32 v5, v8  }
0x134: {  	v8 =	vadd.f32 v7, v9;
	v7 =	vld [tilespmem:s30+$0xAB0]  }
0x135: {  	v9 =	vld [tilespmem:s30+$0x32B0];
	[tilespmem:s30+$0xFEF0] =	vst v5  }
0x136: {  	v11 =	vadd.f32 v4, v6;
	v4 =	vld [tilespmem:s30+$0xAC0]  }
0x137: {  	v5 =	vld [tilespmem:s30+$0x32C0]  }
0x138: {  	v10 =	vadd.f32 v10, v3;
	v3 =	vld [tilespmem:s30+$0xAD0]  }
0x139: {  	v6 =	vld [tilespmem:s30+$0x32D0]  }
0x13a: {  	v9 =	vadd.f32 v9, v7;
	v7 =	vld [tilespmem:s30+$0xAE0]  }
0x13b: {  	v12 =	vld [tilespmem:s30+$0x32E0]  }
0x13c: {  	v13 =	vadd.f32 v5, v4;
	v4 =	vld [tilespmem:s30+$0xAF0]  }
0x13d: {  	v5 =	vld [tilespmem:s30+$0x32F0]  }
0x13e: {  	v14 =	vadd.f32 v6, v3;
	v3 =	vld [tilespmem:s30+$0xE80]  }
0x13f: {  	v6 =	vld [tilespmem:s30+$0x3680]  }
0x140: {  	v12 =	vadd.f32 v12, v7;
	v7 =	vld [tilespmem:s30+$0xE90]  }
0x141: {  	v15 =	vld [tilespmem:s30+$0x3690]  }
0x142: {  	v16 =	vadd.f32 v5, v4;
	v4 =	vld [tilespmem:s30+$0xEA0]  }
0x143: {  	v5 =	vld [tilespmem:s30+$0x36A0]  }
0x144: {  	v17 =	vadd.f32 v6, v3;
	v6 =	vld [tilespmem:s30+$0xEB0]  }
0x145: {  	v18 =	vld [tilespmem:s30+$0x36B0]  }
0x146: {  	v15 =	vadd.f32 v15, v7;
	v7 =	vld [tilespmem:s30+$0xEC0]  }
0x147: {  	v19 =	vld [tilespmem:s30+$0x36C0]  }
0x148: {  	v3 =	vadd.f32 v5, v4;
	v20 =	vld [tilespmem:s30+$0xED0]  }
0x149: {  	v21 =	vld [tilespmem:s30+$0x36D0]  }
0x14a: {  	v4 =	vadd.f32 v18, v6;
	v6 =	vld [tilespmem:s30+$0xEE0]  }
0x14b: {  	v18 =	vld [tilespmem:s30+$0x36E0]  }
0x14c: {  	v22 =	vld [tilespmem:s30+$0x5A80];
	v5 =	vadd.f32 v19, v7  }
0x14d: {  	v19 =	vld [tilespmem:s30+$0x5A90]  }
0x14e: {  	v23 =	vld [tilespmem:s30+$0x5AA0];
	v7 =	vadd.f32 v21, v20  }
0x14f: {  	v20 =	vld [tilespmem:s30+$0x5AB0]  }
0x150: {  	v21 =	vld [tilespmem:s30+$0x5AC0];
	v6 =	vadd.f32 v18, v6  }
0x151: {  	v8 =	vadd.f32 v22, v8;
	v18 =	vld [tilespmem:s30+$0x5AD0]  }
0x152: {  	v11 =	vadd.f32 v19, v11;
	v19 =	vld [tilespmem:s30+$0x5AE0]  }
0x153: {  	[tilespmem:s30+$0xFA80] =	vst v8;
	v8 =	vadd.f32 v23, v10;
	v10 =	vld [tilespmem:s30+$0x5AF0]  }
0x154: {  	[tilespmem:s30+$0xFA90] =	vst v11;
	v9 =	vadd.f32 v20, v9;
	v11 =	vld [tilespmem:s30+$0x5E80]  }
0x155: {  	[tilespmem:s30+$0xFAA0] =	vst v8;
	v13 =	vadd.f32 v21, v13;
	v20 =	vld [tilespmem:s30+$0x5E90]  }
.Ltmp3:
0x156: {  	[tilespmem:s30+$0xFAB0] =	vst v9;
	v14 =	vadd.f32 v18, v14;
	v8 =	vld [tilespmem:s30+$0x5EA0];
	(pc) =	sbr.rel @p1 .LBB2_5-.Ltmp3, $4  }
0x157: {  	[tilespmem:s30+$0xFAC0] =	vst v13;
	v12 =	vadd.f32 v19, v12;
	v9 =	vld [tilespmem:s30+$0x5EB0]  }
0x158: {  	s31 =	sadd.s32 $0x80, s31;
	[tilespmem:s30+$0xFAD0] =	vst v14;
	v14 =	vadd.f32 v10, v16;
	v10 =	vld [tilespmem:s30+$0x5EC0]  }
0x159: {  	s14 =	sand.u32 $0x380, s31;
	s0 =	sand.u32 $0x3800, s2;
	[tilespmem:s30+$0xFAE0] =	vst v12;
	v13 =	vadd.f32 v11, v17;
	v11 =	vld [tilespmem:s30+$0x5ED0]  }
0x15a: {  	s2 =	sadd.s32 $0x100, s2;
	s0 =	sor.u32 s14, s0;
	[tilespmem:s30+$0xFAF0] =	vst v14;
	v14 =	vadd.f32 v20, v15;
	v12 =	vld [tilespmem:s30+$0x5EE0]  }
0x15b: {  	v15 =	vld [tilespmem:s0+$0xEF0];
	[tilespmem:s30+$0xFE80] =	vst v13;
	v3 =	vadd.f32 v8, v3  }
0x15c: {  	v13 =	vld [tilespmem:s0+$0x36F0];
	[tilespmem:s30+$0xFE90] =	vst v14;
	v4 =	vadd.f32 v9, v4  }
0x15d: {  	v57 =	vld [tilespmem:s0+$0xA80];
	[tilespmem:s30+$0xFEA0] =	vst v3;
	v5 =	vadd.f32 v10, v5  }
0x15e: {  	v3 =	vld [tilespmem:s0+$0x5EF0];
	[tilespmem:s30+$0xFEB0] =	vst v4;
	v7 =	vadd.f32 v11, v7  }
0x15f: {  	v4 =	vld [tilespmem:s0+$0x3280];
	[tilespmem:s30+$0xFEC0] =	vst v5;
	v6 =	vadd.f32 v12, v6  }
0x160: {  	v5 =	vld [tilespmem:s0+$0xA90];
	[tilespmem:s30+$0xFED0] =	vst v7  }
0x161: {  	v7 =	vld [tilespmem:s0+$0x3290];
	[tilespmem:s30+$0xFEE0] =	vst v6  }
0x162: {  	v59 =	vld [tilespmem:s0+$0xAA0]  }
0x163: {  	v60 =	vld [tilespmem:s0+$0x32A0]  }
0x164: {  	v61 =	vld [tilespmem:s0+$0xAB0]  }
0x165: {  	v62 =	vld [tilespmem:s0+$0x32B0]  }
0x166: {  	v63 =	vld [tilespmem:s0+$0x32C0]  }
0x167: {  	v40 =	vld [tilespmem:s0+$0xAD0]  }
0x168: {  	v14 =	vld [tilespmem:s0+$0x32D0]  }
0x169: {  	v41 =	vld [tilespmem:s0+$0xAE0]  }
0x16a: {  	v16 =	vld [tilespmem:s0+$0x32E0]  }
0x16b: {  	v17 =	vld [tilespmem:s0+$0xAF0]  }
0x16c: {  	v18 =	vld [tilespmem:s0+$0x32F0]  }
0x16d: {  	v19 =	vld [tilespmem:s0+$0xE80]  }
0x16e: {  	v20 =	vld [tilespmem:s0+$0x3680]  }
0x16f: {  	v21 =	vld [tilespmem:s0+$0xE90]  }
0x170: {  	v22 =	vld [tilespmem:s0+$0x3690]  }
0x171: {  	v23 =	vld [tilespmem:s0+$0xEA0]  }
0x172: {  	v24 =	vld [tilespmem:s0+$0x36A0]  }
0x173: {  	v25 =	vld [tilespmem:s0+$0xEB0]  }
0x174: {  	v26 =	vld [tilespmem:s0+$0x36B0]  }
0x175: {  	v27 =	vld [tilespmem:s0+$0xEC0]  }
0x176: {  	v28 =	vld [tilespmem:s0+$0x36C0]  }
0x177: {  	v29 =	vld [tilespmem:s0+$0xED0]  }
0x178: {  	v30 =	vld [tilespmem:s0+$0x36D0]  }
0x179: {  	v31 =	vld [tilespmem:s0+$0xEE0]  }
0x17a: {  	v32 =	vld [tilespmem:s0+$0x36E0]  }
0x17b: {  	v58 =	vadd.f32 v13, v15;
	v33 =	vld [tilespmem:s0+$0x5A80]  }
0x17c: {  	v34 =	vld [tilespmem:s0+$0x5A90]  }
0x17d: {  	v35 =	vld [tilespmem:s0+$0x5AA0];
	v3 =	vadd.f32 v3, v58  }
0x17e: {  	v42 =	vld [tilespmem:s0+$0x5AB0]  }
0x17f: {  	v4 =	vadd.f32 v4, v57;
	[tilespmem:s0+$0xFEF0] =	vst v3;
	v3 =	vld [tilespmem:s0+$0xAC0]  }
0x180: {  	v43 =	vld [tilespmem:s0+$0x5AD0];
	v5 =	vadd.f32 v7, v5  }
0x181: {  	v36 =	vld [tilespmem:s0+$0x5AC0];
	v4 =	vadd.f32 v33, v4;
	v9 =	vadd.f32 v60, v59  }
0x182: {  	v44 =	vld [tilespmem:s0+$0x5AE0];
	v6 =	vadd.f32 v62, v61;
	v5 =	vadd.f32 v34, v5  }
0x183: {  	v45 =	vld [tilespmem:s0+$0x5AF0];
	v48 =	vadd.f32 v14, v40;
	[tilespmem:s0+$0xFA80] =	vst v4;
	v9 =	vadd.f32 v35, v9  }
0x184: {  	v47 =	vld [tilespmem:s0+$0x5E90];
	v6 =	vadd.f32 v42, v6;
	[tilespmem:s0+$0xFA90] =	vst v5;
	v3 =	vadd.f32 v63, v3  }
0x185: {  	v49 =	vld [tilespmem:s0+$0x5EA0];
	v50 =	vadd.f32 v16, v41;
	v7 =	vadd.f32 v43, v48;
	[tilespmem:s0+$0xFAA0] =	vst v9  }
0x186: {  	v46 =	vld [tilespmem:s0+$0x5E80];
	v51 =	vadd.f32 v18, v17;
	[tilespmem:s0+$0xFAB0] =	vst v6;
	v3 =	vadd.f32 v36, v3  }
0x187: {  	v52 =	vld [tilespmem:s0+$0x5EC0];
	v54 =	vadd.f32 v22, v21;
	v10 =	vadd.f32 v44, v50;
	[tilespmem:s0+$0xFAD0] =	vst v7  }
0x188: {  	v56 =	vadd.f32 v24, v23;
	v4 =	vadd.f32 v45, v51;
	[tilespmem:s0+$0xFAC0] =	vst v3;
	v3 =	vld [tilespmem:s0+$0x5EB0]  }
0x189: {  	v58 =	vld [tilespmem:s0+$0x5EE0];
	v53 =	vadd.f32 v20, v19;
	v8 =	vadd.f32 v47, v54;
	[tilespmem:s0+$0xFAE0] =	vst v10  }
0x18a: {  	v55 =	vld [tilespmem:s0+$0x5ED0];
	v59 =	vadd.f32 v28, v27;
	v60 =	vadd.f32 v49, v56;
	[tilespmem:s0+$0xFAF0] =	vst v4  }
0x18b: {  	v57 =	vadd.f32 v26, v25;
	v5 =	vadd.f32 v46, v53;
	[tilespmem:s0+$0xFE90] =	vst v8  }
0x18c: {  	v62 =	vadd.f32 v32, v31;
	v63 =	vadd.f32 v52, v59;
	[tilespmem:s0+$0xFEA0] =	vst v60  }
0x18d: {  	p1 =	seq.s32 s28, $0x9;
	v61 =	vadd.f32 v30, v29;
	[tilespmem:s0+$0xFE80] =	vst v5;
	v3 =	vadd.f32 v3, v57  }
.Ltmp4:
0x18e: {  	v4 =	vadd.f32 v58, v62;
	[tilespmem:s0+$0xFEC0] =	vst v63;
	(pc) =	sbr.rel @p1 .LBB2_8-.Ltmp4, $4  }
0x18f: {  	s2 =	sadd.s32 s6, s29;
	[tilespmem:s0+$0xFEB0] =	vst v3;
	v3 =	vadd.f32 v55, v61  }
0x190: {  	s2 =	sshll.u32 s2, $0x5;
	[tilespmem:s0+$0xFEE0] =	vst v4  }
0x191: {  	s31 =	sadd.s32 s7, s2;
	[tilespmem:s0+$0xFED0] =	vst v3  }
0x192: {  	[hbm4b:s31+s5] =	stream.linear.scatter [tilespmem:s23], [sflag:$0x3], $0x2800, $0x38;
	[tilespmem:$0x14A80] =	vst v63  }
0x193: {  	v3 =	vld [tilespmem:s29+$0x50];
	_ =	sdelay $0x4  }
0x194: {  	v4 =	vshll.u32 v3, $0x1  }
0x195: {  	v3 =	vand.u32 $0x7, v3;
	v4 =	vand.u32 $0xFFFFFFF0, v4  }
0x196: {  	v3 =	vor.u32 v3, v4  }
0x197: {  	v4 =	vperm.xlane v3, v0;
	_ =	sdelay $0x1  }
0x198: {  	v3 =	vperm.xlane v3, v2;
	v4 =	vadd.s32 v1, v4;
	_ =	sdelay $0x1  }
0x199: {  	v3 =	vadd.s32 v1, v3;
	_ =	sdelay $0x1  }
0x19a: {  	s0 =	simm.s32 $0xA80  }
0x19b: {  	[tilespmem:s0], [sflag:$0x1] =	stream.indirect_vreg.gather [hbm4b:s1+s5], $0x80, v4, vm0, $0xb8;
	[tilespmem:$0x14A80] =	vst v63  }
0x19c: {  	s30 =	simm.s32 $0x1280  }
0x19d: {  	[tilespmem:s30], [sflag:$0x1] =	stream.indirect_vreg.gather [hbm4b:s1+s5], $0x80, v3, vm0, $0xb8;
	[tilespmem:$0x14A80] =	vst v63  }
0x19e: {  	v3 =	vld [tilespmem:s29+$0x60];
	_ =	sdelay $0x4  }
0x19f: {  	v56 =	vshll.u32 v3, $0x1  }
0x1a0: {  	v3 =	vand.u32 $0x7, v3;
	v4 =	vand.u32 $0xFFFFFFF0, v56  }
0x1a1: {  	v3 =	vor.u32 v3, v4  }
0x1a2: {  	v4 =	vperm.xlane v3, v0;
	_ =	sdelay $0x1  }
0x1a3: {  	v3 =	vperm.xlane v3, v2;
	v4 =	vadd.s32 v1, v4;
	_ =	sdelay $0x1  }
0x1a4: {  	v3 =	vadd.s32 v1, v3;
	_ =	sdelay $0x1  }
0x1a5: {  	s31 =	simm.s32 $0x1A80  }
0x1a6: {  	[tilespmem:s31], [sflag:$0x1] =	stream.indirect_vreg.gather [hbm4b:s1+s5], $0x80, v4, vm0, $0xb8;
	[tilespmem:$0x14A80] =	vst v63  }
0x1a7: {  	s2 =	simm.s32 $0x2280  }
0x1a8: {  	[tilespmem:s2], [sflag:$0x1] =	stream.indirect_vreg.gather [hbm4b:s1+s5], $0x80, v3, vm0, $0xb8;
	[tilespmem:$0x14A80] =	vst v63  }
0x1a9: {  	v3 =	vld.msk [tilespmem:s29+$0x70], $0xff;
	_ =	sdelay $0x4  }
0x1aa: {  	v57 =	vshll.u32 v3, $0x1  }
0x1ab: {  	v3 =	vand.u32 $0x7, v3;
	v4 =	vand.u32 $0xFFFFFFF0, v57  }
0x1ac: {  	v3 =	vor.u32 v3, v4  }
0x1ad: {  	v3 =	vperm.xlane v3, v0;
	_ =	sdelay $0x1  }
0x1ae: {  	v3 =	vadd.s32 v1, v3;
	_ =	sdelay $0x3  }
0x1af: {  	s14 =	simm.s32 $0x2A80  }
0x1b0: {  	[tilespmem:s14], [sflag:$0x1] =	stream.indirect_vreg.gather [hbm4b:s1+s5], $0x80, v3, vm0, $0xb8;
	[tilespmem:$0x14A80] =	vst v63  }
0x1b1: {  	v3 =	vld [tilespmem:s29+$0x3D0];
	_ =	sdelay $0x4  }
0x1b2: {  	v58 =	vshll.u32 v3, $0x1  }
0x1b3: {  	v3 =	vand.u32 $0x7, v3;
	v4 =	vand.u32 $0xFFFFFFF0, v58  }
0x1b4: {  	v3 =	vor.u32 v3, v4  }
0x1b5: {  	v4 =	vperm.xlane v3, v0;
	_ =	sdelay $0x1  }
0x1b6: {  	v3 =	vperm.xlane v3, v2;
	v4 =	vadd.s32 v1, v4;
	_ =	sdelay $0x1  }
0x1b7: {  	v3 =	vadd.s32 v1, v3;
	_ =	sdelay $0x1  }
0x1b8: {  	s30 =	simm.s32 $0x3280  }
0x1b9: {  	[tilespmem:s30], [sflag:$0x1] =	stream.indirect_vreg.gather [hbm4b:s3+s5], $0x80, v4, vm0, $0xb8;
	[tilespmem:$0x14A80] =	vst v63  }
0x1ba: {  	s31 =	simm.s32 $0x3A80  }
0x1bb: {  	[tilespmem:s31], [sflag:$0x1] =	stream.indirect_vreg.gather [hbm4b:s3+s5], $0x80, v3, vm0, $0xb8;
	[tilespmem:$0x14A80] =	vst v63  }
0x1bc: {  	v3 =	vld [tilespmem:s29+$0x3E0];
	_ =	sdelay $0x4  }
0x1bd: {  	v59 =	vshll.u32 v3, $0x1  }
0x1be: {  	v3 =	vand.u32 $0x7, v3;
	v4 =	vand.u32 $0xFFFFFFF0, v59  }
0x1bf: {  	v3 =	vor.u32 v3, v4  }
0x1c0: {  	v4 =	vperm.xlane v3, v0;
	_ =	sdelay $0x1  }
0x1c1: {  	v3 =	vperm.xlane v3, v2;
	v4 =	vadd.s32 v1, v4;
	_ =	sdelay $0x1  }
0x1c2: {  	v3 =	vadd.s32 v1, v3;
	_ =	sdelay $0x1  }
0x1c3: {  	s2 =	simm.s32 $0x4280  }
0x1c4: {  	[tilespmem:s2], [sflag:$0x1] =	stream.indirect_vreg.gather [hbm4b:s3+s5], $0x80, v4, vm0, $0xb8;
	[tilespmem:$0x14A80] =	vst v63  }
0x1c5: {  	s14 =	simm.s32 $0x4A80  }
0x1c6: {  	[tilespmem:s14], [sflag:$0x1] =	stream.indirect_vreg.gather [hbm4b:s3+s5], $0x80, v3, vm0, $0xb8;
	[tilespmem:$0x14A80] =	vst v63  }
0x1c7: {  	v3 =	vld.msk [tilespmem:s29+$0x3F0], $0xff;
	_ =	sdelay $0x4  }
0x1c8: {  	v60 =	vshll.u32 v3, $0x1  }
0x1c9: {  	v3 =	vand.u32 $0x7, v3;
	v4 =	vand.u32 $0xFFFFFFF0, v60  }
0x1ca: {  	v3 =	vor.u32 v3, v4  }
0x1cb: {  	v3 =	vperm.xlane v3, v0;
	_ =	sdelay $0x1  }
0x1cc: {  	v3 =	vadd.s32 v1, v3;
	_ =	sdelay $0x3  }
0x1cd: {  	s30 =	simm.s32 $0x5280  }
0x1ce: {  	[tilespmem:s30], [sflag:$0x1] =	stream.indirect_vreg.gather [hbm4b:s3+s5], $0x80, v3, vm0, $0xb8;
	[tilespmem:$0x14A80] =	vst v63  }
0x1cf: {  	v3 =	vld [tilespmem:s29+$0x750];
	_ =	sdelay $0x4  }
0x1d0: {  	v61 =	vshll.u32 v3, $0x1  }
0x1d1: {  	v3 =	vand.u32 $0x7, v3;
	v4 =	vand.u32 $0xFFFFFFF0, v61  }
0x1d2: {  	v3 =	vor.u32 v3, v4  }
0x1d3: {  	v4 =	vperm.xlane v3, v0;
	_ =	sdelay $0x1  }
0x1d4: {  	v3 =	vperm.xlane v3, v2;
	v4 =	vadd.s32 v1, v4;
	_ =	sdelay $0x1  }
0x1d5: {  	v3 =	vadd.s32 v1, v3;
	_ =	sdelay $0x1  }
0x1d6: {  	s31 =	simm.s32 $0x5A80  }
0x1d7: {  	[tilespmem:s31], [sflag:$0x1] =	stream.indirect_vreg.gather [hbm4b:s4+s5], $0x80, v4, vm0, $0xb8;
	[tilespmem:$0x14A80] =	vst v63  }
0x1d8: {  	s2 =	simm.s32 $0x6280  }
0x1d9: {  	[tilespmem:s2], [sflag:$0x1] =	stream.indirect_vreg.gather [hbm4b:s4+s5], $0x80, v3, vm0, $0xb8;
	[tilespmem:$0x14A80] =	vst v63  }
0x1da: {  	v3 =	vld [tilespmem:s29+$0x760];
	_ =	sdelay $0x4  }
0x1db: {  	v62 =	vshll.u32 v3, $0x1  }
0x1dc: {  	v3 =	vand.u32 $0x7, v3;
	v4 =	vand.u32 $0xFFFFFFF0, v62  }
0x1dd: {  	v3 =	vor.u32 v3, v4  }
0x1de: {  	v4 =	vperm.xlane v3, v0;
	_ =	sdelay $0x1  }
0x1df: {  	v3 =	vperm.xlane v3, v2;
	v4 =	vadd.s32 v1, v4;
	_ =	sdelay $0x1  }
0x1e0: {  	v3 =	vadd.s32 v1, v3;
	_ =	sdelay $0x1  }
0x1e1: {  	s14 =	simm.s32 $0x6A80  }
0x1e2: {  	[tilespmem:s14], [sflag:$0x1] =	stream.indirect_vreg.gather [hbm4b:s4+s5], $0x80, v4, vm0, $0xb8;
	[tilespmem:$0x14A80] =	vst v63  }
0x1e3: {  	s30 =	simm.s32 $0x7280  }
0x1e4: {  	[tilespmem:s30], [sflag:$0x1] =	stream.indirect_vreg.gather [hbm4b:s4+s5], $0x80, v3, vm0, $0xb8;
	[tilespmem:$0x14A80] =	vst v63  }
0x1e5: {  	v3 =	vld.msk [tilespmem:s29+$0x770], $0xff;
	_ =	sdelay $0x4  }
0x1e6: {  	v63 =	vshll.u32 v3, $0x1  }
0x1e7: {  	v3 =	vand.u32 $0x7, v3;
	v4 =	vand.u32 $0xFFFFFFF0, v63  }
0x1e8: {  	v3 =	vor.u32 v3, v4  }
0x1e9: {  	v3 =	vperm.xlane v3, v0;
	_ =	sdelay $0x1  }
0x1ea: {  	v3 =	vadd.s32 v1, v3;
	_ =	sdelay $0x3  }
0x1eb: {  	s31 =	simm.s32 $0x7A80  }
0x1ec: {  	[tilespmem:s31], [sflag:$0x1] =	stream.indirect_vreg.gather [hbm4b:s4+s5], $0x80, v3, vm0, $0xb8;
	[tilespmem:$0x14A80] =	vst v63  }
.LBB2_8:
0x1ed: {  	_ =	swait.ge [sflag:s24], $0x2800  }
0x1ee: {  	[sflag:s24] =	ssyncset.done $0x0  }
0x1ef: {  	[sflag:s24] =	ssyncadd.s32 $0xFFFFD800  }
0x1f0: {  	_ =	swait.ge [sflag:s24], $0x2800  }
0x1f1: {  	[sflag:s24] =	ssyncset.done $0x0  }
0x1f2: {  	[sflag:s24] =	ssyncadd.s32 $0xFFFFD800  }
0x1f3: {  	_ =	swait.ge [sflag:s24], $0x2800  }
0x1f4: {  	[sflag:s24] =	ssyncset.done $0x0  }
0x1f5: {  	s0 =	simm.s32 @!p0 $0x4;
	[sflag:s24] =	ssyncadd.s32 $0xFFFFD800  }
0x1f6: {  	s2 =	simm.s32 $0x0;
	_ =	swait.ge @!p0 [sflag:s0], $0x2800  }
0x1f7: {  	s14 =	sand.u32 $0x3800, s2;
	s2 =	sand.u32 $0x380, s2;
	[sflag:s0] =	ssyncset.done @!p0 $0x0  }
0x1f8: {  	s30 =	sor.u32 s2, s14;
	[sflag:s0] =	ssyncadd.s32 @!p0 $0xFFFFD800  }
0x1f9: {  	v3 =	vld [tilespmem:s30+$0x86F0]  }
0x1fa: {  	v4 =	vld [tilespmem:s30+$0xAEF0]  }
0x1fb: {  	v5 =	vld [tilespmem:s30+$0x8280]  }
0x1fc: {  	v6 =	vld [tilespmem:s30+$0xD6F0]  }
0x1fd: {  	v7 =	vld [tilespmem:s30+$0xAA80]  }
0x1fe: {  	v8 =	vld [tilespmem:s30+$0x8290]  }
0x1ff: {  	v9 =	vld [tilespmem:s30+$0xAA90]  }
0x200: {  	v10 =	vld [tilespmem:s30+$0xAAA0]  }
0x201: {  	v11 =	vld [tilespmem:s30+$0xAAB0]  }
0x202: {  	v12 =	vld [tilespmem:s30+$0xAAC0]  }
0x203: {  	v13 =	vld [tilespmem:s30+$0x82D0]  }
0x204: {  	v14 =	vld [tilespmem:s30+$0xAAD0]  }
0x205: {  	v15 =	vld [tilespmem:s30+$0x82E0]  }
0x206: {  	v16 =	vld [tilespmem:s30+$0xAAE0]  }
0x207: {  	v17 =	vld [tilespmem:s30+$0x82F0]  }
0x208: {  	v18 =	vld [tilespmem:s30+$0xAAF0]  }
0x209: {  	v19 =	vld [tilespmem:s30+$0x8680]  }
0x20a: {  	v20 =	vld [tilespmem:s30+$0xAE80]  }
0x20b: {  	v21 =	vld [tilespmem:s30+$0x8690]  }
0x20c: {  	v22 =	vld [tilespmem:s30+$0xAE90]  }
0x20d: {  	v23 =	vld [tilespmem:s30+$0x86A0]  }
0x20e: {  	v24 =	vld [tilespmem:s30+$0xAEA0]  }
0x20f: {  	v25 =	vld [tilespmem:s30+$0x86B0]  }
0x210: {  	v26 =	vld [tilespmem:s30+$0xAEB0]  }
0x211: {  	v27 =	vld [tilespmem:s30+$0x86C0]  }
0x212: {  	v28 =	vld [tilespmem:s30+$0xAEC0]  }
0x213: {  	v29 =	vld [tilespmem:s30+$0x86D0]  }
0x214: {  	v30 =	vld [tilespmem:s30+$0xAED0]  }
0x215: {  	v33 =	vld [tilespmem:s30+$0xD280]  }
0x216: {  	v34 =	vld [tilespmem:s30+$0xD290]  }
0x217: {  	v35 =	vld [tilespmem:s30+$0xD2A0];
	v3 =	vadd.f32 v4, v3  }
0x218: {  	v4 =	vld [tilespmem:s30+$0x82A0]  }
0x219: {  	v3 =	vadd.f32 v6, v3;
	v6 =	vld [tilespmem:s30+$0x82B0]  }
0x21a: {  	v5 =	vadd.f32 v7, v5;
	v7 =	vld [tilespmem:s30+$0xD2B0]  }
0x21b: {  	[tilespmem:s30+$0x126F0] =	vst v3;
	v3 =	vld [tilespmem:s30+$0x82C0]  }
0x21c: {  	v31 =	vld [tilespmem:s30+$0x86E0];
	v8 =	vadd.f32 v9, v8  }
0x21d: {  	v36 =	vld [tilespmem:s30+$0xD2C0];
	v5 =	vadd.f32 v33, v5;
	v4 =	vadd.f32 v10, v4  }
0x21e: {  	v9 =	vld [tilespmem:s30+$0xD2D0];
	v6 =	vadd.f32 v11, v6  }
0x21f: {  	v8 =	vadd.f32 v34, v8;
	[tilespmem:s30+$0x12280] =	vst v5;
	v5 =	vld [tilespmem:s30+$0xD2F0];
	v4 =	vadd.f32 v35, v4  }
0x220: {  	v62 =	vld [tilespmem:s30+$0xD2E0];
	v3 =	vadd.f32 v12, v3;
	v6 =	vadd.f32 v7, v6  }
0x221: {  	v63 =	vld [tilespmem:s30+$0xD680];
	[tilespmem:s30+$0x122A0] =	vst v4;
	v4 =	vadd.f32 v14, v13;
	v7 =	vadd.f32 v18, v17  }
0x222: {  	v32 =	vld [tilespmem:s30+$0xAEE0];
	v13 =	vadd.f32 v20, v19;
	v14 =	vadd.f32 v22, v21  }
0x223: {  	v12 =	vld [tilespmem:s30+$0xD690];
	v3 =	vadd.f32 v36, v3;
	[tilespmem:s30+$0x122B0] =	vst v6;
	v6 =	vadd.f32 v16, v15  }
0x224: {  	[tilespmem:s30+$0x12290] =	vst v8;
	v8 =	vld [tilespmem:s30+$0xD6A0];
	v4 =	vadd.f32 v9, v4;
	v15 =	vadd.f32 v5, v7  }
0x225: {  	v9 =	vld [tilespmem:s30+$0xD6B0];
	v5 =	vadd.f32 v28, v27;
	v7 =	vadd.f32 v30, v29;
	[tilespmem:s30+$0x122C0] =	vst v3  }
0x226: {  	s31 =	simm.s32 $0x80;
	s2 =	simm.s32 $0x100;
	v10 =	vld [tilespmem:s30+$0xD6C0];
	v13 =	vadd.f32 v63, v13;
	v6 =	vadd.f32 v62, v6;
	[tilespmem:s30+$0x122D0] =	vst v4  }
0x227: {  	s14 =	sand.u32 $0x380, s31;
	s0 =	sand.u32 $0x3800, s2;
	v11 =	vld [tilespmem:s30+$0xD6D0];
	v3 =	vadd.f32 v24, v23;
	v4 =	vadd.f32 v26, v25;
	[tilespmem:s30+$0x122F0] =	vst v15  }
0x228: {  	s2 =	simm.s32 $0x200;
	s0 =	sor.u32 s14, s0;
	v14 =	vadd.f32 v12, v14;
	v12 =	vld [tilespmem:s30+$0xD6E0];
	[tilespmem:s30+$0x122E0] =	vst v6;
	v6 =	vadd.f32 v32, v31  }
.LBB2_9:
0x229: {  	p0 =	sne.s32 s2, $0x2700;
	v15 =	vld [tilespmem:s0+$0x86F0];
	[tilespmem:s30+$0x12680] =	vst v13;
	v3 =	vadd.f32 v8, v3  }
0x22a: {  	v8 =	vld [tilespmem:s0+$0xAEF0];
	[tilespmem:s30+$0x12690] =	vst v14;
	v4 =	vadd.f32 v9, v4  }
0x22b: {  	v9 =	vld [tilespmem:s0+$0x8280];
	[tilespmem:s30+$0x126A0] =	vst v3;
	v3 =	vadd.f32 v10, v5  }
0x22c: {  	v5 =	vld [tilespmem:s0+$0xD6F0];
	[tilespmem:s30+$0x126B0] =	vst v4;
	v4 =	vadd.f32 v11, v7  }
0x22d: {  	v7 =	vld [tilespmem:s0+$0xAA80];
	[tilespmem:s30+$0x126C0] =	vst v3;
	v3 =	vadd.f32 v12, v6  }
0x22e: {  	v6 =	vld [tilespmem:s0+$0x8290];
	[tilespmem:s30+$0x126D0] =	vst v4  }
0x22f: {  	v4 =	vld [tilespmem:s0+$0xAA90];
	v8 =	vadd.f32 v8, v15;
	[tilespmem:s30+$0x126E0] =	vst v3;
	s30 =	smov.u32 s0  }
0x230: {  	v3 =	vld [tilespmem:s30+$0x82A0]  }
0x231: {  	v10 =	vld [tilespmem:s30+$0xAAA0];
	v5 =	vadd.f32 v5, v8  }
0x232: {  	v8 =	vadd.f32 v7, v9;
	v7 =	vld [tilespmem:s30+$0x82B0]  }
0x233: {  	v9 =	vld [tilespmem:s30+$0xAAB0];
	[tilespmem:s30+$0x126F0] =	vst v5  }
0x234: {  	v11 =	vadd.f32 v4, v6;
	v4 =	vld [tilespmem:s30+$0x82C0]  }
0x235: {  	v5 =	vld [tilespmem:s30+$0xAAC0]  }
0x236: {  	v10 =	vadd.f32 v10, v3;
	v3 =	vld [tilespmem:s30+$0x82D0]  }
0x237: {  	v6 =	vld [tilespmem:s30+$0xAAD0]  }
0x238: {  	v9 =	vadd.f32 v9, v7;
	v7 =	vld [tilespmem:s30+$0x82E0]  }
0x239: {  	v12 =	vld [tilespmem:s30+$0xAAE0]  }
0x23a: {  	v13 =	vadd.f32 v5, v4;
	v4 =	vld [tilespmem:s30+$0x82F0]  }
0x23b: {  	v5 =	vld [tilespmem:s30+$0xAAF0]  }
0x23c: {  	v14 =	vadd.f32 v6, v3;
	v3 =	vld [tilespmem:s30+$0x8680]  }
0x23d: {  	v6 =	vld [tilespmem:s30+$0xAE80]  }
0x23e: {  	v12 =	vadd.f32 v12, v7;
	v7 =	vld [tilespmem:s30+$0x8690]  }
0x23f: {  	v15 =	vld [tilespmem:s30+$0xAE90]  }
0x240: {  	v16 =	vadd.f32 v5, v4;
	v4 =	vld [tilespmem:s30+$0x86A0]  }
0x241: {  	v5 =	vld [tilespmem:s30+$0xAEA0]  }
0x242: {  	v17 =	vadd.f32 v6, v3;
	v6 =	vld [tilespmem:s30+$0x86B0]  }
0x243: {  	v18 =	vld [tilespmem:s30+$0xAEB0]  }
0x244: {  	v15 =	vadd.f32 v15, v7;
	v7 =	vld [tilespmem:s30+$0x86C0]  }
0x245: {  	v19 =	vld [tilespmem:s30+$0xAEC0]  }
0x246: {  	v3 =	vadd.f32 v5, v4;
	v20 =	vld [tilespmem:s30+$0x86D0]  }
0x247: {  	v21 =	vld [tilespmem:s30+$0xAED0]  }
0x248: {  	v4 =	vadd.f32 v18, v6;
	v6 =	vld [tilespmem:s30+$0x86E0]  }
0x249: {  	v18 =	vld [tilespmem:s30+$0xAEE0]  }
0x24a: {  	v22 =	vld [tilespmem:s30+$0xD280];
	v5 =	vadd.f32 v19, v7  }
0x24b: {  	v19 =	vld [tilespmem:s30+$0xD290]  }
0x24c: {  	v23 =	vld [tilespmem:s30+$0xD2A0];
	v7 =	vadd.f32 v21, v20  }
0x24d: {  	v20 =	vld [tilespmem:s30+$0xD2B0]  }
0x24e: {  	v21 =	vld [tilespmem:s30+$0xD2C0];
	v6 =	vadd.f32 v18, v6  }
0x24f: {  	v8 =	vadd.f32 v22, v8;
	v18 =	vld [tilespmem:s30+$0xD2D0]  }
0x250: {  	v11 =	vadd.f32 v19, v11;
	v19 =	vld [tilespmem:s30+$0xD2E0]  }
0x251: {  	[tilespmem:s30+$0x12280] =	vst v8;
	v8 =	vadd.f32 v23, v10;
	v10 =	vld [tilespmem:s30+$0xD2F0]  }
0x252: {  	[tilespmem:s30+$0x12290] =	vst v11;
	v9 =	vadd.f32 v20, v9;
	v11 =	vld [tilespmem:s30+$0xD680]  }
0x253: {  	[tilespmem:s30+$0x122A0] =	vst v8;
	v13 =	vadd.f32 v21, v13;
	v20 =	vld [tilespmem:s30+$0xD690]  }
.Ltmp5:
0x254: {  	[tilespmem:s30+$0x122B0] =	vst v9;
	v14 =	vadd.f32 v18, v14;
	v8 =	vld [tilespmem:s30+$0xD6A0];
	(pc) =	sbr.rel @p0 .LBB2_9-.Ltmp5, $4  }
0x255: {  	[tilespmem:s30+$0x122C0] =	vst v13;
	v12 =	vadd.f32 v19, v12;
	v9 =	vld [tilespmem:s30+$0xD6B0]  }
0x256: {  	s31 =	sadd.s32 $0x80, s31;
	[tilespmem:s30+$0x122D0] =	vst v14;
	v14 =	vadd.f32 v10, v16;
	v10 =	vld [tilespmem:s30+$0xD6C0]  }
0x257: {  	s14 =	sand.u32 $0x380, s31;
	s0 =	sand.u32 $0x3800, s2;
	[tilespmem:s30+$0x122E0] =	vst v12;
	v13 =	vadd.f32 v11, v17;
	v11 =	vld [tilespmem:s30+$0xD6D0]  }
0x258: {  	s2 =	sadd.s32 $0x100, s2;
	s0 =	sor.u32 s14, s0;
	[tilespmem:s30+$0x122F0] =	vst v14;
	v14 =	vadd.f32 v20, v15;
	v12 =	vld [tilespmem:s30+$0xD6E0]  }
0x259: {  	v15 =	vld [tilespmem:s0+$0x86F0];
	[tilespmem:s30+$0x12680] =	vst v13;
	v3 =	vadd.f32 v8, v3  }
0x25a: {  	v13 =	vld [tilespmem:s0+$0xAEF0];
	[tilespmem:s30+$0x12690] =	vst v14;
	v4 =	vadd.f32 v9, v4  }
0x25b: {  	v57 =	vld [tilespmem:s0+$0x8280];
	[tilespmem:s30+$0x126A0] =	vst v3;
	v5 =	vadd.f32 v10, v5  }
0x25c: {  	v3 =	vld [tilespmem:s0+$0xD6F0];
	[tilespmem:s30+$0x126B0] =	vst v4;
	v7 =	vadd.f32 v11, v7  }
0x25d: {  	v4 =	vld [tilespmem:s0+$0xAA80];
	[tilespmem:s30+$0x126C0] =	vst v5;
	v6 =	vadd.f32 v12, v6  }
0x25e: {  	v5 =	vld [tilespmem:s0+$0x8290];
	[tilespmem:s30+$0x126D0] =	vst v7  }
0x25f: {  	v7 =	vld [tilespmem:s0+$0xAA90];
	[tilespmem:s30+$0x126E0] =	vst v6  }
0x260: {  	v59 =	vld [tilespmem:s0+$0x82A0]  }
0x261: {  	v60 =	vld [tilespmem:s0+$0xAAA0]  }
0x262: {  	v61 =	vld [tilespmem:s0+$0x82B0]  }
0x263: {  	v62 =	vld [tilespmem:s0+$0xAAB0]  }
0x264: {  	v63 =	vld [tilespmem:s0+$0xAAC0]  }
0x265: {  	v40 =	vld [tilespmem:s0+$0x82D0]  }
0x266: {  	v14 =	vld [tilespmem:s0+$0xAAD0]  }
0x267: {  	v41 =	vld [tilespmem:s0+$0x82E0]  }
0x268: {  	v16 =	vld [tilespmem:s0+$0xAAE0]  }
0x269: {  	v17 =	vld [tilespmem:s0+$0x82F0]  }
0x26a: {  	v18 =	vld [tilespmem:s0+$0xAAF0]  }
0x26b: {  	v19 =	vld [tilespmem:s0+$0x8680]  }
0x26c: {  	v20 =	vld [tilespmem:s0+$0xAE80]  }
0x26d: {  	v21 =	vld [tilespmem:s0+$0x8690]  }
0x26e: {  	v22 =	vld [tilespmem:s0+$0xAE90]  }
0x26f: {  	v23 =	vld [tilespmem:s0+$0x86A0]  }
0x270: {  	v24 =	vld [tilespmem:s0+$0xAEA0]  }
0x271: {  	v25 =	vld [tilespmem:s0+$0x86B0]  }
0x272: {  	v26 =	vld [tilespmem:s0+$0xAEB0]  }
0x273: {  	v27 =	vld [tilespmem:s0+$0x86C0]  }
0x274: {  	v28 =	vld [tilespmem:s0+$0xAEC0]  }
0x275: {  	v29 =	vld [tilespmem:s0+$0x86D0]  }
0x276: {  	v30 =	vld [tilespmem:s0+$0xAED0]  }
0x277: {  	v31 =	vld [tilespmem:s0+$0x86E0]  }
0x278: {  	v32 =	vld [tilespmem:s0+$0xAEE0]  }
0x279: {  	v58 =	vadd.f32 v13, v15;
	v33 =	vld [tilespmem:s0+$0xD280]  }
0x27a: {  	v34 =	vld [tilespmem:s0+$0xD290]  }
0x27b: {  	v35 =	vld [tilespmem:s0+$0xD2A0];
	v3 =	vadd.f32 v3, v58  }
0x27c: {  	v42 =	vld [tilespmem:s0+$0xD2B0]  }
0x27d: {  	v4 =	vadd.f32 v4, v57;
	[tilespmem:s0+$0x126F0] =	vst v3;
	v3 =	vld [tilespmem:s0+$0x82C0]  }
0x27e: {  	v43 =	vld [tilespmem:s0+$0xD2D0];
	v5 =	vadd.f32 v7, v5  }
0x27f: {  	v36 =	vld [tilespmem:s0+$0xD2C0];
	v4 =	vadd.f32 v33, v4;
	v9 =	vadd.f32 v60, v59  }
0x280: {  	v44 =	vld [tilespmem:s0+$0xD2E0];
	v6 =	vadd.f32 v62, v61;
	v5 =	vadd.f32 v34, v5  }
0x281: {  	v45 =	vld [tilespmem:s0+$0xD2F0];
	v48 =	vadd.f32 v14, v40;
	[tilespmem:s0+$0x12280] =	vst v4;
	v9 =	vadd.f32 v35, v9  }
0x282: {  	v47 =	vld [tilespmem:s0+$0xD690];
	v6 =	vadd.f32 v42, v6;
	[tilespmem:s0+$0x12290] =	vst v5;
	v3 =	vadd.f32 v63, v3  }
0x283: {  	v49 =	vld [tilespmem:s0+$0xD6A0];
	v50 =	vadd.f32 v16, v41;
	v7 =	vadd.f32 v43, v48;
	[tilespmem:s0+$0x122A0] =	vst v9  }
0x284: {  	v46 =	vld [tilespmem:s0+$0xD680];
	v51 =	vadd.f32 v18, v17;
	[tilespmem:s0+$0x122B0] =	vst v6;
	v3 =	vadd.f32 v36, v3  }
0x285: {  	v52 =	vld [tilespmem:s0+$0xD6C0];
	v54 =	vadd.f32 v22, v21;
	v10 =	vadd.f32 v44, v50;
	[tilespmem:s0+$0x122D0] =	vst v7  }
0x286: {  	v56 =	vadd.f32 v24, v23;
	v4 =	vadd.f32 v45, v51;
	[tilespmem:s0+$0x122C0] =	vst v3;
	v3 =	vld [tilespmem:s0+$0xD6B0]  }
0x287: {  	v58 =	vld [tilespmem:s0+$0xD6E0];
	v53 =	vadd.f32 v20, v19;
	v8 =	vadd.f32 v47, v54;
	[tilespmem:s0+$0x122E0] =	vst v10  }
0x288: {  	v55 =	vld [tilespmem:s0+$0xD6D0];
	v59 =	vadd.f32 v28, v27;
	v60 =	vadd.f32 v49, v56;
	[tilespmem:s0+$0x122F0] =	vst v4  }
0x289: {  	v57 =	vadd.f32 v26, v25;
	v5 =	vadd.f32 v46, v53;
	[tilespmem:s0+$0x12690] =	vst v8  }
0x28a: {  	v62 =	vadd.f32 v32, v31;
	v63 =	vadd.f32 v52, v59;
	[tilespmem:s0+$0x126A0] =	vst v60  }
0x28b: {  	v61 =	vadd.f32 v30, v29;
	[tilespmem:s0+$0x12680] =	vst v5;
	v3 =	vadd.f32 v3, v57  }
.Ltmp6:
0x28c: {  	v4 =	vadd.f32 v58, v62;
	[tilespmem:s0+$0x126C0] =	vst v63;
	(pc) =	sbr.rel @p1 .LBB2_12-.Ltmp6, $4  }
0x28d: {  	s2 =	sadd.s32 s29, s11;
	[tilespmem:s0+$0x126B0] =	vst v3;
	v3 =	vadd.f32 v55, v61  }
0x28e: {  	s2 =	sshll.u32 s2, $0x5;
	[tilespmem:s0+$0x126E0] =	vst v4  }
0x28f: {  	s31 =	sadd.s32 s7, s2;
	[tilespmem:s0+$0x126D0] =	vst v3  }
0x290: {  	[hbm4b:s31+s5] =	stream.linear.scatter [tilespmem:s25], [sflag:$0x4], $0x2800, $0x38;
	[tilespmem:$0x14A80] =	vst v63  }
0x291: {  	v3 =	vld [tilespmem:s29+$0x78];
	_ =	sdelay $0x4  }
0x292: {  	v4 =	vshll.u32 v3, $0x1  }
0x293: {  	v3 =	vand.u32 $0x7, v3;
	v4 =	vand.u32 $0xFFFFFFF0, v4  }
0x294: {  	v3 =	vor.u32 v3, v4  }
0x295: {  	v4 =	vperm.xlane v3, v0;
	_ =	sdelay $0x1  }
0x296: {  	v3 =	vperm.xlane v3, v2;
	v4 =	vadd.s32 v1, v4;
	_ =	sdelay $0x1  }
0x297: {  	v3 =	vadd.s32 v1, v3;
	_ =	sdelay $0x1  }
0x298: {  	s0 =	simm.s32 $0x8280  }
0x299: {  	[tilespmem:s0], [sflag:$0x2] =	stream.indirect_vreg.gather [hbm4b:s1+s5], $0x80, v4, vm0, $0xb8;
	[tilespmem:$0x14A80] =	vst v63  }
0x29a: {  	s30 =	simm.s32 $0x8A80  }
0x29b: {  	[tilespmem:s30], [sflag:$0x2] =	stream.indirect_vreg.gather [hbm4b:s1+s5], $0x80, v3, vm0, $0xb8;
	[tilespmem:$0x14A80] =	vst v63  }
0x29c: {  	v3 =	vld [tilespmem:s29+$0x88];
	_ =	sdelay $0x4  }
0x29d: {  	v56 =	vshll.u32 v3, $0x1  }
0x29e: {  	v3 =	vand.u32 $0x7, v3;
	v4 =	vand.u32 $0xFFFFFFF0, v56  }
0x29f: {  	v3 =	vor.u32 v3, v4  }
0x2a0: {  	v4 =	vperm.xlane v3, v0;
	_ =	sdelay $0x1  }
0x2a1: {  	v3 =	vperm.xlane v3, v2;
	v4 =	vadd.s32 v1, v4;
	_ =	sdelay $0x1  }
0x2a2: {  	v3 =	vadd.s32 v1, v3;
	_ =	sdelay $0x1  }
0x2a3: {  	s31 =	simm.s32 $0x9280  }
0x2a4: {  	[tilespmem:s31], [sflag:$0x2] =	stream.indirect_vreg.gather [hbm4b:s1+s5], $0x80, v4, vm0, $0xb8;
	[tilespmem:$0x14A80] =	vst v63  }
0x2a5: {  	_ = 	snop  }
0x2a6: {  	[tilespmem:s15], [sflag:$0x2] =	stream.indirect_vreg.gather [hbm4b:s1+s5], $0x80, v3, vm0, $0xb8;
	[tilespmem:$0x14A80] =	vst v63  }
0x2a7: {  	v3 =	vld.msk [tilespmem:s29+$0x98], $0xff;
	_ =	sdelay $0x4  }
0x2a8: {  	v57 =	vshll.u32 v3, $0x1  }
0x2a9: {  	v3 =	vand.u32 $0x7, v3;
	v4 =	vand.u32 $0xFFFFFFF0, v57  }
0x2aa: {  	v3 =	vor.u32 v3, v4  }
0x2ab: {  	v3 =	vperm.xlane v3, v0;
	_ =	sdelay $0x1  }
0x2ac: {  	v3 =	vadd.s32 v1, v3;
	_ =	sdelay $0x4  }
0x2ad: {  	[tilespmem:s8], [sflag:$0x2] =	stream.indirect_vreg.gather [hbm4b:s1+s5], $0x80, v3, vm0, $0xb8;
	[tilespmem:$0x14A80] =	vst v63  }
0x2ae: {  	v3 =	vld [tilespmem:s29+$0x3F8];
	_ =	sdelay $0x4  }
0x2af: {  	v58 =	vshll.u32 v3, $0x1  }
0x2b0: {  	v3 =	vand.u32 $0x7, v3;
	v4 =	vand.u32 $0xFFFFFFF0, v58  }
0x2b1: {  	v3 =	vor.u32 v3, v4  }
0x2b2: {  	v4 =	vperm.xlane v3, v0;
	_ =	sdelay $0x1  }
0x2b3: {  	v3 =	vperm.xlane v3, v2;
	v4 =	vadd.s32 v1, v4;
	_ =	sdelay $0x1  }
0x2b4: {  	v3 =	vadd.s32 v1, v3;
	_ =	sdelay $0x2  }
0x2b5: {  	[tilespmem:s9], [sflag:$0x2] =	stream.indirect_vreg.gather [hbm4b:s3+s5], $0x80, v4, vm0, $0xb8;
	[tilespmem:$0x14A80] =	vst v63  }
0x2b6: {  	_ = 	snop  }
0x2b7: {  	[tilespmem:s10], [sflag:$0x2] =	stream.indirect_vreg.gather [hbm4b:s3+s5], $0x80, v3, vm0, $0xb8;
	[tilespmem:$0x14A80] =	vst v63  }
0x2b8: {  	v3 =	vld [tilespmem:s29+$0x408];
	_ =	sdelay $0x4  }
0x2b9: {  	v59 =	vshll.u32 v3, $0x1  }
0x2ba: {  	v3 =	vand.u32 $0x7, v3;
	v4 =	vand.u32 $0xFFFFFFF0, v59  }
0x2bb: {  	v3 =	vor.u32 v3, v4  }
0x2bc: {  	v4 =	vperm.xlane v3, v0;
	_ =	sdelay $0x1  }
0x2bd: {  	v3 =	vperm.xlane v3, v2;
	v4 =	vadd.s32 v1, v4;
	_ =	sdelay $0x1  }
0x2be: {  	v3 =	vadd.s32 v1, v3;
	_ =	sdelay $0x2  }
0x2bf: {  	[tilespmem:s12], [sflag:$0x2] =	stream.indirect_vreg.gather [hbm4b:s3+s5], $0x80, v4, vm0, $0xb8;
	[tilespmem:$0x14A80] =	vst v63  }
0x2c0: {  	_ = 	snop  }
0x2c1: {  	[tilespmem:s13], [sflag:$0x2] =	stream.indirect_vreg.gather [hbm4b:s3+s5], $0x80, v3, vm0, $0xb8;
	[tilespmem:$0x14A80] =	vst v63  }
0x2c2: {  	v3 =	vld.msk [tilespmem:s29+$0x418], $0xff;
	_ =	sdelay $0x4  }
0x2c3: {  	v60 =	vshll.u32 v3, $0x1  }
0x2c4: {  	v3 =	vand.u32 $0x7, v3;
	v4 =	vand.u32 $0xFFFFFFF0, v60  }
0x2c5: {  	v3 =	vor.u32 v3, v4  }
0x2c6: {  	v3 =	vperm.xlane v3, v0;
	_ =	sdelay $0x1  }
0x2c7: {  	v3 =	vadd.s32 v1, v3;
	_ =	sdelay $0x4  }
0x2c8: {  	[tilespmem:s16], [sflag:$0x2] =	stream.indirect_vreg.gather [hbm4b:s3+s5], $0x80, v3, vm0, $0xb8;
	[tilespmem:$0x14A80] =	vst v63  }
0x2c9: {  	v3 =	vld [tilespmem:s29+$0x778];
	_ =	sdelay $0x4  }
0x2ca: {  	v61 =	vshll.u32 v3, $0x1  }
0x2cb: {  	v3 =	vand.u32 $0x7, v3;
	v4 =	vand.u32 $0xFFFFFFF0, v61  }
0x2cc: {  	v3 =	vor.u32 v3, v4  }
0x2cd: {  	v4 =	vperm.xlane v3, v0;
	_ =	sdelay $0x1  }
0x2ce: {  	v3 =	vperm.xlane v3, v2;
	v4 =	vadd.s32 v1, v4;
	_ =	sdelay $0x1  }
0x2cf: {  	v3 =	vadd.s32 v1, v3;
	_ =	sdelay $0x2  }
0x2d0: {  	[tilespmem:s17], [sflag:$0x2] =	stream.indirect_vreg.gather [hbm4b:s4+s5], $0x80, v4, vm0, $0xb8;
	[tilespmem:$0x14A80] =	vst v63  }
0x2d1: {  	_ = 	snop  }
0x2d2: {  	[tilespmem:s18], [sflag:$0x2] =	stream.indirect_vreg.gather [hbm4b:s4+s5], $0x80, v3, vm0, $0xb8;
	[tilespmem:$0x14A80] =	vst v63  }
0x2d3: {  	v3 =	vld [tilespmem:s29+$0x788];
	_ =	sdelay $0x4  }
0x2d4: {  	v62 =	vshll.u32 v3, $0x1  }
0x2d5: {  	v3 =	vand.u32 $0x7, v3;
	v4 =	vand.u32 $0xFFFFFFF0, v62  }
0x2d6: {  	v3 =	vor.u32 v3, v4  }
0x2d7: {  	v4 =	vperm.xlane v3, v0;
	_ =	sdelay $0x1  }
0x2d8: {  	v3 =	vperm.xlane v3, v2;
	v4 =	vadd.s32 v1, v4;
	_ =	sdelay $0x1  }
0x2d9: {  	v3 =	vadd.s32 v1, v3;
	_ =	sdelay $0x2  }
0x2da: {  	[tilespmem:s19], [sflag:$0x2] =	stream.indirect_vreg.gather [hbm4b:s4+s5], $0x80, v4, vm0, $0xb8;
	[tilespmem:$0x14A80] =	vst v63  }
0x2db: {  	_ = 	snop  }
0x2dc: {  	[tilespmem:s20], [sflag:$0x2] =	stream.indirect_vreg.gather [hbm4b:s4+s5], $0x80, v3, vm0, $0xb8;
	[tilespmem:$0x14A80] =	vst v63  }
0x2dd: {  	v3 =	vld.msk [tilespmem:s29+$0x798], $0xff;
	_ =	sdelay $0x4  }
0x2de: {  	v63 =	vshll.u32 v3, $0x1  }
0x2df: {  	v3 =	vand.u32 $0x7, v3;
	v4 =	vand.u32 $0xFFFFFFF0, v63  }
0x2e0: {  	v3 =	vor.u32 v3, v4  }
0x2e1: {  	v3 =	vperm.xlane v3, v0;
	_ =	sdelay $0x1  }
0x2e2: {  	v3 =	vadd.s32 v1, v3  }
.Ltmp7:
0x2e3: {  	_ = 	snop;
	(pc) =	sbr.rel .LBB2_4-.Ltmp7, $3  }
0x2e4: {  	_ =	sdelay $0x1  }
0x2e5: {  	s28 =	sadd.s32 $0x1, s28  }
0x2e6: {  	[tilespmem:s21], [sflag:$0x2] =	stream.indirect_vreg.gather [hbm4b:s4+s5], $0x80, v3, vm0, $0xb8;
	[tilespmem:$0x14A80] =	vst v63  }
.LBB2_13:
0x2e7: {  	_ =	sfence.sel $0x180000  }
0x2e8: {  	[bflag:$0x0] =	sbarrier.arrive $0xFFFF  }
0x2e9: {  	_ =	strace $0x9000004A  }
0x2ea: {  	s0 =	stileid.u32;
	[bflag:$0x2] =	sbarrier.arrive $0xFFFF  }
0x2eb: {  	p0 =	sne.s32 s0, $0x0;
	s0 =	rddreg [dreg:$0x5]  }
0x2ec: {  	s0 =	sadd.s32 @!p0 $0x100000, s0  }
0x2ed: {  	[sflag:s0] =	ssyncadd.tile.s32 @!p0 $0x1;
	_ =	shalt  }
.Lfunc_end2:
_tile_overlayer_lowered:
.L_overlay_start_2:
0x2ee: {  	(tag) =	ssettag $0x2  }
0x2ef: {  	s0 =	rddreg [dreg:$0x0];
	s2 =	stileid.u32  }
0x2f0: {  	s1 =	rddreg [dreg:$0x1];
	p0 =	sne.s32 s2, $0x0  }
0x2f1: {  	s3 =	rddreg [dreg:$0x2];
	[bflag:$0x3] =	sbarrier.arrive $0xFFFF;
	s2 =	simm.s32 @!p0 $0x1C05  }
0x2f2: {  	[timem:s3], [sflag:s2] =	dma.local @!p0 [hbm:s0], s1  }
0x2f3: {  	s0 =	simm.s32 @!p0 $0x5  }
0x2f4: {  	_ =	swait.ge @!p0 [sflag:s0], s1  }
0x2f5: {  	s1 =	ssub.s32 @!p0 $0x0, s1;
	[sflag:s0] =	ssyncset.done @!p0 $0x0  }
0x2f6: {  	[sflag:s0] =	ssyncadd.s32 @!p0 s1  }
0x2f7: {  	[bflag:$0x3] =	sbarrier.arrive $0xFFFF  }
0x2f8: {  	_ =	shalt  }

</sc_bundles>
